<compile_context>
chip_gen: v7x
topology: tpu7x:2x2x1
jax: 0.10.2.dev20260603
libtpu: 0.0.44.dev20260713+nightly
codegen_flags: <defaults>
</compile_context>

<pallas_src>
import functools

import jax
import jax.numpy as jnp
from jax import lax
from jax.experimental import pallas as pl
from jax.experimental.pallas import tpu as pltpu
from jax.experimental.pallas import tpu_sc as plsc

NC = 2
NS = 16
LANES = 16
NW = NC * NS


@functools.lru_cache(maxsize=None)
def _build(B, L, D, BT):
    per_w = BT // NW
    CH = 32
    nchunks = per_w // CH
    ngroups = per_w // LANES

    mesh = plsc.VectorSubcoreMesh(core_axis_name="c", subcore_axis_name="s")

    @functools.partial(
        pl.kernel,
        mesh=mesh,
        compiler_params=pltpu.CompilerParams(needs_layout_passes=False),
        out_type=[
            jax.ShapeDtypeStruct((BT, D), jnp.float32),
            jax.ShapeDtypeStruct((BT,), jnp.int32),
        ],
        scratch_types=[
            pltpu.VMEM((per_w,), jnp.int32),
            pltpu.VMEM((per_w,), jnp.int32),
            pltpu.VMEM((per_w,), jnp.int32),
            pltpu.VMEM((per_w,), jnp.int32),
            pltpu.VMEM((per_w // CH * LANES,), jnp.int32),
            pltpu.VMEM((CH, D), jnp.float32),
            pltpu.VMEM((CH, D), jnp.float32),
            pltpu.VMEM((CH, D), jnp.float32),
            pltpu.VMEM((CH, D), jnp.float32),
            pltpu.SemaphoreType.DMA,
            pltpu.SemaphoreType.DMA,
            pltpu.SemaphoreType.DMA,
            pltpu.SemaphoreType.DMA,
            pltpu.SemaphoreType.DMA,
            pltpu.SemaphoreType.DMA,
            pltpu.SemaphoreType.DMA,
            pltpu.SemaphoreType.DMA,
        ],
    )
    def k(x_hbm, bat_hbm, val_hbm, out_hbm, mask_hbm,
          bat_v, val_v, idx_v, msk_v, flg_v, buf0, buf1, buf2, buf3,
          gsem0, gsem1, gsem2, gsem3, ssem0, ssem1, ssem2, ssem3):
        cid = lax.axis_index("c")
        sid = lax.axis_index("s")
        wid = sid * NC + cid
        base = pl.multiple_of(wid * per_w, per_w)
        lanes = lax.iota(jnp.int32, LANES)
        zrow = jnp.zeros((LANES,), jnp.float32)

        bufs = (buf0, buf1, buf2, buf3)
        gsems = (gsem0, gsem1, gsem2, gsem3)
        ssems = (ssem0, ssem1, ssem2, ssem3)

        cpb = pltpu.async_copy(bat_hbm.at[pl.ds(base, per_w)], bat_v, gsem0)
        cpv = pltpu.async_copy(val_hbm.at[pl.ds(base, per_w)], val_v, gsem1)
        cpb.wait()
        cpv.wait()

        def idx_chunk(c):
            coff = pl.multiple_of(c * CH, CH)
            mor = None
            for g in range(CH // LANES):
                off = coff + g * LANES
                v = val_v[pl.ds(off, LANES)]
                b = bat_v[pl.ds(off, LANES)]
                idx_v[pl.ds(off, LANES)] = b * L + jnp.minimum(v, L - 1)
                m = v == L
                msk_v[pl.ds(off, LANES)] = jnp.where(m, 1, 0).astype(jnp.int32)
                mor = m if mor is None else (mor | m)
            flg_v[pl.ds(c * LANES, LANES)] = plsc.all_reduce_population_count(mor)

        def gs(c, b):
            coff = pl.multiple_of(c * CH, CH)
            pltpu.async_copy(x_hbm.at[idx_v.at[pl.ds(coff, CH)]], bufs[b], gsems[b])

        def gw(c, b):
            coff = pl.multiple_of(c * CH, CH)
            pltpu.make_async_copy(
                x_hbm.at[idx_v.at[pl.ds(coff, CH)]], bufs[b], gsems[b]).wait()

        def ss(c, b):
            roff = pl.multiple_of(base + c * CH, CH)
            pltpu.async_copy(bufs[b], out_hbm.at[pl.ds(roff, CH)], ssems[b])

        def sw(c, b):
            roff = pl.multiple_of(base + c * CH, CH)
            pltpu.make_async_copy(
                bufs[b], out_hbm.at[pl.ds(roff, CH)], ssems[b]).wait()

        def fix(c, b):
            f = flg_v[pl.ds(c * LANES, LANES)]

            @pl.when(f[0] > 0)
            def _chunk():
                for g in range(CH // LANES):
                    moff = pl.multiple_of(c * CH + g * LANES, LANES)
                    m = msk_v[pl.ds(moff, LANES)] > 0

                    @pl.when(plsc.all_reduce_population_count(m)[0] > 0)
                    def _():
                        rows = g * LANES + lanes

                        def cbloop(cb, cc):
                            cbase = cb * LANES
                            for s in range(LANES):
                                cols = cbase + ((lanes + s) & (LANES - 1))
                                plsc.store_scatter(bufs[b], [rows, cols], zrow, mask=m)
                            return cc

                        lax.fori_loop(0, D // LANES, cbloop, 0)

        NBUF = len(bufs)
        for b in range(NBUF):
            idx_chunk(b)
            gs(b, b)

        def idx_rest(c, carry):
            idx_chunk(c)
            return carry

        lax.fori_loop(NBUF, nchunks, idx_rest, 0)

        pltpu.sync_copy(msk_v, mask_hbm.at[pl.ds(base, per_w)])

        nsteady = (nchunks // NBUF) - 1

        def rot(i, c):
            for b in range(NBUF):
                ch = i * NBUF + b
                gw(ch, b)
                fix(ch, b)
                ss(ch, b)
                sw(ch, b)
                gs(ch + NBUF, b)
            return c

        lax.fori_loop(0, nsteady, rot, 0)
        for ch in range(nsteady * NBUF, nchunks):
            b = ch % NBUF
            gw(ch, b)
            fix(ch, b)
            ss(ch, b)
            sw(ch, b)
            if ch + NBUF < nchunks:
                gs(ch + NBUF, b)

    return k


def kernel(x, durations, target_length, bat_ind, val_ind):
    B, L, D = x.shape
    BT = bat_ind.shape[0]
    T = BT // B
    out, mask_i32 = _build(B, L, D, BT)(x.reshape(B * L, D), bat_ind, val_ind)
    return out.reshape(B, T, D), mask_i32.reshape(B, T).astype(bool)

# --- scband reference (transcript-rebuilt; emitter-appended) ---
"""Pipeline reference for scband-length-regulator-81810537054601 (READ-ONLY COPY).

The authoritative reference and input builder live on the scoring server;
editing this copy changes nothing except your own understanding.
"""

import jax, jax.numpy as jnp
import numpy as np

B, L, D, T = 16, 2048, 512, 4096


def setup_inputs(seed: int = 0) -> dict:
    key = jax.random.key(seed)
    k1, k2, k3, k4 = jax.random.split(key, 4)
    x = jax.random.normal(k1, (B, L, D), dtype=jnp.float32)
    durations = jax.random.randint(k2, (B, L), 0, 4, dtype=jnp.int32)
    bat_ind = jax.random.randint(k3, (B * T,), 0, B, dtype=jnp.int32)
    val_ind = jax.random.randint(k4, (B * T,), 0, L + 1, dtype=jnp.int32)
    return {"x": x, "durations": durations, "target_length": T, "bat_ind": bat_ind, "val_ind": val_ind}


def reference(x, durations, target_length, bat_ind, val_ind):
    # durations: pad one zero column, then absorb remaining length into last slot
    dur = jnp.pad(durations, ((0, 0), (0, 1)))  # [B, L+1]
    dur = dur.at[:, -1].add(target_length - dur.sum(axis=1))
    # x: pad one extra (zero) row along the sequence axis -> [B, L+1, D]
    xp = jnp.pad(x, ((0, 0), (0, 1), (0, 0)))
    Bq = x.shape[0]
    Dq = x.shape[-1]
    tgt_mask = ~(val_ind.reshape(Bq, -1) == dur.shape[1] - 1)
    out = xp[bat_ind, val_ind].reshape(Bq, -1, Dq)
    return out, ~tgt_mask

if __name__ == "__main__":
    import jax
    _d = setup_inputs()
    print(jax.jit(kernel)(*tuple(_d.values())))

</pallas_src>

<mosaic_0001>
#map = affine_map<(d0, d1) -> (0, 0)>
#map1 = affine_map<(d0, d1) -> (0)>
module attributes {stable_mosaic.version = 14 : i64} {
  func.func @k(%arg0: i32, %arg1: i32, %arg2: memref<32768x512xf32, #tpu.memory_space<hbm>>, %arg3: memref<65536xi32, #tpu.memory_space<hbm>>, %arg4: memref<65536xi32, #tpu.memory_space<hbm>>, %arg5: memref<65536x512xf32, #tpu.memory_space<hbm>>, %arg6: memref<65536xi32, #tpu.memory_space<hbm>>, %arg7: memref<2048xi32, #tpu.memory_space<vmem>>, %arg8: memref<2048xi32, #tpu.memory_space<vmem>>, %arg9: memref<2048xi32, #tpu.memory_space<vmem>>, %arg10: memref<2048xi32, #tpu.memory_space<vmem>>, %arg11: memref<1024xi32, #tpu.memory_space<vmem>>, %arg12: memref<32x512xf32, #tpu.memory_space<vmem>>, %arg13: memref<32x512xf32, #tpu.memory_space<vmem>>, %arg14: memref<32x512xf32, #tpu.memory_space<vmem>>, %arg15: memref<32x512xf32, #tpu.memory_space<vmem>>, %arg16: memref<!tpu.dma_semaphore, #tpu.memory_space<semaphore_mem>>, %arg17: memref<!tpu.dma_semaphore, #tpu.memory_space<semaphore_mem>>, %arg18: memref<!tpu.dma_semaphore, #tpu.memory_space<semaphore_mem>>, %arg19: memref<!tpu.dma_semaphore, #tpu.memory_space<semaphore_mem>>, %arg20: memref<!tpu.dma_semaphore, #tpu.memory_space<semaphore_mem>>, %arg21: memref<!tpu.dma_semaphore, #tpu.memory_space<semaphore_mem>>, %arg22: memref<!tpu.dma_semaphore, #tpu.memory_space<semaphore_mem>>, %arg23: memref<!tpu.dma_semaphore, #tpu.memory_space<semaphore_mem>>) attributes {dimension_semantics = [#tpu.dimension_semantics<core_parallel>, #tpu.dimension_semantics<subcore_parallel>], iteration_bounds = array<i64: 2, 16>, scalar_prefetch = 0 : i64, scratch_operands = 17 : i64, tpu.core_type = #tpu.core_type<sc_vector_subcore>, window_params = [{transform_indices = #map}, {transform_indices = #map1}, {transform_indices = #map1}, {transform_indices = #map}, {transform_indices = #map1}]} {
    %mul3A = arith.constant 2 : i32
    %mul3A_0 = arith.muli %arg1, %mul3A : i32
    %add3A = arith.addi %mul3A_0, %arg0 : i32
    %mul3A_1 = arith.constant 2048 : i32
    %mul3A_2 = arith.muli %add3A, %mul3A_1 : i32
    %multiple_of3A = tpu.assume_multiple %mul3A_2, 2048 : i32
    %iota3A = tpu.iota {dimensions = array<i32: 0>} : vector<16xi32>
    %broadcast_in_dim3A = arith.constant 0.000000e+00 : f32
    %broadcast_in_dim3A_3 = vector.broadcast %broadcast_in_dim3A : f32 to vector<16xf32>
    %dma_start3A = tpu.memref_slice %arg3[%multiple_of3A] : memref<65536xi32, #tpu.memory_space<hbm>> -> memref<2048xi32, #tpu.memory_space<hbm>>
    %dma_start3A_4 = tpu.memref_slice %arg3[%multiple_of3A] : memref<65536xi32, #tpu.memory_space<hbm>> -> memref<2048xi32, #tpu.memory_space<hbm>>
    tpu.enqueue_dma source(%dma_start3A_4 : memref<2048xi32, #tpu.memory_space<hbm>>) target(%arg7 : memref<2048xi32, #tpu.memory_space<vmem>>) target_semaphore(%arg16 : memref<!tpu.dma_semaphore, #tpu.memory_space<semaphore_mem>>)
    %dma_start3A_5 = tpu.memref_slice %arg4[%multiple_of3A] : memref<65536xi32, #tpu.memory_space<hbm>> -> memref<2048xi32, #tpu.memory_space<hbm>>
    %dma_start3A_6 = tpu.memref_slice %arg4[%multiple_of3A] : memref<65536xi32, #tpu.memory_space<hbm>> -> memref<2048xi32, #tpu.memory_space<hbm>>
    tpu.enqueue_dma source(%dma_start3A_6 : memref<2048xi32, #tpu.memory_space<hbm>>) target(%arg8 : memref<2048xi32, #tpu.memory_space<vmem>>) target_semaphore(%arg17 : memref<!tpu.dma_semaphore, #tpu.memory_space<semaphore_mem>>)
    %dma_wait3A = tpu.memref_slice %arg3[%multiple_of3A] : memref<65536xi32, #tpu.memory_space<hbm>> -> memref<2048xi32, #tpu.memory_space<hbm>>
    %dma_wait3A_7 = tpu.memref_slice %arg3[%multiple_of3A] : memref<65536xi32, #tpu.memory_space<hbm>> -> memref<2048xi32, #tpu.memory_space<hbm>>
    tpu.wait_dma2 semaphore(%arg16 : memref<!tpu.dma_semaphore, #tpu.memory_space<semaphore_mem>>) src(%dma_wait3A_7 : memref<2048xi32, #tpu.memory_space<hbm>>) dst(%arg7 : memref<2048xi32, #tpu.memory_space<vmem>>)
    %dma_wait3A_8 = tpu.memref_slice %arg4[%multiple_of3A] : memref<65536xi32, #tpu.memory_space<hbm>> -> memref<2048xi32, #tpu.memory_space<hbm>>
    %dma_wait3A_9 = tpu.memref_slice %arg4[%multiple_of3A] : memref<65536xi32, #tpu.memory_space<hbm>> -> memref<2048xi32, #tpu.memory_space<hbm>>
    tpu.wait_dma2 semaphore(%arg17 : memref<!tpu.dma_semaphore, #tpu.memory_space<semaphore_mem>>) src(%dma_wait3A_9 : memref<2048xi32, #tpu.memory_space<hbm>>) dst(%arg8 : memref<2048xi32, #tpu.memory_space<vmem>>)
    %multiple_of3A_10 = arith.constant 0 : i32
    %multiple_of3A_11 = tpu.assume_multiple %multiple_of3A_10, 32 : i32
    %add3A_12 = arith.constant 0 : i32
    %add3A_13 = arith.addi %multiple_of3A_11, %add3A_12 : i32
    %get3A = arith.index_cast %add3A_13 : i32 to index
    %get3A_14 = tpu.vector_load %arg8[%get3A] {strides = array<i32>} : memref<2048xi32, #tpu.memory_space<vmem>>, vector<16xi32>,
    %get3A_15 = arith.index_cast %add3A_13 : i32 to index
    %get3A_16 = tpu.vector_load %arg7[%get3A_15] {strides = array<i32>} : memref<2048xi32, #tpu.memory_space<vmem>>, vector<16xi32>,
    %mul3A_17 = arith.constant 2048 : i32
    %mul3A_18 = vector.broadcast %mul3A_17 : i32 to vector<16xi32>
    %mul3A_19 = arith.muli %get3A_16, %mul3A_18 : vector<16xi32>
    %min3A = arith.constant 2047 : i32
    %min3A_20 = vector.broadcast %min3A : i32 to vector<16xi32>
    %min3A_21 = arith.minsi %get3A_14, %min3A_20 : vector<16xi32>
    %add3A_22 = arith.addi %mul3A_19, %min3A_21 : vector<16xi32>
    %swap3A = arith.index_cast %add3A_13 : i32 to index
    %swap3A_23 = tpu.vector_load %arg9[%swap3A] {strides = array<i32>} : memref<2048xi32, #tpu.memory_space<vmem>>, vector<16xi32>,
    tpu.vector_store %arg9[%swap3A], %add3A_22 {strides = array<i32>} : memref<2048xi32, #tpu.memory_space<vmem>>, vector<16xi32>,
    %eq3A = arith.constant 2048 : i32
    %eq3A_24 = vector.broadcast %eq3A : i32 to vector<16xi32>
    %eq3A_25 = arith.cmpi eq, %get3A_14, %eq3A_24 : vector<16xi32>
    %jit3A = arith.constant 1 : i32
    %jit3A_26 = arith.constant 0 : i32
    %broadcast_in_dim3A_27 = vector.broadcast %jit3A : i32 to vector<16xi32>
    %broadcast_in_dim3A_28 = vector.broadcast %jit3A_26 : i32 to vector<16xi32>
    %select_n3A = arith.select %eq3A_25, %broadcast_in_dim3A_27, %broadcast_in_dim3A_28 : vector<16xi1>, vector<16xi32>
    %swap3A_29 = arith.index_cast %add3A_13 : i32 to index
    %swap3A_30 = tpu.vector_load %arg10[%swap3A_29] {strides = array<i32>} : memref<2048xi32, #tpu.memory_space<vmem>>, vector<16xi32>,
    tpu.vector_store %arg10[%swap3A_29], %select_n3A {strides = array<i32>} : memref<2048xi32, #tpu.memory_space<vmem>>, vector<16xi32>,
    %add3A_31 = arith.constant 16 : i32
    %add3A_32 = arith.addi %multiple_of3A_11, %add3A_31 : i32
    %get3A_33 = arith.index_cast %add3A_32 : i32 to index
    %get3A_34 = tpu.vector_load %arg8[%get3A_33] {strides = array<i32>} : memref<2048xi32, #tpu.memory_space<vmem>>, vector<16xi32>,
    %get3A_35 = arith.index_cast %add3A_32 : i32 to index
    %get3A_36 = tpu.vector_load %arg7[%get3A_35] {strides = array<i32>} : memref<2048xi32, #tpu.memory_space<vmem>>, vector<16xi32>,
    %mul3A_37 = arith.constant 2048 : i32
    %mul3A_38 = vector.broadcast %mul3A_37 : i32 to vector<16xi32>
    %mul3A_39 = arith.muli %get3A_36, %mul3A_38 : vector<16xi32>
    %min3A_40 = arith.constant 2047 : i32
    %min3A_41 = vector.broadcast %min3A_40 : i32 to vector<16xi32>
    %min3A_42 = arith.minsi %get3A_34, %min3A_41 : vector<16xi32>
    %add3A_43 = arith.addi %mul3A_39, %min3A_42 : vector<16xi32>
    %swap3A_44 = arith.index_cast %add3A_32 : i32 to index
    %swap3A_45 = tpu.vector_load %arg9[%swap3A_44] {strides = array<i32>} : memref<2048xi32, #tpu.memory_space<vmem>>, vector<16xi32>,
    tpu.vector_store %arg9[%swap3A_44], %add3A_43 {strides = array<i32>} : memref<2048xi32, #tpu.memory_space<vmem>>, vector<16xi32>,
    %eq3A_46 = arith.constant 2048 : i32
    %eq3A_47 = vector.broadcast %eq3A_46 : i32 to vector<16xi32>
    %eq3A_48 = arith.cmpi eq, %get3A_34, %eq3A_47 : vector<16xi32>
    %jit3A_49 = arith.constant 1 : i32
    %jit3A_50 = arith.constant 0 : i32
    %broadcast_in_dim3A_51 = vector.broadcast %jit3A_49 : i32 to vector<16xi32>
    %broadcast_in_dim3A_52 = vector.broadcast %jit3A_50 : i32 to vector<16xi32>
    %select_n3A_53 = arith.select %eq3A_48, %broadcast_in_dim3A_51, %broadcast_in_dim3A_52 : vector<16xi1>, vector<16xi32>
    %swap3A_54 = arith.index_cast %add3A_32 : i32 to index
    %swap3A_55 = tpu.vector_load %arg10[%swap3A_54] {strides = array<i32>} : memref<2048xi32, #tpu.memory_space<vmem>>, vector<16xi32>,
    tpu.vector_store %arg10[%swap3A_54], %select_n3A_53 {strides = array<i32>} : memref<2048xi32, #tpu.memory_space<vmem>>, vector<16xi32>,
    %or3A = arith.ori %eq3A_25, %eq3A_48 : vector<16xi1>
    %all_reduce_population_count3A = tpu.all_reduce %or3A {dim = 0 : i64, kind = #tpu.reduction_kind<sum>} : vector<16xi1> -> vector<16xi32>
    %swap3A_56 = arith.constant 0 : index
    %swap3A_57 = tpu.vector_load %arg11[%swap3A_56] {strides = array<i32>} : memref<1024xi32, #tpu.memory_space<vmem>>, vector<16xi32>,
    tpu.vector_store %arg11[%swap3A_56], %all_reduce_population_count3A {strides = array<i32>} : memref<1024xi32, #tpu.memory_space<vmem>>, vector<16xi32>,
    %multiple_of3A_58 = arith.constant 0 : i32
    %multiple_of3A_59 = tpu.assume_multiple %multiple_of3A_58, 32 : i32
    %dma_start3A_60 = tpu.memref_slice %arg9[%multiple_of3A_59] : memref<2048xi32, #tpu.memory_space<vmem>> -> memref<32xi32, #tpu.memory_space<vmem>>
    %dma_start3A_61 = arith.constant 0 : i32
    %dma_start3A_62 = arith.constant 0 : i32
    %dma_start3A_63 = tpu.memref_slice %arg2[%dma_start3A_61, %dma_start3A_62] : memref<32768x512xf32, #tpu.memory_space<hbm>> -> memref<32768x512xf32, #tpu.memory_space<hbm>>
    tpu.enqueue_indirect_dma source(%dma_start3A_63 : memref<32768x512xf32, #tpu.memory_space<hbm>>) target(%arg12 : memref<32x512xf32, #tpu.memory_space<vmem>>) offsets(%dma_start3A_60 : memref<32xi32, #tpu.memory_space<vmem>>) semaphore(%arg16 : memref<!tpu.dma_semaphore, #tpu.memory_space<semaphore_mem>>)
    %multiple_of3A_64 = arith.constant 32 : i32
    %multiple_of3A_65 = tpu.assume_multiple %multiple_of3A_64, 32 : i32
    %add3A_66 = arith.constant 0 : i32
    %add3A_67 = arith.addi %multiple_of3A_65, %add3A_66 : i32
    %get3A_68 = arith.index_cast %add3A_67 : i32 to index
    %get3A_69 = tpu.vector_load %arg8[%get3A_68] {strides = array<i32>} : memref<2048xi32, #tpu.memory_space<vmem>>, vector<16xi32>,
    %get3A_70 = arith.index_cast %add3A_67 : i32 to index
    %get3A_71 = tpu.vector_load %arg7[%get3A_70] {strides = array<i32>} : memref<2048xi32, #tpu.memory_space<vmem>>, vector<16xi32>,
    %mul3A_72 = arith.constant 2048 : i32
    %mul3A_73 = vector.broadcast %mul3A_72 : i32 to vector<16xi32>
    %mul3A_74 = arith.muli %get3A_71, %mul3A_73 : vector<16xi32>
    %min3A_75 = arith.constant 2047 : i32
    %min3A_76 = vector.broadcast %min3A_75 : i32 to vector<16xi32>
    %min3A_77 = arith.minsi %get3A_69, %min3A_76 : vector<16xi32>
    %add3A_78 = arith.addi %mul3A_74, %min3A_77 : vector<16xi32>
    %swap3A_79 = arith.index_cast %add3A_67 : i32 to index
    %swap3A_80 = tpu.vector_load %arg9[%swap3A_79] {strides = array<i32>} : memref<2048xi32, #tpu.memory_space<vmem>>, vector<16xi32>,
    tpu.vector_store %arg9[%swap3A_79], %add3A_78 {strides = array<i32>} : memref<2048xi32, #tpu.memory_space<vmem>>, vector<16xi32>,
    %eq3A_81 = arith.constant 2048 : i32
    %eq3A_82 = vector.broadcast %eq3A_81 : i32 to vector<16xi32>
    %eq3A_83 = arith.cmpi eq, %get3A_69, %eq3A_82 : vector<16xi32>
    %jit3A_84 = arith.constant 1 : i32
    %jit3A_85 = arith.constant 0 : i32
    %broadcast_in_dim3A_86 = vector.broadcast %jit3A_84 : i32 to vector<16xi32>
    %broadcast_in_dim3A_87 = vector.broadcast %jit3A_85 : i32 to vector<16xi32>
    %select_n3A_88 = arith.select %eq3A_83, %broadcast_in_dim3A_86, %broadcast_in_dim3A_87 : vector<16xi1>, vector<16xi32>
    %swap3A_89 = arith.index_cast %add3A_67 : i32 to index
    %swap3A_90 = tpu.vector_load %arg10[%swap3A_89] {strides = array<i32>} : memref<2048xi32, #tpu.memory_space<vmem>>, vector<16xi32>,
    tpu.vector_store %arg10[%swap3A_89], %select_n3A_88 {strides = array<i32>} : memref<2048xi32, #tpu.memory_space<vmem>>, vector<16xi32>,
    %add3A_91 = arith.constant 16 : i32
    %add3A_92 = arith.addi %multiple_of3A_65, %add3A_91 : i32
    %get3A_93 = arith.index_cast %add3A_92 : i32 to index
    %get3A_94 = tpu.vector_load %arg8[%get3A_93] {strides = array<i32>} : memref<2048xi32, #tpu.memory_space<vmem>>, vector<16xi32>,
    %get3A_95 = arith.index_cast %add3A_92 : i32 to index
    %get3A_96 = tpu.vector_load %arg7[%get3A_95] {strides = array<i32>} : memref<2048xi32, #tpu.memory_space<vmem>>, vector<16xi32>,
    %mul3A_97 = arith.constant 2048 : i32
    %mul3A_98 = vector.broadcast %mul3A_97 : i32 to vector<16xi32>
    %mul3A_99 = arith.muli %get3A_96, %mul3A_98 : vector<16xi32>
    %min3A_100 = arith.constant 2047 : i32
    %min3A_101 = vector.broadcast %min3A_100 : i32 to vector<16xi32>
    %min3A_102 = arith.minsi %get3A_94, %min3A_101 : vector<16xi32>
    %add3A_103 = arith.addi %mul3A_99, %min3A_102 : vector<16xi32>
    %swap3A_104 = arith.index_cast %add3A_92 : i32 to index
    %swap3A_105 = tpu.vector_load %arg9[%swap3A_104] {strides = array<i32>} : memref<2048xi32, #tpu.memory_space<vmem>>, vector<16xi32>,
    tpu.vector_store %arg9[%swap3A_104], %add3A_103 {strides = array<i32>} : memref<2048xi32, #tpu.memory_space<vmem>>, vector<16xi32>,
    %eq3A_106 = arith.constant 2048 : i32
    %eq3A_107 = vector.broadcast %eq3A_106 : i32 to vector<16xi32>
    %eq3A_108 = arith.cmpi eq, %get3A_94, %eq3A_107 : vector<16xi32>
    %jit3A_109 = arith.constant 1 : i32
    %jit3A_110 = arith.constant 0 : i32
    %broadcast_in_dim3A_111 = vector.broadcast %jit3A_109 : i32 to vector<16xi32>
    %broadcast_in_dim3A_112 = vector.broadcast %jit3A_110 : i32 to vector<16xi32>
    %select_n3A_113 = arith.select %eq3A_108, %broadcast_in_dim3A_111, %broadcast_in_dim3A_112 : vector<16xi1>, vector<16xi32>
    %swap3A_114 = arith.index_cast %add3A_92 : i32 to index
    %swap3A_115 = tpu.vector_load %arg10[%swap3A_114] {strides = array<i32>} : memref<2048xi32, #tpu.memory_space<vmem>>, vector<16xi32>,
    tpu.vector_store %arg10[%swap3A_114], %select_n3A_113 {strides = array<i32>} : memref<2048xi32, #tpu.memory_space<vmem>>, vector<16xi32>,
    %or3A_116 = arith.ori %eq3A_83, %eq3A_108 : vector<16xi1>
    %all_reduce_population_count3A_117 = tpu.all_reduce %or3A_116 {dim = 0 : i64, kind = #tpu.reduction_kind<sum>} : vector<16xi1> -> vector<16xi32>
    %swap3A_118 = arith.constant 16 : index
    %swap3A_119 = tpu.vector_load %arg11[%swap3A_118] {strides = array<i32>} : memref<1024xi32, #tpu.memory_space<vmem>>, vector<16xi32>,
    tpu.vector_store %arg11[%swap3A_118], %all_reduce_population_count3A_117 {strides = array<i32>} : memref<1024xi32, #tpu.memory_space<vmem>>, vector<16xi32>,
    %multiple_of3A_120 = arith.constant 32 : i32
    %multiple_of3A_121 = tpu.assume_multiple %multiple_of3A_120, 32 : i32
    %dma_start3A_122 = tpu.memref_slice %arg9[%multiple_of3A_121] : memref<2048xi32, #tpu.memory_space<vmem>> -> memref<32xi32, #tpu.memory_space<vmem>>
    %dma_start3A_123 = arith.constant 0 : i32
    %dma_start3A_124 = arith.constant 0 : i32
    %dma_start3A_125 = tpu.memref_slice %arg2[%dma_start3A_123, %dma_start3A_124] : memref<32768x512xf32, #tpu.memory_space<hbm>> -> memref<32768x512xf32, #tpu.memory_space<hbm>>
    tpu.enqueue_indirect_dma source(%dma_start3A_125 : memref<32768x512xf32, #tpu.memory_space<hbm>>) target(%arg13 : memref<32x512xf32, #tpu.memory_space<vmem>>) offsets(%dma_start3A_122 : memref<32xi32, #tpu.memory_space<vmem>>) semaphore(%arg17 : memref<!tpu.dma_semaphore, #tpu.memory_space<semaphore_mem>>)
    %multiple_of3A_126 = arith.constant 64 : i32
    %multiple_of3A_127 = tpu.assume_multiple %multiple_of3A_126, 32 : i32
    %add3A_128 = arith.constant 0 : i32
    %add3A_129 = arith.addi %multiple_of3A_127, %add3A_128 : i32
    %get3A_130 = arith.index_cast %add3A_129 : i32 to index
    %get3A_131 = tpu.vector_load %arg8[%get3A_130] {strides = array<i32>} : memref<2048xi32, #tpu.memory_space<vmem>>, vector<16xi32>,
    %get3A_132 = arith.index_cast %add3A_129 : i32 to index
    %get3A_133 = tpu.vector_load %arg7[%get3A_132] {strides = array<i32>} : memref<2048xi32, #tpu.memory_space<vmem>>, vector<16xi32>,
    %mul3A_134 = arith.constant 2048 : i32
    %mul3A_135 = vector.broadcast %mul3A_134 : i32 to vector<16xi32>
    %mul3A_136 = arith.muli %get3A_133, %mul3A_135 : vector<16xi32>
    %min3A_137 = arith.constant 2047 : i32
    %min3A_138 = vector.broadcast %min3A_137 : i32 to vector<16xi32>
    %min3A_139 = arith.minsi %get3A_131, %min3A_138 : vector<16xi32>
    %add3A_140 = arith.addi %mul3A_136, %min3A_139 : vector<16xi32>
    %swap3A_141 = arith.index_cast %add3A_129 : i32 to index
    %swap3A_142 = tpu.vector_load %arg9[%swap3A_141] {strides = array<i32>} : memref<2048xi32, #tpu.memory_space<vmem>>, vector<16xi32>,
    tpu.vector_store %arg9[%swap3A_141], %add3A_140 {strides = array<i32>} : memref<2048xi32, #tpu.memory_space<vmem>>, vector<16xi32>,
    %eq3A_143 = arith.constant 2048 : i32
    %eq3A_144 = vector.broadcast %eq3A_143 : i32 to vector<16xi32>
    %eq3A_145 = arith.cmpi eq, %get3A_131, %eq3A_144 : vector<16xi32>
    %jit3A_146 = arith.constant 1 : i32
    %jit3A_147 = arith.constant 0 : i32
    %broadcast_in_dim3A_148 = vector.broadcast %jit3A_146 : i32 to vector<16xi32>
    %broadcast_in_dim3A_149 = vector.broadcast %jit3A_147 : i32 to vector<16xi32>
    %select_n3A_150 = arith.select %eq3A_145, %broadcast_in_dim3A_148, %broadcast_in_dim3A_149 : vector<16xi1>, vector<16xi32>
    %swap3A_151 = arith.index_cast %add3A_129 : i32 to index
    %swap3A_152 = tpu.vector_load %arg10[%swap3A_151] {strides = array<i32>} : memref<2048xi32, #tpu.memory_space<vmem>>, vector<16xi32>,
    tpu.vector_store %arg10[%swap3A_151], %select_n3A_150 {strides = array<i32>} : memref<2048xi32, #tpu.memory_space<vmem>>, vector<16xi32>,
    %add3A_153 = arith.constant 16 : i32
    %add3A_154 = arith.addi %multiple_of3A_127, %add3A_153 : i32
    %get3A_155 = arith.index_cast %add3A_154 : i32 to index
    %get3A_156 = tpu.vector_load %arg8[%get3A_155] {strides = array<i32>} : memref<2048xi32, #tpu.memory_space<vmem>>, vector<16xi32>,
    %get3A_157 = arith.index_cast %add3A_154 : i32 to index
    %get3A_158 = tpu.vector_load %arg7[%get3A_157] {strides = array<i32>} : memref<2048xi32, #tpu.memory_space<vmem>>, vector<16xi32>,
    %mul3A_159 = arith.constant 2048 : i32
    %mul3A_160 = vector.broadcast %mul3A_159 : i32 to vector<16xi32>
    %mul3A_161 = arith.muli %get3A_158, %mul3A_160 : vector<16xi32>
    %min3A_162 = arith.constant 2047 : i32
    %min3A_163 = vector.broadcast %min3A_162 : i32 to vector<16xi32>
    %min3A_164 = arith.minsi %get3A_156, %min3A_163 : vector<16xi32>
    %add3A_165 = arith.addi %mul3A_161, %min3A_164 : vector<16xi32>
    %swap3A_166 = arith.index_cast %add3A_154 : i32 to index
    %swap3A_167 = tpu.vector_load %arg9[%swap3A_166] {strides = array<i32>} : memref<2048xi32, #tpu.memory_space<vmem>>, vector<16xi32>,
    tpu.vector_store %arg9[%swap3A_166], %add3A_165 {strides = array<i32>} : memref<2048xi32, #tpu.memory_space<vmem>>, vector<16xi32>,
    %eq3A_168 = arith.constant 2048 : i32
    %eq3A_169 = vector.broadcast %eq3A_168 : i32 to vector<16xi32>
    %eq3A_170 = arith.cmpi eq, %get3A_156, %eq3A_169 : vector<16xi32>
    %jit3A_171 = arith.constant 1 : i32
    %jit3A_172 = arith.constant 0 : i32
    %broadcast_in_dim3A_173 = vector.broadcast %jit3A_171 : i32 to vector<16xi32>
    %broadcast_in_dim3A_174 = vector.broadcast %jit3A_172 : i32 to vector<16xi32>
    %select_n3A_175 = arith.select %eq3A_170, %broadcast_in_dim3A_173, %broadcast_in_dim3A_174 : vector<16xi1>, vector<16xi32>
    %swap3A_176 = arith.index_cast %add3A_154 : i32 to index
    %swap3A_177 = tpu.vector_load %arg10[%swap3A_176] {strides = array<i32>} : memref<2048xi32, #tpu.memory_space<vmem>>, vector<16xi32>,
    tpu.vector_store %arg10[%swap3A_176], %select_n3A_175 {strides = array<i32>} : memref<2048xi32, #tpu.memory_space<vmem>>, vector<16xi32>,
    %or3A_178 = arith.ori %eq3A_145, %eq3A_170 : vector<16xi1>
    %all_reduce_population_count3A_179 = tpu.all_reduce %or3A_178 {dim = 0 : i64, kind = #tpu.reduction_kind<sum>} : vector<16xi1> -> vector<16xi32>
    %swap3A_180 = arith.constant 32 : index
    %swap3A_181 = tpu.vector_load %arg11[%swap3A_180] {strides = array<i32>} : memref<1024xi32, #tpu.memory_space<vmem>>, vector<16xi32>,
    tpu.vector_store %arg11[%swap3A_180], %all_reduce_population_count3A_179 {strides = array<i32>} : memref<1024xi32, #tpu.memory_space<vmem>>, vector<16xi32>,
    %multiple_of3A_182 = arith.constant 64 : i32
    %multiple_of3A_183 = tpu.assume_multiple %multiple_of3A_182, 32 : i32
    %dma_start3A_184 = tpu.memref_slice %arg9[%multiple_of3A_183] : memref<2048xi32, #tpu.memory_space<vmem>> -> memref<32xi32, #tpu.memory_space<vmem>>
    %dma_start3A_185 = arith.constant 0 : i32
    %dma_start3A_186 = arith.constant 0 : i32
    %dma_start3A_187 = tpu.memref_slice %arg2[%dma_start3A_185, %dma_start3A_186] : memref<32768x512xf32, #tpu.memory_space<hbm>> -> memref<32768x512xf32, #tpu.memory_space<hbm>>
    tpu.enqueue_indirect_dma source(%dma_start3A_187 : memref<32768x512xf32, #tpu.memory_space<hbm>>) target(%arg14 : memref<32x512xf32, #tpu.memory_space<vmem>>) offsets(%dma_start3A_184 : memref<32xi32, #tpu.memory_space<vmem>>) semaphore(%arg18 : memref<!tpu.dma_semaphore, #tpu.memory_space<semaphore_mem>>)
    %multiple_of3A_188 = arith.constant 96 : i32
    %multiple_of3A_189 = tpu.assume_multiple %multiple_of3A_188, 32 : i32
    %add3A_190 = arith.constant 0 : i32
    %add3A_191 = arith.addi %multiple_of3A_189, %add3A_190 : i32
    %get3A_192 = arith.index_cast %add3A_191 : i32 to index
    %get3A_193 = tpu.vector_load %arg8[%get3A_192] {strides = array<i32>} : memref<2048xi32, #tpu.memory_space<vmem>>, vector<16xi32>,
    %get3A_194 = arith.index_cast %add3A_191 : i32 to index
    %get3A_195 = tpu.vector_load %arg7[%get3A_194] {strides = array<i32>} : memref<2048xi32, #tpu.memory_space<vmem>>, vector<16xi32>,
    %mul3A_196 = arith.constant 2048 : i32
    %mul3A_197 = vector.broadcast %mul3A_196 : i32 to vector<16xi32>
    %mul3A_198 = arith.muli %get3A_195, %mul3A_197 : vector<16xi32>
    %min3A_199 = arith.constant 2047 : i32
    %min3A_200 = vector.broadcast %min3A_199 : i32 to vector<16xi32>
    %min3A_201 = arith.minsi %get3A_193, %min3A_200 : vector<16xi32>
    %add3A_202 = arith.addi %mul3A_198, %min3A_201 : vector<16xi32>
    %swap3A_203 = arith.index_cast %add3A_191 : i32 to index
    %swap3A_204 = tpu.vector_load %arg9[%swap3A_203] {strides = array<i32>} : memref<2048xi32, #tpu.memory_space<vmem>>, vector<16xi32>,
    tpu.vector_store %arg9[%swap3A_203], %add3A_202 {strides = array<i32>} : memref<2048xi32, #tpu.memory_space<vmem>>, vector<16xi32>,
    %eq3A_205 = arith.constant 2048 : i32
    %eq3A_206 = vector.broadcast %eq3A_205 : i32 to vector<16xi32>
    %eq3A_207 = arith.cmpi eq, %get3A_193, %eq3A_206 : vector<16xi32>
    %jit3A_208 = arith.constant 1 : i32
    %jit3A_209 = arith.constant 0 : i32
    %broadcast_in_dim3A_210 = vector.broadcast %jit3A_208 : i32 to vector<16xi32>
    %broadcast_in_dim3A_211 = vector.broadcast %jit3A_209 : i32 to vector<16xi32>
    %select_n3A_212 = arith.select %eq3A_207, %broadcast_in_dim3A_210, %broadcast_in_dim3A_211 : vector<16xi1>, vector<16xi32>
    %swap3A_213 = arith.index_cast %add3A_191 : i32 to index
    %swap3A_214 = tpu.vector_load %arg10[%swap3A_213] {strides = array<i32>} : memref<2048xi32, #tpu.memory_space<vmem>>, vector<16xi32>,
    tpu.vector_store %arg10[%swap3A_213], %select_n3A_212 {strides = array<i32>} : memref<2048xi32, #tpu.memory_space<vmem>>, vector<16xi32>,
    %add3A_215 = arith.constant 16 : i32
    %add3A_216 = arith.addi %multiple_of3A_189, %add3A_215 : i32
    %get3A_217 = arith.index_cast %add3A_216 : i32 to index
    %get3A_218 = tpu.vector_load %arg8[%get3A_217] {strides = array<i32>} : memref<2048xi32, #tpu.memory_space<vmem>>, vector<16xi32>,
    %get3A_219 = arith.index_cast %add3A_216 : i32 to index
    %get3A_220 = tpu.vector_load %arg7[%get3A_219] {strides = array<i32>} : memref<2048xi32, #tpu.memory_space<vmem>>, vector<16xi32>,
    %mul3A_221 = arith.constant 2048 : i32
    %mul3A_222 = vector.broadcast %mul3A_221 : i32 to vector<16xi32>
    %mul3A_223 = arith.muli %get3A_220, %mul3A_222 : vector<16xi32>
    %min3A_224 = arith.constant 2047 : i32
    %min3A_225 = vector.broadcast %min3A_224 : i32 to vector<16xi32>
    %min3A_226 = arith.minsi %get3A_218, %min3A_225 : vector<16xi32>
    %add3A_227 = arith.addi %mul3A_223, %min3A_226 : vector<16xi32>
    %swap3A_228 = arith.index_cast %add3A_216 : i32 to index
    %swap3A_229 = tpu.vector_load %arg9[%swap3A_228] {strides = array<i32>} : memref<2048xi32, #tpu.memory_space<vmem>>, vector<16xi32>,
    tpu.vector_store %arg9[%swap3A_228], %add3A_227 {strides = array<i32>} : memref<2048xi32, #tpu.memory_space<vmem>>, vector<16xi32>,
    %eq3A_230 = arith.constant 2048 : i32
    %eq3A_231 = vector.broadcast %eq3A_230 : i32 to vector<16xi32>
    %eq3A_232 = arith.cmpi eq, %get3A_218, %eq3A_231 : vector<16xi32>
    %jit3A_233 = arith.constant 1 : i32
    %jit3A_234 = arith.constant 0 : i32
    %broadcast_in_dim3A_235 = vector.broadcast %jit3A_233 : i32 to vector<16xi32>
    %broadcast_in_dim3A_236 = vector.broadcast %jit3A_234 : i32 to vector<16xi32>
    %select_n3A_237 = arith.select %eq3A_232, %broadcast_in_dim3A_235, %broadcast_in_dim3A_236 : vector<16xi1>, vector<16xi32>
    %swap3A_238 = arith.index_cast %add3A_216 : i32 to index
    %swap3A_239 = tpu.vector_load %arg10[%swap3A_238] {strides = array<i32>} : memref<2048xi32, #tpu.memory_space<vmem>>, vector<16xi32>,
    tpu.vector_store %arg10[%swap3A_238], %select_n3A_237 {strides = array<i32>} : memref<2048xi32, #tpu.memory_space<vmem>>, vector<16xi32>,
    %or3A_240 = arith.ori %eq3A_207, %eq3A_232 : vector<16xi1>
    %all_reduce_population_count3A_241 = tpu.all_reduce %or3A_240 {dim = 0 : i64, kind = #tpu.reduction_kind<sum>} : vector<16xi1> -> vector<16xi32>
    %swap3A_242 = arith.constant 48 : index
    %swap3A_243 = tpu.vector_load %arg11[%swap3A_242] {strides = array<i32>} : memref<1024xi32, #tpu.memory_space<vmem>>, vector<16xi32>,
    tpu.vector_store %arg11[%swap3A_242], %all_reduce_population_count3A_241 {strides = array<i32>} : memref<1024xi32, #tpu.memory_space<vmem>>, vector<16xi32>,
    %multiple_of3A_244 = arith.constant 96 : i32
    %multiple_of3A_245 = tpu.assume_multiple %multiple_of3A_244, 32 : i32
    %dma_start3A_246 = tpu.memref_slice %arg9[%multiple_of3A_245] : memref<2048xi32, #tpu.memory_space<vmem>> -> memref<32xi32, #tpu.memory_space<vmem>>
    %dma_start3A_247 = arith.constant 0 : i32
    %dma_start3A_248 = arith.constant 0 : i32
    %dma_start3A_249 = tpu.memref_slice %arg2[%dma_start3A_247, %dma_start3A_248] : memref<32768x512xf32, #tpu.memory_space<hbm>> -> memref<32768x512xf32, #tpu.memory_space<hbm>>
    tpu.enqueue_indirect_dma source(%dma_start3A_249 : memref<32768x512xf32, #tpu.memory_space<hbm>>) target(%arg15 : memref<32x512xf32, #tpu.memory_space<vmem>>) offsets(%dma_start3A_246 : memref<32xi32, #tpu.memory_space<vmem>>) semaphore(%arg19 : memref<!tpu.dma_semaphore, #tpu.memory_space<semaphore_mem>>)
    %scan3A = arith.constant 0 : i32
    %scan3A_250 = arith.constant 4 : i32
    %scan3A_251 = arith.constant 60 : i32
    %scan3A_252 = arith.addi %scan3A_250, %scan3A_251 : i32
    %scan3A_253 = arith.constant 1 : i32
    scf.for %scan3A_372 = %scan3A_250 to %scan3A_252 step %scan3A_253  : i32 {
      %mul3A_373 = arith.constant 32 : i32
      %mul3A_374 = arith.muli %scan3A_372, %mul3A_373 : i32
      %multiple_of3A_375 = tpu.assume_multiple %mul3A_374, 32 : i32
      %add3A_376 = arith.constant 0 : i32
      %add3A_377 = arith.addi %multiple_of3A_375, %add3A_376 : i32
      %get3A_378 = arith.index_cast %add3A_377 : i32 to index
      %get3A_379 = tpu.vector_load %arg8[%get3A_378] {strides = array<i32>} : memref<2048xi32, #tpu.memory_space<vmem>>, vector<16xi32>,
      %get3A_380 = arith.index_cast %add3A_377 : i32 to index
      %get3A_381 = tpu.vector_load %arg7[%get3A_380] {strides = array<i32>} : memref<2048xi32, #tpu.memory_space<vmem>>, vector<16xi32>,
      %mul3A_382 = arith.constant 2048 : i32
      %mul3A_383 = vector.broadcast %mul3A_382 : i32 to vector<16xi32>
      %mul3A_384 = arith.muli %get3A_381, %mul3A_383 : vector<16xi32>
      %min3A_385 = arith.constant 2047 : i32
      %min3A_386 = vector.broadcast %min3A_385 : i32 to vector<16xi32>
      %min3A_387 = arith.minsi %get3A_379, %min3A_386 : vector<16xi32>
      %add3A_388 = arith.addi %mul3A_384, %min3A_387 : vector<16xi32>
      %swap3A_389 = arith.index_cast %add3A_377 : i32 to index
      %swap3A_390 = tpu.vector_load %arg9[%swap3A_389] {strides = array<i32>} : memref<2048xi32, #tpu.memory_space<vmem>>, vector<16xi32>,
      tpu.vector_store %arg9[%swap3A_389], %add3A_388 {strides = array<i32>} : memref<2048xi32, #tpu.memory_space<vmem>>, vector<16xi32>,
      %eq3A_391 = arith.constant 2048 : i32
      %eq3A_392 = vector.broadcast %eq3A_391 : i32 to vector<16xi32>
      %eq3A_393 = arith.cmpi eq, %get3A_379, %eq3A_392 : vector<16xi32>
      %jit3A_394 = arith.constant 1 : i32
      %jit3A_395 = arith.constant 0 : i32
      %broadcast_in_dim3A_396 = vector.broadcast %jit3A_394 : i32 to vector<16xi32>
      %broadcast_in_dim3A_397 = vector.broadcast %jit3A_395 : i32 to vector<16xi32>
      %select_n3A_398 = arith.select %eq3A_393, %broadcast_in_dim3A_396, %broadcast_in_dim3A_397 : vector<16xi1>, vector<16xi32>
      %swap3A_399 = arith.index_cast %add3A_377 : i32 to index
      %swap3A_400 = tpu.vector_load %arg10[%swap3A_399] {strides = array<i32>} : memref<2048xi32, #tpu.memory_space<vmem>>, vector<16xi32>,
      tpu.vector_store %arg10[%swap3A_399], %select_n3A_398 {strides = array<i32>} : memref<2048xi32, #tpu.memory_space<vmem>>, vector<16xi32>,
      %add3A_401 = arith.constant 16 : i32
      %add3A_402 = arith.addi %multiple_of3A_375, %add3A_401 : i32
      %get3A_403 = arith.index_cast %add3A_402 : i32 to index
      %get3A_404 = tpu.vector_load %arg8[%get3A_403] {strides = array<i32>} : memref<2048xi32, #tpu.memory_space<vmem>>, vector<16xi32>,
      %get3A_405 = arith.index_cast %add3A_402 : i32 to index
      %get3A_406 = tpu.vector_load %arg7[%get3A_405] {strides = array<i32>} : memref<2048xi32, #tpu.memory_space<vmem>>, vector<16xi32>,
      %mul3A_407 = arith.constant 2048 : i32
      %mul3A_408 = vector.broadcast %mul3A_407 : i32 to vector<16xi32>
      %mul3A_409 = arith.muli %get3A_406, %mul3A_408 : vector<16xi32>
      %min3A_410 = arith.constant 2047 : i32
      %min3A_411 = vector.broadcast %min3A_410 : i32 to vector<16xi32>
      %min3A_412 = arith.minsi %get3A_404, %min3A_411 : vector<16xi32>
      %add3A_413 = arith.addi %mul3A_409, %min3A_412 : vector<16xi32>
      %swap3A_414 = arith.index_cast %add3A_402 : i32 to index
      %swap3A_415 = tpu.vector_load %arg9[%swap3A_414] {strides = array<i32>} : memref<2048xi32, #tpu.memory_space<vmem>>, vector<16xi32>,
      tpu.vector_store %arg9[%swap3A_414], %add3A_413 {strides = array<i32>} : memref<2048xi32, #tpu.memory_space<vmem>>, vector<16xi32>,
      %eq3A_416 = arith.constant 2048 : i32
      %eq3A_417 = vector.broadcast %eq3A_416 : i32 to vector<16xi32>
      %eq3A_418 = arith.cmpi eq, %get3A_404, %eq3A_417 : vector<16xi32>
      %jit3A_419 = arith.constant 1 : i32
      %jit3A_420 = arith.constant 0 : i32
      %broadcast_in_dim3A_421 = vector.broadcast %jit3A_419 : i32 to vector<16xi32>
      %broadcast_in_dim3A_422 = vector.broadcast %jit3A_420 : i32 to vector<16xi32>
      %select_n3A_423 = arith.select %eq3A_418, %broadcast_in_dim3A_421, %broadcast_in_dim3A_422 : vector<16xi1>, vector<16xi32>
      %swap3A_424 = arith.index_cast %add3A_402 : i32 to index
      %swap3A_425 = tpu.vector_load %arg10[%swap3A_424] {strides = array<i32>} : memref<2048xi32, #tpu.memory_space<vmem>>, vector<16xi32>,
      tpu.vector_store %arg10[%swap3A_424], %select_n3A_423 {strides = array<i32>} : memref<2048xi32, #tpu.memory_space<vmem>>, vector<16xi32>,
      %or3A_426 = arith.ori %eq3A_393, %eq3A_418 : vector<16xi1>
      %all_reduce_population_count3A_427 = tpu.all_reduce %or3A_426 {dim = 0 : i64, kind = #tpu.reduction_kind<sum>} : vector<16xi1> -> vector<16xi32>
      %mul3A_428 = arith.constant 16 : i32
      %mul3A_429 = arith.muli %scan3A_372, %mul3A_428 : i32
      %swap3A_430 = arith.index_cast %mul3A_429 : i32 to index
      %swap3A_431 = tpu.vector_load %arg11[%swap3A_430] {strides = array<i32>} : memref<1024xi32, #tpu.memory_space<vmem>>, vector<16xi32>,
      tpu.vector_store %arg11[%swap3A_430], %all_reduce_population_count3A_427 {strides = array<i32>} : memref<1024xi32, #tpu.memory_space<vmem>>, vector<16xi32>,
    }
    %scan3A_254 = arith.constant 60 : i32
    "tpu.region"() ({
      %run_scoped3A = tpu.sem_alloc : memref<!tpu.dma_semaphore, #tpu.memory_space<semaphore_mem>>
      %dma_start3A_372 = tpu.memref_slice %arg6[%multiple_of3A] : memref<65536xi32, #tpu.memory_space<hbm>> -> memref<2048xi32, #tpu.memory_space<hbm>>
      %dma_start3A_373 = tpu.memref_slice %arg6[%multiple_of3A] : memref<65536xi32, #tpu.memory_space<hbm>> -> memref<2048xi32, #tpu.memory_space<hbm>>
      tpu.enqueue_dma source(%arg10 : memref<2048xi32, #tpu.memory_space<vmem>>) target(%dma_start3A_373 : memref<2048xi32, #tpu.memory_space<hbm>>) target_semaphore(%run_scoped3A : memref<!tpu.dma_semaphore, #tpu.memory_space<semaphore_mem>>)
      %dma_wait3A_374 = tpu.memref_slice %arg6[%multiple_of3A] : memref<65536xi32, #tpu.memory_space<hbm>> -> memref<2048xi32, #tpu.memory_space<hbm>>
      %dma_wait3A_375 = tpu.memref_slice %arg6[%multiple_of3A] : memref<65536xi32, #tpu.memory_space<hbm>> -> memref<2048xi32, #tpu.memory_space<hbm>>
      tpu.wait_dma2 semaphore(%run_scoped3A : memref<!tpu.dma_semaphore, #tpu.memory_space<semaphore_mem>>) src(%arg10 : memref<2048xi32, #tpu.memory_space<vmem>>) dst(%dma_wait3A_375 : memref<2048xi32, #tpu.memory_space<hbm>>)
      tpu.yield
    }) : () -> ()
    %scan3A_255 = arith.constant 0 : i32
    %scan3A_256 = arith.constant 0 : i32
    %scan3A_257 = arith.constant 15 : i32
    %scan3A_258 = arith.addi %scan3A_256, %scan3A_257 : i32
    %scan3A_259 = arith.constant 1 : i32
    scf.for %scan3A_372 = %scan3A_256 to %scan3A_258 step %scan3A_259  : i32 {
      %mul3A_373 = arith.constant 4 : i32
      %mul3A_374 = arith.muli %scan3A_372, %mul3A_373 : i32
      %add3A_375 = arith.constant 0 : i32
      %add3A_376 = arith.addi %mul3A_374, %add3A_375 : i32
      %mul3A_377 = arith.constant 32 : i32
      %mul3A_378 = arith.muli %add3A_376, %mul3A_377 : i32
      %multiple_of3A_379 = tpu.assume_multiple %mul3A_378, 32 : i32
      %dma_wait3A_380 = tpu.memref_slice %arg9[%multiple_of3A_379] : memref<2048xi32, #tpu.memory_space<vmem>> -> memref<32xi32, #tpu.memory_space<vmem>>
      %dma_wait3A_381 = arith.constant 0 : i32
      %dma_wait3A_382 = arith.constant 0 : i32
      %dma_wait3A_383 = tpu.memref_slice %arg2[%dma_wait3A_381, %dma_wait3A_382] : memref<32768x512xf32, #tpu.memory_space<hbm>> -> memref<32768x512xf32, #tpu.memory_space<hbm>>
      tpu.wait_indirect_dma semaphore(%arg16 : memref<!tpu.dma_semaphore, #tpu.memory_space<semaphore_mem>>) src(%dma_wait3A_383 : memref<32768x512xf32, #tpu.memory_space<hbm>>) dst(%arg12 : memref<32x512xf32, #tpu.memory_space<vmem>>)
      %mul3A_384 = arith.constant 16 : i32
      %mul3A_385 = arith.muli %add3A_376, %mul3A_384 : i32
      %get3A_386 = arith.index_cast %mul3A_385 : i32 to index
      %get3A_387 = tpu.vector_load %arg11[%get3A_386] {strides = array<i32>} : memref<1024xi32, #tpu.memory_space<vmem>>, vector<16xi32>,
      %slice3A_388 = vector.extract_strided_slice %get3A_387 {offsets = [0], sizes = [1], strides = [1]} : vector<16xi32> to vector<1xi32>
      %squeeze3A_389 = vector.extract %slice3A_388[0] : i32 from vector<1xi32>
      %gt3A_390 = arith.constant 0 : i32
      %gt3A_391 = arith.cmpi sgt, %squeeze3A_389, %gt3A_390 : i32
      %convert_element_type3A_392 = arith.extui %gt3A_391 : i1 to i32
      %cond3A_393 = arith.constant 0 : i32
      %cond3A_394 = arith.cmpi ne, %convert_element_type3A_392, %cond3A_393 : i32
      scf.if %cond3A_394 {
        %mul3A_561 = arith.constant 32 : i32
        %mul3A_562 = arith.muli %add3A_376, %mul3A_561 : i32
        %add3A_563 = arith.constant 0 : i32
        %add3A_564 = arith.addi %mul3A_562, %add3A_563 : i32
        %multiple_of3A_565 = tpu.assume_multiple %add3A_564, 16 : i32
        %get3A_566 = arith.index_cast %multiple_of3A_565 : i32 to index
        %get3A_567 = tpu.vector_load %arg10[%get3A_566] {strides = array<i32>} : memref<2048xi32, #tpu.memory_space<vmem>>, vector<16xi32>,
        %gt3A_568 = arith.constant 0 : i32
        %gt3A_569 = vector.broadcast %gt3A_568 : i32 to vector<16xi32>
        %gt3A_570 = arith.cmpi sgt, %get3A_567, %gt3A_569 : vector<16xi32>
        %all_reduce_population_count3A_571 = tpu.all_reduce %gt3A_570 {dim = 0 : i64, kind = #tpu.reduction_kind<sum>} : vector<16xi1> -> vector<16xi32>
        %slice3A_572 = vector.extract_strided_slice %all_reduce_population_count3A_571 {offsets = [0], sizes = [1], strides = [1]} : vector<16xi32> to vector<1xi32>
        %squeeze3A_573 = vector.extract %slice3A_572[0] : i32 from vector<1xi32>
        %gt3A_574 = arith.constant 0 : i32
        %gt3A_575 = arith.cmpi sgt, %squeeze3A_573, %gt3A_574 : i32
        %convert_element_type3A_576 = arith.extui %gt3A_575 : i1 to i32
        %cond3A_577 = arith.constant 0 : i32
        %cond3A_578 = arith.cmpi ne, %convert_element_type3A_576, %cond3A_577 : i32
        scf.if %cond3A_578 {
          %add3A_597 = arith.constant 0 : i32
          %add3A_598 = vector.broadcast %add3A_597 : i32 to vector<16xi32>
          %add3A_599 = arith.addi %add3A_598, %iota3A : vector<16xi32>
          %scan3A_600 = arith.constant 0 : i32
          %scan3A_601 = arith.constant 0 : i32
          %scan3A_602 = arith.constant 32 : i32
          %scan3A_603 = arith.addi %scan3A_601, %scan3A_602 : i32
          %scan3A_604 = arith.constant 1 : i32
          scf.for %scan3A_606 = %scan3A_601 to %scan3A_603 step %scan3A_604  : i32 {
            %mul3A_607 = arith.constant 16 : i32
            %mul3A_608 = arith.muli %scan3A_606, %mul3A_607 : i32
            %add3A_609 = arith.constant 0 : i32
            %add3A_610 = vector.broadcast %add3A_609 : i32 to vector<16xi32>
            %add3A_611 = arith.addi %iota3A, %add3A_610 : vector<16xi32>
            %and3A = arith.constant 15 : i32
            %and3A_612 = vector.broadcast %and3A : i32 to vector<16xi32>
            %and3A_613 = arith.andi %add3A_611, %and3A_612 : vector<16xi32>
            %add3A_614 = vector.broadcast %mul3A_608 : i32 to vector<16xi32>
            %add3A_615 = arith.addi %add3A_614, %and3A_613 : vector<16xi32>
            tpu.vector_store_idx %arg12[%add3A_599, %add3A_615], %broadcast_in_dim3A_3 masked %gt3A_570 : memref<32x512xf32, #tpu.memory_space<vmem>>[vector<16xi32>, vector<16xi32>], vector<16xf32>, vector<16xi1>
            %add3A_616 = arith.constant 1 : i32
            %add3A_617 = vector.broadcast %add3A_616 : i32 to vector<16xi32>
            %add3A_618 = arith.addi %iota3A, %add3A_617 : vector<16xi32>
            %and3A_619 = arith.constant 15 : i32
            %and3A_620 = vector.broadcast %and3A_619 : i32 to vector<16xi32>
            %and3A_621 = arith.andi %add3A_618, %and3A_620 : vector<16xi32>
            %add3A_622 = vector.broadcast %mul3A_608 : i32 to vector<16xi32>
            %add3A_623 = arith.addi %add3A_622, %and3A_621 : vector<16xi32>
            tpu.vector_store_idx %arg12[%add3A_599, %add3A_623], %broadcast_in_dim3A_3 masked %gt3A_570 : memref<32x512xf32, #tpu.memory_space<vmem>>[vector<16xi32>, vector<16xi32>], vector<16xf32>, vector<16xi1>
            %add3A_624 = arith.constant 2 : i32
            %add3A_625 = vector.broadcast %add3A_624 : i32 to vector<16xi32>
            %add3A_626 = arith.addi %iota3A, %add3A_625 : vector<16xi32>
            %and3A_627 = arith.constant 15 : i32
            %and3A_628 = vector.broadcast %and3A_627 : i32 to vector<16xi32>
            %and3A_629 = arith.andi %add3A_626, %and3A_628 : vector<16xi32>
            %add3A_630 = vector.broadcast %mul3A_608 : i32 to vector<16xi32>
            %add3A_631 = arith.addi %add3A_630, %and3A_629 : vector<16xi32>
            tpu.vector_store_idx %arg12[%add3A_599, %add3A_631], %broadcast_in_dim3A_3 masked %gt3A_570 : memref<32x512xf32, #tpu.memory_space<vmem>>[vector<16xi32>, vector<16xi32>], vector<16xf32>, vector<16xi1>
            %add3A_632 = arith.constant 3 : i32
            %add3A_633 = vector.broadcast %add3A_632 : i32 to vector<16xi32>
            %add3A_634 = arith.addi %iota3A, %add3A_633 : vector<16xi32>
            %and3A_635 = arith.constant 15 : i32
            %and3A_636 = vector.broadcast %and3A_635 : i32 to vector<16xi32>
            %and3A_637 = arith.andi %add3A_634, %and3A_636 : vector<16xi32>
            %add3A_638 = vector.broadcast %mul3A_608 : i32 to vector<16xi32>
            %add3A_639 = arith.addi %add3A_638, %and3A_637 : vector<16xi32>
            tpu.vector_store_idx %arg12[%add3A_599, %add3A_639], %broadcast_in_dim3A_3 masked %gt3A_570 : memref<32x512xf32, #tpu.memory_space<vmem>>[vector<16xi32>, vector<16xi32>], vector<16xf32>, vector<16xi1>
            %add3A_640 = arith.constant 4 : i32
            %add3A_641 = vector.broadcast %add3A_640 : i32 to vector<16xi32>
            %add3A_642 = arith.addi %iota3A, %add3A_641 : vector<16xi32>
            %and3A_643 = arith.constant 15 : i32
            %and3A_644 = vector.broadcast %and3A_643 : i32 to vector<16xi32>
            %and3A_645 = arith.andi %add3A_642, %and3A_644 : vector<16xi32>
            %add3A_646 = vector.broadcast %mul3A_608 : i32 to vector<16xi32>
            %add3A_647 = arith.addi %add3A_646, %and3A_645 : vector<16xi32>
            tpu.vector_store_idx %arg12[%add3A_599, %add3A_647], %broadcast_in_dim3A_3 masked %gt3A_570 : memref<32x512xf32, #tpu.memory_space<vmem>>[vector<16xi32>, vector<16xi32>], vector<16xf32>, vector<16xi1>
            %add3A_648 = arith.constant 5 : i32
            %add3A_649 = vector.broadcast %add3A_648 : i32 to vector<16xi32>
            %add3A_650 = arith.addi %iota3A, %add3A_649 : vector<16xi32>
            %and3A_651 = arith.constant 15 : i32
            %and3A_652 = vector.broadcast %and3A_651 : i32 to vector<16xi32>
            %and3A_653 = arith.andi %add3A_650, %and3A_652 : vector<16xi32>
            %add3A_654 = vector.broadcast %mul3A_608 : i32 to vector<16xi32>
            %add3A_655 = arith.addi %add3A_654, %and3A_653 : vector<16xi32>
            tpu.vector_store_idx %arg12[%add3A_599, %add3A_655], %broadcast_in_dim3A_3 masked %gt3A_570 : memref<32x512xf32, #tpu.memory_space<vmem>>[vector<16xi32>, vector<16xi32>], vector<16xf32>, vector<16xi1>
            %add3A_656 = arith.constant 6 : i32
            %add3A_657 = vector.broadcast %add3A_656 : i32 to vector<16xi32>
            %add3A_658 = arith.addi %iota3A, %add3A_657 : vector<16xi32>
            %and3A_659 = arith.constant 15 : i32
            %and3A_660 = vector.broadcast %and3A_659 : i32 to vector<16xi32>
            %and3A_661 = arith.andi %add3A_658, %and3A_660 : vector<16xi32>
            %add3A_662 = vector.broadcast %mul3A_608 : i32 to vector<16xi32>
            %add3A_663 = arith.addi %add3A_662, %and3A_661 : vector<16xi32>
            tpu.vector_store_idx %arg12[%add3A_599, %add3A_663], %broadcast_in_dim3A_3 masked %gt3A_570 : memref<32x512xf32, #tpu.memory_space<vmem>>[vector<16xi32>, vector<16xi32>], vector<16xf32>, vector<16xi1>
            %add3A_664 = arith.constant 7 : i32
            %add3A_665 = vector.broadcast %add3A_664 : i32 to vector<16xi32>
            %add3A_666 = arith.addi %iota3A, %add3A_665 : vector<16xi32>
            %and3A_667 = arith.constant 15 : i32
            %and3A_668 = vector.broadcast %and3A_667 : i32 to vector<16xi32>
            %and3A_669 = arith.andi %add3A_666, %and3A_668 : vector<16xi32>
            %add3A_670 = vector.broadcast %mul3A_608 : i32 to vector<16xi32>
            %add3A_671 = arith.addi %add3A_670, %and3A_669 : vector<16xi32>
            tpu.vector_store_idx %arg12[%add3A_599, %add3A_671], %broadcast_in_dim3A_3 masked %gt3A_570 : memref<32x512xf32, #tpu.memory_space<vmem>>[vector<16xi32>, vector<16xi32>], vector<16xf32>, vector<16xi1>
            %add3A_672 = arith.constant 8 : i32
            %add3A_673 = vector.broadcast %add3A_672 : i32 to vector<16xi32>
            %add3A_674 = arith.addi %iota3A, %add3A_673 : vector<16xi32>
            %and3A_675 = arith.constant 15 : i32
            %and3A_676 = vector.broadcast %and3A_675 : i32 to vector<16xi32>
            %and3A_677 = arith.andi %add3A_674, %and3A_676 : vector<16xi32>
            %add3A_678 = vector.broadcast %mul3A_608 : i32 to vector<16xi32>
            %add3A_679 = arith.addi %add3A_678, %and3A_677 : vector<16xi32>
            tpu.vector_store_idx %arg12[%add3A_599, %add3A_679], %broadcast_in_dim3A_3 masked %gt3A_570 : memref<32x512xf32, #tpu.memory_space<vmem>>[vector<16xi32>, vector<16xi32>], vector<16xf32>, vector<16xi1>
            %add3A_680 = arith.constant 9 : i32
            %add3A_681 = vector.broadcast %add3A_680 : i32 to vector<16xi32>
            %add3A_682 = arith.addi %iota3A, %add3A_681 : vector<16xi32>
            %and3A_683 = arith.constant 15 : i32
            %and3A_684 = vector.broadcast %and3A_683 : i32 to vector<16xi32>
            %and3A_685 = arith.andi %add3A_682, %and3A_684 : vector<16xi32>
            %add3A_686 = vector.broadcast %mul3A_608 : i32 to vector<16xi32>
            %add3A_687 = arith.addi %add3A_686, %and3A_685 : vector<16xi32>
            tpu.vector_store_idx %arg12[%add3A_599, %add3A_687], %broadcast_in_dim3A_3 masked %gt3A_570 : memref<32x512xf32, #tpu.memory_space<vmem>>[vector<16xi32>, vector<16xi32>], vector<16xf32>, vector<16xi1>
            %add3A_688 = arith.constant 10 : i32
            %add3A_689 = vector.broadcast %add3A_688 : i32 to vector<16xi32>
            %add3A_690 = arith.addi %iota3A, %add3A_689 : vector<16xi32>
            %and3A_691 = arith.constant 15 : i32
            %and3A_692 = vector.broadcast %and3A_691 : i32 to vector<16xi32>
            %and3A_693 = arith.andi %add3A_690, %and3A_692 : vector<16xi32>
            %add3A_694 = vector.broadcast %mul3A_608 : i32 to vector<16xi32>
            %add3A_695 = arith.addi %add3A_694, %and3A_693 : vector<16xi32>
            tpu.vector_store_idx %arg12[%add3A_599, %add3A_695], %broadcast_in_dim3A_3 masked %gt3A_570 : memref<32x512xf32, #tpu.memory_space<vmem>>[vector<16xi32>, vector<16xi32>], vector<16xf32>, vector<16xi1>
            %add3A_696 = arith.constant 11 : i32
            %add3A_697 = vector.broadcast %add3A_696 : i32 to vector<16xi32>
            %add3A_698 = arith.addi %iota3A, %add3A_697 : vector<16xi32>
            %and3A_699 = arith.constant 15 : i32
            %and3A_700 = vector.broadcast %and3A_699 : i32 to vector<16xi32>
            %and3A_701 = arith.andi %add3A_698, %and3A_700 : vector<16xi32>
            %add3A_702 = vector.broadcast %mul3A_608 : i32 to vector<16xi32>
            %add3A_703 = arith.addi %add3A_702, %and3A_701 : vector<16xi32>
            tpu.vector_store_idx %arg12[%add3A_599, %add3A_703], %broadcast_in_dim3A_3 masked %gt3A_570 : memref<32x512xf32, #tpu.memory_space<vmem>>[vector<16xi32>, vector<16xi32>], vector<16xf32>, vector<16xi1>
            %add3A_704 = arith.constant 12 : i32
            %add3A_705 = vector.broadcast %add3A_704 : i32 to vector<16xi32>
            %add3A_706 = arith.addi %iota3A, %add3A_705 : vector<16xi32>
            %and3A_707 = arith.constant 15 : i32
            %and3A_708 = vector.broadcast %and3A_707 : i32 to vector<16xi32>
            %and3A_709 = arith.andi %add3A_706, %and3A_708 : vector<16xi32>
            %add3A_710 = vector.broadcast %mul3A_608 : i32 to vector<16xi32>
            %add3A_711 = arith.addi %add3A_710, %and3A_709 : vector<16xi32>
            tpu.vector_store_idx %arg12[%add3A_599, %add3A_711], %broadcast_in_dim3A_3 masked %gt3A_570 : memref<32x512xf32, #tpu.memory_space<vmem>>[vector<16xi32>, vector<16xi32>], vector<16xf32>, vector<16xi1>
            %add3A_712 = arith.constant 13 : i32
            %add3A_713 = vector.broadcast %add3A_712 : i32 to vector<16xi32>
            %add3A_714 = arith.addi %iota3A, %add3A_713 : vector<16xi32>
            %and3A_715 = arith.constant 15 : i32
            %and3A_716 = vector.broadcast %and3A_715 : i32 to vector<16xi32>
            %and3A_717 = arith.andi %add3A_714, %and3A_716 : vector<16xi32>
            %add3A_718 = vector.broadcast %mul3A_608 : i32 to vector<16xi32>
            %add3A_719 = arith.addi %add3A_718, %and3A_717 : vector<16xi32>
            tpu.vector_store_idx %arg12[%add3A_599, %add3A_719], %broadcast_in_dim3A_3 masked %gt3A_570 : memref<32x512xf32, #tpu.memory_space<vmem>>[vector<16xi32>, vector<16xi32>], vector<16xf32>, vector<16xi1>
            %add3A_720 = arith.constant 14 : i32
            %add3A_721 = vector.broadcast %add3A_720 : i32 to vector<16xi32>
            %add3A_722 = arith.addi %iota3A, %add3A_721 : vector<16xi32>
            %and3A_723 = arith.constant 15 : i32
            %and3A_724 = vector.broadcast %and3A_723 : i32 to vector<16xi32>
            %and3A_725 = arith.andi %add3A_722, %and3A_724 : vector<16xi32>
            %add3A_726 = vector.broadcast %mul3A_608 : i32 to vector<16xi32>
            %add3A_727 = arith.addi %add3A_726, %and3A_725 : vector<16xi32>
            tpu.vector_store_idx %arg12[%add3A_599, %add3A_727], %broadcast_in_dim3A_3 masked %gt3A_570 : memref<32x512xf32, #tpu.memory_space<vmem>>[vector<16xi32>, vector<16xi32>], vector<16xf32>, vector<16xi1>
            %add3A_728 = arith.constant 15 : i32
            %add3A_729 = vector.broadcast %add3A_728 : i32 to vector<16xi32>
            %add3A_730 = arith.addi %iota3A, %add3A_729 : vector<16xi32>
            %and3A_731 = arith.constant 15 : i32
            %and3A_732 = vector.broadcast %and3A_731 : i32 to vector<16xi32>
            %and3A_733 = arith.andi %add3A_730, %and3A_732 : vector<16xi32>
            %add3A_734 = vector.broadcast %mul3A_608 : i32 to vector<16xi32>
            %add3A_735 = arith.addi %add3A_734, %and3A_733 : vector<16xi32>
            tpu.vector_store_idx %arg12[%add3A_599, %add3A_735], %broadcast_in_dim3A_3 masked %gt3A_570 : memref<32x512xf32, #tpu.memory_space<vmem>>[vector<16xi32>, vector<16xi32>], vector<16xf32>, vector<16xi1>
          }
          %scan3A_605 = arith.constant 32 : i32
        } else {
        }
        %mul3A_579 = arith.constant 32 : i32
        %mul3A_580 = arith.muli %add3A_376, %mul3A_579 : i32
        %add3A_581 = arith.constant 16 : i32
        %add3A_582 = arith.addi %mul3A_580, %add3A_581 : i32
        %multiple_of3A_583 = tpu.assume_multiple %add3A_582, 16 : i32
        %get3A_584 = arith.index_cast %multiple_of3A_583 : i32 to index
        %get3A_585 = tpu.vector_load %arg10[%get3A_584] {strides = array<i32>} : memref<2048xi32, #tpu.memory_space<vmem>>, vector<16xi32>,
        %gt3A_586 = arith.constant 0 : i32
        %gt3A_587 = vector.broadcast %gt3A_586 : i32 to vector<16xi32>
        %gt3A_588 = arith.cmpi sgt, %get3A_585, %gt3A_587 : vector<16xi32>
        %all_reduce_population_count3A_589 = tpu.all_reduce %gt3A_588 {dim = 0 : i64, kind = #tpu.reduction_kind<sum>} : vector<16xi1> -> vector<16xi32>
        %slice3A_590 = vector.extract_strided_slice %all_reduce_population_count3A_589 {offsets = [0], sizes = [1], strides = [1]} : vector<16xi32> to vector<1xi32>
        %squeeze3A_591 = vector.extract %slice3A_590[0] : i32 from vector<1xi32>
        %gt3A_592 = arith.constant 0 : i32
        %gt3A_593 = arith.cmpi sgt, %squeeze3A_591, %gt3A_592 : i32
        %convert_element_type3A_594 = arith.extui %gt3A_593 : i1 to i32
        %cond3A_595 = arith.constant 0 : i32
        %cond3A_596 = arith.cmpi ne, %convert_element_type3A_594, %cond3A_595 : i32
        scf.if %cond3A_596 {
          %add3A_597 = arith.constant 16 : i32
          %add3A_598 = vector.broadcast %add3A_597 : i32 to vector<16xi32>
          %add3A_599 = arith.addi %add3A_598, %iota3A : vector<16xi32>
          %scan3A_600 = arith.constant 0 : i32
          %scan3A_601 = arith.constant 0 : i32
          %scan3A_602 = arith.constant 32 : i32
          %scan3A_603 = arith.addi %scan3A_601, %scan3A_602 : i32
          %scan3A_604 = arith.constant 1 : i32
          scf.for %scan3A_606 = %scan3A_601 to %scan3A_603 step %scan3A_604  : i32 {
            %mul3A_607 = arith.constant 16 : i32
            %mul3A_608 = arith.muli %scan3A_606, %mul3A_607 : i32
            %add3A_609 = arith.constant 0 : i32
            %add3A_610 = vector.broadcast %add3A_609 : i32 to vector<16xi32>
            %add3A_611 = arith.addi %iota3A, %add3A_610 : vector<16xi32>
            %and3A = arith.constant 15 : i32
            %and3A_612 = vector.broadcast %and3A : i32 to vector<16xi32>
            %and3A_613 = arith.andi %add3A_611, %and3A_612 : vector<16xi32>
            %add3A_614 = vector.broadcast %mul3A_608 : i32 to vector<16xi32>
            %add3A_615 = arith.addi %add3A_614, %and3A_613 : vector<16xi32>
            tpu.vector_store_idx %arg12[%add3A_599, %add3A_615], %broadcast_in_dim3A_3 masked %gt3A_588 : memref<32x512xf32, #tpu.memory_space<vmem>>[vector<16xi32>, vector<16xi32>], vector<16xf32>, vector<16xi1>
            %add3A_616 = arith.constant 1 : i32
            %add3A_617 = vector.broadcast %add3A_616 : i32 to vector<16xi32>
            %add3A_618 = arith.addi %iota3A, %add3A_617 : vector<16xi32>
            %and3A_619 = arith.constant 15 : i32
            %and3A_620 = vector.broadcast %and3A_619 : i32 to vector<16xi32>
            %and3A_621 = arith.andi %add3A_618, %and3A_620 : vector<16xi32>
            %add3A_622 = vector.broadcast %mul3A_608 : i32 to vector<16xi32>
            %add3A_623 = arith.addi %add3A_622, %and3A_621 : vector<16xi32>
            tpu.vector_store_idx %arg12[%add3A_599, %add3A_623], %broadcast_in_dim3A_3 masked %gt3A_588 : memref<32x512xf32, #tpu.memory_space<vmem>>[vector<16xi32>, vector<16xi32>], vector<16xf32>, vector<16xi1>
            %add3A_624 = arith.constant 2 : i32
            %add3A_625 = vector.broadcast %add3A_624 : i32 to vector<16xi32>
            %add3A_626 = arith.addi %iota3A, %add3A_625 : vector<16xi32>
            %and3A_627 = arith.constant 15 : i32
            %and3A_628 = vector.broadcast %and3A_627 : i32 to vector<16xi32>
            %and3A_629 = arith.andi %add3A_626, %and3A_628 : vector<16xi32>
            %add3A_630 = vector.broadcast %mul3A_608 : i32 to vector<16xi32>
            %add3A_631 = arith.addi %add3A_630, %and3A_629 : vector<16xi32>
            tpu.vector_store_idx %arg12[%add3A_599, %add3A_631], %broadcast_in_dim3A_3 masked %gt3A_588 : memref<32x512xf32, #tpu.memory_space<vmem>>[vector<16xi32>, vector<16xi32>], vector<16xf32>, vector<16xi1>
            %add3A_632 = arith.constant 3 : i32
            %add3A_633 = vector.broadcast %add3A_632 : i32 to vector<16xi32>
            %add3A_634 = arith.addi %iota3A, %add3A_633 : vector<16xi32>
            %and3A_635 = arith.constant 15 : i32
            %and3A_636 = vector.broadcast %and3A_635 : i32 to vector<16xi32>
            %and3A_637 = arith.andi %add3A_634, %and3A_636 : vector<16xi32>
            %add3A_638 = vector.broadcast %mul3A_608 : i32 to vector<16xi32>
            %add3A_639 = arith.addi %add3A_638, %and3A_637 : vector<16xi32>
            tpu.vector_store_idx %arg12[%add3A_599, %add3A_639], %broadcast_in_dim3A_3 masked %gt3A_588 : memref<32x512xf32, #tpu.memory_space<vmem>>[vector<16xi32>, vector<16xi32>], vector<16xf32>, vector<16xi1>
            %add3A_640 = arith.constant 4 : i32
            %add3A_641 = vector.broadcast %add3A_640 : i32 to vector<16xi32>
            %add3A_642 = arith.addi %iota3A, %add3A_641 : vector<16xi32>
            %and3A_643 = arith.constant 15 : i32
            %and3A_644 = vector.broadcast %and3A_643 : i32 to vector<16xi32>
            %and3A_645 = arith.andi %add3A_642, %and3A_644 : vector<16xi32>
            %add3A_646 = vector.broadcast %mul3A_608 : i32 to vector<16xi32>
            %add3A_647 = arith.addi %add3A_646, %and3A_645 : vector<16xi32>
            tpu.vector_store_idx %arg12[%add3A_599, %add3A_647], %broadcast_in_dim3A_3 masked %gt3A_588 : memref<32x512xf32, #tpu.memory_space<vmem>>[vector<16xi32>, vector<16xi32>], vector<16xf32>, vector<16xi1>
            %add3A_648 = arith.constant 5 : i32
            %add3A_649 = vector.broadcast %add3A_648 : i32 to vector<16xi32>
            %add3A_650 = arith.addi %iota3A, %add3A_649 : vector<16xi32>
            %and3A_651 = arith.constant 15 : i32
            %and3A_652 = vector.broadcast %and3A_651 : i32 to vector<16xi32>
            %and3A_653 = arith.andi %add3A_650, %and3A_652 : vector<16xi32>
            %add3A_654 = vector.broadcast %mul3A_608 : i32 to vector<16xi32>
            %add3A_655 = arith.addi %add3A_654, %and3A_653 : vector<16xi32>
            tpu.vector_store_idx %arg12[%add3A_599, %add3A_655], %broadcast_in_dim3A_3 masked %gt3A_588 : memref<32x512xf32, #tpu.memory_space<vmem>>[vector<16xi32>, vector<16xi32>], vector<16xf32>, vector<16xi1>
            %add3A_656 = arith.constant 6 : i32
            %add3A_657 = vector.broadcast %add3A_656 : i32 to vector<16xi32>
            %add3A_658 = arith.addi %iota3A, %add3A_657 : vector<16xi32>
            %and3A_659 = arith.constant 15 : i32
            %and3A_660 = vector.broadcast %and3A_659 : i32 to vector<16xi32>
            %and3A_661 = arith.andi %add3A_658, %and3A_660 : vector<16xi32>
            %add3A_662 = vector.broadcast %mul3A_608 : i32 to vector<16xi32>
            %add3A_663 = arith.addi %add3A_662, %and3A_661 : vector<16xi32>
            tpu.vector_store_idx %arg12[%add3A_599, %add3A_663], %broadcast_in_dim3A_3 masked %gt3A_588 : memref<32x512xf32, #tpu.memory_space<vmem>>[vector<16xi32>, vector<16xi32>], vector<16xf32>, vector<16xi1>
            %add3A_664 = arith.constant 7 : i32
            %add3A_665 = vector.broadcast %add3A_664 : i32 to vector<16xi32>
            %add3A_666 = arith.addi %iota3A, %add3A_665 : vector<16xi32>
            %and3A_667 = arith.constant 15 : i32
            %and3A_668 = vector.broadcast %and3A_667 : i32 to vector<16xi32>
            %and3A_669 = arith.andi %add3A_666, %and3A_668 : vector<16xi32>
            %add3A_670 = vector.broadcast %mul3A_608 : i32 to vector<16xi32>
            %add3A_671 = arith.addi %add3A_670, %and3A_669 : vector<16xi32>
            tpu.vector_store_idx %arg12[%add3A_599, %add3A_671], %broadcast_in_dim3A_3 masked %gt3A_588 : memref<32x512xf32, #tpu.memory_space<vmem>>[vector<16xi32>, vector<16xi32>], vector<16xf32>, vector<16xi1>
            %add3A_672 = arith.constant 8 : i32
            %add3A_673 = vector.broadcast %add3A_672 : i32 to vector<16xi32>
            %add3A_674 = arith.addi %iota3A, %add3A_673 : vector<16xi32>
            %and3A_675 = arith.constant 15 : i32
            %and3A_676 = vector.broadcast %and3A_675 : i32 to vector<16xi32>
            %and3A_677 = arith.andi %add3A_674, %and3A_676 : vector<16xi32>
            %add3A_678 = vector.broadcast %mul3A_608 : i32 to vector<16xi32>
            %add3A_679 = arith.addi %add3A_678, %and3A_677 : vector<16xi32>
            tpu.vector_store_idx %arg12[%add3A_599, %add3A_679], %broadcast_in_dim3A_3 masked %gt3A_588 : memref<32x512xf32, #tpu.memory_space<vmem>>[vector<16xi32>, vector<16xi32>], vector<16xf32>, vector<16xi1>
            %add3A_680 = arith.constant 9 : i32
            %add3A_681 = vector.broadcast %add3A_680 : i32 to vector<16xi32>
            %add3A_682 = arith.addi %iota3A, %add3A_681 : vector<16xi32>
            %and3A_683 = arith.constant 15 : i32
            %and3A_684 = vector.broadcast %and3A_683 : i32 to vector<16xi32>
            %and3A_685 = arith.andi %add3A_682, %and3A_684 : vector<16xi32>
            %add3A_686 = vector.broadcast %mul3A_608 : i32 to vector<16xi32>
            %add3A_687 = arith.addi %add3A_686, %and3A_685 : vector<16xi32>
            tpu.vector_store_idx %arg12[%add3A_599, %add3A_687], %broadcast_in_dim3A_3 masked %gt3A_588 : memref<32x512xf32, #tpu.memory_space<vmem>>[vector<16xi32>, vector<16xi32>], vector<16xf32>, vector<16xi1>
            %add3A_688 = arith.constant 10 : i32
            %add3A_689 = vector.broadcast %add3A_688 : i32 to vector<16xi32>
            %add3A_690 = arith.addi %iota3A, %add3A_689 : vector<16xi32>
            %and3A_691 = arith.constant 15 : i32
            %and3A_692 = vector.broadcast %and3A_691 : i32 to vector<16xi32>
            %and3A_693 = arith.andi %add3A_690, %and3A_692 : vector<16xi32>
            %add3A_694 = vector.broadcast %mul3A_608 : i32 to vector<16xi32>
            %add3A_695 = arith.addi %add3A_694, %and3A_693 : vector<16xi32>
            tpu.vector_store_idx %arg12[%add3A_599, %add3A_695], %broadcast_in_dim3A_3 masked %gt3A_588 : memref<32x512xf32, #tpu.memory_space<vmem>>[vector<16xi32>, vector<16xi32>], vector<16xf32>, vector<16xi1>
            %add3A_696 = arith.constant 11 : i32
            %add3A_697 = vector.broadcast %add3A_696 : i32 to vector<16xi32>
            %add3A_698 = arith.addi %iota3A, %add3A_697 : vector<16xi32>
            %and3A_699 = arith.constant 15 : i32
            %and3A_700 = vector.broadcast %and3A_699 : i32 to vector<16xi32>
            %and3A_701 = arith.andi %add3A_698, %and3A_700 : vector<16xi32>
            %add3A_702 = vector.broadcast %mul3A_608 : i32 to vector<16xi32>
            %add3A_703 = arith.addi %add3A_702, %and3A_701 : vector<16xi32>
            tpu.vector_store_idx %arg12[%add3A_599, %add3A_703], %broadcast_in_dim3A_3 masked %gt3A_588 : memref<32x512xf32, #tpu.memory_space<vmem>>[vector<16xi32>, vector<16xi32>], vector<16xf32>, vector<16xi1>
            %add3A_704 = arith.constant 12 : i32
            %add3A_705 = vector.broadcast %add3A_704 : i32 to vector<16xi32>
            %add3A_706 = arith.addi %iota3A, %add3A_705 : vector<16xi32>
            %and3A_707 = arith.constant 15 : i32
            %and3A_708 = vector.broadcast %and3A_707 : i32 to vector<16xi32>
            %and3A_709 = arith.andi %add3A_706, %and3A_708 : vector<16xi32>
            %add3A_710 = vector.broadcast %mul3A_608 : i32 to vector<16xi32>
            %add3A_711 = arith.addi %add3A_710, %and3A_709 : vector<16xi32>
            tpu.vector_store_idx %arg12[%add3A_599, %add3A_711], %broadcast_in_dim3A_3 masked %gt3A_588 : memref<32x512xf32, #tpu.memory_space<vmem>>[vector<16xi32>, vector<16xi32>], vector<16xf32>, vector<16xi1>
            %add3A_712 = arith.constant 13 : i32
            %add3A_713 = vector.broadcast %add3A_712 : i32 to vector<16xi32>
            %add3A_714 = arith.addi %iota3A, %add3A_713 : vector<16xi32>
            %and3A_715 = arith.constant 15 : i32
            %and3A_716 = vector.broadcast %and3A_715 : i32 to vector<16xi32>
            %and3A_717 = arith.andi %add3A_714, %and3A_716 : vector<16xi32>
            %add3A_718 = vector.broadcast %mul3A_608 : i32 to vector<16xi32>
            %add3A_719 = arith.addi %add3A_718, %and3A_717 : vector<16xi32>
            tpu.vector_store_idx %arg12[%add3A_599, %add3A_719], %broadcast_in_dim3A_3 masked %gt3A_588 : memref<32x512xf32, #tpu.memory_space<vmem>>[vector<16xi32>, vector<16xi32>], vector<16xf32>, vector<16xi1>
            %add3A_720 = arith.constant 14 : i32
            %add3A_721 = vector.broadcast %add3A_720 : i32 to vector<16xi32>
            %add3A_722 = arith.addi %iota3A, %add3A_721 : vector<16xi32>
            %and3A_723 = arith.constant 15 : i32
            %and3A_724 = vector.broadcast %and3A_723 : i32 to vector<16xi32>
            %and3A_725 = arith.andi %add3A_722, %and3A_724 : vector<16xi32>
            %add3A_726 = vector.broadcast %mul3A_608 : i32 to vector<16xi32>
            %add3A_727 = arith.addi %add3A_726, %and3A_725 : vector<16xi32>
            tpu.vector_store_idx %arg12[%add3A_599, %add3A_727], %broadcast_in_dim3A_3 masked %gt3A_588 : memref<32x512xf32, #tpu.memory_space<vmem>>[vector<16xi32>, vector<16xi32>], vector<16xf32>, vector<16xi1>
            %add3A_728 = arith.constant 15 : i32
            %add3A_729 = vector.broadcast %add3A_728 : i32 to vector<16xi32>
            %add3A_730 = arith.addi %iota3A, %add3A_729 : vector<16xi32>
            %and3A_731 = arith.constant 15 : i32
            %and3A_732 = vector.broadcast %and3A_731 : i32 to vector<16xi32>
            %and3A_733 = arith.andi %add3A_730, %and3A_732 : vector<16xi32>
            %add3A_734 = vector.broadcast %mul3A_608 : i32 to vector<16xi32>
            %add3A_735 = arith.addi %add3A_734, %and3A_733 : vector<16xi32>
            tpu.vector_store_idx %arg12[%add3A_599, %add3A_735], %broadcast_in_dim3A_3 masked %gt3A_588 : memref<32x512xf32, #tpu.memory_space<vmem>>[vector<16xi32>, vector<16xi32>], vector<16xf32>, vector<16xi1>
          }
          %scan3A_605 = arith.constant 32 : i32
        } else {
        }
      } else {
      }
      %mul3A_395 = arith.constant 32 : i32
      %mul3A_396 = arith.muli %add3A_376, %mul3A_395 : i32
      %add3A_397 = arith.addi %multiple_of3A, %mul3A_396 : i32
      %multiple_of3A_398 = tpu.assume_multiple %add3A_397, 32 : i32
      %dma_start3A_399 = arith.constant 0 : i32
      %dma_start3A_400 = tpu.memref_slice %arg5[%multiple_of3A_398, %dma_start3A_399] : memref<65536x512xf32, #tpu.memory_space<hbm>> -> memref<32x512xf32, #tpu.memory_space<hbm>>
      %dma_start3A_401 = arith.constant 0 : i32
      %dma_start3A_402 = tpu.memref_slice %arg5[%multiple_of3A_398, %dma_start3A_401] : memref<65536x512xf32, #tpu.memory_space<hbm>> -> memref<32x512xf32, #tpu.memory_space<hbm>>
      tpu.enqueue_dma source(%arg12 : memref<32x512xf32, #tpu.memory_space<vmem>>) target(%dma_start3A_402 : memref<32x512xf32, #tpu.memory_space<hbm>>) target_semaphore(%arg20 : memref<!tpu.dma_semaphore, #tpu.memory_space<semaphore_mem>>)
      %mul3A_403 = arith.constant 32 : i32
      %mul3A_404 = arith.muli %add3A_376, %mul3A_403 : i32
      %add3A_405 = arith.addi %multiple_of3A, %mul3A_404 : i32
      %multiple_of3A_406 = tpu.assume_multiple %add3A_405, 32 : i32
      %dma_wait3A_407 = arith.constant 0 : i32
      %dma_wait3A_408 = tpu.memref_slice %arg5[%multiple_of3A_406, %dma_wait3A_407] : memref<65536x512xf32, #tpu.memory_space<hbm>> -> memref<32x512xf32, #tpu.memory_space<hbm>>
      %dma_wait3A_409 = arith.constant 0 : i32
      %dma_wait3A_410 = tpu.memref_slice %arg5[%multiple_of3A_406, %dma_wait3A_409] : memref<65536x512xf32, #tpu.memory_space<hbm>> -> memref<32x512xf32, #tpu.memory_space<hbm>>
      tpu.wait_dma2 semaphore(%arg20 : memref<!tpu.dma_semaphore, #tpu.memory_space<semaphore_mem>>) src(%arg12 : memref<32x512xf32, #tpu.memory_space<vmem>>) dst(%dma_wait3A_410 : memref<32x512xf32, #tpu.memory_space<hbm>>)
      %add3A_411 = arith.constant 4 : i32
      %add3A_412 = arith.addi %add3A_376, %add3A_411 : i32
      %mul3A_413 = arith.constant 32 : i32
      %mul3A_414 = arith.muli %add3A_412, %mul3A_413 : i32
      %multiple_of3A_415 = tpu.assume_multiple %mul3A_414, 32 : i32
      %dma_start3A_416 = tpu.memref_slice %arg9[%multiple_of3A_415] : memref<2048xi32, #tpu.memory_space<vmem>> -> memref<32xi32, #tpu.memory_space<vmem>>
      %dma_start3A_417 = arith.constant 0 : i32
      %dma_start3A_418 = arith.constant 0 : i32
      %dma_start3A_419 = tpu.memref_slice %arg2[%dma_start3A_417, %dma_start3A_418] : memref<32768x512xf32, #tpu.memory_space<hbm>> -> memref<32768x512xf32, #tpu.memory_space<hbm>>
      tpu.enqueue_indirect_dma source(%dma_start3A_419 : memref<32768x512xf32, #tpu.memory_space<hbm>>) target(%arg12 : memref<32x512xf32, #tpu.memory_space<vmem>>) offsets(%dma_start3A_416 : memref<32xi32, #tpu.memory_space<vmem>>) semaphore(%arg16 : memref<!tpu.dma_semaphore, #tpu.memory_space<semaphore_mem>>)
      %mul3A_420 = arith.constant 4 : i32
      %mul3A_421 = arith.muli %scan3A_372, %mul3A_420 : i32
      %add3A_422 = arith.constant 1 : i32
      %add3A_423 = arith.addi %mul3A_421, %add3A_422 : i32
      %mul3A_424 = arith.constant 32 : i32
      %mul3A_425 = arith.muli %add3A_423, %mul3A_424 : i32
      %multiple_of3A_426 = tpu.assume_multiple %mul3A_425, 32 : i32
      %dma_wait3A_427 = tpu.memref_slice %arg9[%multiple_of3A_426] : memref<2048xi32, #tpu.memory_space<vmem>> -> memref<32xi32, #tpu.memory_space<vmem>>
      %dma_wait3A_428 = arith.constant 0 : i32
      %dma_wait3A_429 = arith.constant 0 : i32
      %dma_wait3A_430 = tpu.memref_slice %arg2[%dma_wait3A_428, %dma_wait3A_429] : memref<32768x512xf32, #tpu.memory_space<hbm>> -> memref<32768x512xf32, #tpu.memory_space<hbm>>
      tpu.wait_indirect_dma semaphore(%arg17 : memref<!tpu.dma_semaphore, #tpu.memory_space<semaphore_mem>>) src(%dma_wait3A_430 : memref<32768x512xf32, #tpu.memory_space<hbm>>) dst(%arg13 : memref<32x512xf32, #tpu.memory_space<vmem>>)
      %mul3A_431 = arith.constant 16 : i32
      %mul3A_432 = arith.muli %add3A_423, %mul3A_431 : i32
      %get3A_433 = arith.index_cast %mul3A_432 : i32 to index
      %get3A_434 = tpu.vector_load %arg11[%get3A_433] {strides = array<i32>} : memref<1024xi32, #tpu.memory_space<vmem>>, vector<16xi32>,
      %slice3A_435 = vector.extract_strided_slice %get3A_434 {offsets = [0], sizes = [1], strides = [1]} : vector<16xi32> to vector<1xi32>
      %squeeze3A_436 = vector.extract %slice3A_435[0] : i32 from vector<1xi32>
      %gt3A_437 = arith.constant 0 : i32
      %gt3A_438 = arith.cmpi sgt, %squeeze3A_436, %gt3A_437 : i32
      %convert_element_type3A_439 = arith.extui %gt3A_438 : i1 to i32
      %cond3A_440 = arith.constant 0 : i32
      %cond3A_441 = arith.cmpi ne, %convert_element_type3A_439, %cond3A_440 : i32
      scf.if %cond3A_441 {
        %mul3A_561 = arith.constant 32 : i32
        %mul3A_562 = arith.muli %add3A_423, %mul3A_561 : i32
        %add3A_563 = arith.constant 0 : i32
        %add3A_564 = arith.addi %mul3A_562, %add3A_563 : i32
        %multiple_of3A_565 = tpu.assume_multiple %add3A_564, 16 : i32
        %get3A_566 = arith.index_cast %multiple_of3A_565 : i32 to index
        %get3A_567 = tpu.vector_load %arg10[%get3A_566] {strides = array<i32>} : memref<2048xi32, #tpu.memory_space<vmem>>, vector<16xi32>,
        %gt3A_568 = arith.constant 0 : i32
        %gt3A_569 = vector.broadcast %gt3A_568 : i32 to vector<16xi32>
        %gt3A_570 = arith.cmpi sgt, %get3A_567, %gt3A_569 : vector<16xi32>
        %all_reduce_population_count3A_571 = tpu.all_reduce %gt3A_570 {dim = 0 : i64, kind = #tpu.reduction_kind<sum>} : vector<16xi1> -> vector<16xi32>
        %slice3A_572 = vector.extract_strided_slice %all_reduce_population_count3A_571 {offsets = [0], sizes = [1], strides = [1]} : vector<16xi32> to vector<1xi32>
        %squeeze3A_573 = vector.extract %slice3A_572[0] : i32 from vector<1xi32>
        %gt3A_574 = arith.constant 0 : i32
        %gt3A_575 = arith.cmpi sgt, %squeeze3A_573, %gt3A_574 : i32
        %convert_element_type3A_576 = arith.extui %gt3A_575 : i1 to i32
        %cond3A_577 = arith.constant 0 : i32
        %cond3A_578 = arith.cmpi ne, %convert_element_type3A_576, %cond3A_577 : i32
        scf.if %cond3A_578 {
          %add3A_597 = arith.constant 0 : i32
          %add3A_598 = vector.broadcast %add3A_597 : i32 to vector<16xi32>
          %add3A_599 = arith.addi %add3A_598, %iota3A : vector<16xi32>
          %scan3A_600 = arith.constant 0 : i32
          %scan3A_601 = arith.constant 0 : i32
          %scan3A_602 = arith.constant 32 : i32
          %scan3A_603 = arith.addi %scan3A_601, %scan3A_602 : i32
          %scan3A_604 = arith.constant 1 : i32
          scf.for %scan3A_606 = %scan3A_601 to %scan3A_603 step %scan3A_604  : i32 {
            %mul3A_607 = arith.constant 16 : i32
            %mul3A_608 = arith.muli %scan3A_606, %mul3A_607 : i32
            %add3A_609 = arith.constant 0 : i32
            %add3A_610 = vector.broadcast %add3A_609 : i32 to vector<16xi32>
            %add3A_611 = arith.addi %iota3A, %add3A_610 : vector<16xi32>
            %and3A = arith.constant 15 : i32
            %and3A_612 = vector.broadcast %and3A : i32 to vector<16xi32>
            %and3A_613 = arith.andi %add3A_611, %and3A_612 : vector<16xi32>
            %add3A_614 = vector.broadcast %mul3A_608 : i32 to vector<16xi32>
            %add3A_615 = arith.addi %add3A_614, %and3A_613 : vector<16xi32>
            tpu.vector_store_idx %arg13[%add3A_599, %add3A_615], %broadcast_in_dim3A_3 masked %gt3A_570 : memref<32x512xf32, #tpu.memory_space<vmem>>[vector<16xi32>, vector<16xi32>], vector<16xf32>, vector<16xi1>
            %add3A_616 = arith.constant 1 : i32
            %add3A_617 = vector.broadcast %add3A_616 : i32 to vector<16xi32>
            %add3A_618 = arith.addi %iota3A, %add3A_617 : vector<16xi32>
            %and3A_619 = arith.constant 15 : i32
            %and3A_620 = vector.broadcast %and3A_619 : i32 to vector<16xi32>
            %and3A_621 = arith.andi %add3A_618, %and3A_620 : vector<16xi32>
            %add3A_622 = vector.broadcast %mul3A_608 : i32 to vector<16xi32>
            %add3A_623 = arith.addi %add3A_622, %and3A_621 : vector<16xi32>
            tpu.vector_store_idx %arg13[%add3A_599, %add3A_623], %broadcast_in_dim3A_3 masked %gt3A_570 : memref<32x512xf32, #tpu.memory_space<vmem>>[vector<16xi32>, vector<16xi32>], vector<16xf32>, vector<16xi1>
            %add3A_624 = arith.constant 2 : i32
            %add3A_625 = vector.broadcast %add3A_624 : i32 to vector<16xi32>
            %add3A_626 = arith.addi %iota3A, %add3A_625 : vector<16xi32>
            %and3A_627 = arith.constant 15 : i32
            %and3A_628 = vector.broadcast %and3A_627 : i32 to vector<16xi32>
            %and3A_629 = arith.andi %add3A_626, %and3A_628 : vector<16xi32>
            %add3A_630 = vector.broadcast %mul3A_608 : i32 to vector<16xi32>
            %add3A_631 = arith.addi %add3A_630, %and3A_629 : vector<16xi32>
            tpu.vector_store_idx %arg13[%add3A_599, %add3A_631], %broadcast_in_dim3A_3 masked %gt3A_570 : memref<32x512xf32, #tpu.memory_space<vmem>>[vector<16xi32>, vector<16xi32>], vector<16xf32>, vector<16xi1>
            %add3A_632 = arith.constant 3 : i32
            %add3A_633 = vector.broadcast %add3A_632 : i32 to vector<16xi32>
            %add3A_634 = arith.addi %iota3A, %add3A_633 : vector<16xi32>
            %and3A_635 = arith.constant 15 : i32
            %and3A_636 = vector.broadcast %and3A_635 : i32 to vector<16xi32>
            %and3A_637 = arith.andi %add3A_634, %and3A_636 : vector<16xi32>
            %add3A_638 = vector.broadcast %mul3A_608 : i32 to vector<16xi32>
            %add3A_639 = arith.addi %add3A_638, %and3A_637 : vector<16xi32>
            tpu.vector_store_idx %arg13[%add3A_599, %add3A_639], %broadcast_in_dim3A_3 masked %gt3A_570 : memref<32x512xf32, #tpu.memory_space<vmem>>[vector<16xi32>, vector<16xi32>], vector<16xf32>, vector<16xi1>
            %add3A_640 = arith.constant 4 : i32
            %add3A_641 = vector.broadcast %add3A_640 : i32 to vector<16xi32>
            %add3A_642 = arith.addi %iota3A, %add3A_641 : vector<16xi32>
            %and3A_643 = arith.constant 15 : i32
            %and3A_644 = vector.broadcast %and3A_643 : i32 to vector<16xi32>
            %and3A_645 = arith.andi %add3A_642, %and3A_644 : vector<16xi32>
            %add3A_646 = vector.broadcast %mul3A_608 : i32 to vector<16xi32>
            %add3A_647 = arith.addi %add3A_646, %and3A_645 : vector<16xi32>
            tpu.vector_store_idx %arg13[%add3A_599, %add3A_647], %broadcast_in_dim3A_3 masked %gt3A_570 : memref<32x512xf32, #tpu.memory_space<vmem>>[vector<16xi32>, vector<16xi32>], vector<16xf32>, vector<16xi1>
            %add3A_648 = arith.constant 5 : i32
            %add3A_649 = vector.broadcast %add3A_648 : i32 to vector<16xi32>
            %add3A_650 = arith.addi %iota3A, %add3A_649 : vector<16xi32>
            %and3A_651 = arith.constant 15 : i32
            %and3A_652 = vector.broadcast %and3A_651 : i32 to vector<16xi32>
            %and3A_653 = arith.andi %add3A_650, %and3A_652 : vector<16xi32>
            %add3A_654 = vector.broadcast %mul3A_608 : i32 to vector<16xi32>
            %add3A_655 = arith.addi %add3A_654, %and3A_653 : vector<16xi32>
            tpu.vector_store_idx %arg13[%add3A_599, %add3A_655], %broadcast_in_dim3A_3 masked %gt3A_570 : memref<32x512xf32, #tpu.memory_space<vmem>>[vector<16xi32>, vector<16xi32>], vector<16xf32>, vector<16xi1>
            %add3A_656 = arith.constant 6 : i32
            %add3A_657 = vector.broadcast %add3A_656 : i32 to vector<16xi32>
            %add3A_658 = arith.addi %iota3A, %add3A_657 : vector<16xi32>
            %and3A_659 = arith.constant 15 : i32
            %and3A_660 = vector.broadcast %and3A_659 : i32 to vector<16xi32>
            %and3A_661 = arith.andi %add3A_658, %and3A_660 : vector<16xi32>
            %add3A_662 = vector.broadcast %mul3A_608 : i32 to vector<16xi32>
            %add3A_663 = arith.addi %add3A_662, %and3A_661 : vector<16xi32>
            tpu.vector_store_idx %arg13[%add3A_599, %add3A_663], %broadcast_in_dim3A_3 masked %gt3A_570 : memref<32x512xf32, #tpu.memory_space<vmem>>[vector<16xi32>, vector<16xi32>], vector<16xf32>, vector<16xi1>
            %add3A_664 = arith.constant 7 : i32
            %add3A_665 = vector.broadcast %add3A_664 : i32 to vector<16xi32>
            %add3A_666 = arith.addi %iota3A, %add3A_665 : vector<16xi32>
            %and3A_667 = arith.constant 15 : i32
            %and3A_668 = vector.broadcast %and3A_667 : i32 to vector<16xi32>
            %and3A_669 = arith.andi %add3A_666, %and3A_668 : vector<16xi32>
            %add3A_670 = vector.broadcast %mul3A_608 : i32 to vector<16xi32>
            %add3A_671 = arith.addi %add3A_670, %and3A_669 : vector<16xi32>
            tpu.vector_store_idx %arg13[%add3A_599, %add3A_671], %broadcast_in_dim3A_3 masked %gt3A_570 : memref<32x512xf32, #tpu.memory_space<vmem>>[vector<16xi32>, vector<16xi32>], vector<16xf32>, vector<16xi1>
            %add3A_672 = arith.constant 8 : i32
            %add3A_673 = vector.broadcast %add3A_672 : i32 to vector<16xi32>
            %add3A_674 = arith.addi %iota3A, %add3A_673 : vector<16xi32>
            %and3A_675 = arith.constant 15 : i32
            %and3A_676 = vector.broadcast %and3A_675 : i32 to vector<16xi32>
            %and3A_677 = arith.andi %add3A_674, %and3A_676 : vector<16xi32>
            %add3A_678 = vector.broadcast %mul3A_608 : i32 to vector<16xi32>
            %add3A_679 = arith.addi %add3A_678, %and3A_677 : vector<16xi32>
            tpu.vector_store_idx %arg13[%add3A_599, %add3A_679], %broadcast_in_dim3A_3 masked %gt3A_570 : memref<32x512xf32, #tpu.memory_space<vmem>>[vector<16xi32>, vector<16xi32>], vector<16xf32>, vector<16xi1>
            %add3A_680 = arith.constant 9 : i32
            %add3A_681 = vector.broadcast %add3A_680 : i32 to vector<16xi32>
            %add3A_682 = arith.addi %iota3A, %add3A_681 : vector<16xi32>
            %and3A_683 = arith.constant 15 : i32
            %and3A_684 = vector.broadcast %and3A_683 : i32 to vector<16xi32>
            %and3A_685 = arith.andi %add3A_682, %and3A_684 : vector<16xi32>
            %add3A_686 = vector.broadcast %mul3A_608 : i32 to vector<16xi32>
            %add3A_687 = arith.addi %add3A_686, %and3A_685 : vector<16xi32>
            tpu.vector_store_idx %arg13[%add3A_599, %add3A_687], %broadcast_in_dim3A_3 masked %gt3A_570 : memref<32x512xf32, #tpu.memory_space<vmem>>[vector<16xi32>, vector<16xi32>], vector<16xf32>, vector<16xi1>
            %add3A_688 = arith.constant 10 : i32
            %add3A_689 = vector.broadcast %add3A_688 : i32 to vector<16xi32>
            %add3A_690 = arith.addi %iota3A, %add3A_689 : vector<16xi32>
            %and3A_691 = arith.constant 15 : i32
            %and3A_692 = vector.broadcast %and3A_691 : i32 to vector<16xi32>
            %and3A_693 = arith.andi %add3A_690, %and3A_692 : vector<16xi32>
            %add3A_694 = vector.broadcast %mul3A_608 : i32 to vector<16xi32>
            %add3A_695 = arith.addi %add3A_694, %and3A_693 : vector<16xi32>
            tpu.vector_store_idx %arg13[%add3A_599, %add3A_695], %broadcast_in_dim3A_3 masked %gt3A_570 : memref<32x512xf32, #tpu.memory_space<vmem>>[vector<16xi32>, vector<16xi32>], vector<16xf32>, vector<16xi1>
            %add3A_696 = arith.constant 11 : i32
            %add3A_697 = vector.broadcast %add3A_696 : i32 to vector<16xi32>
            %add3A_698 = arith.addi %iota3A, %add3A_697 : vector<16xi32>
            %and3A_699 = arith.constant 15 : i32
            %and3A_700 = vector.broadcast %and3A_699 : i32 to vector<16xi32>
            %and3A_701 = arith.andi %add3A_698, %and3A_700 : vector<16xi32>
            %add3A_702 = vector.broadcast %mul3A_608 : i32 to vector<16xi32>
            %add3A_703 = arith.addi %add3A_702, %and3A_701 : vector<16xi32>
            tpu.vector_store_idx %arg13[%add3A_599, %add3A_703], %broadcast_in_dim3A_3 masked %gt3A_570 : memref<32x512xf32, #tpu.memory_space<vmem>>[vector<16xi32>, vector<16xi32>], vector<16xf32>, vector<16xi1>
            %add3A_704 = arith.constant 12 : i32
            %add3A_705 = vector.broadcast %add3A_704 : i32 to vector<16xi32>
            %add3A_706 = arith.addi %iota3A, %add3A_705 : vector<16xi32>
            %and3A_707 = arith.constant 15 : i32
            %and3A_708 = vector.broadcast %and3A_707 : i32 to vector<16xi32>
            %and3A_709 = arith.andi %add3A_706, %and3A_708 : vector<16xi32>
            %add3A_710 = vector.broadcast %mul3A_608 : i32 to vector<16xi32>
            %add3A_711 = arith.addi %add3A_710, %and3A_709 : vector<16xi32>
            tpu.vector_store_idx %arg13[%add3A_599, %add3A_711], %broadcast_in_dim3A_3 masked %gt3A_570 : memref<32x512xf32, #tpu.memory_space<vmem>>[vector<16xi32>, vector<16xi32>], vector<16xf32>, vector<16xi1>
            %add3A_712 = arith.constant 13 : i32
            %add3A_713 = vector.broadcast %add3A_712 : i32 to vector<16xi32>
            %add3A_714 = arith.addi %iota3A, %add3A_713 : vector<16xi32>
            %and3A_715 = arith.constant 15 : i32
            %and3A_716 = vector.broadcast %and3A_715 : i32 to vector<16xi32>
            %and3A_717 = arith.andi %add3A_714, %and3A_716 : vector<16xi32>
            %add3A_718 = vector.broadcast %mul3A_608 : i32 to vector<16xi32>
            %add3A_719 = arith.addi %add3A_718, %and3A_717 : vector<16xi32>
            tpu.vector_store_idx %arg13[%add3A_599, %add3A_719], %broadcast_in_dim3A_3 masked %gt3A_570 : memref<32x512xf32, #tpu.memory_space<vmem>>[vector<16xi32>, vector<16xi32>], vector<16xf32>, vector<16xi1>
            %add3A_720 = arith.constant 14 : i32
            %add3A_721 = vector.broadcast %add3A_720 : i32 to vector<16xi32>
            %add3A_722 = arith.addi %iota3A, %add3A_721 : vector<16xi32>
            %and3A_723 = arith.constant 15 : i32
            %and3A_724 = vector.broadcast %and3A_723 : i32 to vector<16xi32>
            %and3A_725 = arith.andi %add3A_722, %and3A_724 : vector<16xi32>
            %add3A_726 = vector.broadcast %mul3A_608 : i32 to vector<16xi32>
            %add3A_727 = arith.addi %add3A_726, %and3A_725 : vector<16xi32>
            tpu.vector_store_idx %arg13[%add3A_599, %add3A_727], %broadcast_in_dim3A_3 masked %gt3A_570 : memref<32x512xf32, #tpu.memory_space<vmem>>[vector<16xi32>, vector<16xi32>], vector<16xf32>, vector<16xi1>
            %add3A_728 = arith.constant 15 : i32
            %add3A_729 = vector.broadcast %add3A_728 : i32 to vector<16xi32>
            %add3A_730 = arith.addi %iota3A, %add3A_729 : vector<16xi32>
            %and3A_731 = arith.constant 15 : i32
            %and3A_732 = vector.broadcast %and3A_731 : i32 to vector<16xi32>
            %and3A_733 = arith.andi %add3A_730, %and3A_732 : vector<16xi32>
            %add3A_734 = vector.broadcast %mul3A_608 : i32 to vector<16xi32>
            %add3A_735 = arith.addi %add3A_734, %and3A_733 : vector<16xi32>
            tpu.vector_store_idx %arg13[%add3A_599, %add3A_735], %broadcast_in_dim3A_3 masked %gt3A_570 : memref<32x512xf32, #tpu.memory_space<vmem>>[vector<16xi32>, vector<16xi32>], vector<16xf32>, vector<16xi1>
          }
          %scan3A_605 = arith.constant 32 : i32
        } else {
        }
        %mul3A_579 = arith.constant 32 : i32
        %mul3A_580 = arith.muli %add3A_423, %mul3A_579 : i32
        %add3A_581 = arith.constant 16 : i32
        %add3A_582 = arith.addi %mul3A_580, %add3A_581 : i32
        %multiple_of3A_583 = tpu.assume_multiple %add3A_582, 16 : i32
        %get3A_584 = arith.index_cast %multiple_of3A_583 : i32 to index
        %get3A_585 = tpu.vector_load %arg10[%get3A_584] {strides = array<i32>} : memref<2048xi32, #tpu.memory_space<vmem>>, vector<16xi32>,
        %gt3A_586 = arith.constant 0 : i32
        %gt3A_587 = vector.broadcast %gt3A_586 : i32 to vector<16xi32>
        %gt3A_588 = arith.cmpi sgt, %get3A_585, %gt3A_587 : vector<16xi32>
        %all_reduce_population_count3A_589 = tpu.all_reduce %gt3A_588 {dim = 0 : i64, kind = #tpu.reduction_kind<sum>} : vector<16xi1> -> vector<16xi32>
        %slice3A_590 = vector.extract_strided_slice %all_reduce_population_count3A_589 {offsets = [0], sizes = [1], strides = [1]} : vector<16xi32> to vector<1xi32>
        %squeeze3A_591 = vector.extract %slice3A_590[0] : i32 from vector<1xi32>
        %gt3A_592 = arith.constant 0 : i32
        %gt3A_593 = arith.cmpi sgt, %squeeze3A_591, %gt3A_592 : i32
        %convert_element_type3A_594 = arith.extui %gt3A_593 : i1 to i32
        %cond3A_595 = arith.constant 0 : i32
        %cond3A_596 = arith.cmpi ne, %convert_element_type3A_594, %cond3A_595 : i32
        scf.if %cond3A_596 {
          %add3A_597 = arith.constant 16 : i32
          %add3A_598 = vector.broadcast %add3A_597 : i32 to vector<16xi32>
          %add3A_599 = arith.addi %add3A_598, %iota3A : vector<16xi32>
          %scan3A_600 = arith.constant 0 : i32
          %scan3A_601 = arith.constant 0 : i32
          %scan3A_602 = arith.constant 32 : i32
          %scan3A_603 = arith.addi %scan3A_601, %scan3A_602 : i32
          %scan3A_604 = arith.constant 1 : i32
          scf.for %scan3A_606 = %scan3A_601 to %scan3A_603 step %scan3A_604  : i32 {
            %mul3A_607 = arith.constant 16 : i32
            %mul3A_608 = arith.muli %scan3A_606, %mul3A_607 : i32
            %add3A_609 = arith.constant 0 : i32
            %add3A_610 = vector.broadcast %add3A_609 : i32 to vector<16xi32>
            %add3A_611 = arith.addi %iota3A, %add3A_610 : vector<16xi32>
            %and3A = arith.constant 15 : i32
            %and3A_612 = vector.broadcast %and3A : i32 to vector<16xi32>
            %and3A_613 = arith.andi %add3A_611, %and3A_612 : vector<16xi32>
            %add3A_614 = vector.broadcast %mul3A_608 : i32 to vector<16xi32>
            %add3A_615 = arith.addi %add3A_614, %and3A_613 : vector<16xi32>
            tpu.vector_store_idx %arg13[%add3A_599, %add3A_615], %broadcast_in_dim3A_3 masked %gt3A_588 : memref<32x512xf32, #tpu.memory_space<vmem>>[vector<16xi32>, vector<16xi32>], vector<16xf32>, vector<16xi1>
            %add3A_616 = arith.constant 1 : i32
            %add3A_617 = vector.broadcast %add3A_616 : i32 to vector<16xi32>
            %add3A_618 = arith.addi %iota3A, %add3A_617 : vector<16xi32>
            %and3A_619 = arith.constant 15 : i32
            %and3A_620 = vector.broadcast %and3A_619 : i32 to vector<16xi32>
            %and3A_621 = arith.andi %add3A_618, %and3A_620 : vector<16xi32>
            %add3A_622 = vector.broadcast %mul3A_608 : i32 to vector<16xi32>
            %add3A_623 = arith.addi %add3A_622, %and3A_621 : vector<16xi32>
            tpu.vector_store_idx %arg13[%add3A_599, %add3A_623], %broadcast_in_dim3A_3 masked %gt3A_588 : memref<32x512xf32, #tpu.memory_space<vmem>>[vector<16xi32>, vector<16xi32>], vector<16xf32>, vector<16xi1>
            %add3A_624 = arith.constant 2 : i32
            %add3A_625 = vector.broadcast %add3A_624 : i32 to vector<16xi32>
            %add3A_626 = arith.addi %iota3A, %add3A_625 : vector<16xi32>
            %and3A_627 = arith.constant 15 : i32
            %and3A_628 = vector.broadcast %and3A_627 : i32 to vector<16xi32>
            %and3A_629 = arith.andi %add3A_626, %and3A_628 : vector<16xi32>
            %add3A_630 = vector.broadcast %mul3A_608 : i32 to vector<16xi32>
            %add3A_631 = arith.addi %add3A_630, %and3A_629 : vector<16xi32>
            tpu.vector_store_idx %arg13[%add3A_599, %add3A_631], %broadcast_in_dim3A_3 masked %gt3A_588 : memref<32x512xf32, #tpu.memory_space<vmem>>[vector<16xi32>, vector<16xi32>], vector<16xf32>, vector<16xi1>
            %add3A_632 = arith.constant 3 : i32
            %add3A_633 = vector.broadcast %add3A_632 : i32 to vector<16xi32>
            %add3A_634 = arith.addi %iota3A, %add3A_633 : vector<16xi32>
            %and3A_635 = arith.constant 15 : i32
            %and3A_636 = vector.broadcast %and3A_635 : i32 to vector<16xi32>
            %and3A_637 = arith.andi %add3A_634, %and3A_636 : vector<16xi32>
            %add3A_638 = vector.broadcast %mul3A_608 : i32 to vector<16xi32>
            %add3A_639 = arith.addi %add3A_638, %and3A_637 : vector<16xi32>
            tpu.vector_store_idx %arg13[%add3A_599, %add3A_639], %broadcast_in_dim3A_3 masked %gt3A_588 : memref<32x512xf32, #tpu.memory_space<vmem>>[vector<16xi32>, vector<16xi32>], vector<16xf32>, vector<16xi1>
            %add3A_640 = arith.constant 4 : i32
            %add3A_641 = vector.broadcast %add3A_640 : i32 to vector<16xi32>
            %add3A_642 = arith.addi %iota3A, %add3A_641 : vector<16xi32>
            %and3A_643 = arith.constant 15 : i32
            %and3A_644 = vector.broadcast %and3A_643 : i32 to vector<16xi32>
            %and3A_645 = arith.andi %add3A_642, %and3A_644 : vector<16xi32>
            %add3A_646 = vector.broadcast %mul3A_608 : i32 to vector<16xi32>
            %add3A_647 = arith.addi %add3A_646, %and3A_645 : vector<16xi32>
            tpu.vector_store_idx %arg13[%add3A_599, %add3A_647], %broadcast_in_dim3A_3 masked %gt3A_588 : memref<32x512xf32, #tpu.memory_space<vmem>>[vector<16xi32>, vector<16xi32>], vector<16xf32>, vector<16xi1>
            %add3A_648 = arith.constant 5 : i32
            %add3A_649 = vector.broadcast %add3A_648 : i32 to vector<16xi32>
            %add3A_650 = arith.addi %iota3A, %add3A_649 : vector<16xi32>
            %and3A_651 = arith.constant 15 : i32
            %and3A_652 = vector.broadcast %and3A_651 : i32 to vector<16xi32>
            %and3A_653 = arith.andi %add3A_650, %and3A_652 : vector<16xi32>
            %add3A_654 = vector.broadcast %mul3A_608 : i32 to vector<16xi32>
            %add3A_655 = arith.addi %add3A_654, %and3A_653 : vector<16xi32>
            tpu.vector_store_idx %arg13[%add3A_599, %add3A_655], %broadcast_in_dim3A_3 masked %gt3A_588 : memref<32x512xf32, #tpu.memory_space<vmem>>[vector<16xi32>, vector<16xi32>], vector<16xf32>, vector<16xi1>
            %add3A_656 = arith.constant 6 : i32
            %add3A_657 = vector.broadcast %add3A_656 : i32 to vector<16xi32>
            %add3A_658 = arith.addi %iota3A, %add3A_657 : vector<16xi32>
            %and3A_659 = arith.constant 15 : i32
            %and3A_660 = vector.broadcast %and3A_659 : i32 to vector<16xi32>
            %and3A_661 = arith.andi %add3A_658, %and3A_660 : vector<16xi32>
            %add3A_662 = vector.broadcast %mul3A_608 : i32 to vector<16xi32>
            %add3A_663 = arith.addi %add3A_662, %and3A_661 : vector<16xi32>
            tpu.vector_store_idx %arg13[%add3A_599, %add3A_663], %broadcast_in_dim3A_3 masked %gt3A_588 : memref<32x512xf32, #tpu.memory_space<vmem>>[vector<16xi32>, vector<16xi32>], vector<16xf32>, vector<16xi1>
            %add3A_664 = arith.constant 7 : i32
            %add3A_665 = vector.broadcast %add3A_664 : i32 to vector<16xi32>
            %add3A_666 = arith.addi %iota3A, %add3A_665 : vector<16xi32>
            %and3A_667 = arith.constant 15 : i32
            %and3A_668 = vector.broadcast %and3A_667 : i32 to vector<16xi32>
            %and3A_669 = arith.andi %add3A_666, %and3A_668 : vector<16xi32>
            %add3A_670 = vector.broadcast %mul3A_608 : i32 to vector<16xi32>
            %add3A_671 = arith.addi %add3A_670, %and3A_669 : vector<16xi32>
            tpu.vector_store_idx %arg13[%add3A_599, %add3A_671], %broadcast_in_dim3A_3 masked %gt3A_588 : memref<32x512xf32, #tpu.memory_space<vmem>>[vector<16xi32>, vector<16xi32>], vector<16xf32>, vector<16xi1>
            %add3A_672 = arith.constant 8 : i32
            %add3A_673 = vector.broadcast %add3A_672 : i32 to vector<16xi32>
            %add3A_674 = arith.addi %iota3A, %add3A_673 : vector<16xi32>
            %and3A_675 = arith.constant 15 : i32
            %and3A_676 = vector.broadcast %and3A_675 : i32 to vector<16xi32>
            %and3A_677 = arith.andi %add3A_674, %and3A_676 : vector<16xi32>
            %add3A_678 = vector.broadcast %mul3A_608 : i32 to vector<16xi32>
            %add3A_679 = arith.addi %add3A_678, %and3A_677 : vector<16xi32>
            tpu.vector_store_idx %arg13[%add3A_599, %add3A_679], %broadcast_in_dim3A_3 masked %gt3A_588 : memref<32x512xf32, #tpu.memory_space<vmem>>[vector<16xi32>, vector<16xi32>], vector<16xf32>, vector<16xi1>
            %add3A_680 = arith.constant 9 : i32
            %add3A_681 = vector.broadcast %add3A_680 : i32 to vector<16xi32>
            %add3A_682 = arith.addi %iota3A, %add3A_681 : vector<16xi32>
            %and3A_683 = arith.constant 15 : i32
            %and3A_684 = vector.broadcast %and3A_683 : i32 to vector<16xi32>
            %and3A_685 = arith.andi %add3A_682, %and3A_684 : vector<16xi32>
            %add3A_686 = vector.broadcast %mul3A_608 : i32 to vector<16xi32>
            %add3A_687 = arith.addi %add3A_686, %and3A_685 : vector<16xi32>
            tpu.vector_store_idx %arg13[%add3A_599, %add3A_687], %broadcast_in_dim3A_3 masked %gt3A_588 : memref<32x512xf32, #tpu.memory_space<vmem>>[vector<16xi32>, vector<16xi32>], vector<16xf32>, vector<16xi1>
            %add3A_688 = arith.constant 10 : i32
            %add3A_689 = vector.broadcast %add3A_688 : i32 to vector<16xi32>
            %add3A_690 = arith.addi %iota3A, %add3A_689 : vector<16xi32>
            %and3A_691 = arith.constant 15 : i32
            %and3A_692 = vector.broadcast %and3A_691 : i32 to vector<16xi32>
            %and3A_693 = arith.andi %add3A_690, %and3A_692 : vector<16xi32>
            %add3A_694 = vector.broadcast %mul3A_608 : i32 to vector<16xi32>
            %add3A_695 = arith.addi %add3A_694, %and3A_693 : vector<16xi32>
            tpu.vector_store_idx %arg13[%add3A_599, %add3A_695], %broadcast_in_dim3A_3 masked %gt3A_588 : memref<32x512xf32, #tpu.memory_space<vmem>>[vector<16xi32>, vector<16xi32>], vector<16xf32>, vector<16xi1>
            %add3A_696 = arith.constant 11 : i32
            %add3A_697 = vector.broadcast %add3A_696 : i32 to vector<16xi32>
            %add3A_698 = arith.addi %iota3A, %add3A_697 : vector<16xi32>
            %and3A_699 = arith.constant 15 : i32
            %and3A_700 = vector.broadcast %and3A_699 : i32 to vector<16xi32>
            %and3A_701 = arith.andi %add3A_698, %and3A_700 : vector<16xi32>
            %add3A_702 = vector.broadcast %mul3A_608 : i32 to vector<16xi32>
            %add3A_703 = arith.addi %add3A_702, %and3A_701 : vector<16xi32>
            tpu.vector_store_idx %arg13[%add3A_599, %add3A_703], %broadcast_in_dim3A_3 masked %gt3A_588 : memref<32x512xf32, #tpu.memory_space<vmem>>[vector<16xi32>, vector<16xi32>], vector<16xf32>, vector<16xi1>
            %add3A_704 = arith.constant 12 : i32
            %add3A_705 = vector.broadcast %add3A_704 : i32 to vector<16xi32>
            %add3A_706 = arith.addi %iota3A, %add3A_705 : vector<16xi32>
            %and3A_707 = arith.constant 15 : i32
            %and3A_708 = vector.broadcast %and3A_707 : i32 to vector<16xi32>
            %and3A_709 = arith.andi %add3A_706, %and3A_708 : vector<16xi32>
            %add3A_710 = vector.broadcast %mul3A_608 : i32 to vector<16xi32>
            %add3A_711 = arith.addi %add3A_710, %and3A_709 : vector<16xi32>
            tpu.vector_store_idx %arg13[%add3A_599, %add3A_711], %broadcast_in_dim3A_3 masked %gt3A_588 : memref<32x512xf32, #tpu.memory_space<vmem>>[vector<16xi32>, vector<16xi32>], vector<16xf32>, vector<16xi1>
            %add3A_712 = arith.constant 13 : i32
            %add3A_713 = vector.broadcast %add3A_712 : i32 to vector<16xi32>
            %add3A_714 = arith.addi %iota3A, %add3A_713 : vector<16xi32>
            %and3A_715 = arith.constant 15 : i32
            %and3A_716 = vector.broadcast %and3A_715 : i32 to vector<16xi32>
            %and3A_717 = arith.andi %add3A_714, %and3A_716 : vector<16xi32>
            %add3A_718 = vector.broadcast %mul3A_608 : i32 to vector<16xi32>
            %add3A_719 = arith.addi %add3A_718, %and3A_717 : vector<16xi32>
            tpu.vector_store_idx %arg13[%add3A_599, %add3A_719], %broadcast_in_dim3A_3 masked %gt3A_588 : memref<32x512xf32, #tpu.memory_space<vmem>>[vector<16xi32>, vector<16xi32>], vector<16xf32>, vector<16xi1>
            %add3A_720 = arith.constant 14 : i32
            %add3A_721 = vector.broadcast %add3A_720 : i32 to vector<16xi32>
            %add3A_722 = arith.addi %iota3A, %add3A_721 : vector<16xi32>
            %and3A_723 = arith.constant 15 : i32
            %and3A_724 = vector.broadcast %and3A_723 : i32 to vector<16xi32>
            %and3A_725 = arith.andi %add3A_722, %and3A_724 : vector<16xi32>
            %add3A_726 = vector.broadcast %mul3A_608 : i32 to vector<16xi32>
            %add3A_727 = arith.addi %add3A_726, %and3A_725 : vector<16xi32>
            tpu.vector_store_idx %arg13[%add3A_599, %add3A_727], %broadcast_in_dim3A_3 masked %gt3A_588 : memref<32x512xf32, #tpu.memory_space<vmem>>[vector<16xi32>, vector<16xi32>], vector<16xf32>, vector<16xi1>
            %add3A_728 = arith.constant 15 : i32
            %add3A_729 = vector.broadcast %add3A_728 : i32 to vector<16xi32>
            %add3A_730 = arith.addi %iota3A, %add3A_729 : vector<16xi32>
            %and3A_731 = arith.constant 15 : i32
            %and3A_732 = vector.broadcast %and3A_731 : i32 to vector<16xi32>
            %and3A_733 = arith.andi %add3A_730, %and3A_732 : vector<16xi32>
            %add3A_734 = vector.broadcast %mul3A_608 : i32 to vector<16xi32>
            %add3A_735 = arith.addi %add3A_734, %and3A_733 : vector<16xi32>
            tpu.vector_store_idx %arg13[%add3A_599, %add3A_735], %broadcast_in_dim3A_3 masked %gt3A_588 : memref<32x512xf32, #tpu.memory_space<vmem>>[vector<16xi32>, vector<16xi32>], vector<16xf32>, vector<16xi1>
          }
          %scan3A_605 = arith.constant 32 : i32
        } else {
        }
      } else {
      }
      %mul3A_442 = arith.constant 32 : i32
      %mul3A_443 = arith.muli %add3A_423, %mul3A_442 : i32
      %add3A_444 = arith.addi %multiple_of3A, %mul3A_443 : i32
      %multiple_of3A_445 = tpu.assume_multiple %add3A_444, 32 : i32
      %dma_start3A_446 = arith.constant 0 : i32
      %dma_start3A_447 = tpu.memref_slice %arg5[%multiple_of3A_445, %dma_start3A_446] : memref<65536x512xf32, #tpu.memory_space<hbm>> -> memref<32x512xf32, #tpu.memory_space<hbm>>
      %dma_start3A_448 = arith.constant 0 : i32
      %dma_start3A_449 = tpu.memref_slice %arg5[%multiple_of3A_445, %dma_start3A_448] : memref<65536x512xf32, #tpu.memory_space<hbm>> -> memref<32x512xf32, #tpu.memory_space<hbm>>
      tpu.enqueue_dma source(%arg13 : memref<32x512xf32, #tpu.memory_space<vmem>>) target(%dma_start3A_449 : memref<32x512xf32, #tpu.memory_space<hbm>>) target_semaphore(%arg21 : memref<!tpu.dma_semaphore, #tpu.memory_space<semaphore_mem>>)
      %mul3A_450 = arith.constant 32 : i32
      %mul3A_451 = arith.muli %add3A_423, %mul3A_450 : i32
      %add3A_452 = arith.addi %multiple_of3A, %mul3A_451 : i32
      %multiple_of3A_453 = tpu.assume_multiple %add3A_452, 32 : i32
      %dma_wait3A_454 = arith.constant 0 : i32
      %dma_wait3A_455 = tpu.memref_slice %arg5[%multiple_of3A_453, %dma_wait3A_454] : memref<65536x512xf32, #tpu.memory_space<hbm>> -> memref<32x512xf32, #tpu.memory_space<hbm>>
      %dma_wait3A_456 = arith.constant 0 : i32
      %dma_wait3A_457 = tpu.memref_slice %arg5[%multiple_of3A_453, %dma_wait3A_456] : memref<65536x512xf32, #tpu.memory_space<hbm>> -> memref<32x512xf32, #tpu.memory_space<hbm>>
      tpu.wait_dma2 semaphore(%arg21 : memref<!tpu.dma_semaphore, #tpu.memory_space<semaphore_mem>>) src(%arg13 : memref<32x512xf32, #tpu.memory_space<vmem>>) dst(%dma_wait3A_457 : memref<32x512xf32, #tpu.memory_space<hbm>>)
      %add3A_458 = arith.constant 4 : i32
      %add3A_459 = arith.addi %add3A_423, %add3A_458 : i32
      %mul3A_460 = arith.constant 32 : i32
      %mul3A_461 = arith.muli %add3A_459, %mul3A_460 : i32
      %multiple_of3A_462 = tpu.assume_multiple %mul3A_461, 32 : i32
      %dma_start3A_463 = tpu.memref_slice %arg9[%multiple_of3A_462] : memref<2048xi32, #tpu.memory_space<vmem>> -> memref<32xi32, #tpu.memory_space<vmem>>
      %dma_start3A_464 = arith.constant 0 : i32
      %dma_start3A_465 = arith.constant 0 : i32
      %dma_start3A_466 = tpu.memref_slice %arg2[%dma_start3A_464, %dma_start3A_465] : memref<32768x512xf32, #tpu.memory_space<hbm>> -> memref<32768x512xf32, #tpu.memory_space<hbm>>
      tpu.enqueue_indirect_dma source(%dma_start3A_466 : memref<32768x512xf32, #tpu.memory_space<hbm>>) target(%arg13 : memref<32x512xf32, #tpu.memory_space<vmem>>) offsets(%dma_start3A_463 : memref<32xi32, #tpu.memory_space<vmem>>) semaphore(%arg17 : memref<!tpu.dma_semaphore, #tpu.memory_space<semaphore_mem>>)
      %mul3A_467 = arith.constant 4 : i32
      %mul3A_468 = arith.muli %scan3A_372, %mul3A_467 : i32
      %add3A_469 = arith.constant 2 : i32
      %add3A_470 = arith.addi %mul3A_468, %add3A_469 : i32
      %mul3A_471 = arith.constant 32 : i32
      %mul3A_472 = arith.muli %add3A_470, %mul3A_471 : i32
      %multiple_of3A_473 = tpu.assume_multiple %mul3A_472, 32 : i32
      %dma_wait3A_474 = tpu.memref_slice %arg9[%multiple_of3A_473] : memref<2048xi32, #tpu.memory_space<vmem>> -> memref<32xi32, #tpu.memory_space<vmem>>
      %dma_wait3A_475 = arith.constant 0 : i32
      %dma_wait3A_476 = arith.constant 0 : i32
      %dma_wait3A_477 = tpu.memref_slice %arg2[%dma_wait3A_475, %dma_wait3A_476] : memref<32768x512xf32, #tpu.memory_space<hbm>> -> memref<32768x512xf32, #tpu.memory_space<hbm>>
      tpu.wait_indirect_dma semaphore(%arg18 : memref<!tpu.dma_semaphore, #tpu.memory_space<semaphore_mem>>) src(%dma_wait3A_477 : memref<32768x512xf32, #tpu.memory_space<hbm>>) dst(%arg14 : memref<32x512xf32, #tpu.memory_space<vmem>>)
      %mul3A_478 = arith.constant 16 : i32
      %mul3A_479 = arith.muli %add3A_470, %mul3A_478 : i32
      %get3A_480 = arith.index_cast %mul3A_479 : i32 to index
      %get3A_481 = tpu.vector_load %arg11[%get3A_480] {strides = array<i32>} : memref<1024xi32, #tpu.memory_space<vmem>>, vector<16xi32>,
      %slice3A_482 = vector.extract_strided_slice %get3A_481 {offsets = [0], sizes = [1], strides = [1]} : vector<16xi32> to vector<1xi32>
      %squeeze3A_483 = vector.extract %slice3A_482[0] : i32 from vector<1xi32>
      %gt3A_484 = arith.constant 0 : i32
      %gt3A_485 = arith.cmpi sgt, %squeeze3A_483, %gt3A_484 : i32
      %convert_element_type3A_486 = arith.extui %gt3A_485 : i1 to i32
      %cond3A_487 = arith.constant 0 : i32
      %cond3A_488 = arith.cmpi ne, %convert_element_type3A_486, %cond3A_487 : i32
      scf.if %cond3A_488 {
        %mul3A_561 = arith.constant 32 : i32
        %mul3A_562 = arith.muli %add3A_470, %mul3A_561 : i32
        %add3A_563 = arith.constant 0 : i32
        %add3A_564 = arith.addi %mul3A_562, %add3A_563 : i32
        %multiple_of3A_565 = tpu.assume_multiple %add3A_564, 16 : i32
        %get3A_566 = arith.index_cast %multiple_of3A_565 : i32 to index
        %get3A_567 = tpu.vector_load %arg10[%get3A_566] {strides = array<i32>} : memref<2048xi32, #tpu.memory_space<vmem>>, vector<16xi32>,
        %gt3A_568 = arith.constant 0 : i32
        %gt3A_569 = vector.broadcast %gt3A_568 : i32 to vector<16xi32>
        %gt3A_570 = arith.cmpi sgt, %get3A_567, %gt3A_569 : vector<16xi32>
        %all_reduce_population_count3A_571 = tpu.all_reduce %gt3A_570 {dim = 0 : i64, kind = #tpu.reduction_kind<sum>} : vector<16xi1> -> vector<16xi32>
        %slice3A_572 = vector.extract_strided_slice %all_reduce_population_count3A_571 {offsets = [0], sizes = [1], strides = [1]} : vector<16xi32> to vector<1xi32>
        %squeeze3A_573 = vector.extract %slice3A_572[0] : i32 from vector<1xi32>
        %gt3A_574 = arith.constant 0 : i32
        %gt3A_575 = arith.cmpi sgt, %squeeze3A_573, %gt3A_574 : i32
        %convert_element_type3A_576 = arith.extui %gt3A_575 : i1 to i32
        %cond3A_577 = arith.constant 0 : i32
        %cond3A_578 = arith.cmpi ne, %convert_element_type3A_576, %cond3A_577 : i32
        scf.if %cond3A_578 {
          %add3A_597 = arith.constant 0 : i32
          %add3A_598 = vector.broadcast %add3A_597 : i32 to vector<16xi32>
          %add3A_599 = arith.addi %add3A_598, %iota3A : vector<16xi32>
          %scan3A_600 = arith.constant 0 : i32
          %scan3A_601 = arith.constant 0 : i32
          %scan3A_602 = arith.constant 32 : i32
          %scan3A_603 = arith.addi %scan3A_601, %scan3A_602 : i32
          %scan3A_604 = arith.constant 1 : i32
          scf.for %scan3A_606 = %scan3A_601 to %scan3A_603 step %scan3A_604  : i32 {
            %mul3A_607 = arith.constant 16 : i32
            %mul3A_608 = arith.muli %scan3A_606, %mul3A_607 : i32
            %add3A_609 = arith.constant 0 : i32
            %add3A_610 = vector.broadcast %add3A_609 : i32 to vector<16xi32>
            %add3A_611 = arith.addi %iota3A, %add3A_610 : vector<16xi32>
            %and3A = arith.constant 15 : i32
            %and3A_612 = vector.broadcast %and3A : i32 to vector<16xi32>
            %and3A_613 = arith.andi %add3A_611, %and3A_612 : vector<16xi32>
            %add3A_614 = vector.broadcast %mul3A_608 : i32 to vector<16xi32>
            %add3A_615 = arith.addi %add3A_614, %and3A_613 : vector<16xi32>
            tpu.vector_store_idx %arg14[%add3A_599, %add3A_615], %broadcast_in_dim3A_3 masked %gt3A_570 : memref<32x512xf32, #tpu.memory_space<vmem>>[vector<16xi32>, vector<16xi32>], vector<16xf32>, vector<16xi1>
            %add3A_616 = arith.constant 1 : i32
            %add3A_617 = vector.broadcast %add3A_616 : i32 to vector<16xi32>
            %add3A_618 = arith.addi %iota3A, %add3A_617 : vector<16xi32>
            %and3A_619 = arith.constant 15 : i32
            %and3A_620 = vector.broadcast %and3A_619 : i32 to vector<16xi32>
            %and3A_621 = arith.andi %add3A_618, %and3A_620 : vector<16xi32>
            %add3A_622 = vector.broadcast %mul3A_608 : i32 to vector<16xi32>
            %add3A_623 = arith.addi %add3A_622, %and3A_621 : vector<16xi32>
            tpu.vector_store_idx %arg14[%add3A_599, %add3A_623], %broadcast_in_dim3A_3 masked %gt3A_570 : memref<32x512xf32, #tpu.memory_space<vmem>>[vector<16xi32>, vector<16xi32>], vector<16xf32>, vector<16xi1>
            %add3A_624 = arith.constant 2 : i32
            %add3A_625 = vector.broadcast %add3A_624 : i32 to vector<16xi32>
            %add3A_626 = arith.addi %iota3A, %add3A_625 : vector<16xi32>
            %and3A_627 = arith.constant 15 : i32
            %and3A_628 = vector.broadcast %and3A_627 : i32 to vector<16xi32>
            %and3A_629 = arith.andi %add3A_626, %and3A_628 : vector<16xi32>
            %add3A_630 = vector.broadcast %mul3A_608 : i32 to vector<16xi32>
            %add3A_631 = arith.addi %add3A_630, %and3A_629 : vector<16xi32>
            tpu.vector_store_idx %arg14[%add3A_599, %add3A_631], %broadcast_in_dim3A_3 masked %gt3A_570 : memref<32x512xf32, #tpu.memory_space<vmem>>[vector<16xi32>, vector<16xi32>], vector<16xf32>, vector<16xi1>
            %add3A_632 = arith.constant 3 : i32
            %add3A_633 = vector.broadcast %add3A_632 : i32 to vector<16xi32>
            %add3A_634 = arith.addi %iota3A, %add3A_633 : vector<16xi32>
            %and3A_635 = arith.constant 15 : i32
            %and3A_636 = vector.broadcast %and3A_635 : i32 to vector<16xi32>
            %and3A_637 = arith.andi %add3A_634, %and3A_636 : vector<16xi32>
            %add3A_638 = vector.broadcast %mul3A_608 : i32 to vector<16xi32>
            %add3A_639 = arith.addi %add3A_638, %and3A_637 : vector<16xi32>
            tpu.vector_store_idx %arg14[%add3A_599, %add3A_639], %broadcast_in_dim3A_3 masked %gt3A_570 : memref<32x512xf32, #tpu.memory_space<vmem>>[vector<16xi32>, vector<16xi32>], vector<16xf32>, vector<16xi1>
            %add3A_640 = arith.constant 4 : i32
            %add3A_641 = vector.broadcast %add3A_640 : i32 to vector<16xi32>
            %add3A_642 = arith.addi %iota3A, %add3A_641 : vector<16xi32>
            %and3A_643 = arith.constant 15 : i32
            %and3A_644 = vector.broadcast %and3A_643 : i32 to vector<16xi32>
            %and3A_645 = arith.andi %add3A_642, %and3A_644 : vector<16xi32>
            %add3A_646 = vector.broadcast %mul3A_608 : i32 to vector<16xi32>
            %add3A_647 = arith.addi %add3A_646, %and3A_645 : vector<16xi32>
            tpu.vector_store_idx %arg14[%add3A_599, %add3A_647], %broadcast_in_dim3A_3 masked %gt3A_570 : memref<32x512xf32, #tpu.memory_space<vmem>>[vector<16xi32>, vector<16xi32>], vector<16xf32>, vector<16xi1>
            %add3A_648 = arith.constant 5 : i32
            %add3A_649 = vector.broadcast %add3A_648 : i32 to vector<16xi32>
            %add3A_650 = arith.addi %iota3A, %add3A_649 : vector<16xi32>
            %and3A_651 = arith.constant 15 : i32
            %and3A_652 = vector.broadcast %and3A_651 : i32 to vector<16xi32>
            %and3A_653 = arith.andi %add3A_650, %and3A_652 : vector<16xi32>
            %add3A_654 = vector.broadcast %mul3A_608 : i32 to vector<16xi32>
            %add3A_655 = arith.addi %add3A_654, %and3A_653 : vector<16xi32>
            tpu.vector_store_idx %arg14[%add3A_599, %add3A_655], %broadcast_in_dim3A_3 masked %gt3A_570 : memref<32x512xf32, #tpu.memory_space<vmem>>[vector<16xi32>, vector<16xi32>], vector<16xf32>, vector<16xi1>
            %add3A_656 = arith.constant 6 : i32
            %add3A_657 = vector.broadcast %add3A_656 : i32 to vector<16xi32>
            %add3A_658 = arith.addi %iota3A, %add3A_657 : vector<16xi32>
            %and3A_659 = arith.constant 15 : i32
            %and3A_660 = vector.broadcast %and3A_659 : i32 to vector<16xi32>
            %and3A_661 = arith.andi %add3A_658, %and3A_660 : vector<16xi32>
            %add3A_662 = vector.broadcast %mul3A_608 : i32 to vector<16xi32>
            %add3A_663 = arith.addi %add3A_662, %and3A_661 : vector<16xi32>
            tpu.vector_store_idx %arg14[%add3A_599, %add3A_663], %broadcast_in_dim3A_3 masked %gt3A_570 : memref<32x512xf32, #tpu.memory_space<vmem>>[vector<16xi32>, vector<16xi32>], vector<16xf32>, vector<16xi1>
            %add3A_664 = arith.constant 7 : i32
            %add3A_665 = vector.broadcast %add3A_664 : i32 to vector<16xi32>
            %add3A_666 = arith.addi %iota3A, %add3A_665 : vector<16xi32>
            %and3A_667 = arith.constant 15 : i32
            %and3A_668 = vector.broadcast %and3A_667 : i32 to vector<16xi32>
            %and3A_669 = arith.andi %add3A_666, %and3A_668 : vector<16xi32>
            %add3A_670 = vector.broadcast %mul3A_608 : i32 to vector<16xi32>
            %add3A_671 = arith.addi %add3A_670, %and3A_669 : vector<16xi32>
            tpu.vector_store_idx %arg14[%add3A_599, %add3A_671], %broadcast_in_dim3A_3 masked %gt3A_570 : memref<32x512xf32, #tpu.memory_space<vmem>>[vector<16xi32>, vector<16xi32>], vector<16xf32>, vector<16xi1>
            %add3A_672 = arith.constant 8 : i32
            %add3A_673 = vector.broadcast %add3A_672 : i32 to vector<16xi32>
            %add3A_674 = arith.addi %iota3A, %add3A_673 : vector<16xi32>
            %and3A_675 = arith.constant 15 : i32
            %and3A_676 = vector.broadcast %and3A_675 : i32 to vector<16xi32>
            %and3A_677 = arith.andi %add3A_674, %and3A_676 : vector<16xi32>
            %add3A_678 = vector.broadcast %mul3A_608 : i32 to vector<16xi32>
            %add3A_679 = arith.addi %add3A_678, %and3A_677 : vector<16xi32>
            tpu.vector_store_idx %arg14[%add3A_599, %add3A_679], %broadcast_in_dim3A_3 masked %gt3A_570 : memref<32x512xf32, #tpu.memory_space<vmem>>[vector<16xi32>, vector<16xi32>], vector<16xf32>, vector<16xi1>
            %add3A_680 = arith.constant 9 : i32
            %add3A_681 = vector.broadcast %add3A_680 : i32 to vector<16xi32>
            %add3A_682 = arith.addi %iota3A, %add3A_681 : vector<16xi32>
            %and3A_683 = arith.constant 15 : i32
            %and3A_684 = vector.broadcast %and3A_683 : i32 to vector<16xi32>
            %and3A_685 = arith.andi %add3A_682, %and3A_684 : vector<16xi32>
            %add3A_686 = vector.broadcast %mul3A_608 : i32 to vector<16xi32>
            %add3A_687 = arith.addi %add3A_686, %and3A_685 : vector<16xi32>
            tpu.vector_store_idx %arg14[%add3A_599, %add3A_687], %broadcast_in_dim3A_3 masked %gt3A_570 : memref<32x512xf32, #tpu.memory_space<vmem>>[vector<16xi32>, vector<16xi32>], vector<16xf32>, vector<16xi1>
            %add3A_688 = arith.constant 10 : i32
            %add3A_689 = vector.broadcast %add3A_688 : i32 to vector<16xi32>
            %add3A_690 = arith.addi %iota3A, %add3A_689 : vector<16xi32>
            %and3A_691 = arith.constant 15 : i32
            %and3A_692 = vector.broadcast %and3A_691 : i32 to vector<16xi32>
            %and3A_693 = arith.andi %add3A_690, %and3A_692 : vector<16xi32>
            %add3A_694 = vector.broadcast %mul3A_608 : i32 to vector<16xi32>
            %add3A_695 = arith.addi %add3A_694, %and3A_693 : vector<16xi32>
            tpu.vector_store_idx %arg14[%add3A_599, %add3A_695], %broadcast_in_dim3A_3 masked %gt3A_570 : memref<32x512xf32, #tpu.memory_space<vmem>>[vector<16xi32>, vector<16xi32>], vector<16xf32>, vector<16xi1>
            %add3A_696 = arith.constant 11 : i32
            %add3A_697 = vector.broadcast %add3A_696 : i32 to vector<16xi32>
            %add3A_698 = arith.addi %iota3A, %add3A_697 : vector<16xi32>
            %and3A_699 = arith.constant 15 : i32
            %and3A_700 = vector.broadcast %and3A_699 : i32 to vector<16xi32>
            %and3A_701 = arith.andi %add3A_698, %and3A_700 : vector<16xi32>
            %add3A_702 = vector.broadcast %mul3A_608 : i32 to vector<16xi32>
            %add3A_703 = arith.addi %add3A_702, %and3A_701 : vector<16xi32>
            tpu.vector_store_idx %arg14[%add3A_599, %add3A_703], %broadcast_in_dim3A_3 masked %gt3A_570 : memref<32x512xf32, #tpu.memory_space<vmem>>[vector<16xi32>, vector<16xi32>], vector<16xf32>, vector<16xi1>
            %add3A_704 = arith.constant 12 : i32
            %add3A_705 = vector.broadcast %add3A_704 : i32 to vector<16xi32>
            %add3A_706 = arith.addi %iota3A, %add3A_705 : vector<16xi32>
            %and3A_707 = arith.constant 15 : i32
            %and3A_708 = vector.broadcast %and3A_707 : i32 to vector<16xi32>
            %and3A_709 = arith.andi %add3A_706, %and3A_708 : vector<16xi32>
            %add3A_710 = vector.broadcast %mul3A_608 : i32 to vector<16xi32>
            %add3A_711 = arith.addi %add3A_710, %and3A_709 : vector<16xi32>
            tpu.vector_store_idx %arg14[%add3A_599, %add3A_711], %broadcast_in_dim3A_3 masked %gt3A_570 : memref<32x512xf32, #tpu.memory_space<vmem>>[vector<16xi32>, vector<16xi32>], vector<16xf32>, vector<16xi1>
            %add3A_712 = arith.constant 13 : i32
            %add3A_713 = vector.broadcast %add3A_712 : i32 to vector<16xi32>
            %add3A_714 = arith.addi %iota3A, %add3A_713 : vector<16xi32>
            %and3A_715 = arith.constant 15 : i32
            %and3A_716 = vector.broadcast %and3A_715 : i32 to vector<16xi32>
            %and3A_717 = arith.andi %add3A_714, %and3A_716 : vector<16xi32>
            %add3A_718 = vector.broadcast %mul3A_608 : i32 to vector<16xi32>
            %add3A_719 = arith.addi %add3A_718, %and3A_717 : vector<16xi32>
            tpu.vector_store_idx %arg14[%add3A_599, %add3A_719], %broadcast_in_dim3A_3 masked %gt3A_570 : memref<32x512xf32, #tpu.memory_space<vmem>>[vector<16xi32>, vector<16xi32>], vector<16xf32>, vector<16xi1>
            %add3A_720 = arith.constant 14 : i32
            %add3A_721 = vector.broadcast %add3A_720 : i32 to vector<16xi32>
            %add3A_722 = arith.addi %iota3A, %add3A_721 : vector<16xi32>
            %and3A_723 = arith.constant 15 : i32
            %and3A_724 = vector.broadcast %and3A_723 : i32 to vector<16xi32>
            %and3A_725 = arith.andi %add3A_722, %and3A_724 : vector<16xi32>
            %add3A_726 = vector.broadcast %mul3A_608 : i32 to vector<16xi32>
            %add3A_727 = arith.addi %add3A_726, %and3A_725 : vector<16xi32>
            tpu.vector_store_idx %arg14[%add3A_599, %add3A_727], %broadcast_in_dim3A_3 masked %gt3A_570 : memref<32x512xf32, #tpu.memory_space<vmem>>[vector<16xi32>, vector<16xi32>], vector<16xf32>, vector<16xi1>
            %add3A_728 = arith.constant 15 : i32
            %add3A_729 = vector.broadcast %add3A_728 : i32 to vector<16xi32>
            %add3A_730 = arith.addi %iota3A, %add3A_729 : vector<16xi32>
            %and3A_731 = arith.constant 15 : i32
            %and3A_732 = vector.broadcast %and3A_731 : i32 to vector<16xi32>
            %and3A_733 = arith.andi %add3A_730, %and3A_732 : vector<16xi32>
            %add3A_734 = vector.broadcast %mul3A_608 : i32 to vector<16xi32>
            %add3A_735 = arith.addi %add3A_734, %and3A_733 : vector<16xi32>
            tpu.vector_store_idx %arg14[%add3A_599, %add3A_735], %broadcast_in_dim3A_3 masked %gt3A_570 : memref<32x512xf32, #tpu.memory_space<vmem>>[vector<16xi32>, vector<16xi32>], vector<16xf32>, vector<16xi1>
          }
          %scan3A_605 = arith.constant 32 : i32
        } else {
        }
        %mul3A_579 = arith.constant 32 : i32
        %mul3A_580 = arith.muli %add3A_470, %mul3A_579 : i32
        %add3A_581 = arith.constant 16 : i32
        %add3A_582 = arith.addi %mul3A_580, %add3A_581 : i32
        %multiple_of3A_583 = tpu.assume_multiple %add3A_582, 16 : i32
        %get3A_584 = arith.index_cast %multiple_of3A_583 : i32 to index
        %get3A_585 = tpu.vector_load %arg10[%get3A_584] {strides = array<i32>} : memref<2048xi32, #tpu.memory_space<vmem>>, vector<16xi32>,
        %gt3A_586 = arith.constant 0 : i32
        %gt3A_587 = vector.broadcast %gt3A_586 : i32 to vector<16xi32>
        %gt3A_588 = arith.cmpi sgt, %get3A_585, %gt3A_587 : vector<16xi32>
        %all_reduce_population_count3A_589 = tpu.all_reduce %gt3A_588 {dim = 0 : i64, kind = #tpu.reduction_kind<sum>} : vector<16xi1> -> vector<16xi32>
        %slice3A_590 = vector.extract_strided_slice %all_reduce_population_count3A_589 {offsets = [0], sizes = [1], strides = [1]} : vector<16xi32> to vector<1xi32>
        %squeeze3A_591 = vector.extract %slice3A_590[0] : i32 from vector<1xi32>
        %gt3A_592 = arith.constant 0 : i32
        %gt3A_593 = arith.cmpi sgt, %squeeze3A_591, %gt3A_592 : i32
        %convert_element_type3A_594 = arith.extui %gt3A_593 : i1 to i32
        %cond3A_595 = arith.constant 0 : i32
        %cond3A_596 = arith.cmpi ne, %convert_element_type3A_594, %cond3A_595 : i32
        scf.if %cond3A_596 {
          %add3A_597 = arith.constant 16 : i32
          %add3A_598 = vector.broadcast %add3A_597 : i32 to vector<16xi32>
          %add3A_599 = arith.addi %add3A_598, %iota3A : vector<16xi32>
          %scan3A_600 = arith.constant 0 : i32
          %scan3A_601 = arith.constant 0 : i32
          %scan3A_602 = arith.constant 32 : i32
          %scan3A_603 = arith.addi %scan3A_601, %scan3A_602 : i32
          %scan3A_604 = arith.constant 1 : i32
          scf.for %scan3A_606 = %scan3A_601 to %scan3A_603 step %scan3A_604  : i32 {
            %mul3A_607 = arith.constant 16 : i32
            %mul3A_608 = arith.muli %scan3A_606, %mul3A_607 : i32
            %add3A_609 = arith.constant 0 : i32
            %add3A_610 = vector.broadcast %add3A_609 : i32 to vector<16xi32>
            %add3A_611 = arith.addi %iota3A, %add3A_610 : vector<16xi32>
            %and3A = arith.constant 15 : i32
            %and3A_612 = vector.broadcast %and3A : i32 to vector<16xi32>
            %and3A_613 = arith.andi %add3A_611, %and3A_612 : vector<16xi32>
            %add3A_614 = vector.broadcast %mul3A_608 : i32 to vector<16xi32>
            %add3A_615 = arith.addi %add3A_614, %and3A_613 : vector<16xi32>
            tpu.vector_store_idx %arg14[%add3A_599, %add3A_615], %broadcast_in_dim3A_3 masked %gt3A_588 : memref<32x512xf32, #tpu.memory_space<vmem>>[vector<16xi32>, vector<16xi32>], vector<16xf32>, vector<16xi1>
            %add3A_616 = arith.constant 1 : i32
            %add3A_617 = vector.broadcast %add3A_616 : i32 to vector<16xi32>
            %add3A_618 = arith.addi %iota3A, %add3A_617 : vector<16xi32>
            %and3A_619 = arith.constant 15 : i32
            %and3A_620 = vector.broadcast %and3A_619 : i32 to vector<16xi32>
            %and3A_621 = arith.andi %add3A_618, %and3A_620 : vector<16xi32>
            %add3A_622 = vector.broadcast %mul3A_608 : i32 to vector<16xi32>
            %add3A_623 = arith.addi %add3A_622, %and3A_621 : vector<16xi32>
            tpu.vector_store_idx %arg14[%add3A_599, %add3A_623], %broadcast_in_dim3A_3 masked %gt3A_588 : memref<32x512xf32, #tpu.memory_space<vmem>>[vector<16xi32>, vector<16xi32>], vector<16xf32>, vector<16xi1>
            %add3A_624 = arith.constant 2 : i32
            %add3A_625 = vector.broadcast %add3A_624 : i32 to vector<16xi32>
            %add3A_626 = arith.addi %iota3A, %add3A_625 : vector<16xi32>
            %and3A_627 = arith.constant 15 : i32
            %and3A_628 = vector.broadcast %and3A_627 : i32 to vector<16xi32>
            %and3A_629 = arith.andi %add3A_626, %and3A_628 : vector<16xi32>
            %add3A_630 = vector.broadcast %mul3A_608 : i32 to vector<16xi32>
            %add3A_631 = arith.addi %add3A_630, %and3A_629 : vector<16xi32>
            tpu.vector_store_idx %arg14[%add3A_599, %add3A_631], %broadcast_in_dim3A_3 masked %gt3A_588 : memref<32x512xf32, #tpu.memory_space<vmem>>[vector<16xi32>, vector<16xi32>], vector<16xf32>, vector<16xi1>
            %add3A_632 = arith.constant 3 : i32
            %add3A_633 = vector.broadcast %add3A_632 : i32 to vector<16xi32>
            %add3A_634 = arith.addi %iota3A, %add3A_633 : vector<16xi32>
            %and3A_635 = arith.constant 15 : i32
            %and3A_636 = vector.broadcast %and3A_635 : i32 to vector<16xi32>
            %and3A_637 = arith.andi %add3A_634, %and3A_636 : vector<16xi32>
            %add3A_638 = vector.broadcast %mul3A_608 : i32 to vector<16xi32>
            %add3A_639 = arith.addi %add3A_638, %and3A_637 : vector<16xi32>
            tpu.vector_store_idx %arg14[%add3A_599, %add3A_639], %broadcast_in_dim3A_3 masked %gt3A_588 : memref<32x512xf32, #tpu.memory_space<vmem>>[vector<16xi32>, vector<16xi32>], vector<16xf32>, vector<16xi1>
            %add3A_640 = arith.constant 4 : i32
            %add3A_641 = vector.broadcast %add3A_640 : i32 to vector<16xi32>
            %add3A_642 = arith.addi %iota3A, %add3A_641 : vector<16xi32>
            %and3A_643 = arith.constant 15 : i32
            %and3A_644 = vector.broadcast %and3A_643 : i32 to vector<16xi32>
            %and3A_645 = arith.andi %add3A_642, %and3A_644 : vector<16xi32>
            %add3A_646 = vector.broadcast %mul3A_608 : i32 to vector<16xi32>
            %add3A_647 = arith.addi %add3A_646, %and3A_645 : vector<16xi32>
            tpu.vector_store_idx %arg14[%add3A_599, %add3A_647], %broadcast_in_dim3A_3 masked %gt3A_588 : memref<32x512xf32, #tpu.memory_space<vmem>>[vector<16xi32>, vector<16xi32>], vector<16xf32>, vector<16xi1>
            %add3A_648 = arith.constant 5 : i32
            %add3A_649 = vector.broadcast %add3A_648 : i32 to vector<16xi32>
            %add3A_650 = arith.addi %iota3A, %add3A_649 : vector<16xi32>
            %and3A_651 = arith.constant 15 : i32
            %and3A_652 = vector.broadcast %and3A_651 : i32 to vector<16xi32>
            %and3A_653 = arith.andi %add3A_650, %and3A_652 : vector<16xi32>
            %add3A_654 = vector.broadcast %mul3A_608 : i32 to vector<16xi32>
            %add3A_655 = arith.addi %add3A_654, %and3A_653 : vector<16xi32>
            tpu.vector_store_idx %arg14[%add3A_599, %add3A_655], %broadcast_in_dim3A_3 masked %gt3A_588 : memref<32x512xf32, #tpu.memory_space<vmem>>[vector<16xi32>, vector<16xi32>], vector<16xf32>, vector<16xi1>
            %add3A_656 = arith.constant 6 : i32
            %add3A_657 = vector.broadcast %add3A_656 : i32 to vector<16xi32>
            %add3A_658 = arith.addi %iota3A, %add3A_657 : vector<16xi32>
            %and3A_659 = arith.constant 15 : i32
            %and3A_660 = vector.broadcast %and3A_659 : i32 to vector<16xi32>
            %and3A_661 = arith.andi %add3A_658, %and3A_660 : vector<16xi32>
            %add3A_662 = vector.broadcast %mul3A_608 : i32 to vector<16xi32>
            %add3A_663 = arith.addi %add3A_662, %and3A_661 : vector<16xi32>
            tpu.vector_store_idx %arg14[%add3A_599, %add3A_663], %broadcast_in_dim3A_3 masked %gt3A_588 : memref<32x512xf32, #tpu.memory_space<vmem>>[vector<16xi32>, vector<16xi32>], vector<16xf32>, vector<16xi1>
            %add3A_664 = arith.constant 7 : i32
            %add3A_665 = vector.broadcast %add3A_664 : i32 to vector<16xi32>
            %add3A_666 = arith.addi %iota3A, %add3A_665 : vector<16xi32>
            %and3A_667 = arith.constant 15 : i32
            %and3A_668 = vector.broadcast %and3A_667 : i32 to vector<16xi32>
            %and3A_669 = arith.andi %add3A_666, %and3A_668 : vector<16xi32>
            %add3A_670 = vector.broadcast %mul3A_608 : i32 to vector<16xi32>
            %add3A_671 = arith.addi %add3A_670, %and3A_669 : vector<16xi32>
            tpu.vector_store_idx %arg14[%add3A_599, %add3A_671], %broadcast_in_dim3A_3 masked %gt3A_588 : memref<32x512xf32, #tpu.memory_space<vmem>>[vector<16xi32>, vector<16xi32>], vector<16xf32>, vector<16xi1>
            %add3A_672 = arith.constant 8 : i32
            %add3A_673 = vector.broadcast %add3A_672 : i32 to vector<16xi32>
            %add3A_674 = arith.addi %iota3A, %add3A_673 : vector<16xi32>
            %and3A_675 = arith.constant 15 : i32
            %and3A_676 = vector.broadcast %and3A_675 : i32 to vector<16xi32>
            %and3A_677 = arith.andi %add3A_674, %and3A_676 : vector<16xi32>
            %add3A_678 = vector.broadcast %mul3A_608 : i32 to vector<16xi32>
            %add3A_679 = arith.addi %add3A_678, %and3A_677 : vector<16xi32>
            tpu.vector_store_idx %arg14[%add3A_599, %add3A_679], %broadcast_in_dim3A_3 masked %gt3A_588 : memref<32x512xf32, #tpu.memory_space<vmem>>[vector<16xi32>, vector<16xi32>], vector<16xf32>, vector<16xi1>
            %add3A_680 = arith.constant 9 : i32
            %add3A_681 = vector.broadcast %add3A_680 : i32 to vector<16xi32>
            %add3A_682 = arith.addi %iota3A, %add3A_681 : vector<16xi32>
            %and3A_683 = arith.constant 15 : i32
            %and3A_684 = vector.broadcast %and3A_683 : i32 to vector<16xi32>
            %and3A_685 = arith.andi %add3A_682, %and3A_684 : vector<16xi32>
            %add3A_686 = vector.broadcast %mul3A_608 : i32 to vector<16xi32>
            %add3A_687 = arith.addi %add3A_686, %and3A_685 : vector<16xi32>
            tpu.vector_store_idx %arg14[%add3A_599, %add3A_687], %broadcast_in_dim3A_3 masked %gt3A_588 : memref<32x512xf32, #tpu.memory_space<vmem>>[vector<16xi32>, vector<16xi32>], vector<16xf32>, vector<16xi1>
            %add3A_688 = arith.constant 10 : i32
            %add3A_689 = vector.broadcast %add3A_688 : i32 to vector<16xi32>
            %add3A_690 = arith.addi %iota3A, %add3A_689 : vector<16xi32>
            %and3A_691 = arith.constant 15 : i32
            %and3A_692 = vector.broadcast %and3A_691 : i32 to vector<16xi32>
            %and3A_693 = arith.andi %add3A_690, %and3A_692 : vector<16xi32>
            %add3A_694 = vector.broadcast %mul3A_608 : i32 to vector<16xi32>
            %add3A_695 = arith.addi %add3A_694, %and3A_693 : vector<16xi32>
            tpu.vector_store_idx %arg14[%add3A_599, %add3A_695], %broadcast_in_dim3A_3 masked %gt3A_588 : memref<32x512xf32, #tpu.memory_space<vmem>>[vector<16xi32>, vector<16xi32>], vector<16xf32>, vector<16xi1>
            %add3A_696 = arith.constant 11 : i32
            %add3A_697 = vector.broadcast %add3A_696 : i32 to vector<16xi32>
            %add3A_698 = arith.addi %iota3A, %add3A_697 : vector<16xi32>
            %and3A_699 = arith.constant 15 : i32
            %and3A_700 = vector.broadcast %and3A_699 : i32 to vector<16xi32>
            %and3A_701 = arith.andi %add3A_698, %and3A_700 : vector<16xi32>
            %add3A_702 = vector.broadcast %mul3A_608 : i32 to vector<16xi32>
            %add3A_703 = arith.addi %add3A_702, %and3A_701 : vector<16xi32>
            tpu.vector_store_idx %arg14[%add3A_599, %add3A_703], %broadcast_in_dim3A_3 masked %gt3A_588 : memref<32x512xf32, #tpu.memory_space<vmem>>[vector<16xi32>, vector<16xi32>], vector<16xf32>, vector<16xi1>
            %add3A_704 = arith.constant 12 : i32
            %add3A_705 = vector.broadcast %add3A_704 : i32 to vector<16xi32>
            %add3A_706 = arith.addi %iota3A, %add3A_705 : vector<16xi32>
            %and3A_707 = arith.constant 15 : i32
            %and3A_708 = vector.broadcast %and3A_707 : i32 to vector<16xi32>
            %and3A_709 = arith.andi %add3A_706, %and3A_708 : vector<16xi32>
            %add3A_710 = vector.broadcast %mul3A_608 : i32 to vector<16xi32>
            %add3A_711 = arith.addi %add3A_710, %and3A_709 : vector<16xi32>
            tpu.vector_store_idx %arg14[%add3A_599, %add3A_711], %broadcast_in_dim3A_3 masked %gt3A_588 : memref<32x512xf32, #tpu.memory_space<vmem>>[vector<16xi32>, vector<16xi32>], vector<16xf32>, vector<16xi1>
            %add3A_712 = arith.constant 13 : i32
            %add3A_713 = vector.broadcast %add3A_712 : i32 to vector<16xi32>
            %add3A_714 = arith.addi %iota3A, %add3A_713 : vector<16xi32>
            %and3A_715 = arith.constant 15 : i32
            %and3A_716 = vector.broadcast %and3A_715 : i32 to vector<16xi32>
            %and3A_717 = arith.andi %add3A_714, %and3A_716 : vector<16xi32>
            %add3A_718 = vector.broadcast %mul3A_608 : i32 to vector<16xi32>
            %add3A_719 = arith.addi %add3A_718, %and3A_717 : vector<16xi32>
            tpu.vector_store_idx %arg14[%add3A_599, %add3A_719], %broadcast_in_dim3A_3 masked %gt3A_588 : memref<32x512xf32, #tpu.memory_space<vmem>>[vector<16xi32>, vector<16xi32>], vector<16xf32>, vector<16xi1>
            %add3A_720 = arith.constant 14 : i32
            %add3A_721 = vector.broadcast %add3A_720 : i32 to vector<16xi32>
            %add3A_722 = arith.addi %iota3A, %add3A_721 : vector<16xi32>
            %and3A_723 = arith.constant 15 : i32
            %and3A_724 = vector.broadcast %and3A_723 : i32 to vector<16xi32>
            %and3A_725 = arith.andi %add3A_722, %and3A_724 : vector<16xi32>
            %add3A_726 = vector.broadcast %mul3A_608 : i32 to vector<16xi32>
            %add3A_727 = arith.addi %add3A_726, %and3A_725 : vector<16xi32>
            tpu.vector_store_idx %arg14[%add3A_599, %add3A_727], %broadcast_in_dim3A_3 masked %gt3A_588 : memref<32x512xf32, #tpu.memory_space<vmem>>[vector<16xi32>, vector<16xi32>], vector<16xf32>, vector<16xi1>
            %add3A_728 = arith.constant 15 : i32
            %add3A_729 = vector.broadcast %add3A_728 : i32 to vector<16xi32>
            %add3A_730 = arith.addi %iota3A, %add3A_729 : vector<16xi32>
            %and3A_731 = arith.constant 15 : i32
            %and3A_732 = vector.broadcast %and3A_731 : i32 to vector<16xi32>
            %and3A_733 = arith.andi %add3A_730, %and3A_732 : vector<16xi32>
            %add3A_734 = vector.broadcast %mul3A_608 : i32 to vector<16xi32>
            %add3A_735 = arith.addi %add3A_734, %and3A_733 : vector<16xi32>
            tpu.vector_store_idx %arg14[%add3A_599, %add3A_735], %broadcast_in_dim3A_3 masked %gt3A_588 : memref<32x512xf32, #tpu.memory_space<vmem>>[vector<16xi32>, vector<16xi32>], vector<16xf32>, vector<16xi1>
          }
          %scan3A_605 = arith.constant 32 : i32
        } else {
        }
      } else {
      }
      %mul3A_489 = arith.constant 32 : i32
      %mul3A_490 = arith.muli %add3A_470, %mul3A_489 : i32
      %add3A_491 = arith.addi %multiple_of3A, %mul3A_490 : i32
      %multiple_of3A_492 = tpu.assume_multiple %add3A_491, 32 : i32
      %dma_start3A_493 = arith.constant 0 : i32
      %dma_start3A_494 = tpu.memref_slice %arg5[%multiple_of3A_492, %dma_start3A_493] : memref<65536x512xf32, #tpu.memory_space<hbm>> -> memref<32x512xf32, #tpu.memory_space<hbm>>
      %dma_start3A_495 = arith.constant 0 : i32
      %dma_start3A_496 = tpu.memref_slice %arg5[%multiple_of3A_492, %dma_start3A_495] : memref<65536x512xf32, #tpu.memory_space<hbm>> -> memref<32x512xf32, #tpu.memory_space<hbm>>
      tpu.enqueue_dma source(%arg14 : memref<32x512xf32, #tpu.memory_space<vmem>>) target(%dma_start3A_496 : memref<32x512xf32, #tpu.memory_space<hbm>>) target_semaphore(%arg22 : memref<!tpu.dma_semaphore, #tpu.memory_space<semaphore_mem>>)
      %mul3A_497 = arith.constant 32 : i32
      %mul3A_498 = arith.muli %add3A_470, %mul3A_497 : i32
      %add3A_499 = arith.addi %multiple_of3A, %mul3A_498 : i32
      %multiple_of3A_500 = tpu.assume_multiple %add3A_499, 32 : i32
      %dma_wait3A_501 = arith.constant 0 : i32
      %dma_wait3A_502 = tpu.memref_slice %arg5[%multiple_of3A_500, %dma_wait3A_501] : memref<65536x512xf32, #tpu.memory_space<hbm>> -> memref<32x512xf32, #tpu.memory_space<hbm>>
      %dma_wait3A_503 = arith.constant 0 : i32
      %dma_wait3A_504 = tpu.memref_slice %arg5[%multiple_of3A_500, %dma_wait3A_503] : memref<65536x512xf32, #tpu.memory_space<hbm>> -> memref<32x512xf32, #tpu.memory_space<hbm>>
      tpu.wait_dma2 semaphore(%arg22 : memref<!tpu.dma_semaphore, #tpu.memory_space<semaphore_mem>>) src(%arg14 : memref<32x512xf32, #tpu.memory_space<vmem>>) dst(%dma_wait3A_504 : memref<32x512xf32, #tpu.memory_space<hbm>>)
      %add3A_505 = arith.constant 4 : i32
      %add3A_506 = arith.addi %add3A_470, %add3A_505 : i32
      %mul3A_507 = arith.constant 32 : i32
      %mul3A_508 = arith.muli %add3A_506, %mul3A_507 : i32
      %multiple_of3A_509 = tpu.assume_multiple %mul3A_508, 32 : i32
      %dma_start3A_510 = tpu.memref_slice %arg9[%multiple_of3A_509] : memref<2048xi32, #tpu.memory_space<vmem>> -> memref<32xi32, #tpu.memory_space<vmem>>
      %dma_start3A_511 = arith.constant 0 : i32
      %dma_start3A_512 = arith.constant 0 : i32
      %dma_start3A_513 = tpu.memref_slice %arg2[%dma_start3A_511, %dma_start3A_512] : memref<32768x512xf32, #tpu.memory_space<hbm>> -> memref<32768x512xf32, #tpu.memory_space<hbm>>
      tpu.enqueue_indirect_dma source(%dma_start3A_513 : memref<32768x512xf32, #tpu.memory_space<hbm>>) target(%arg14 : memref<32x512xf32, #tpu.memory_space<vmem>>) offsets(%dma_start3A_510 : memref<32xi32, #tpu.memory_space<vmem>>) semaphore(%arg18 : memref<!tpu.dma_semaphore, #tpu.memory_space<semaphore_mem>>)
      %mul3A_514 = arith.constant 4 : i32
      %mul3A_515 = arith.muli %scan3A_372, %mul3A_514 : i32
      %add3A_516 = arith.constant 3 : i32
      %add3A_517 = arith.addi %mul3A_515, %add3A_516 : i32
      %mul3A_518 = arith.constant 32 : i32
      %mul3A_519 = arith.muli %add3A_517, %mul3A_518 : i32
      %multiple_of3A_520 = tpu.assume_multiple %mul3A_519, 32 : i32
      %dma_wait3A_521 = tpu.memref_slice %arg9[%multiple_of3A_520] : memref<2048xi32, #tpu.memory_space<vmem>> -> memref<32xi32, #tpu.memory_space<vmem>>
      %dma_wait3A_522 = arith.constant 0 : i32
      %dma_wait3A_523 = arith.constant 0 : i32
      %dma_wait3A_524 = tpu.memref_slice %arg2[%dma_wait3A_522, %dma_wait3A_523] : memref<32768x512xf32, #tpu.memory_space<hbm>> -> memref<32768x512xf32, #tpu.memory_space<hbm>>
      tpu.wait_indirect_dma semaphore(%arg19 : memref<!tpu.dma_semaphore, #tpu.memory_space<semaphore_mem>>) src(%dma_wait3A_524 : memref<32768x512xf32, #tpu.memory_space<hbm>>) dst(%arg15 : memref<32x512xf32, #tpu.memory_space<vmem>>)
      %mul3A_525 = arith.constant 16 : i32
      %mul3A_526 = arith.muli %add3A_517, %mul3A_525 : i32
      %get3A_527 = arith.index_cast %mul3A_526 : i32 to index
      %get3A_528 = tpu.vector_load %arg11[%get3A_527] {strides = array<i32>} : memref<1024xi32, #tpu.memory_space<vmem>>, vector<16xi32>,
      %slice3A_529 = vector.extract_strided_slice %get3A_528 {offsets = [0], sizes = [1], strides = [1]} : vector<16xi32> to vector<1xi32>
      %squeeze3A_530 = vector.extract %slice3A_529[0] : i32 from vector<1xi32>
      %gt3A_531 = arith.constant 0 : i32
      %gt3A_532 = arith.cmpi sgt, %squeeze3A_530, %gt3A_531 : i32
      %convert_element_type3A_533 = arith.extui %gt3A_532 : i1 to i32
      %cond3A_534 = arith.constant 0 : i32
      %cond3A_535 = arith.cmpi ne, %convert_element_type3A_533, %cond3A_534 : i32
      scf.if %cond3A_535 {
        %mul3A_561 = arith.constant 32 : i32
        %mul3A_562 = arith.muli %add3A_517, %mul3A_561 : i32
        %add3A_563 = arith.constant 0 : i32
        %add3A_564 = arith.addi %mul3A_562, %add3A_563 : i32
        %multiple_of3A_565 = tpu.assume_multiple %add3A_564, 16 : i32
        %get3A_566 = arith.index_cast %multiple_of3A_565 : i32 to index
        %get3A_567 = tpu.vector_load %arg10[%get3A_566] {strides = array<i32>} : memref<2048xi32, #tpu.memory_space<vmem>>, vector<16xi32>,
        %gt3A_568 = arith.constant 0 : i32
        %gt3A_569 = vector.broadcast %gt3A_568 : i32 to vector<16xi32>
        %gt3A_570 = arith.cmpi sgt, %get3A_567, %gt3A_569 : vector<16xi32>
        %all_reduce_population_count3A_571 = tpu.all_reduce %gt3A_570 {dim = 0 : i64, kind = #tpu.reduction_kind<sum>} : vector<16xi1> -> vector<16xi32>
        %slice3A_572 = vector.extract_strided_slice %all_reduce_population_count3A_571 {offsets = [0], sizes = [1], strides = [1]} : vector<16xi32> to vector<1xi32>
        %squeeze3A_573 = vector.extract %slice3A_572[0] : i32 from vector<1xi32>
        %gt3A_574 = arith.constant 0 : i32
        %gt3A_575 = arith.cmpi sgt, %squeeze3A_573, %gt3A_574 : i32
        %convert_element_type3A_576 = arith.extui %gt3A_575 : i1 to i32
        %cond3A_577 = arith.constant 0 : i32
        %cond3A_578 = arith.cmpi ne, %convert_element_type3A_576, %cond3A_577 : i32
        scf.if %cond3A_578 {
          %add3A_597 = arith.constant 0 : i32
          %add3A_598 = vector.broadcast %add3A_597 : i32 to vector<16xi32>
          %add3A_599 = arith.addi %add3A_598, %iota3A : vector<16xi32>
          %scan3A_600 = arith.constant 0 : i32
          %scan3A_601 = arith.constant 0 : i32
          %scan3A_602 = arith.constant 32 : i32
          %scan3A_603 = arith.addi %scan3A_601, %scan3A_602 : i32
          %scan3A_604 = arith.constant 1 : i32
          scf.for %scan3A_606 = %scan3A_601 to %scan3A_603 step %scan3A_604  : i32 {
            %mul3A_607 = arith.constant 16 : i32
            %mul3A_608 = arith.muli %scan3A_606, %mul3A_607 : i32
            %add3A_609 = arith.constant 0 : i32
            %add3A_610 = vector.broadcast %add3A_609 : i32 to vector<16xi32>
            %add3A_611 = arith.addi %iota3A, %add3A_610 : vector<16xi32>
            %and3A = arith.constant 15 : i32
            %and3A_612 = vector.broadcast %and3A : i32 to vector<16xi32>
            %and3A_613 = arith.andi %add3A_611, %and3A_612 : vector<16xi32>
            %add3A_614 = vector.broadcast %mul3A_608 : i32 to vector<16xi32>
            %add3A_615 = arith.addi %add3A_614, %and3A_613 : vector<16xi32>
            tpu.vector_store_idx %arg15[%add3A_599, %add3A_615], %broadcast_in_dim3A_3 masked %gt3A_570 : memref<32x512xf32, #tpu.memory_space<vmem>>[vector<16xi32>, vector<16xi32>], vector<16xf32>, vector<16xi1>
            %add3A_616 = arith.constant 1 : i32
            %add3A_617 = vector.broadcast %add3A_616 : i32 to vector<16xi32>
            %add3A_618 = arith.addi %iota3A, %add3A_617 : vector<16xi32>
            %and3A_619 = arith.constant 15 : i32
            %and3A_620 = vector.broadcast %and3A_619 : i32 to vector<16xi32>
            %and3A_621 = arith.andi %add3A_618, %and3A_620 : vector<16xi32>
            %add3A_622 = vector.broadcast %mul3A_608 : i32 to vector<16xi32>
            %add3A_623 = arith.addi %add3A_622, %and3A_621 : vector<16xi32>
            tpu.vector_store_idx %arg15[%add3A_599, %add3A_623], %broadcast_in_dim3A_3 masked %gt3A_570 : memref<32x512xf32, #tpu.memory_space<vmem>>[vector<16xi32>, vector<16xi32>], vector<16xf32>, vector<16xi1>
            %add3A_624 = arith.constant 2 : i32
            %add3A_625 = vector.broadcast %add3A_624 : i32 to vector<16xi32>
            %add3A_626 = arith.addi %iota3A, %add3A_625 : vector<16xi32>
            %and3A_627 = arith.constant 15 : i32
            %and3A_628 = vector.broadcast %and3A_627 : i32 to vector<16xi32>
            %and3A_629 = arith.andi %add3A_626, %and3A_628 : vector<16xi32>
            %add3A_630 = vector.broadcast %mul3A_608 : i32 to vector<16xi32>
            %add3A_631 = arith.addi %add3A_630, %and3A_629 : vector<16xi32>
            tpu.vector_store_idx %arg15[%add3A_599, %add3A_631], %broadcast_in_dim3A_3 masked %gt3A_570 : memref<32x512xf32, #tpu.memory_space<vmem>>[vector<16xi32>, vector<16xi32>], vector<16xf32>, vector<16xi1>
            %add3A_632 = arith.constant 3 : i32
            %add3A_633 = vector.broadcast %add3A_632 : i32 to vector<16xi32>
            %add3A_634 = arith.addi %iota3A, %add3A_633 : vector<16xi32>
            %and3A_635 = arith.constant 15 : i32
            %and3A_636 = vector.broadcast %and3A_635 : i32 to vector<16xi32>
            %and3A_637 = arith.andi %add3A_634, %and3A_636 : vector<16xi32>
            %add3A_638 = vector.broadcast %mul3A_608 : i32 to vector<16xi32>
            %add3A_639 = arith.addi %add3A_638, %and3A_637 : vector<16xi32>
            tpu.vector_store_idx %arg15[%add3A_599, %add3A_639], %broadcast_in_dim3A_3 masked %gt3A_570 : memref<32x512xf32, #tpu.memory_space<vmem>>[vector<16xi32>, vector<16xi32>], vector<16xf32>, vector<16xi1>
            %add3A_640 = arith.constant 4 : i32
            %add3A_641 = vector.broadcast %add3A_640 : i32 to vector<16xi32>
            %add3A_642 = arith.addi %iota3A, %add3A_641 : vector<16xi32>
            %and3A_643 = arith.constant 15 : i32
            %and3A_644 = vector.broadcast %and3A_643 : i32 to vector<16xi32>
            %and3A_645 = arith.andi %add3A_642, %and3A_644 : vector<16xi32>
            %add3A_646 = vector.broadcast %mul3A_608 : i32 to vector<16xi32>
            %add3A_647 = arith.addi %add3A_646, %and3A_645 : vector<16xi32>
            tpu.vector_store_idx %arg15[%add3A_599, %add3A_647], %broadcast_in_dim3A_3 masked %gt3A_570 : memref<32x512xf32, #tpu.memory_space<vmem>>[vector<16xi32>, vector<16xi32>], vector<16xf32>, vector<16xi1>
            %add3A_648 = arith.constant 5 : i32
            %add3A_649 = vector.broadcast %add3A_648 : i32 to vector<16xi32>
            %add3A_650 = arith.addi %iota3A, %add3A_649 : vector<16xi32>
            %and3A_651 = arith.constant 15 : i32
            %and3A_652 = vector.broadcast %and3A_651 : i32 to vector<16xi32>
            %and3A_653 = arith.andi %add3A_650, %and3A_652 : vector<16xi32>
            %add3A_654 = vector.broadcast %mul3A_608 : i32 to vector<16xi32>
            %add3A_655 = arith.addi %add3A_654, %and3A_653 : vector<16xi32>
            tpu.vector_store_idx %arg15[%add3A_599, %add3A_655], %broadcast_in_dim3A_3 masked %gt3A_570 : memref<32x512xf32, #tpu.memory_space<vmem>>[vector<16xi32>, vector<16xi32>], vector<16xf32>, vector<16xi1>
            %add3A_656 = arith.constant 6 : i32
            %add3A_657 = vector.broadcast %add3A_656 : i32 to vector<16xi32>
            %add3A_658 = arith.addi %iota3A, %add3A_657 : vector<16xi32>
            %and3A_659 = arith.constant 15 : i32
            %and3A_660 = vector.broadcast %and3A_659 : i32 to vector<16xi32>
            %and3A_661 = arith.andi %add3A_658, %and3A_660 : vector<16xi32>
            %add3A_662 = vector.broadcast %mul3A_608 : i32 to vector<16xi32>
            %add3A_663 = arith.addi %add3A_662, %and3A_661 : vector<16xi32>
            tpu.vector_store_idx %arg15[%add3A_599, %add3A_663], %broadcast_in_dim3A_3 masked %gt3A_570 : memref<32x512xf32, #tpu.memory_space<vmem>>[vector<16xi32>, vector<16xi32>], vector<16xf32>, vector<16xi1>
            %add3A_664 = arith.constant 7 : i32
            %add3A_665 = vector.broadcast %add3A_664 : i32 to vector<16xi32>
            %add3A_666 = arith.addi %iota3A, %add3A_665 : vector<16xi32>
            %and3A_667 = arith.constant 15 : i32
            %and3A_668 = vector.broadcast %and3A_667 : i32 to vector<16xi32>
            %and3A_669 = arith.andi %add3A_666, %and3A_668 : vector<16xi32>
            %add3A_670 = vector.broadcast %mul3A_608 : i32 to vector<16xi32>
            %add3A_671 = arith.addi %add3A_670, %and3A_669 : vector<16xi32>
            tpu.vector_store_idx %arg15[%add3A_599, %add3A_671], %broadcast_in_dim3A_3 masked %gt3A_570 : memref<32x512xf32, #tpu.memory_space<vmem>>[vector<16xi32>, vector<16xi32>], vector<16xf32>, vector<16xi1>
            %add3A_672 = arith.constant 8 : i32
            %add3A_673 = vector.broadcast %add3A_672 : i32 to vector<16xi32>
            %add3A_674 = arith.addi %iota3A, %add3A_673 : vector<16xi32>
            %and3A_675 = arith.constant 15 : i32
            %and3A_676 = vector.broadcast %and3A_675 : i32 to vector<16xi32>
            %and3A_677 = arith.andi %add3A_674, %and3A_676 : vector<16xi32>
            %add3A_678 = vector.broadcast %mul3A_608 : i32 to vector<16xi32>
            %add3A_679 = arith.addi %add3A_678, %and3A_677 : vector<16xi32>
            tpu.vector_store_idx %arg15[%add3A_599, %add3A_679], %broadcast_in_dim3A_3 masked %gt3A_570 : memref<32x512xf32, #tpu.memory_space<vmem>>[vector<16xi32>, vector<16xi32>], vector<16xf32>, vector<16xi1>
            %add3A_680 = arith.constant 9 : i32
            %add3A_681 = vector.broadcast %add3A_680 : i32 to vector<16xi32>
            %add3A_682 = arith.addi %iota3A, %add3A_681 : vector<16xi32>
            %and3A_683 = arith.constant 15 : i32
            %and3A_684 = vector.broadcast %and3A_683 : i32 to vector<16xi32>
            %and3A_685 = arith.andi %add3A_682, %and3A_684 : vector<16xi32>
            %add3A_686 = vector.broadcast %mul3A_608 : i32 to vector<16xi32>
            %add3A_687 = arith.addi %add3A_686, %and3A_685 : vector<16xi32>
            tpu.vector_store_idx %arg15[%add3A_599, %add3A_687], %broadcast_in_dim3A_3 masked %gt3A_570 : memref<32x512xf32, #tpu.memory_space<vmem>>[vector<16xi32>, vector<16xi32>], vector<16xf32>, vector<16xi1>
            %add3A_688 = arith.constant 10 : i32
            %add3A_689 = vector.broadcast %add3A_688 : i32 to vector<16xi32>
            %add3A_690 = arith.addi %iota3A, %add3A_689 : vector<16xi32>
            %and3A_691 = arith.constant 15 : i32
            %and3A_692 = vector.broadcast %and3A_691 : i32 to vector<16xi32>
            %and3A_693 = arith.andi %add3A_690, %and3A_692 : vector<16xi32>
            %add3A_694 = vector.broadcast %mul3A_608 : i32 to vector<16xi32>
            %add3A_695 = arith.addi %add3A_694, %and3A_693 : vector<16xi32>
            tpu.vector_store_idx %arg15[%add3A_599, %add3A_695], %broadcast_in_dim3A_3 masked %gt3A_570 : memref<32x512xf32, #tpu.memory_space<vmem>>[vector<16xi32>, vector<16xi32>], vector<16xf32>, vector<16xi1>
            %add3A_696 = arith.constant 11 : i32
            %add3A_697 = vector.broadcast %add3A_696 : i32 to vector<16xi32>
            %add3A_698 = arith.addi %iota3A, %add3A_697 : vector<16xi32>
            %and3A_699 = arith.constant 15 : i32
            %and3A_700 = vector.broadcast %and3A_699 : i32 to vector<16xi32>
            %and3A_701 = arith.andi %add3A_698, %and3A_700 : vector<16xi32>
            %add3A_702 = vector.broadcast %mul3A_608 : i32 to vector<16xi32>
            %add3A_703 = arith.addi %add3A_702, %and3A_701 : vector<16xi32>
            tpu.vector_store_idx %arg15[%add3A_599, %add3A_703], %broadcast_in_dim3A_3 masked %gt3A_570 : memref<32x512xf32, #tpu.memory_space<vmem>>[vector<16xi32>, vector<16xi32>], vector<16xf32>, vector<16xi1>
            %add3A_704 = arith.constant 12 : i32
            %add3A_705 = vector.broadcast %add3A_704 : i32 to vector<16xi32>
            %add3A_706 = arith.addi %iota3A, %add3A_705 : vector<16xi32>
            %and3A_707 = arith.constant 15 : i32
            %and3A_708 = vector.broadcast %and3A_707 : i32 to vector<16xi32>
            %and3A_709 = arith.andi %add3A_706, %and3A_708 : vector<16xi32>
            %add3A_710 = vector.broadcast %mul3A_608 : i32 to vector<16xi32>
            %add3A_711 = arith.addi %add3A_710, %and3A_709 : vector<16xi32>
            tpu.vector_store_idx %arg15[%add3A_599, %add3A_711], %broadcast_in_dim3A_3 masked %gt3A_570 : memref<32x512xf32, #tpu.memory_space<vmem>>[vector<16xi32>, vector<16xi32>], vector<16xf32>, vector<16xi1>
            %add3A_712 = arith.constant 13 : i32
            %add3A_713 = vector.broadcast %add3A_712 : i32 to vector<16xi32>
            %add3A_714 = arith.addi %iota3A, %add3A_713 : vector<16xi32>
            %and3A_715 = arith.constant 15 : i32
            %and3A_716 = vector.broadcast %and3A_715 : i32 to vector<16xi32>
            %and3A_717 = arith.andi %add3A_714, %and3A_716 : vector<16xi32>
            %add3A_718 = vector.broadcast %mul3A_608 : i32 to vector<16xi32>
            %add3A_719 = arith.addi %add3A_718, %and3A_717 : vector<16xi32>
            tpu.vector_store_idx %arg15[%add3A_599, %add3A_719], %broadcast_in_dim3A_3 masked %gt3A_570 : memref<32x512xf32, #tpu.memory_space<vmem>>[vector<16xi32>, vector<16xi32>], vector<16xf32>, vector<16xi1>
            %add3A_720 = arith.constant 14 : i32
            %add3A_721 = vector.broadcast %add3A_720 : i32 to vector<16xi32>
            %add3A_722 = arith.addi %iota3A, %add3A_721 : vector<16xi32>
            %and3A_723 = arith.constant 15 : i32
            %and3A_724 = vector.broadcast %and3A_723 : i32 to vector<16xi32>
            %and3A_725 = arith.andi %add3A_722, %and3A_724 : vector<16xi32>
            %add3A_726 = vector.broadcast %mul3A_608 : i32 to vector<16xi32>
            %add3A_727 = arith.addi %add3A_726, %and3A_725 : vector<16xi32>
            tpu.vector_store_idx %arg15[%add3A_599, %add3A_727], %broadcast_in_dim3A_3 masked %gt3A_570 : memref<32x512xf32, #tpu.memory_space<vmem>>[vector<16xi32>, vector<16xi32>], vector<16xf32>, vector<16xi1>
            %add3A_728 = arith.constant 15 : i32
            %add3A_729 = vector.broadcast %add3A_728 : i32 to vector<16xi32>
            %add3A_730 = arith.addi %iota3A, %add3A_729 : vector<16xi32>
            %and3A_731 = arith.constant 15 : i32
            %and3A_732 = vector.broadcast %and3A_731 : i32 to vector<16xi32>
            %and3A_733 = arith.andi %add3A_730, %and3A_732 : vector<16xi32>
            %add3A_734 = vector.broadcast %mul3A_608 : i32 to vector<16xi32>
            %add3A_735 = arith.addi %add3A_734, %and3A_733 : vector<16xi32>
            tpu.vector_store_idx %arg15[%add3A_599, %add3A_735], %broadcast_in_dim3A_3 masked %gt3A_570 : memref<32x512xf32, #tpu.memory_space<vmem>>[vector<16xi32>, vector<16xi32>], vector<16xf32>, vector<16xi1>
          }
          %scan3A_605 = arith.constant 32 : i32
        } else {
        }
        %mul3A_579 = arith.constant 32 : i32
        %mul3A_580 = arith.muli %add3A_517, %mul3A_579 : i32
        %add3A_581 = arith.constant 16 : i32
        %add3A_582 = arith.addi %mul3A_580, %add3A_581 : i32
        %multiple_of3A_583 = tpu.assume_multiple %add3A_582, 16 : i32
        %get3A_584 = arith.index_cast %multiple_of3A_583 : i32 to index
        %get3A_585 = tpu.vector_load %arg10[%get3A_584] {strides = array<i32>} : memref<2048xi32, #tpu.memory_space<vmem>>, vector<16xi32>,
        %gt3A_586 = arith.constant 0 : i32
        %gt3A_587 = vector.broadcast %gt3A_586 : i32 to vector<16xi32>
        %gt3A_588 = arith.cmpi sgt, %get3A_585, %gt3A_587 : vector<16xi32>
        %all_reduce_population_count3A_589 = tpu.all_reduce %gt3A_588 {dim = 0 : i64, kind = #tpu.reduction_kind<sum>} : vector<16xi1> -> vector<16xi32>
        %slice3A_590 = vector.extract_strided_slice %all_reduce_population_count3A_589 {offsets = [0], sizes = [1], strides = [1]} : vector<16xi32> to vector<1xi32>
        %squeeze3A_591 = vector.extract %slice3A_590[0] : i32 from vector<1xi32>
        %gt3A_592 = arith.constant 0 : i32
        %gt3A_593 = arith.cmpi sgt, %squeeze3A_591, %gt3A_592 : i32
        %convert_element_type3A_594 = arith.extui %gt3A_593 : i1 to i32
        %cond3A_595 = arith.constant 0 : i32
        %cond3A_596 = arith.cmpi ne, %convert_element_type3A_594, %cond3A_595 : i32
        scf.if %cond3A_596 {
          %add3A_597 = arith.constant 16 : i32
          %add3A_598 = vector.broadcast %add3A_597 : i32 to vector<16xi32>
          %add3A_599 = arith.addi %add3A_598, %iota3A : vector<16xi32>
          %scan3A_600 = arith.constant 0 : i32
          %scan3A_601 = arith.constant 0 : i32
          %scan3A_602 = arith.constant 32 : i32
          %scan3A_603 = arith.addi %scan3A_601, %scan3A_602 : i32
          %scan3A_604 = arith.constant 1 : i32
          scf.for %scan3A_606 = %scan3A_601 to %scan3A_603 step %scan3A_604  : i32 {
            %mul3A_607 = arith.constant 16 : i32
            %mul3A_608 = arith.muli %scan3A_606, %mul3A_607 : i32
            %add3A_609 = arith.constant 0 : i32
            %add3A_610 = vector.broadcast %add3A_609 : i32 to vector<16xi32>
            %add3A_611 = arith.addi %iota3A, %add3A_610 : vector<16xi32>
            %and3A = arith.constant 15 : i32
            %and3A_612 = vector.broadcast %and3A : i32 to vector<16xi32>
            %and3A_613 = arith.andi %add3A_611, %and3A_612 : vector<16xi32>
            %add3A_614 = vector.broadcast %mul3A_608 : i32 to vector<16xi32>
            %add3A_615 = arith.addi %add3A_614, %and3A_613 : vector<16xi32>
            tpu.vector_store_idx %arg15[%add3A_599, %add3A_615], %broadcast_in_dim3A_3 masked %gt3A_588 : memref<32x512xf32, #tpu.memory_space<vmem>>[vector<16xi32>, vector<16xi32>], vector<16xf32>, vector<16xi1>
            %add3A_616 = arith.constant 1 : i32
            %add3A_617 = vector.broadcast %add3A_616 : i32 to vector<16xi32>
            %add3A_618 = arith.addi %iota3A, %add3A_617 : vector<16xi32>
            %and3A_619 = arith.constant 15 : i32
            %and3A_620 = vector.broadcast %and3A_619 : i32 to vector<16xi32>
            %and3A_621 = arith.andi %add3A_618, %and3A_620 : vector<16xi32>
            %add3A_622 = vector.broadcast %mul3A_608 : i32 to vector<16xi32>
            %add3A_623 = arith.addi %add3A_622, %and3A_621 : vector<16xi32>
            tpu.vector_store_idx %arg15[%add3A_599, %add3A_623], %broadcast_in_dim3A_3 masked %gt3A_588 : memref<32x512xf32, #tpu.memory_space<vmem>>[vector<16xi32>, vector<16xi32>], vector<16xf32>, vector<16xi1>
            %add3A_624 = arith.constant 2 : i32
            %add3A_625 = vector.broadcast %add3A_624 : i32 to vector<16xi32>
            %add3A_626 = arith.addi %iota3A, %add3A_625 : vector<16xi32>
            %and3A_627 = arith.constant 15 : i32
            %and3A_628 = vector.broadcast %and3A_627 : i32 to vector<16xi32>
            %and3A_629 = arith.andi %add3A_626, %and3A_628 : vector<16xi32>
            %add3A_630 = vector.broadcast %mul3A_608 : i32 to vector<16xi32>
            %add3A_631 = arith.addi %add3A_630, %and3A_629 : vector<16xi32>
            tpu.vector_store_idx %arg15[%add3A_599, %add3A_631], %broadcast_in_dim3A_3 masked %gt3A_588 : memref<32x512xf32, #tpu.memory_space<vmem>>[vector<16xi32>, vector<16xi32>], vector<16xf32>, vector<16xi1>
            %add3A_632 = arith.constant 3 : i32
            %add3A_633 = vector.broadcast %add3A_632 : i32 to vector<16xi32>
            %add3A_634 = arith.addi %iota3A, %add3A_633 : vector<16xi32>
            %and3A_635 = arith.constant 15 : i32
            %and3A_636 = vector.broadcast %and3A_635 : i32 to vector<16xi32>
            %and3A_637 = arith.andi %add3A_634, %and3A_636 : vector<16xi32>
            %add3A_638 = vector.broadcast %mul3A_608 : i32 to vector<16xi32>
            %add3A_639 = arith.addi %add3A_638, %and3A_637 : vector<16xi32>
            tpu.vector_store_idx %arg15[%add3A_599, %add3A_639], %broadcast_in_dim3A_3 masked %gt3A_588 : memref<32x512xf32, #tpu.memory_space<vmem>>[vector<16xi32>, vector<16xi32>], vector<16xf32>, vector<16xi1>
            %add3A_640 = arith.constant 4 : i32
            %add3A_641 = vector.broadcast %add3A_640 : i32 to vector<16xi32>
            %add3A_642 = arith.addi %iota3A, %add3A_641 : vector<16xi32>
            %and3A_643 = arith.constant 15 : i32
            %and3A_644 = vector.broadcast %and3A_643 : i32 to vector<16xi32>
            %and3A_645 = arith.andi %add3A_642, %and3A_644 : vector<16xi32>
            %add3A_646 = vector.broadcast %mul3A_608 : i32 to vector<16xi32>
            %add3A_647 = arith.addi %add3A_646, %and3A_645 : vector<16xi32>
            tpu.vector_store_idx %arg15[%add3A_599, %add3A_647], %broadcast_in_dim3A_3 masked %gt3A_588 : memref<32x512xf32, #tpu.memory_space<vmem>>[vector<16xi32>, vector<16xi32>], vector<16xf32>, vector<16xi1>
            %add3A_648 = arith.constant 5 : i32
            %add3A_649 = vector.broadcast %add3A_648 : i32 to vector<16xi32>
            %add3A_650 = arith.addi %iota3A, %add3A_649 : vector<16xi32>
            %and3A_651 = arith.constant 15 : i32
            %and3A_652 = vector.broadcast %and3A_651 : i32 to vector<16xi32>
            %and3A_653 = arith.andi %add3A_650, %and3A_652 : vector<16xi32>
            %add3A_654 = vector.broadcast %mul3A_608 : i32 to vector<16xi32>
            %add3A_655 = arith.addi %add3A_654, %and3A_653 : vector<16xi32>
            tpu.vector_store_idx %arg15[%add3A_599, %add3A_655], %broadcast_in_dim3A_3 masked %gt3A_588 : memref<32x512xf32, #tpu.memory_space<vmem>>[vector<16xi32>, vector<16xi32>], vector<16xf32>, vector<16xi1>
            %add3A_656 = arith.constant 6 : i32
            %add3A_657 = vector.broadcast %add3A_656 : i32 to vector<16xi32>
            %add3A_658 = arith.addi %iota3A, %add3A_657 : vector<16xi32>
            %and3A_659 = arith.constant 15 : i32
            %and3A_660 = vector.broadcast %and3A_659 : i32 to vector<16xi32>
            %and3A_661 = arith.andi %add3A_658, %and3A_660 : vector<16xi32>
            %add3A_662 = vector.broadcast %mul3A_608 : i32 to vector<16xi32>
            %add3A_663 = arith.addi %add3A_662, %and3A_661 : vector<16xi32>
            tpu.vector_store_idx %arg15[%add3A_599, %add3A_663], %broadcast_in_dim3A_3 masked %gt3A_588 : memref<32x512xf32, #tpu.memory_space<vmem>>[vector<16xi32>, vector<16xi32>], vector<16xf32>, vector<16xi1>
            %add3A_664 = arith.constant 7 : i32
            %add3A_665 = vector.broadcast %add3A_664 : i32 to vector<16xi32>
            %add3A_666 = arith.addi %iota3A, %add3A_665 : vector<16xi32>
            %and3A_667 = arith.constant 15 : i32
            %and3A_668 = vector.broadcast %and3A_667 : i32 to vector<16xi32>
            %and3A_669 = arith.andi %add3A_666, %and3A_668 : vector<16xi32>
            %add3A_670 = vector.broadcast %mul3A_608 : i32 to vector<16xi32>
            %add3A_671 = arith.addi %add3A_670, %and3A_669 : vector<16xi32>
            tpu.vector_store_idx %arg15[%add3A_599, %add3A_671], %broadcast_in_dim3A_3 masked %gt3A_588 : memref<32x512xf32, #tpu.memory_space<vmem>>[vector<16xi32>, vector<16xi32>], vector<16xf32>, vector<16xi1>
            %add3A_672 = arith.constant 8 : i32
            %add3A_673 = vector.broadcast %add3A_672 : i32 to vector<16xi32>
            %add3A_674 = arith.addi %iota3A, %add3A_673 : vector<16xi32>
            %and3A_675 = arith.constant 15 : i32
            %and3A_676 = vector.broadcast %and3A_675 : i32 to vector<16xi32>
            %and3A_677 = arith.andi %add3A_674, %and3A_676 : vector<16xi32>
            %add3A_678 = vector.broadcast %mul3A_608 : i32 to vector<16xi32>
            %add3A_679 = arith.addi %add3A_678, %and3A_677 : vector<16xi32>
            tpu.vector_store_idx %arg15[%add3A_599, %add3A_679], %broadcast_in_dim3A_3 masked %gt3A_588 : memref<32x512xf32, #tpu.memory_space<vmem>>[vector<16xi32>, vector<16xi32>], vector<16xf32>, vector<16xi1>
            %add3A_680 = arith.constant 9 : i32
            %add3A_681 = vector.broadcast %add3A_680 : i32 to vector<16xi32>
            %add3A_682 = arith.addi %iota3A, %add3A_681 : vector<16xi32>
            %and3A_683 = arith.constant 15 : i32
            %and3A_684 = vector.broadcast %and3A_683 : i32 to vector<16xi32>
            %and3A_685 = arith.andi %add3A_682, %and3A_684 : vector<16xi32>
            %add3A_686 = vector.broadcast %mul3A_608 : i32 to vector<16xi32>
            %add3A_687 = arith.addi %add3A_686, %and3A_685 : vector<16xi32>
            tpu.vector_store_idx %arg15[%add3A_599, %add3A_687], %broadcast_in_dim3A_3 masked %gt3A_588 : memref<32x512xf32, #tpu.memory_space<vmem>>[vector<16xi32>, vector<16xi32>], vector<16xf32>, vector<16xi1>
            %add3A_688 = arith.constant 10 : i32
            %add3A_689 = vector.broadcast %add3A_688 : i32 to vector<16xi32>
            %add3A_690 = arith.addi %iota3A, %add3A_689 : vector<16xi32>
            %and3A_691 = arith.constant 15 : i32
            %and3A_692 = vector.broadcast %and3A_691 : i32 to vector<16xi32>
            %and3A_693 = arith.andi %add3A_690, %and3A_692 : vector<16xi32>
            %add3A_694 = vector.broadcast %mul3A_608 : i32 to vector<16xi32>
            %add3A_695 = arith.addi %add3A_694, %and3A_693 : vector<16xi32>
            tpu.vector_store_idx %arg15[%add3A_599, %add3A_695], %broadcast_in_dim3A_3 masked %gt3A_588 : memref<32x512xf32, #tpu.memory_space<vmem>>[vector<16xi32>, vector<16xi32>], vector<16xf32>, vector<16xi1>
            %add3A_696 = arith.constant 11 : i32
            %add3A_697 = vector.broadcast %add3A_696 : i32 to vector<16xi32>
            %add3A_698 = arith.addi %iota3A, %add3A_697 : vector<16xi32>
            %and3A_699 = arith.constant 15 : i32
            %and3A_700 = vector.broadcast %and3A_699 : i32 to vector<16xi32>
            %and3A_701 = arith.andi %add3A_698, %and3A_700 : vector<16xi32>
            %add3A_702 = vector.broadcast %mul3A_608 : i32 to vector<16xi32>
            %add3A_703 = arith.addi %add3A_702, %and3A_701 : vector<16xi32>
            tpu.vector_store_idx %arg15[%add3A_599, %add3A_703], %broadcast_in_dim3A_3 masked %gt3A_588 : memref<32x512xf32, #tpu.memory_space<vmem>>[vector<16xi32>, vector<16xi32>], vector<16xf32>, vector<16xi1>
            %add3A_704 = arith.constant 12 : i32
            %add3A_705 = vector.broadcast %add3A_704 : i32 to vector<16xi32>
            %add3A_706 = arith.addi %iota3A, %add3A_705 : vector<16xi32>
            %and3A_707 = arith.constant 15 : i32
            %and3A_708 = vector.broadcast %and3A_707 : i32 to vector<16xi32>
            %and3A_709 = arith.andi %add3A_706, %and3A_708 : vector<16xi32>
            %add3A_710 = vector.broadcast %mul3A_608 : i32 to vector<16xi32>
            %add3A_711 = arith.addi %add3A_710, %and3A_709 : vector<16xi32>
            tpu.vector_store_idx %arg15[%add3A_599, %add3A_711], %broadcast_in_dim3A_3 masked %gt3A_588 : memref<32x512xf32, #tpu.memory_space<vmem>>[vector<16xi32>, vector<16xi32>], vector<16xf32>, vector<16xi1>
            %add3A_712 = arith.constant 13 : i32
            %add3A_713 = vector.broadcast %add3A_712 : i32 to vector<16xi32>
            %add3A_714 = arith.addi %iota3A, %add3A_713 : vector<16xi32>
            %and3A_715 = arith.constant 15 : i32
            %and3A_716 = vector.broadcast %and3A_715 : i32 to vector<16xi32>
            %and3A_717 = arith.andi %add3A_714, %and3A_716 : vector<16xi32>
            %add3A_718 = vector.broadcast %mul3A_608 : i32 to vector<16xi32>
            %add3A_719 = arith.addi %add3A_718, %and3A_717 : vector<16xi32>
            tpu.vector_store_idx %arg15[%add3A_599, %add3A_719], %broadcast_in_dim3A_3 masked %gt3A_588 : memref<32x512xf32, #tpu.memory_space<vmem>>[vector<16xi32>, vector<16xi32>], vector<16xf32>, vector<16xi1>
            %add3A_720 = arith.constant 14 : i32
            %add3A_721 = vector.broadcast %add3A_720 : i32 to vector<16xi32>
            %add3A_722 = arith.addi %iota3A, %add3A_721 : vector<16xi32>
            %and3A_723 = arith.constant 15 : i32
            %and3A_724 = vector.broadcast %and3A_723 : i32 to vector<16xi32>
            %and3A_725 = arith.andi %add3A_722, %and3A_724 : vector<16xi32>
            %add3A_726 = vector.broadcast %mul3A_608 : i32 to vector<16xi32>
            %add3A_727 = arith.addi %add3A_726, %and3A_725 : vector<16xi32>
            tpu.vector_store_idx %arg15[%add3A_599, %add3A_727], %broadcast_in_dim3A_3 masked %gt3A_588 : memref<32x512xf32, #tpu.memory_space<vmem>>[vector<16xi32>, vector<16xi32>], vector<16xf32>, vector<16xi1>
            %add3A_728 = arith.constant 15 : i32
            %add3A_729 = vector.broadcast %add3A_728 : i32 to vector<16xi32>
            %add3A_730 = arith.addi %iota3A, %add3A_729 : vector<16xi32>
            %and3A_731 = arith.constant 15 : i32
            %and3A_732 = vector.broadcast %and3A_731 : i32 to vector<16xi32>
            %and3A_733 = arith.andi %add3A_730, %and3A_732 : vector<16xi32>
            %add3A_734 = vector.broadcast %mul3A_608 : i32 to vector<16xi32>
            %add3A_735 = arith.addi %add3A_734, %and3A_733 : vector<16xi32>
            tpu.vector_store_idx %arg15[%add3A_599, %add3A_735], %broadcast_in_dim3A_3 masked %gt3A_588 : memref<32x512xf32, #tpu.memory_space<vmem>>[vector<16xi32>, vector<16xi32>], vector<16xf32>, vector<16xi1>
          }
          %scan3A_605 = arith.constant 32 : i32
        } else {
        }
      } else {
      }
      %mul3A_536 = arith.constant 32 : i32
      %mul3A_537 = arith.muli %add3A_517, %mul3A_536 : i32
      %add3A_538 = arith.addi %multiple_of3A, %mul3A_537 : i32
      %multiple_of3A_539 = tpu.assume_multiple %add3A_538, 32 : i32
      %dma_start3A_540 = arith.constant 0 : i32
      %dma_start3A_541 = tpu.memref_slice %arg5[%multiple_of3A_539, %dma_start3A_540] : memref<65536x512xf32, #tpu.memory_space<hbm>> -> memref<32x512xf32, #tpu.memory_space<hbm>>
      %dma_start3A_542 = arith.constant 0 : i32
      %dma_start3A_543 = tpu.memref_slice %arg5[%multiple_of3A_539, %dma_start3A_542] : memref<65536x512xf32, #tpu.memory_space<hbm>> -> memref<32x512xf32, #tpu.memory_space<hbm>>
      tpu.enqueue_dma source(%arg15 : memref<32x512xf32, #tpu.memory_space<vmem>>) target(%dma_start3A_543 : memref<32x512xf32, #tpu.memory_space<hbm>>) target_semaphore(%arg23 : memref<!tpu.dma_semaphore, #tpu.memory_space<semaphore_mem>>)
      %mul3A_544 = arith.constant 32 : i32
      %mul3A_545 = arith.muli %add3A_517, %mul3A_544 : i32
      %add3A_546 = arith.addi %multiple_of3A, %mul3A_545 : i32
      %multiple_of3A_547 = tpu.assume_multiple %add3A_546, 32 : i32
      %dma_wait3A_548 = arith.constant 0 : i32
      %dma_wait3A_549 = tpu.memref_slice %arg5[%multiple_of3A_547, %dma_wait3A_548] : memref<65536x512xf32, #tpu.memory_space<hbm>> -> memref<32x512xf32, #tpu.memory_space<hbm>>
      %dma_wait3A_550 = arith.constant 0 : i32
      %dma_wait3A_551 = tpu.memref_slice %arg5[%multiple_of3A_547, %dma_wait3A_550] : memref<65536x512xf32, #tpu.memory_space<hbm>> -> memref<32x512xf32, #tpu.memory_space<hbm>>
      tpu.wait_dma2 semaphore(%arg23 : memref<!tpu.dma_semaphore, #tpu.memory_space<semaphore_mem>>) src(%arg15 : memref<32x512xf32, #tpu.memory_space<vmem>>) dst(%dma_wait3A_551 : memref<32x512xf32, #tpu.memory_space<hbm>>)
      %add3A_552 = arith.constant 4 : i32
      %add3A_553 = arith.addi %add3A_517, %add3A_552 : i32
      %mul3A_554 = arith.constant 32 : i32
      %mul3A_555 = arith.muli %add3A_553, %mul3A_554 : i32
      %multiple_of3A_556 = tpu.assume_multiple %mul3A_555, 32 : i32
      %dma_start3A_557 = tpu.memref_slice %arg9[%multiple_of3A_556] : memref<2048xi32, #tpu.memory_space<vmem>> -> memref<32xi32, #tpu.memory_space<vmem>>
      %dma_start3A_558 = arith.constant 0 : i32
      %dma_start3A_559 = arith.constant 0 : i32
      %dma_start3A_560 = tpu.memref_slice %arg2[%dma_start3A_558, %dma_start3A_559] : memref<32768x512xf32, #tpu.memory_space<hbm>> -> memref<32768x512xf32, #tpu.memory_space<hbm>>
      tpu.enqueue_indirect_dma source(%dma_start3A_560 : memref<32768x512xf32, #tpu.memory_space<hbm>>) target(%arg15 : memref<32x512xf32, #tpu.memory_space<vmem>>) offsets(%dma_start3A_557 : memref<32xi32, #tpu.memory_space<vmem>>) semaphore(%arg19 : memref<!tpu.dma_semaphore, #tpu.memory_space<semaphore_mem>>)
    }
    %scan3A_260 = arith.constant 15 : i32
    %multiple_of3A_261 = arith.constant 1920 : i32
    %multiple_of3A_262 = tpu.assume_multiple %multiple_of3A_261, 32 : i32
    %dma_wait3A_263 = tpu.memref_slice %arg9[%multiple_of3A_262] : memref<2048xi32, #tpu.memory_space<vmem>> -> memref<32xi32, #tpu.memory_space<vmem>>
    %dma_wait3A_264 = arith.constant 0 : i32
    %dma_wait3A_265 = arith.constant 0 : i32
    %dma_wait3A_266 = tpu.memref_slice %arg2[%dma_wait3A_264, %dma_wait3A_265] : memref<32768x512xf32, #tpu.memory_space<hbm>> -> memref<32768x512xf32, #tpu.memory_space<hbm>>
    tpu.wait_indirect_dma semaphore(%arg16 : memref<!tpu.dma_semaphore, #tpu.memory_space<semaphore_mem>>) src(%dma_wait3A_266 : memref<32768x512xf32, #tpu.memory_space<hbm>>) dst(%arg12 : memref<32x512xf32, #tpu.memory_space<vmem>>)
    %get3A_267 = arith.constant 960 : index
    %get3A_268 = tpu.vector_load %arg11[%get3A_267] {strides = array<i32>} : memref<1024xi32, #tpu.memory_space<vmem>>, vector<16xi32>,
    %slice3A = vector.extract_strided_slice %get3A_268 {offsets = [0], sizes = [1], strides = [1]} : vector<16xi32> to vector<1xi32>
    %squeeze3A = vector.extract %slice3A[0] : i32 from vector<1xi32>
    %gt3A = arith.constant 0 : i32
    %gt3A_269 = arith.cmpi sgt, %squeeze3A, %gt3A : i32
    %convert_element_type3A = arith.extui %gt3A_269 : i1 to i32
    %cond3A = arith.constant 0 : i32
    %cond3A_270 = arith.cmpi ne, %convert_element_type3A, %cond3A : i32
    scf.if %cond3A_270 {
      %multiple_of3A_372 = arith.constant 1920 : i32
      %multiple_of3A_373 = tpu.assume_multiple %multiple_of3A_372, 16 : i32
      %get3A_374 = arith.index_cast %multiple_of3A_373 : i32 to index
      %get3A_375 = tpu.vector_load %arg10[%get3A_374] {strides = array<i32>} : memref<2048xi32, #tpu.memory_space<vmem>>, vector<16xi32>,
      %gt3A_376 = arith.constant 0 : i32
      %gt3A_377 = vector.broadcast %gt3A_376 : i32 to vector<16xi32>
      %gt3A_378 = arith.cmpi sgt, %get3A_375, %gt3A_377 : vector<16xi32>
      %all_reduce_population_count3A_379 = tpu.all_reduce %gt3A_378 {dim = 0 : i64, kind = #tpu.reduction_kind<sum>} : vector<16xi1> -> vector<16xi32>
      %slice3A_380 = vector.extract_strided_slice %all_reduce_population_count3A_379 {offsets = [0], sizes = [1], strides = [1]} : vector<16xi32> to vector<1xi32>
      %squeeze3A_381 = vector.extract %slice3A_380[0] : i32 from vector<1xi32>
      %gt3A_382 = arith.constant 0 : i32
      %gt3A_383 = arith.cmpi sgt, %squeeze3A_381, %gt3A_382 : i32
      %convert_element_type3A_384 = arith.extui %gt3A_383 : i1 to i32
      %cond3A_385 = arith.constant 0 : i32
      %cond3A_386 = arith.cmpi ne, %convert_element_type3A_384, %cond3A_385 : i32
      scf.if %cond3A_386 {
        %add3A_402 = arith.constant 0 : i32
        %add3A_403 = vector.broadcast %add3A_402 : i32 to vector<16xi32>
        %add3A_404 = arith.addi %add3A_403, %iota3A : vector<16xi32>
        %scan3A_405 = arith.constant 0 : i32
        %scan3A_406 = arith.constant 0 : i32
        %scan3A_407 = arith.constant 32 : i32
        %scan3A_408 = arith.addi %scan3A_406, %scan3A_407 : i32
        %scan3A_409 = arith.constant 1 : i32
        scf.for %scan3A_411 = %scan3A_406 to %scan3A_408 step %scan3A_409  : i32 {
          %mul3A_412 = arith.constant 16 : i32
          %mul3A_413 = arith.muli %scan3A_411, %mul3A_412 : i32
          %add3A_414 = arith.constant 0 : i32
          %add3A_415 = vector.broadcast %add3A_414 : i32 to vector<16xi32>
          %add3A_416 = arith.addi %iota3A, %add3A_415 : vector<16xi32>
          %and3A = arith.constant 15 : i32
          %and3A_417 = vector.broadcast %and3A : i32 to vector<16xi32>
          %and3A_418 = arith.andi %add3A_416, %and3A_417 : vector<16xi32>
          %add3A_419 = vector.broadcast %mul3A_413 : i32 to vector<16xi32>
          %add3A_420 = arith.addi %add3A_419, %and3A_418 : vector<16xi32>
          tpu.vector_store_idx %arg12[%add3A_404, %add3A_420], %broadcast_in_dim3A_3 masked %gt3A_378 : memref<32x512xf32, #tpu.memory_space<vmem>>[vector<16xi32>, vector<16xi32>], vector<16xf32>, vector<16xi1>
          %add3A_421 = arith.constant 1 : i32
          %add3A_422 = vector.broadcast %add3A_421 : i32 to vector<16xi32>
          %add3A_423 = arith.addi %iota3A, %add3A_422 : vector<16xi32>
          %and3A_424 = arith.constant 15 : i32
          %and3A_425 = vector.broadcast %and3A_424 : i32 to vector<16xi32>
          %and3A_426 = arith.andi %add3A_423, %and3A_425 : vector<16xi32>
          %add3A_427 = vector.broadcast %mul3A_413 : i32 to vector<16xi32>
          %add3A_428 = arith.addi %add3A_427, %and3A_426 : vector<16xi32>
          tpu.vector_store_idx %arg12[%add3A_404, %add3A_428], %broadcast_in_dim3A_3 masked %gt3A_378 : memref<32x512xf32, #tpu.memory_space<vmem>>[vector<16xi32>, vector<16xi32>], vector<16xf32>, vector<16xi1>
          %add3A_429 = arith.constant 2 : i32
          %add3A_430 = vector.broadcast %add3A_429 : i32 to vector<16xi32>
          %add3A_431 = arith.addi %iota3A, %add3A_430 : vector<16xi32>
          %and3A_432 = arith.constant 15 : i32
          %and3A_433 = vector.broadcast %and3A_432 : i32 to vector<16xi32>
          %and3A_434 = arith.andi %add3A_431, %and3A_433 : vector<16xi32>
          %add3A_435 = vector.broadcast %mul3A_413 : i32 to vector<16xi32>
          %add3A_436 = arith.addi %add3A_435, %and3A_434 : vector<16xi32>
          tpu.vector_store_idx %arg12[%add3A_404, %add3A_436], %broadcast_in_dim3A_3 masked %gt3A_378 : memref<32x512xf32, #tpu.memory_space<vmem>>[vector<16xi32>, vector<16xi32>], vector<16xf32>, vector<16xi1>
          %add3A_437 = arith.constant 3 : i32
          %add3A_438 = vector.broadcast %add3A_437 : i32 to vector<16xi32>
          %add3A_439 = arith.addi %iota3A, %add3A_438 : vector<16xi32>
          %and3A_440 = arith.constant 15 : i32
          %and3A_441 = vector.broadcast %and3A_440 : i32 to vector<16xi32>
          %and3A_442 = arith.andi %add3A_439, %and3A_441 : vector<16xi32>
          %add3A_443 = vector.broadcast %mul3A_413 : i32 to vector<16xi32>
          %add3A_444 = arith.addi %add3A_443, %and3A_442 : vector<16xi32>
          tpu.vector_store_idx %arg12[%add3A_404, %add3A_444], %broadcast_in_dim3A_3 masked %gt3A_378 : memref<32x512xf32, #tpu.memory_space<vmem>>[vector<16xi32>, vector<16xi32>], vector<16xf32>, vector<16xi1>
          %add3A_445 = arith.constant 4 : i32
          %add3A_446 = vector.broadcast %add3A_445 : i32 to vector<16xi32>
          %add3A_447 = arith.addi %iota3A, %add3A_446 : vector<16xi32>
          %and3A_448 = arith.constant 15 : i32
          %and3A_449 = vector.broadcast %and3A_448 : i32 to vector<16xi32>
          %and3A_450 = arith.andi %add3A_447, %and3A_449 : vector<16xi32>
          %add3A_451 = vector.broadcast %mul3A_413 : i32 to vector<16xi32>
          %add3A_452 = arith.addi %add3A_451, %and3A_450 : vector<16xi32>
          tpu.vector_store_idx %arg12[%add3A_404, %add3A_452], %broadcast_in_dim3A_3 masked %gt3A_378 : memref<32x512xf32, #tpu.memory_space<vmem>>[vector<16xi32>, vector<16xi32>], vector<16xf32>, vector<16xi1>
          %add3A_453 = arith.constant 5 : i32
          %add3A_454 = vector.broadcast %add3A_453 : i32 to vector<16xi32>
          %add3A_455 = arith.addi %iota3A, %add3A_454 : vector<16xi32>
          %and3A_456 = arith.constant 15 : i32
          %and3A_457 = vector.broadcast %and3A_456 : i32 to vector<16xi32>
          %and3A_458 = arith.andi %add3A_455, %and3A_457 : vector<16xi32>
          %add3A_459 = vector.broadcast %mul3A_413 : i32 to vector<16xi32>
          %add3A_460 = arith.addi %add3A_459, %and3A_458 : vector<16xi32>
          tpu.vector_store_idx %arg12[%add3A_404, %add3A_460], %broadcast_in_dim3A_3 masked %gt3A_378 : memref<32x512xf32, #tpu.memory_space<vmem>>[vector<16xi32>, vector<16xi32>], vector<16xf32>, vector<16xi1>
          %add3A_461 = arith.constant 6 : i32
          %add3A_462 = vector.broadcast %add3A_461 : i32 to vector<16xi32>
          %add3A_463 = arith.addi %iota3A, %add3A_462 : vector<16xi32>
          %and3A_464 = arith.constant 15 : i32
          %and3A_465 = vector.broadcast %and3A_464 : i32 to vector<16xi32>
          %and3A_466 = arith.andi %add3A_463, %and3A_465 : vector<16xi32>
          %add3A_467 = vector.broadcast %mul3A_413 : i32 to vector<16xi32>
          %add3A_468 = arith.addi %add3A_467, %and3A_466 : vector<16xi32>
          tpu.vector_store_idx %arg12[%add3A_404, %add3A_468], %broadcast_in_dim3A_3 masked %gt3A_378 : memref<32x512xf32, #tpu.memory_space<vmem>>[vector<16xi32>, vector<16xi32>], vector<16xf32>, vector<16xi1>
          %add3A_469 = arith.constant 7 : i32
          %add3A_470 = vector.broadcast %add3A_469 : i32 to vector<16xi32>
          %add3A_471 = arith.addi %iota3A, %add3A_470 : vector<16xi32>
          %and3A_472 = arith.constant 15 : i32
          %and3A_473 = vector.broadcast %and3A_472 : i32 to vector<16xi32>
          %and3A_474 = arith.andi %add3A_471, %and3A_473 : vector<16xi32>
          %add3A_475 = vector.broadcast %mul3A_413 : i32 to vector<16xi32>
          %add3A_476 = arith.addi %add3A_475, %and3A_474 : vector<16xi32>
          tpu.vector_store_idx %arg12[%add3A_404, %add3A_476], %broadcast_in_dim3A_3 masked %gt3A_378 : memref<32x512xf32, #tpu.memory_space<vmem>>[vector<16xi32>, vector<16xi32>], vector<16xf32>, vector<16xi1>
          %add3A_477 = arith.constant 8 : i32
          %add3A_478 = vector.broadcast %add3A_477 : i32 to vector<16xi32>
          %add3A_479 = arith.addi %iota3A, %add3A_478 : vector<16xi32>
          %and3A_480 = arith.constant 15 : i32
          %and3A_481 = vector.broadcast %and3A_480 : i32 to vector<16xi32>
          %and3A_482 = arith.andi %add3A_479, %and3A_481 : vector<16xi32>
          %add3A_483 = vector.broadcast %mul3A_413 : i32 to vector<16xi32>
          %add3A_484 = arith.addi %add3A_483, %and3A_482 : vector<16xi32>
          tpu.vector_store_idx %arg12[%add3A_404, %add3A_484], %broadcast_in_dim3A_3 masked %gt3A_378 : memref<32x512xf32, #tpu.memory_space<vmem>>[vector<16xi32>, vector<16xi32>], vector<16xf32>, vector<16xi1>
          %add3A_485 = arith.constant 9 : i32
          %add3A_486 = vector.broadcast %add3A_485 : i32 to vector<16xi32>
          %add3A_487 = arith.addi %iota3A, %add3A_486 : vector<16xi32>
          %and3A_488 = arith.constant 15 : i32
          %and3A_489 = vector.broadcast %and3A_488 : i32 to vector<16xi32>
          %and3A_490 = arith.andi %add3A_487, %and3A_489 : vector<16xi32>
          %add3A_491 = vector.broadcast %mul3A_413 : i32 to vector<16xi32>
          %add3A_492 = arith.addi %add3A_491, %and3A_490 : vector<16xi32>
          tpu.vector_store_idx %arg12[%add3A_404, %add3A_492], %broadcast_in_dim3A_3 masked %gt3A_378 : memref<32x512xf32, #tpu.memory_space<vmem>>[vector<16xi32>, vector<16xi32>], vector<16xf32>, vector<16xi1>
          %add3A_493 = arith.constant 10 : i32
          %add3A_494 = vector.broadcast %add3A_493 : i32 to vector<16xi32>
          %add3A_495 = arith.addi %iota3A, %add3A_494 : vector<16xi32>
          %and3A_496 = arith.constant 15 : i32
          %and3A_497 = vector.broadcast %and3A_496 : i32 to vector<16xi32>
          %and3A_498 = arith.andi %add3A_495, %and3A_497 : vector<16xi32>
          %add3A_499 = vector.broadcast %mul3A_413 : i32 to vector<16xi32>
          %add3A_500 = arith.addi %add3A_499, %and3A_498 : vector<16xi32>
          tpu.vector_store_idx %arg12[%add3A_404, %add3A_500], %broadcast_in_dim3A_3 masked %gt3A_378 : memref<32x512xf32, #tpu.memory_space<vmem>>[vector<16xi32>, vector<16xi32>], vector<16xf32>, vector<16xi1>
          %add3A_501 = arith.constant 11 : i32
          %add3A_502 = vector.broadcast %add3A_501 : i32 to vector<16xi32>
          %add3A_503 = arith.addi %iota3A, %add3A_502 : vector<16xi32>
          %and3A_504 = arith.constant 15 : i32
          %and3A_505 = vector.broadcast %and3A_504 : i32 to vector<16xi32>
          %and3A_506 = arith.andi %add3A_503, %and3A_505 : vector<16xi32>
          %add3A_507 = vector.broadcast %mul3A_413 : i32 to vector<16xi32>
          %add3A_508 = arith.addi %add3A_507, %and3A_506 : vector<16xi32>
          tpu.vector_store_idx %arg12[%add3A_404, %add3A_508], %broadcast_in_dim3A_3 masked %gt3A_378 : memref<32x512xf32, #tpu.memory_space<vmem>>[vector<16xi32>, vector<16xi32>], vector<16xf32>, vector<16xi1>
          %add3A_509 = arith.constant 12 : i32
          %add3A_510 = vector.broadcast %add3A_509 : i32 to vector<16xi32>
          %add3A_511 = arith.addi %iota3A, %add3A_510 : vector<16xi32>
          %and3A_512 = arith.constant 15 : i32
          %and3A_513 = vector.broadcast %and3A_512 : i32 to vector<16xi32>
          %and3A_514 = arith.andi %add3A_511, %and3A_513 : vector<16xi32>
          %add3A_515 = vector.broadcast %mul3A_413 : i32 to vector<16xi32>
          %add3A_516 = arith.addi %add3A_515, %and3A_514 : vector<16xi32>
          tpu.vector_store_idx %arg12[%add3A_404, %add3A_516], %broadcast_in_dim3A_3 masked %gt3A_378 : memref<32x512xf32, #tpu.memory_space<vmem>>[vector<16xi32>, vector<16xi32>], vector<16xf32>, vector<16xi1>
          %add3A_517 = arith.constant 13 : i32
          %add3A_518 = vector.broadcast %add3A_517 : i32 to vector<16xi32>
          %add3A_519 = arith.addi %iota3A, %add3A_518 : vector<16xi32>
          %and3A_520 = arith.constant 15 : i32
          %and3A_521 = vector.broadcast %and3A_520 : i32 to vector<16xi32>
          %and3A_522 = arith.andi %add3A_519, %and3A_521 : vector<16xi32>
          %add3A_523 = vector.broadcast %mul3A_413 : i32 to vector<16xi32>
          %add3A_524 = arith.addi %add3A_523, %and3A_522 : vector<16xi32>
          tpu.vector_store_idx %arg12[%add3A_404, %add3A_524], %broadcast_in_dim3A_3 masked %gt3A_378 : memref<32x512xf32, #tpu.memory_space<vmem>>[vector<16xi32>, vector<16xi32>], vector<16xf32>, vector<16xi1>
          %add3A_525 = arith.constant 14 : i32
          %add3A_526 = vector.broadcast %add3A_525 : i32 to vector<16xi32>
          %add3A_527 = arith.addi %iota3A, %add3A_526 : vector<16xi32>
          %and3A_528 = arith.constant 15 : i32
          %and3A_529 = vector.broadcast %and3A_528 : i32 to vector<16xi32>
          %and3A_530 = arith.andi %add3A_527, %and3A_529 : vector<16xi32>
          %add3A_531 = vector.broadcast %mul3A_413 : i32 to vector<16xi32>
          %add3A_532 = arith.addi %add3A_531, %and3A_530 : vector<16xi32>
          tpu.vector_store_idx %arg12[%add3A_404, %add3A_532], %broadcast_in_dim3A_3 masked %gt3A_378 : memref<32x512xf32, #tpu.memory_space<vmem>>[vector<16xi32>, vector<16xi32>], vector<16xf32>, vector<16xi1>
          %add3A_533 = arith.constant 15 : i32
          %add3A_534 = vector.broadcast %add3A_533 : i32 to vector<16xi32>
          %add3A_535 = arith.addi %iota3A, %add3A_534 : vector<16xi32>
          %and3A_536 = arith.constant 15 : i32
          %and3A_537 = vector.broadcast %and3A_536 : i32 to vector<16xi32>
          %and3A_538 = arith.andi %add3A_535, %and3A_537 : vector<16xi32>
          %add3A_539 = vector.broadcast %mul3A_413 : i32 to vector<16xi32>
          %add3A_540 = arith.addi %add3A_539, %and3A_538 : vector<16xi32>
          tpu.vector_store_idx %arg12[%add3A_404, %add3A_540], %broadcast_in_dim3A_3 masked %gt3A_378 : memref<32x512xf32, #tpu.memory_space<vmem>>[vector<16xi32>, vector<16xi32>], vector<16xf32>, vector<16xi1>
        }
        %scan3A_410 = arith.constant 32 : i32
      } else {
      }
      %multiple_of3A_387 = arith.constant 1936 : i32
      %multiple_of3A_388 = tpu.assume_multiple %multiple_of3A_387, 16 : i32
      %get3A_389 = arith.index_cast %multiple_of3A_388 : i32 to index
      %get3A_390 = tpu.vector_load %arg10[%get3A_389] {strides = array<i32>} : memref<2048xi32, #tpu.memory_space<vmem>>, vector<16xi32>,
      %gt3A_391 = arith.constant 0 : i32
      %gt3A_392 = vector.broadcast %gt3A_391 : i32 to vector<16xi32>
      %gt3A_393 = arith.cmpi sgt, %get3A_390, %gt3A_392 : vector<16xi32>
      %all_reduce_population_count3A_394 = tpu.all_reduce %gt3A_393 {dim = 0 : i64, kind = #tpu.reduction_kind<sum>} : vector<16xi1> -> vector<16xi32>
      %slice3A_395 = vector.extract_strided_slice %all_reduce_population_count3A_394 {offsets = [0], sizes = [1], strides = [1]} : vector<16xi32> to vector<1xi32>
      %squeeze3A_396 = vector.extract %slice3A_395[0] : i32 from vector<1xi32>
      %gt3A_397 = arith.constant 0 : i32
      %gt3A_398 = arith.cmpi sgt, %squeeze3A_396, %gt3A_397 : i32
      %convert_element_type3A_399 = arith.extui %gt3A_398 : i1 to i32
      %cond3A_400 = arith.constant 0 : i32
      %cond3A_401 = arith.cmpi ne, %convert_element_type3A_399, %cond3A_400 : i32
      scf.if %cond3A_401 {
        %add3A_402 = arith.constant 16 : i32
        %add3A_403 = vector.broadcast %add3A_402 : i32 to vector<16xi32>
        %add3A_404 = arith.addi %add3A_403, %iota3A : vector<16xi32>
        %scan3A_405 = arith.constant 0 : i32
        %scan3A_406 = arith.constant 0 : i32
        %scan3A_407 = arith.constant 32 : i32
        %scan3A_408 = arith.addi %scan3A_406, %scan3A_407 : i32
        %scan3A_409 = arith.constant 1 : i32
        scf.for %scan3A_411 = %scan3A_406 to %scan3A_408 step %scan3A_409  : i32 {
          %mul3A_412 = arith.constant 16 : i32
          %mul3A_413 = arith.muli %scan3A_411, %mul3A_412 : i32
          %add3A_414 = arith.constant 0 : i32
          %add3A_415 = vector.broadcast %add3A_414 : i32 to vector<16xi32>
          %add3A_416 = arith.addi %iota3A, %add3A_415 : vector<16xi32>
          %and3A = arith.constant 15 : i32
          %and3A_417 = vector.broadcast %and3A : i32 to vector<16xi32>
          %and3A_418 = arith.andi %add3A_416, %and3A_417 : vector<16xi32>
          %add3A_419 = vector.broadcast %mul3A_413 : i32 to vector<16xi32>
          %add3A_420 = arith.addi %add3A_419, %and3A_418 : vector<16xi32>
          tpu.vector_store_idx %arg12[%add3A_404, %add3A_420], %broadcast_in_dim3A_3 masked %gt3A_393 : memref<32x512xf32, #tpu.memory_space<vmem>>[vector<16xi32>, vector<16xi32>], vector<16xf32>, vector<16xi1>
          %add3A_421 = arith.constant 1 : i32
          %add3A_422 = vector.broadcast %add3A_421 : i32 to vector<16xi32>
          %add3A_423 = arith.addi %iota3A, %add3A_422 : vector<16xi32>
          %and3A_424 = arith.constant 15 : i32
          %and3A_425 = vector.broadcast %and3A_424 : i32 to vector<16xi32>
          %and3A_426 = arith.andi %add3A_423, %and3A_425 : vector<16xi32>
          %add3A_427 = vector.broadcast %mul3A_413 : i32 to vector<16xi32>
          %add3A_428 = arith.addi %add3A_427, %and3A_426 : vector<16xi32>
          tpu.vector_store_idx %arg12[%add3A_404, %add3A_428], %broadcast_in_dim3A_3 masked %gt3A_393 : memref<32x512xf32, #tpu.memory_space<vmem>>[vector<16xi32>, vector<16xi32>], vector<16xf32>, vector<16xi1>
          %add3A_429 = arith.constant 2 : i32
          %add3A_430 = vector.broadcast %add3A_429 : i32 to vector<16xi32>
          %add3A_431 = arith.addi %iota3A, %add3A_430 : vector<16xi32>
          %and3A_432 = arith.constant 15 : i32
          %and3A_433 = vector.broadcast %and3A_432 : i32 to vector<16xi32>
          %and3A_434 = arith.andi %add3A_431, %and3A_433 : vector<16xi32>
          %add3A_435 = vector.broadcast %mul3A_413 : i32 to vector<16xi32>
          %add3A_436 = arith.addi %add3A_435, %and3A_434 : vector<16xi32>
          tpu.vector_store_idx %arg12[%add3A_404, %add3A_436], %broadcast_in_dim3A_3 masked %gt3A_393 : memref<32x512xf32, #tpu.memory_space<vmem>>[vector<16xi32>, vector<16xi32>], vector<16xf32>, vector<16xi1>
          %add3A_437 = arith.constant 3 : i32
          %add3A_438 = vector.broadcast %add3A_437 : i32 to vector<16xi32>
          %add3A_439 = arith.addi %iota3A, %add3A_438 : vector<16xi32>
          %and3A_440 = arith.constant 15 : i32
          %and3A_441 = vector.broadcast %and3A_440 : i32 to vector<16xi32>
          %and3A_442 = arith.andi %add3A_439, %and3A_441 : vector<16xi32>
          %add3A_443 = vector.broadcast %mul3A_413 : i32 to vector<16xi32>
          %add3A_444 = arith.addi %add3A_443, %and3A_442 : vector<16xi32>
          tpu.vector_store_idx %arg12[%add3A_404, %add3A_444], %broadcast_in_dim3A_3 masked %gt3A_393 : memref<32x512xf32, #tpu.memory_space<vmem>>[vector<16xi32>, vector<16xi32>], vector<16xf32>, vector<16xi1>
          %add3A_445 = arith.constant 4 : i32
          %add3A_446 = vector.broadcast %add3A_445 : i32 to vector<16xi32>
          %add3A_447 = arith.addi %iota3A, %add3A_446 : vector<16xi32>
          %and3A_448 = arith.constant 15 : i32
          %and3A_449 = vector.broadcast %and3A_448 : i32 to vector<16xi32>
          %and3A_450 = arith.andi %add3A_447, %and3A_449 : vector<16xi32>
          %add3A_451 = vector.broadcast %mul3A_413 : i32 to vector<16xi32>
          %add3A_452 = arith.addi %add3A_451, %and3A_450 : vector<16xi32>
          tpu.vector_store_idx %arg12[%add3A_404, %add3A_452], %broadcast_in_dim3A_3 masked %gt3A_393 : memref<32x512xf32, #tpu.memory_space<vmem>>[vector<16xi32>, vector<16xi32>], vector<16xf32>, vector<16xi1>
          %add3A_453 = arith.constant 5 : i32
          %add3A_454 = vector.broadcast %add3A_453 : i32 to vector<16xi32>
          %add3A_455 = arith.addi %iota3A, %add3A_454 : vector<16xi32>
          %and3A_456 = arith.constant 15 : i32
          %and3A_457 = vector.broadcast %and3A_456 : i32 to vector<16xi32>
          %and3A_458 = arith.andi %add3A_455, %and3A_457 : vector<16xi32>
          %add3A_459 = vector.broadcast %mul3A_413 : i32 to vector<16xi32>
          %add3A_460 = arith.addi %add3A_459, %and3A_458 : vector<16xi32>
          tpu.vector_store_idx %arg12[%add3A_404, %add3A_460], %broadcast_in_dim3A_3 masked %gt3A_393 : memref<32x512xf32, #tpu.memory_space<vmem>>[vector<16xi32>, vector<16xi32>], vector<16xf32>, vector<16xi1>
          %add3A_461 = arith.constant 6 : i32
          %add3A_462 = vector.broadcast %add3A_461 : i32 to vector<16xi32>
          %add3A_463 = arith.addi %iota3A, %add3A_462 : vector<16xi32>
          %and3A_464 = arith.constant 15 : i32
          %and3A_465 = vector.broadcast %and3A_464 : i32 to vector<16xi32>
          %and3A_466 = arith.andi %add3A_463, %and3A_465 : vector<16xi32>
          %add3A_467 = vector.broadcast %mul3A_413 : i32 to vector<16xi32>
          %add3A_468 = arith.addi %add3A_467, %and3A_466 : vector<16xi32>
          tpu.vector_store_idx %arg12[%add3A_404, %add3A_468], %broadcast_in_dim3A_3 masked %gt3A_393 : memref<32x512xf32, #tpu.memory_space<vmem>>[vector<16xi32>, vector<16xi32>], vector<16xf32>, vector<16xi1>
          %add3A_469 = arith.constant 7 : i32
          %add3A_470 = vector.broadcast %add3A_469 : i32 to vector<16xi32>
          %add3A_471 = arith.addi %iota3A, %add3A_470 : vector<16xi32>
          %and3A_472 = arith.constant 15 : i32
          %and3A_473 = vector.broadcast %and3A_472 : i32 to vector<16xi32>
          %and3A_474 = arith.andi %add3A_471, %and3A_473 : vector<16xi32>
          %add3A_475 = vector.broadcast %mul3A_413 : i32 to vector<16xi32>
          %add3A_476 = arith.addi %add3A_475, %and3A_474 : vector<16xi32>
          tpu.vector_store_idx %arg12[%add3A_404, %add3A_476], %broadcast_in_dim3A_3 masked %gt3A_393 : memref<32x512xf32, #tpu.memory_space<vmem>>[vector<16xi32>, vector<16xi32>], vector<16xf32>, vector<16xi1>
          %add3A_477 = arith.constant 8 : i32
          %add3A_478 = vector.broadcast %add3A_477 : i32 to vector<16xi32>
          %add3A_479 = arith.addi %iota3A, %add3A_478 : vector<16xi32>
          %and3A_480 = arith.constant 15 : i32
          %and3A_481 = vector.broadcast %and3A_480 : i32 to vector<16xi32>
          %and3A_482 = arith.andi %add3A_479, %and3A_481 : vector<16xi32>
          %add3A_483 = vector.broadcast %mul3A_413 : i32 to vector<16xi32>
          %add3A_484 = arith.addi %add3A_483, %and3A_482 : vector<16xi32>
          tpu.vector_store_idx %arg12[%add3A_404, %add3A_484], %broadcast_in_dim3A_3 masked %gt3A_393 : memref<32x512xf32, #tpu.memory_space<vmem>>[vector<16xi32>, vector<16xi32>], vector<16xf32>, vector<16xi1>
          %add3A_485 = arith.constant 9 : i32
          %add3A_486 = vector.broadcast %add3A_485 : i32 to vector<16xi32>
          %add3A_487 = arith.addi %iota3A, %add3A_486 : vector<16xi32>
          %and3A_488 = arith.constant 15 : i32
          %and3A_489 = vector.broadcast %and3A_488 : i32 to vector<16xi32>
          %and3A_490 = arith.andi %add3A_487, %and3A_489 : vector<16xi32>
          %add3A_491 = vector.broadcast %mul3A_413 : i32 to vector<16xi32>
          %add3A_492 = arith.addi %add3A_491, %and3A_490 : vector<16xi32>
          tpu.vector_store_idx %arg12[%add3A_404, %add3A_492], %broadcast_in_dim3A_3 masked %gt3A_393 : memref<32x512xf32, #tpu.memory_space<vmem>>[vector<16xi32>, vector<16xi32>], vector<16xf32>, vector<16xi1>
          %add3A_493 = arith.constant 10 : i32
          %add3A_494 = vector.broadcast %add3A_493 : i32 to vector<16xi32>
          %add3A_495 = arith.addi %iota3A, %add3A_494 : vector<16xi32>
          %and3A_496 = arith.constant 15 : i32
          %and3A_497 = vector.broadcast %and3A_496 : i32 to vector<16xi32>
          %and3A_498 = arith.andi %add3A_495, %and3A_497 : vector<16xi32>
          %add3A_499 = vector.broadcast %mul3A_413 : i32 to vector<16xi32>
          %add3A_500 = arith.addi %add3A_499, %and3A_498 : vector<16xi32>
          tpu.vector_store_idx %arg12[%add3A_404, %add3A_500], %broadcast_in_dim3A_3 masked %gt3A_393 : memref<32x512xf32, #tpu.memory_space<vmem>>[vector<16xi32>, vector<16xi32>], vector<16xf32>, vector<16xi1>
          %add3A_501 = arith.constant 11 : i32
          %add3A_502 = vector.broadcast %add3A_501 : i32 to vector<16xi32>
          %add3A_503 = arith.addi %iota3A, %add3A_502 : vector<16xi32>
          %and3A_504 = arith.constant 15 : i32
          %and3A_505 = vector.broadcast %and3A_504 : i32 to vector<16xi32>
          %and3A_506 = arith.andi %add3A_503, %and3A_505 : vector<16xi32>
          %add3A_507 = vector.broadcast %mul3A_413 : i32 to vector<16xi32>
          %add3A_508 = arith.addi %add3A_507, %and3A_506 : vector<16xi32>
          tpu.vector_store_idx %arg12[%add3A_404, %add3A_508], %broadcast_in_dim3A_3 masked %gt3A_393 : memref<32x512xf32, #tpu.memory_space<vmem>>[vector<16xi32>, vector<16xi32>], vector<16xf32>, vector<16xi1>
          %add3A_509 = arith.constant 12 : i32
          %add3A_510 = vector.broadcast %add3A_509 : i32 to vector<16xi32>
          %add3A_511 = arith.addi %iota3A, %add3A_510 : vector<16xi32>
          %and3A_512 = arith.constant 15 : i32
          %and3A_513 = vector.broadcast %and3A_512 : i32 to vector<16xi32>
          %and3A_514 = arith.andi %add3A_511, %and3A_513 : vector<16xi32>
          %add3A_515 = vector.broadcast %mul3A_413 : i32 to vector<16xi32>
          %add3A_516 = arith.addi %add3A_515, %and3A_514 : vector<16xi32>
          tpu.vector_store_idx %arg12[%add3A_404, %add3A_516], %broadcast_in_dim3A_3 masked %gt3A_393 : memref<32x512xf32, #tpu.memory_space<vmem>>[vector<16xi32>, vector<16xi32>], vector<16xf32>, vector<16xi1>
          %add3A_517 = arith.constant 13 : i32
          %add3A_518 = vector.broadcast %add3A_517 : i32 to vector<16xi32>
          %add3A_519 = arith.addi %iota3A, %add3A_518 : vector<16xi32>
          %and3A_520 = arith.constant 15 : i32
          %and3A_521 = vector.broadcast %and3A_520 : i32 to vector<16xi32>
          %and3A_522 = arith.andi %add3A_519, %and3A_521 : vector<16xi32>
          %add3A_523 = vector.broadcast %mul3A_413 : i32 to vector<16xi32>
          %add3A_524 = arith.addi %add3A_523, %and3A_522 : vector<16xi32>
          tpu.vector_store_idx %arg12[%add3A_404, %add3A_524], %broadcast_in_dim3A_3 masked %gt3A_393 : memref<32x512xf32, #tpu.memory_space<vmem>>[vector<16xi32>, vector<16xi32>], vector<16xf32>, vector<16xi1>
          %add3A_525 = arith.constant 14 : i32
          %add3A_526 = vector.broadcast %add3A_525 : i32 to vector<16xi32>
          %add3A_527 = arith.addi %iota3A, %add3A_526 : vector<16xi32>
          %and3A_528 = arith.constant 15 : i32
          %and3A_529 = vector.broadcast %and3A_528 : i32 to vector<16xi32>
          %and3A_530 = arith.andi %add3A_527, %and3A_529 : vector<16xi32>
          %add3A_531 = vector.broadcast %mul3A_413 : i32 to vector<16xi32>
          %add3A_532 = arith.addi %add3A_531, %and3A_530 : vector<16xi32>
          tpu.vector_store_idx %arg12[%add3A_404, %add3A_532], %broadcast_in_dim3A_3 masked %gt3A_393 : memref<32x512xf32, #tpu.memory_space<vmem>>[vector<16xi32>, vector<16xi32>], vector<16xf32>, vector<16xi1>
          %add3A_533 = arith.constant 15 : i32
          %add3A_534 = vector.broadcast %add3A_533 : i32 to vector<16xi32>
          %add3A_535 = arith.addi %iota3A, %add3A_534 : vector<16xi32>
          %and3A_536 = arith.constant 15 : i32
          %and3A_537 = vector.broadcast %and3A_536 : i32 to vector<16xi32>
          %and3A_538 = arith.andi %add3A_535, %and3A_537 : vector<16xi32>
          %add3A_539 = vector.broadcast %mul3A_413 : i32 to vector<16xi32>
          %add3A_540 = arith.addi %add3A_539, %and3A_538 : vector<16xi32>
          tpu.vector_store_idx %arg12[%add3A_404, %add3A_540], %broadcast_in_dim3A_3 masked %gt3A_393 : memref<32x512xf32, #tpu.memory_space<vmem>>[vector<16xi32>, vector<16xi32>], vector<16xf32>, vector<16xi1>
        }
        %scan3A_410 = arith.constant 32 : i32
      } else {
      }
    } else {
    }
    %add3A_271 = arith.constant 1920 : i32
    %add3A_272 = arith.addi %multiple_of3A, %add3A_271 : i32
    %multiple_of3A_273 = tpu.assume_multiple %add3A_272, 32 : i32
    %dma_start3A_274 = arith.constant 0 : i32
    %dma_start3A_275 = tpu.memref_slice %arg5[%multiple_of3A_273, %dma_start3A_274] : memref<65536x512xf32, #tpu.memory_space<hbm>> -> memref<32x512xf32, #tpu.memory_space<hbm>>
    %dma_start3A_276 = arith.constant 0 : i32
    %dma_start3A_277 = tpu.memref_slice %arg5[%multiple_of3A_273, %dma_start3A_276] : memref<65536x512xf32, #tpu.memory_space<hbm>> -> memref<32x512xf32, #tpu.memory_space<hbm>>
    tpu.enqueue_dma source(%arg12 : memref<32x512xf32, #tpu.memory_space<vmem>>) target(%dma_start3A_277 : memref<32x512xf32, #tpu.memory_space<hbm>>) target_semaphore(%arg20 : memref<!tpu.dma_semaphore, #tpu.memory_space<semaphore_mem>>)
    %add3A_278 = arith.constant 1920 : i32
    %add3A_279 = arith.addi %multiple_of3A, %add3A_278 : i32
    %multiple_of3A_280 = tpu.assume_multiple %add3A_279, 32 : i32
    %dma_wait3A_281 = arith.constant 0 : i32
    %dma_wait3A_282 = tpu.memref_slice %arg5[%multiple_of3A_280, %dma_wait3A_281] : memref<65536x512xf32, #tpu.memory_space<hbm>> -> memref<32x512xf32, #tpu.memory_space<hbm>>
    %dma_wait3A_283 = arith.constant 0 : i32
    %dma_wait3A_284 = tpu.memref_slice %arg5[%multiple_of3A_280, %dma_wait3A_283] : memref<65536x512xf32, #tpu.memory_space<hbm>> -> memref<32x512xf32, #tpu.memory_space<hbm>>
    tpu.wait_dma2 semaphore(%arg20 : memref<!tpu.dma_semaphore, #tpu.memory_space<semaphore_mem>>) src(%arg12 : memref<32x512xf32, #tpu.memory_space<vmem>>) dst(%dma_wait3A_284 : memref<32x512xf32, #tpu.memory_space<hbm>>)
    %multiple_of3A_285 = arith.constant 1952 : i32
    %multiple_of3A_286 = tpu.assume_multiple %multiple_of3A_285, 32 : i32
    %dma_wait3A_287 = tpu.memref_slice %arg9[%multiple_of3A_286] : memref<2048xi32, #tpu.memory_space<vmem>> -> memref<32xi32, #tpu.memory_space<vmem>>
    %dma_wait3A_288 = arith.constant 0 : i32
    %dma_wait3A_289 = arith.constant 0 : i32
    %dma_wait3A_290 = tpu.memref_slice %arg2[%dma_wait3A_288, %dma_wait3A_289] : memref<32768x512xf32, #tpu.memory_space<hbm>> -> memref<32768x512xf32, #tpu.memory_space<hbm>>
    tpu.wait_indirect_dma semaphore(%arg17 : memref<!tpu.dma_semaphore, #tpu.memory_space<semaphore_mem>>) src(%dma_wait3A_290 : memref<32768x512xf32, #tpu.memory_space<hbm>>) dst(%arg13 : memref<32x512xf32, #tpu.memory_space<vmem>>)
    %get3A_291 = arith.constant 976 : index
    %get3A_292 = tpu.vector_load %arg11[%get3A_291] {strides = array<i32>} : memref<1024xi32, #tpu.memory_space<vmem>>, vector<16xi32>,
    %slice3A_293 = vector.extract_strided_slice %get3A_292 {offsets = [0], sizes = [1], strides = [1]} : vector<16xi32> to vector<1xi32>
    %squeeze3A_294 = vector.extract %slice3A_293[0] : i32 from vector<1xi32>
    %gt3A_295 = arith.constant 0 : i32
    %gt3A_296 = arith.cmpi sgt, %squeeze3A_294, %gt3A_295 : i32
    %convert_element_type3A_297 = arith.extui %gt3A_296 : i1 to i32
    %cond3A_298 = arith.constant 0 : i32
    %cond3A_299 = arith.cmpi ne, %convert_element_type3A_297, %cond3A_298 : i32
    scf.if %cond3A_299 {
      %multiple_of3A_372 = arith.constant 1952 : i32
      %multiple_of3A_373 = tpu.assume_multiple %multiple_of3A_372, 16 : i32
      %get3A_374 = arith.index_cast %multiple_of3A_373 : i32 to index
      %get3A_375 = tpu.vector_load %arg10[%get3A_374] {strides = array<i32>} : memref<2048xi32, #tpu.memory_space<vmem>>, vector<16xi32>,
      %gt3A_376 = arith.constant 0 : i32
      %gt3A_377 = vector.broadcast %gt3A_376 : i32 to vector<16xi32>
      %gt3A_378 = arith.cmpi sgt, %get3A_375, %gt3A_377 : vector<16xi32>
      %all_reduce_population_count3A_379 = tpu.all_reduce %gt3A_378 {dim = 0 : i64, kind = #tpu.reduction_kind<sum>} : vector<16xi1> -> vector<16xi32>
      %slice3A_380 = vector.extract_strided_slice %all_reduce_population_count3A_379 {offsets = [0], sizes = [1], strides = [1]} : vector<16xi32> to vector<1xi32>
      %squeeze3A_381 = vector.extract %slice3A_380[0] : i32 from vector<1xi32>
      %gt3A_382 = arith.constant 0 : i32
      %gt3A_383 = arith.cmpi sgt, %squeeze3A_381, %gt3A_382 : i32
      %convert_element_type3A_384 = arith.extui %gt3A_383 : i1 to i32
      %cond3A_385 = arith.constant 0 : i32
      %cond3A_386 = arith.cmpi ne, %convert_element_type3A_384, %cond3A_385 : i32
      scf.if %cond3A_386 {
        %add3A_402 = arith.constant 0 : i32
        %add3A_403 = vector.broadcast %add3A_402 : i32 to vector<16xi32>
        %add3A_404 = arith.addi %add3A_403, %iota3A : vector<16xi32>
        %scan3A_405 = arith.constant 0 : i32
        %scan3A_406 = arith.constant 0 : i32
        %scan3A_407 = arith.constant 32 : i32
        %scan3A_408 = arith.addi %scan3A_406, %scan3A_407 : i32
        %scan3A_409 = arith.constant 1 : i32
        scf.for %scan3A_411 = %scan3A_406 to %scan3A_408 step %scan3A_409  : i32 {
          %mul3A_412 = arith.constant 16 : i32
          %mul3A_413 = arith.muli %scan3A_411, %mul3A_412 : i32
          %add3A_414 = arith.constant 0 : i32
          %add3A_415 = vector.broadcast %add3A_414 : i32 to vector<16xi32>
          %add3A_416 = arith.addi %iota3A, %add3A_415 : vector<16xi32>
          %and3A = arith.constant 15 : i32
          %and3A_417 = vector.broadcast %and3A : i32 to vector<16xi32>
          %and3A_418 = arith.andi %add3A_416, %and3A_417 : vector<16xi32>
          %add3A_419 = vector.broadcast %mul3A_413 : i32 to vector<16xi32>
          %add3A_420 = arith.addi %add3A_419, %and3A_418 : vector<16xi32>
          tpu.vector_store_idx %arg13[%add3A_404, %add3A_420], %broadcast_in_dim3A_3 masked %gt3A_378 : memref<32x512xf32, #tpu.memory_space<vmem>>[vector<16xi32>, vector<16xi32>], vector<16xf32>, vector<16xi1>
          %add3A_421 = arith.constant 1 : i32
          %add3A_422 = vector.broadcast %add3A_421 : i32 to vector<16xi32>
          %add3A_423 = arith.addi %iota3A, %add3A_422 : vector<16xi32>
          %and3A_424 = arith.constant 15 : i32
          %and3A_425 = vector.broadcast %and3A_424 : i32 to vector<16xi32>
          %and3A_426 = arith.andi %add3A_423, %and3A_425 : vector<16xi32>
          %add3A_427 = vector.broadcast %mul3A_413 : i32 to vector<16xi32>
          %add3A_428 = arith.addi %add3A_427, %and3A_426 : vector<16xi32>
          tpu.vector_store_idx %arg13[%add3A_404, %add3A_428], %broadcast_in_dim3A_3 masked %gt3A_378 : memref<32x512xf32, #tpu.memory_space<vmem>>[vector<16xi32>, vector<16xi32>], vector<16xf32>, vector<16xi1>
          %add3A_429 = arith.constant 2 : i32
          %add3A_430 = vector.broadcast %add3A_429 : i32 to vector<16xi32>
          %add3A_431 = arith.addi %iota3A, %add3A_430 : vector<16xi32>
          %and3A_432 = arith.constant 15 : i32
          %and3A_433 = vector.broadcast %and3A_432 : i32 to vector<16xi32>
          %and3A_434 = arith.andi %add3A_431, %and3A_433 : vector<16xi32>
          %add3A_435 = vector.broadcast %mul3A_413 : i32 to vector<16xi32>
          %add3A_436 = arith.addi %add3A_435, %and3A_434 : vector<16xi32>
          tpu.vector_store_idx %arg13[%add3A_404, %add3A_436], %broadcast_in_dim3A_3 masked %gt3A_378 : memref<32x512xf32, #tpu.memory_space<vmem>>[vector<16xi32>, vector<16xi32>], vector<16xf32>, vector<16xi1>
          %add3A_437 = arith.constant 3 : i32
          %add3A_438 = vector.broadcast %add3A_437 : i32 to vector<16xi32>
          %add3A_439 = arith.addi %iota3A, %add3A_438 : vector<16xi32>
          %and3A_440 = arith.constant 15 : i32
          %and3A_441 = vector.broadcast %and3A_440 : i32 to vector<16xi32>
          %and3A_442 = arith.andi %add3A_439, %and3A_441 : vector<16xi32>
          %add3A_443 = vector.broadcast %mul3A_413 : i32 to vector<16xi32>
          %add3A_444 = arith.addi %add3A_443, %and3A_442 : vector<16xi32>
          tpu.vector_store_idx %arg13[%add3A_404, %add3A_444], %broadcast_in_dim3A_3 masked %gt3A_378 : memref<32x512xf32, #tpu.memory_space<vmem>>[vector<16xi32>, vector<16xi32>], vector<16xf32>, vector<16xi1>
          %add3A_445 = arith.constant 4 : i32
          %add3A_446 = vector.broadcast %add3A_445 : i32 to vector<16xi32>
          %add3A_447 = arith.addi %iota3A, %add3A_446 : vector<16xi32>
          %and3A_448 = arith.constant 15 : i32
          %and3A_449 = vector.broadcast %and3A_448 : i32 to vector<16xi32>
          %and3A_450 = arith.andi %add3A_447, %and3A_449 : vector<16xi32>
          %add3A_451 = vector.broadcast %mul3A_413 : i32 to vector<16xi32>
          %add3A_452 = arith.addi %add3A_451, %and3A_450 : vector<16xi32>
          tpu.vector_store_idx %arg13[%add3A_404, %add3A_452], %broadcast_in_dim3A_3 masked %gt3A_378 : memref<32x512xf32, #tpu.memory_space<vmem>>[vector<16xi32>, vector<16xi32>], vector<16xf32>, vector<16xi1>
          %add3A_453 = arith.constant 5 : i32
          %add3A_454 = vector.broadcast %add3A_453 : i32 to vector<16xi32>
          %add3A_455 = arith.addi %iota3A, %add3A_454 : vector<16xi32>
          %and3A_456 = arith.constant 15 : i32
          %and3A_457 = vector.broadcast %and3A_456 : i32 to vector<16xi32>
          %and3A_458 = arith.andi %add3A_455, %and3A_457 : vector<16xi32>
          %add3A_459 = vector.broadcast %mul3A_413 : i32 to vector<16xi32>
          %add3A_460 = arith.addi %add3A_459, %and3A_458 : vector<16xi32>
          tpu.vector_store_idx %arg13[%add3A_404, %add3A_460], %broadcast_in_dim3A_3 masked %gt3A_378 : memref<32x512xf32, #tpu.memory_space<vmem>>[vector<16xi32>, vector<16xi32>], vector<16xf32>, vector<16xi1>
          %add3A_461 = arith.constant 6 : i32
          %add3A_462 = vector.broadcast %add3A_461 : i32 to vector<16xi32>
          %add3A_463 = arith.addi %iota3A, %add3A_462 : vector<16xi32>
          %and3A_464 = arith.constant 15 : i32
          %and3A_465 = vector.broadcast %and3A_464 : i32 to vector<16xi32>
          %and3A_466 = arith.andi %add3A_463, %and3A_465 : vector<16xi32>
          %add3A_467 = vector.broadcast %mul3A_413 : i32 to vector<16xi32>
          %add3A_468 = arith.addi %add3A_467, %and3A_466 : vector<16xi32>
          tpu.vector_store_idx %arg13[%add3A_404, %add3A_468], %broadcast_in_dim3A_3 masked %gt3A_378 : memref<32x512xf32, #tpu.memory_space<vmem>>[vector<16xi32>, vector<16xi32>], vector<16xf32>, vector<16xi1>
          %add3A_469 = arith.constant 7 : i32
          %add3A_470 = vector.broadcast %add3A_469 : i32 to vector<16xi32>
          %add3A_471 = arith.addi %iota3A, %add3A_470 : vector<16xi32>
          %and3A_472 = arith.constant 15 : i32
          %and3A_473 = vector.broadcast %and3A_472 : i32 to vector<16xi32>
          %and3A_474 = arith.andi %add3A_471, %and3A_473 : vector<16xi32>
          %add3A_475 = vector.broadcast %mul3A_413 : i32 to vector<16xi32>
          %add3A_476 = arith.addi %add3A_475, %and3A_474 : vector<16xi32>
          tpu.vector_store_idx %arg13[%add3A_404, %add3A_476], %broadcast_in_dim3A_3 masked %gt3A_378 : memref<32x512xf32, #tpu.memory_space<vmem>>[vector<16xi32>, vector<16xi32>], vector<16xf32>, vector<16xi1>
          %add3A_477 = arith.constant 8 : i32
          %add3A_478 = vector.broadcast %add3A_477 : i32 to vector<16xi32>
          %add3A_479 = arith.addi %iota3A, %add3A_478 : vector<16xi32>
          %and3A_480 = arith.constant 15 : i32
          %and3A_481 = vector.broadcast %and3A_480 : i32 to vector<16xi32>
          %and3A_482 = arith.andi %add3A_479, %and3A_481 : vector<16xi32>
          %add3A_483 = vector.broadcast %mul3A_413 : i32 to vector<16xi32>
          %add3A_484 = arith.addi %add3A_483, %and3A_482 : vector<16xi32>
          tpu.vector_store_idx %arg13[%add3A_404, %add3A_484], %broadcast_in_dim3A_3 masked %gt3A_378 : memref<32x512xf32, #tpu.memory_space<vmem>>[vector<16xi32>, vector<16xi32>], vector<16xf32>, vector<16xi1>
          %add3A_485 = arith.constant 9 : i32
          %add3A_486 = vector.broadcast %add3A_485 : i32 to vector<16xi32>
          %add3A_487 = arith.addi %iota3A, %add3A_486 : vector<16xi32>
          %and3A_488 = arith.constant 15 : i32
          %and3A_489 = vector.broadcast %and3A_488 : i32 to vector<16xi32>
          %and3A_490 = arith.andi %add3A_487, %and3A_489 : vector<16xi32>
          %add3A_491 = vector.broadcast %mul3A_413 : i32 to vector<16xi32>
          %add3A_492 = arith.addi %add3A_491, %and3A_490 : vector<16xi32>
          tpu.vector_store_idx %arg13[%add3A_404, %add3A_492], %broadcast_in_dim3A_3 masked %gt3A_378 : memref<32x512xf32, #tpu.memory_space<vmem>>[vector<16xi32>, vector<16xi32>], vector<16xf32>, vector<16xi1>
          %add3A_493 = arith.constant 10 : i32
          %add3A_494 = vector.broadcast %add3A_493 : i32 to vector<16xi32>
          %add3A_495 = arith.addi %iota3A, %add3A_494 : vector<16xi32>
          %and3A_496 = arith.constant 15 : i32
          %and3A_497 = vector.broadcast %and3A_496 : i32 to vector<16xi32>
          %and3A_498 = arith.andi %add3A_495, %and3A_497 : vector<16xi32>
          %add3A_499 = vector.broadcast %mul3A_413 : i32 to vector<16xi32>
          %add3A_500 = arith.addi %add3A_499, %and3A_498 : vector<16xi32>
          tpu.vector_store_idx %arg13[%add3A_404, %add3A_500], %broadcast_in_dim3A_3 masked %gt3A_378 : memref<32x512xf32, #tpu.memory_space<vmem>>[vector<16xi32>, vector<16xi32>], vector<16xf32>, vector<16xi1>
          %add3A_501 = arith.constant 11 : i32
          %add3A_502 = vector.broadcast %add3A_501 : i32 to vector<16xi32>
          %add3A_503 = arith.addi %iota3A, %add3A_502 : vector<16xi32>
          %and3A_504 = arith.constant 15 : i32
          %and3A_505 = vector.broadcast %and3A_504 : i32 to vector<16xi32>
          %and3A_506 = arith.andi %add3A_503, %and3A_505 : vector<16xi32>
          %add3A_507 = vector.broadcast %mul3A_413 : i32 to vector<16xi32>
          %add3A_508 = arith.addi %add3A_507, %and3A_506 : vector<16xi32>
          tpu.vector_store_idx %arg13[%add3A_404, %add3A_508], %broadcast_in_dim3A_3 masked %gt3A_378 : memref<32x512xf32, #tpu.memory_space<vmem>>[vector<16xi32>, vector<16xi32>], vector<16xf32>, vector<16xi1>
          %add3A_509 = arith.constant 12 : i32
          %add3A_510 = vector.broadcast %add3A_509 : i32 to vector<16xi32>
          %add3A_511 = arith.addi %iota3A, %add3A_510 : vector<16xi32>
          %and3A_512 = arith.constant 15 : i32
          %and3A_513 = vector.broadcast %and3A_512 : i32 to vector<16xi32>
          %and3A_514 = arith.andi %add3A_511, %and3A_513 : vector<16xi32>
          %add3A_515 = vector.broadcast %mul3A_413 : i32 to vector<16xi32>
          %add3A_516 = arith.addi %add3A_515, %and3A_514 : vector<16xi32>
          tpu.vector_store_idx %arg13[%add3A_404, %add3A_516], %broadcast_in_dim3A_3 masked %gt3A_378 : memref<32x512xf32, #tpu.memory_space<vmem>>[vector<16xi32>, vector<16xi32>], vector<16xf32>, vector<16xi1>
          %add3A_517 = arith.constant 13 : i32
          %add3A_518 = vector.broadcast %add3A_517 : i32 to vector<16xi32>
          %add3A_519 = arith.addi %iota3A, %add3A_518 : vector<16xi32>
          %and3A_520 = arith.constant 15 : i32
          %and3A_521 = vector.broadcast %and3A_520 : i32 to vector<16xi32>
          %and3A_522 = arith.andi %add3A_519, %and3A_521 : vector<16xi32>
          %add3A_523 = vector.broadcast %mul3A_413 : i32 to vector<16xi32>
          %add3A_524 = arith.addi %add3A_523, %and3A_522 : vector<16xi32>
          tpu.vector_store_idx %arg13[%add3A_404, %add3A_524], %broadcast_in_dim3A_3 masked %gt3A_378 : memref<32x512xf32, #tpu.memory_space<vmem>>[vector<16xi32>, vector<16xi32>], vector<16xf32>, vector<16xi1>
          %add3A_525 = arith.constant 14 : i32
          %add3A_526 = vector.broadcast %add3A_525 : i32 to vector<16xi32>
          %add3A_527 = arith.addi %iota3A, %add3A_526 : vector<16xi32>
          %and3A_528 = arith.constant 15 : i32
          %and3A_529 = vector.broadcast %and3A_528 : i32 to vector<16xi32>
          %and3A_530 = arith.andi %add3A_527, %and3A_529 : vector<16xi32>
          %add3A_531 = vector.broadcast %mul3A_413 : i32 to vector<16xi32>
          %add3A_532 = arith.addi %add3A_531, %and3A_530 : vector<16xi32>
          tpu.vector_store_idx %arg13[%add3A_404, %add3A_532], %broadcast_in_dim3A_3 masked %gt3A_378 : memref<32x512xf32, #tpu.memory_space<vmem>>[vector<16xi32>, vector<16xi32>], vector<16xf32>, vector<16xi1>
          %add3A_533 = arith.constant 15 : i32
          %add3A_534 = vector.broadcast %add3A_533 : i32 to vector<16xi32>
          %add3A_535 = arith.addi %iota3A, %add3A_534 : vector<16xi32>
          %and3A_536 = arith.constant 15 : i32
          %and3A_537 = vector.broadcast %and3A_536 : i32 to vector<16xi32>
          %and3A_538 = arith.andi %add3A_535, %and3A_537 : vector<16xi32>
          %add3A_539 = vector.broadcast %mul3A_413 : i32 to vector<16xi32>
          %add3A_540 = arith.addi %add3A_539, %and3A_538 : vector<16xi32>
          tpu.vector_store_idx %arg13[%add3A_404, %add3A_540], %broadcast_in_dim3A_3 masked %gt3A_378 : memref<32x512xf32, #tpu.memory_space<vmem>>[vector<16xi32>, vector<16xi32>], vector<16xf32>, vector<16xi1>
        }
        %scan3A_410 = arith.constant 32 : i32
      } else {
      }
      %multiple_of3A_387 = arith.constant 1968 : i32
      %multiple_of3A_388 = tpu.assume_multiple %multiple_of3A_387, 16 : i32
      %get3A_389 = arith.index_cast %multiple_of3A_388 : i32 to index
      %get3A_390 = tpu.vector_load %arg10[%get3A_389] {strides = array<i32>} : memref<2048xi32, #tpu.memory_space<vmem>>, vector<16xi32>,
      %gt3A_391 = arith.constant 0 : i32
      %gt3A_392 = vector.broadcast %gt3A_391 : i32 to vector<16xi32>
      %gt3A_393 = arith.cmpi sgt, %get3A_390, %gt3A_392 : vector<16xi32>
      %all_reduce_population_count3A_394 = tpu.all_reduce %gt3A_393 {dim = 0 : i64, kind = #tpu.reduction_kind<sum>} : vector<16xi1> -> vector<16xi32>
      %slice3A_395 = vector.extract_strided_slice %all_reduce_population_count3A_394 {offsets = [0], sizes = [1], strides = [1]} : vector<16xi32> to vector<1xi32>
      %squeeze3A_396 = vector.extract %slice3A_395[0] : i32 from vector<1xi32>
      %gt3A_397 = arith.constant 0 : i32
      %gt3A_398 = arith.cmpi sgt, %squeeze3A_396, %gt3A_397 : i32
      %convert_element_type3A_399 = arith.extui %gt3A_398 : i1 to i32
      %cond3A_400 = arith.constant 0 : i32
      %cond3A_401 = arith.cmpi ne, %convert_element_type3A_399, %cond3A_400 : i32
      scf.if %cond3A_401 {
        %add3A_402 = arith.constant 16 : i32
        %add3A_403 = vector.broadcast %add3A_402 : i32 to vector<16xi32>
        %add3A_404 = arith.addi %add3A_403, %iota3A : vector<16xi32>
        %scan3A_405 = arith.constant 0 : i32
        %scan3A_406 = arith.constant 0 : i32
        %scan3A_407 = arith.constant 32 : i32
        %scan3A_408 = arith.addi %scan3A_406, %scan3A_407 : i32
        %scan3A_409 = arith.constant 1 : i32
        scf.for %scan3A_411 = %scan3A_406 to %scan3A_408 step %scan3A_409  : i32 {
          %mul3A_412 = arith.constant 16 : i32
          %mul3A_413 = arith.muli %scan3A_411, %mul3A_412 : i32
          %add3A_414 = arith.constant 0 : i32
          %add3A_415 = vector.broadcast %add3A_414 : i32 to vector<16xi32>
          %add3A_416 = arith.addi %iota3A, %add3A_415 : vector<16xi32>
          %and3A = arith.constant 15 : i32
          %and3A_417 = vector.broadcast %and3A : i32 to vector<16xi32>
          %and3A_418 = arith.andi %add3A_416, %and3A_417 : vector<16xi32>
          %add3A_419 = vector.broadcast %mul3A_413 : i32 to vector<16xi32>
          %add3A_420 = arith.addi %add3A_419, %and3A_418 : vector<16xi32>
          tpu.vector_store_idx %arg13[%add3A_404, %add3A_420], %broadcast_in_dim3A_3 masked %gt3A_393 : memref<32x512xf32, #tpu.memory_space<vmem>>[vector<16xi32>, vector<16xi32>], vector<16xf32>, vector<16xi1>
          %add3A_421 = arith.constant 1 : i32
          %add3A_422 = vector.broadcast %add3A_421 : i32 to vector<16xi32>
          %add3A_423 = arith.addi %iota3A, %add3A_422 : vector<16xi32>
          %and3A_424 = arith.constant 15 : i32
          %and3A_425 = vector.broadcast %and3A_424 : i32 to vector<16xi32>
          %and3A_426 = arith.andi %add3A_423, %and3A_425 : vector<16xi32>
          %add3A_427 = vector.broadcast %mul3A_413 : i32 to vector<16xi32>
          %add3A_428 = arith.addi %add3A_427, %and3A_426 : vector<16xi32>
          tpu.vector_store_idx %arg13[%add3A_404, %add3A_428], %broadcast_in_dim3A_3 masked %gt3A_393 : memref<32x512xf32, #tpu.memory_space<vmem>>[vector<16xi32>, vector<16xi32>], vector<16xf32>, vector<16xi1>
          %add3A_429 = arith.constant 2 : i32
          %add3A_430 = vector.broadcast %add3A_429 : i32 to vector<16xi32>
          %add3A_431 = arith.addi %iota3A, %add3A_430 : vector<16xi32>
          %and3A_432 = arith.constant 15 : i32
          %and3A_433 = vector.broadcast %and3A_432 : i32 to vector<16xi32>
          %and3A_434 = arith.andi %add3A_431, %and3A_433 : vector<16xi32>
          %add3A_435 = vector.broadcast %mul3A_413 : i32 to vector<16xi32>
          %add3A_436 = arith.addi %add3A_435, %and3A_434 : vector<16xi32>
          tpu.vector_store_idx %arg13[%add3A_404, %add3A_436], %broadcast_in_dim3A_3 masked %gt3A_393 : memref<32x512xf32, #tpu.memory_space<vmem>>[vector<16xi32>, vector<16xi32>], vector<16xf32>, vector<16xi1>
          %add3A_437 = arith.constant 3 : i32
          %add3A_438 = vector.broadcast %add3A_437 : i32 to vector<16xi32>
          %add3A_439 = arith.addi %iota3A, %add3A_438 : vector<16xi32>
          %and3A_440 = arith.constant 15 : i32
          %and3A_441 = vector.broadcast %and3A_440 : i32 to vector<16xi32>
          %and3A_442 = arith.andi %add3A_439, %and3A_441 : vector<16xi32>
          %add3A_443 = vector.broadcast %mul3A_413 : i32 to vector<16xi32>
          %add3A_444 = arith.addi %add3A_443, %and3A_442 : vector<16xi32>
          tpu.vector_store_idx %arg13[%add3A_404, %add3A_444], %broadcast_in_dim3A_3 masked %gt3A_393 : memref<32x512xf32, #tpu.memory_space<vmem>>[vector<16xi32>, vector<16xi32>], vector<16xf32>, vector<16xi1>
          %add3A_445 = arith.constant 4 : i32
          %add3A_446 = vector.broadcast %add3A_445 : i32 to vector<16xi32>
          %add3A_447 = arith.addi %iota3A, %add3A_446 : vector<16xi32>
          %and3A_448 = arith.constant 15 : i32
          %and3A_449 = vector.broadcast %and3A_448 : i32 to vector<16xi32>
          %and3A_450 = arith.andi %add3A_447, %and3A_449 : vector<16xi32>
          %add3A_451 = vector.broadcast %mul3A_413 : i32 to vector<16xi32>
          %add3A_452 = arith.addi %add3A_451, %and3A_450 : vector<16xi32>
          tpu.vector_store_idx %arg13[%add3A_404, %add3A_452], %broadcast_in_dim3A_3 masked %gt3A_393 : memref<32x512xf32, #tpu.memory_space<vmem>>[vector<16xi32>, vector<16xi32>], vector<16xf32>, vector<16xi1>
          %add3A_453 = arith.constant 5 : i32
          %add3A_454 = vector.broadcast %add3A_453 : i32 to vector<16xi32>
          %add3A_455 = arith.addi %iota3A, %add3A_454 : vector<16xi32>
          %and3A_456 = arith.constant 15 : i32
          %and3A_457 = vector.broadcast %and3A_456 : i32 to vector<16xi32>
          %and3A_458 = arith.andi %add3A_455, %and3A_457 : vector<16xi32>
          %add3A_459 = vector.broadcast %mul3A_413 : i32 to vector<16xi32>
          %add3A_460 = arith.addi %add3A_459, %and3A_458 : vector<16xi32>
          tpu.vector_store_idx %arg13[%add3A_404, %add3A_460], %broadcast_in_dim3A_3 masked %gt3A_393 : memref<32x512xf32, #tpu.memory_space<vmem>>[vector<16xi32>, vector<16xi32>], vector<16xf32>, vector<16xi1>
          %add3A_461 = arith.constant 6 : i32
          %add3A_462 = vector.broadcast %add3A_461 : i32 to vector<16xi32>
          %add3A_463 = arith.addi %iota3A, %add3A_462 : vector<16xi32>
          %and3A_464 = arith.constant 15 : i32
          %and3A_465 = vector.broadcast %and3A_464 : i32 to vector<16xi32>
          %and3A_466 = arith.andi %add3A_463, %and3A_465 : vector<16xi32>
          %add3A_467 = vector.broadcast %mul3A_413 : i32 to vector<16xi32>
          %add3A_468 = arith.addi %add3A_467, %and3A_466 : vector<16xi32>
          tpu.vector_store_idx %arg13[%add3A_404, %add3A_468], %broadcast_in_dim3A_3 masked %gt3A_393 : memref<32x512xf32, #tpu.memory_space<vmem>>[vector<16xi32>, vector<16xi32>], vector<16xf32>, vector<16xi1>
          %add3A_469 = arith.constant 7 : i32
          %add3A_470 = vector.broadcast %add3A_469 : i32 to vector<16xi32>
          %add3A_471 = arith.addi %iota3A, %add3A_470 : vector<16xi32>
          %and3A_472 = arith.constant 15 : i32
          %and3A_473 = vector.broadcast %and3A_472 : i32 to vector<16xi32>
          %and3A_474 = arith.andi %add3A_471, %and3A_473 : vector<16xi32>
          %add3A_475 = vector.broadcast %mul3A_413 : i32 to vector<16xi32>
          %add3A_476 = arith.addi %add3A_475, %and3A_474 : vector<16xi32>
          tpu.vector_store_idx %arg13[%add3A_404, %add3A_476], %broadcast_in_dim3A_3 masked %gt3A_393 : memref<32x512xf32, #tpu.memory_space<vmem>>[vector<16xi32>, vector<16xi32>], vector<16xf32>, vector<16xi1>
          %add3A_477 = arith.constant 8 : i32
          %add3A_478 = vector.broadcast %add3A_477 : i32 to vector<16xi32>
          %add3A_479 = arith.addi %iota3A, %add3A_478 : vector<16xi32>
          %and3A_480 = arith.constant 15 : i32
          %and3A_481 = vector.broadcast %and3A_480 : i32 to vector<16xi32>
          %and3A_482 = arith.andi %add3A_479, %and3A_481 : vector<16xi32>
          %add3A_483 = vector.broadcast %mul3A_413 : i32 to vector<16xi32>
          %add3A_484 = arith.addi %add3A_483, %and3A_482 : vector<16xi32>
          tpu.vector_store_idx %arg13[%add3A_404, %add3A_484], %broadcast_in_dim3A_3 masked %gt3A_393 : memref<32x512xf32, #tpu.memory_space<vmem>>[vector<16xi32>, vector<16xi32>], vector<16xf32>, vector<16xi1>
          %add3A_485 = arith.constant 9 : i32
          %add3A_486 = vector.broadcast %add3A_485 : i32 to vector<16xi32>
          %add3A_487 = arith.addi %iota3A, %add3A_486 : vector<16xi32>
          %and3A_488 = arith.constant 15 : i32
          %and3A_489 = vector.broadcast %and3A_488 : i32 to vector<16xi32>
          %and3A_490 = arith.andi %add3A_487, %and3A_489 : vector<16xi32>
          %add3A_491 = vector.broadcast %mul3A_413 : i32 to vector<16xi32>
          %add3A_492 = arith.addi %add3A_491, %and3A_490 : vector<16xi32>
          tpu.vector_store_idx %arg13[%add3A_404, %add3A_492], %broadcast_in_dim3A_3 masked %gt3A_393 : memref<32x512xf32, #tpu.memory_space<vmem>>[vector<16xi32>, vector<16xi32>], vector<16xf32>, vector<16xi1>
          %add3A_493 = arith.constant 10 : i32
          %add3A_494 = vector.broadcast %add3A_493 : i32 to vector<16xi32>
          %add3A_495 = arith.addi %iota3A, %add3A_494 : vector<16xi32>
          %and3A_496 = arith.constant 15 : i32
          %and3A_497 = vector.broadcast %and3A_496 : i32 to vector<16xi32>
          %and3A_498 = arith.andi %add3A_495, %and3A_497 : vector<16xi32>
          %add3A_499 = vector.broadcast %mul3A_413 : i32 to vector<16xi32>
          %add3A_500 = arith.addi %add3A_499, %and3A_498 : vector<16xi32>
          tpu.vector_store_idx %arg13[%add3A_404, %add3A_500], %broadcast_in_dim3A_3 masked %gt3A_393 : memref<32x512xf32, #tpu.memory_space<vmem>>[vector<16xi32>, vector<16xi32>], vector<16xf32>, vector<16xi1>
          %add3A_501 = arith.constant 11 : i32
          %add3A_502 = vector.broadcast %add3A_501 : i32 to vector<16xi32>
          %add3A_503 = arith.addi %iota3A, %add3A_502 : vector<16xi32>
          %and3A_504 = arith.constant 15 : i32
          %and3A_505 = vector.broadcast %and3A_504 : i32 to vector<16xi32>
          %and3A_506 = arith.andi %add3A_503, %and3A_505 : vector<16xi32>
          %add3A_507 = vector.broadcast %mul3A_413 : i32 to vector<16xi32>
          %add3A_508 = arith.addi %add3A_507, %and3A_506 : vector<16xi32>
          tpu.vector_store_idx %arg13[%add3A_404, %add3A_508], %broadcast_in_dim3A_3 masked %gt3A_393 : memref<32x512xf32, #tpu.memory_space<vmem>>[vector<16xi32>, vector<16xi32>], vector<16xf32>, vector<16xi1>
          %add3A_509 = arith.constant 12 : i32
          %add3A_510 = vector.broadcast %add3A_509 : i32 to vector<16xi32>
          %add3A_511 = arith.addi %iota3A, %add3A_510 : vector<16xi32>
          %and3A_512 = arith.constant 15 : i32
          %and3A_513 = vector.broadcast %and3A_512 : i32 to vector<16xi32>
          %and3A_514 = arith.andi %add3A_511, %and3A_513 : vector<16xi32>
          %add3A_515 = vector.broadcast %mul3A_413 : i32 to vector<16xi32>
          %add3A_516 = arith.addi %add3A_515, %and3A_514 : vector<16xi32>
          tpu.vector_store_idx %arg13[%add3A_404, %add3A_516], %broadcast_in_dim3A_3 masked %gt3A_393 : memref<32x512xf32, #tpu.memory_space<vmem>>[vector<16xi32>, vector<16xi32>], vector<16xf32>, vector<16xi1>
          %add3A_517 = arith.constant 13 : i32
          %add3A_518 = vector.broadcast %add3A_517 : i32 to vector<16xi32>
          %add3A_519 = arith.addi %iota3A, %add3A_518 : vector<16xi32>
          %and3A_520 = arith.constant 15 : i32
          %and3A_521 = vector.broadcast %and3A_520 : i32 to vector<16xi32>
          %and3A_522 = arith.andi %add3A_519, %and3A_521 : vector<16xi32>
          %add3A_523 = vector.broadcast %mul3A_413 : i32 to vector<16xi32>
          %add3A_524 = arith.addi %add3A_523, %and3A_522 : vector<16xi32>
          tpu.vector_store_idx %arg13[%add3A_404, %add3A_524], %broadcast_in_dim3A_3 masked %gt3A_393 : memref<32x512xf32, #tpu.memory_space<vmem>>[vector<16xi32>, vector<16xi32>], vector<16xf32>, vector<16xi1>
          %add3A_525 = arith.constant 14 : i32
          %add3A_526 = vector.broadcast %add3A_525 : i32 to vector<16xi32>
          %add3A_527 = arith.addi %iota3A, %add3A_526 : vector<16xi32>
          %and3A_528 = arith.constant 15 : i32
          %and3A_529 = vector.broadcast %and3A_528 : i32 to vector<16xi32>
          %and3A_530 = arith.andi %add3A_527, %and3A_529 : vector<16xi32>
          %add3A_531 = vector.broadcast %mul3A_413 : i32 to vector<16xi32>
          %add3A_532 = arith.addi %add3A_531, %and3A_530 : vector<16xi32>
          tpu.vector_store_idx %arg13[%add3A_404, %add3A_532], %broadcast_in_dim3A_3 masked %gt3A_393 : memref<32x512xf32, #tpu.memory_space<vmem>>[vector<16xi32>, vector<16xi32>], vector<16xf32>, vector<16xi1>
          %add3A_533 = arith.constant 15 : i32
          %add3A_534 = vector.broadcast %add3A_533 : i32 to vector<16xi32>
          %add3A_535 = arith.addi %iota3A, %add3A_534 : vector<16xi32>
          %and3A_536 = arith.constant 15 : i32
          %and3A_537 = vector.broadcast %and3A_536 : i32 to vector<16xi32>
          %and3A_538 = arith.andi %add3A_535, %and3A_537 : vector<16xi32>
          %add3A_539 = vector.broadcast %mul3A_413 : i32 to vector<16xi32>
          %add3A_540 = arith.addi %add3A_539, %and3A_538 : vector<16xi32>
          tpu.vector_store_idx %arg13[%add3A_404, %add3A_540], %broadcast_in_dim3A_3 masked %gt3A_393 : memref<32x512xf32, #tpu.memory_space<vmem>>[vector<16xi32>, vector<16xi32>], vector<16xf32>, vector<16xi1>
        }
        %scan3A_410 = arith.constant 32 : i32
      } else {
      }
    } else {
    }
    %add3A_300 = arith.constant 1952 : i32
    %add3A_301 = arith.addi %multiple_of3A, %add3A_300 : i32
    %multiple_of3A_302 = tpu.assume_multiple %add3A_301, 32 : i32
    %dma_start3A_303 = arith.constant 0 : i32
    %dma_start3A_304 = tpu.memref_slice %arg5[%multiple_of3A_302, %dma_start3A_303] : memref<65536x512xf32, #tpu.memory_space<hbm>> -> memref<32x512xf32, #tpu.memory_space<hbm>>
    %dma_start3A_305 = arith.constant 0 : i32
    %dma_start3A_306 = tpu.memref_slice %arg5[%multiple_of3A_302, %dma_start3A_305] : memref<65536x512xf32, #tpu.memory_space<hbm>> -> memref<32x512xf32, #tpu.memory_space<hbm>>
    tpu.enqueue_dma source(%arg13 : memref<32x512xf32, #tpu.memory_space<vmem>>) target(%dma_start3A_306 : memref<32x512xf32, #tpu.memory_space<hbm>>) target_semaphore(%arg21 : memref<!tpu.dma_semaphore, #tpu.memory_space<semaphore_mem>>)
    %add3A_307 = arith.constant 1952 : i32
    %add3A_308 = arith.addi %multiple_of3A, %add3A_307 : i32
    %multiple_of3A_309 = tpu.assume_multiple %add3A_308, 32 : i32
    %dma_wait3A_310 = arith.constant 0 : i32
    %dma_wait3A_311 = tpu.memref_slice %arg5[%multiple_of3A_309, %dma_wait3A_310] : memref<65536x512xf32, #tpu.memory_space<hbm>> -> memref<32x512xf32, #tpu.memory_space<hbm>>
    %dma_wait3A_312 = arith.constant 0 : i32
    %dma_wait3A_313 = tpu.memref_slice %arg5[%multiple_of3A_309, %dma_wait3A_312] : memref<65536x512xf32, #tpu.memory_space<hbm>> -> memref<32x512xf32, #tpu.memory_space<hbm>>
    tpu.wait_dma2 semaphore(%arg21 : memref<!tpu.dma_semaphore, #tpu.memory_space<semaphore_mem>>) src(%arg13 : memref<32x512xf32, #tpu.memory_space<vmem>>) dst(%dma_wait3A_313 : memref<32x512xf32, #tpu.memory_space<hbm>>)
    %multiple_of3A_314 = arith.constant 1984 : i32
    %multiple_of3A_315 = tpu.assume_multiple %multiple_of3A_314, 32 : i32
    %dma_wait3A_316 = tpu.memref_slice %arg9[%multiple_of3A_315] : memref<2048xi32, #tpu.memory_space<vmem>> -> memref<32xi32, #tpu.memory_space<vmem>>
    %dma_wait3A_317 = arith.constant 0 : i32
    %dma_wait3A_318 = arith.constant 0 : i32
    %dma_wait3A_319 = tpu.memref_slice %arg2[%dma_wait3A_317, %dma_wait3A_318] : memref<32768x512xf32, #tpu.memory_space<hbm>> -> memref<32768x512xf32, #tpu.memory_space<hbm>>
    tpu.wait_indirect_dma semaphore(%arg18 : memref<!tpu.dma_semaphore, #tpu.memory_space<semaphore_mem>>) src(%dma_wait3A_319 : memref<32768x512xf32, #tpu.memory_space<hbm>>) dst(%arg14 : memref<32x512xf32, #tpu.memory_space<vmem>>)
    %get3A_320 = arith.constant 992 : index
    %get3A_321 = tpu.vector_load %arg11[%get3A_320] {strides = array<i32>} : memref<1024xi32, #tpu.memory_space<vmem>>, vector<16xi32>,
    %slice3A_322 = vector.extract_strided_slice %get3A_321 {offsets = [0], sizes = [1], strides = [1]} : vector<16xi32> to vector<1xi32>
    %squeeze3A_323 = vector.extract %slice3A_322[0] : i32 from vector<1xi32>
    %gt3A_324 = arith.constant 0 : i32
    %gt3A_325 = arith.cmpi sgt, %squeeze3A_323, %gt3A_324 : i32
    %convert_element_type3A_326 = arith.extui %gt3A_325 : i1 to i32
    %cond3A_327 = arith.constant 0 : i32
    %cond3A_328 = arith.cmpi ne, %convert_element_type3A_326, %cond3A_327 : i32
    scf.if %cond3A_328 {
      %multiple_of3A_372 = arith.constant 1984 : i32
      %multiple_of3A_373 = tpu.assume_multiple %multiple_of3A_372, 16 : i32
      %get3A_374 = arith.index_cast %multiple_of3A_373 : i32 to index
      %get3A_375 = tpu.vector_load %arg10[%get3A_374] {strides = array<i32>} : memref<2048xi32, #tpu.memory_space<vmem>>, vector<16xi32>,
      %gt3A_376 = arith.constant 0 : i32
      %gt3A_377 = vector.broadcast %gt3A_376 : i32 to vector<16xi32>
      %gt3A_378 = arith.cmpi sgt, %get3A_375, %gt3A_377 : vector<16xi32>
      %all_reduce_population_count3A_379 = tpu.all_reduce %gt3A_378 {dim = 0 : i64, kind = #tpu.reduction_kind<sum>} : vector<16xi1> -> vector<16xi32>
      %slice3A_380 = vector.extract_strided_slice %all_reduce_population_count3A_379 {offsets = [0], sizes = [1], strides = [1]} : vector<16xi32> to vector<1xi32>
      %squeeze3A_381 = vector.extract %slice3A_380[0] : i32 from vector<1xi32>
      %gt3A_382 = arith.constant 0 : i32
      %gt3A_383 = arith.cmpi sgt, %squeeze3A_381, %gt3A_382 : i32
      %convert_element_type3A_384 = arith.extui %gt3A_383 : i1 to i32
      %cond3A_385 = arith.constant 0 : i32
      %cond3A_386 = arith.cmpi ne, %convert_element_type3A_384, %cond3A_385 : i32
      scf.if %cond3A_386 {
        %add3A_402 = arith.constant 0 : i32
        %add3A_403 = vector.broadcast %add3A_402 : i32 to vector<16xi32>
        %add3A_404 = arith.addi %add3A_403, %iota3A : vector<16xi32>
        %scan3A_405 = arith.constant 0 : i32
        %scan3A_406 = arith.constant 0 : i32
        %scan3A_407 = arith.constant 32 : i32
        %scan3A_408 = arith.addi %scan3A_406, %scan3A_407 : i32
        %scan3A_409 = arith.constant 1 : i32
        scf.for %scan3A_411 = %scan3A_406 to %scan3A_408 step %scan3A_409  : i32 {
          %mul3A_412 = arith.constant 16 : i32
          %mul3A_413 = arith.muli %scan3A_411, %mul3A_412 : i32
          %add3A_414 = arith.constant 0 : i32
          %add3A_415 = vector.broadcast %add3A_414 : i32 to vector<16xi32>
          %add3A_416 = arith.addi %iota3A, %add3A_415 : vector<16xi32>
          %and3A = arith.constant 15 : i32
          %and3A_417 = vector.broadcast %and3A : i32 to vector<16xi32>
          %and3A_418 = arith.andi %add3A_416, %and3A_417 : vector<16xi32>
          %add3A_419 = vector.broadcast %mul3A_413 : i32 to vector<16xi32>
          %add3A_420 = arith.addi %add3A_419, %and3A_418 : vector<16xi32>
          tpu.vector_store_idx %arg14[%add3A_404, %add3A_420], %broadcast_in_dim3A_3 masked %gt3A_378 : memref<32x512xf32, #tpu.memory_space<vmem>>[vector<16xi32>, vector<16xi32>], vector<16xf32>, vector<16xi1>
          %add3A_421 = arith.constant 1 : i32
          %add3A_422 = vector.broadcast %add3A_421 : i32 to vector<16xi32>
          %add3A_423 = arith.addi %iota3A, %add3A_422 : vector<16xi32>
          %and3A_424 = arith.constant 15 : i32
          %and3A_425 = vector.broadcast %and3A_424 : i32 to vector<16xi32>
          %and3A_426 = arith.andi %add3A_423, %and3A_425 : vector<16xi32>
          %add3A_427 = vector.broadcast %mul3A_413 : i32 to vector<16xi32>
          %add3A_428 = arith.addi %add3A_427, %and3A_426 : vector<16xi32>
          tpu.vector_store_idx %arg14[%add3A_404, %add3A_428], %broadcast_in_dim3A_3 masked %gt3A_378 : memref<32x512xf32, #tpu.memory_space<vmem>>[vector<16xi32>, vector<16xi32>], vector<16xf32>, vector<16xi1>
          %add3A_429 = arith.constant 2 : i32
          %add3A_430 = vector.broadcast %add3A_429 : i32 to vector<16xi32>
          %add3A_431 = arith.addi %iota3A, %add3A_430 : vector<16xi32>
          %and3A_432 = arith.constant 15 : i32
          %and3A_433 = vector.broadcast %and3A_432 : i32 to vector<16xi32>
          %and3A_434 = arith.andi %add3A_431, %and3A_433 : vector<16xi32>
          %add3A_435 = vector.broadcast %mul3A_413 : i32 to vector<16xi32>
          %add3A_436 = arith.addi %add3A_435, %and3A_434 : vector<16xi32>
          tpu.vector_store_idx %arg14[%add3A_404, %add3A_436], %broadcast_in_dim3A_3 masked %gt3A_378 : memref<32x512xf32, #tpu.memory_space<vmem>>[vector<16xi32>, vector<16xi32>], vector<16xf32>, vector<16xi1>
          %add3A_437 = arith.constant 3 : i32
          %add3A_438 = vector.broadcast %add3A_437 : i32 to vector<16xi32>
          %add3A_439 = arith.addi %iota3A, %add3A_438 : vector<16xi32>
          %and3A_440 = arith.constant 15 : i32
          %and3A_441 = vector.broadcast %and3A_440 : i32 to vector<16xi32>
          %and3A_442 = arith.andi %add3A_439, %and3A_441 : vector<16xi32>
          %add3A_443 = vector.broadcast %mul3A_413 : i32 to vector<16xi32>
          %add3A_444 = arith.addi %add3A_443, %and3A_442 : vector<16xi32>
          tpu.vector_store_idx %arg14[%add3A_404, %add3A_444], %broadcast_in_dim3A_3 masked %gt3A_378 : memref<32x512xf32, #tpu.memory_space<vmem>>[vector<16xi32>, vector<16xi32>], vector<16xf32>, vector<16xi1>
          %add3A_445 = arith.constant 4 : i32
          %add3A_446 = vector.broadcast %add3A_445 : i32 to vector<16xi32>
          %add3A_447 = arith.addi %iota3A, %add3A_446 : vector<16xi32>
          %and3A_448 = arith.constant 15 : i32
          %and3A_449 = vector.broadcast %and3A_448 : i32 to vector<16xi32>
          %and3A_450 = arith.andi %add3A_447, %and3A_449 : vector<16xi32>
          %add3A_451 = vector.broadcast %mul3A_413 : i32 to vector<16xi32>
          %add3A_452 = arith.addi %add3A_451, %and3A_450 : vector<16xi32>
          tpu.vector_store_idx %arg14[%add3A_404, %add3A_452], %broadcast_in_dim3A_3 masked %gt3A_378 : memref<32x512xf32, #tpu.memory_space<vmem>>[vector<16xi32>, vector<16xi32>], vector<16xf32>, vector<16xi1>
          %add3A_453 = arith.constant 5 : i32
          %add3A_454 = vector.broadcast %add3A_453 : i32 to vector<16xi32>
          %add3A_455 = arith.addi %iota3A, %add3A_454 : vector<16xi32>
          %and3A_456 = arith.constant 15 : i32
          %and3A_457 = vector.broadcast %and3A_456 : i32 to vector<16xi32>
          %and3A_458 = arith.andi %add3A_455, %and3A_457 : vector<16xi32>
          %add3A_459 = vector.broadcast %mul3A_413 : i32 to vector<16xi32>
          %add3A_460 = arith.addi %add3A_459, %and3A_458 : vector<16xi32>
          tpu.vector_store_idx %arg14[%add3A_404, %add3A_460], %broadcast_in_dim3A_3 masked %gt3A_378 : memref<32x512xf32, #tpu.memory_space<vmem>>[vector<16xi32>, vector<16xi32>], vector<16xf32>, vector<16xi1>
          %add3A_461 = arith.constant 6 : i32
          %add3A_462 = vector.broadcast %add3A_461 : i32 to vector<16xi32>
          %add3A_463 = arith.addi %iota3A, %add3A_462 : vector<16xi32>
          %and3A_464 = arith.constant 15 : i32
          %and3A_465 = vector.broadcast %and3A_464 : i32 to vector<16xi32>
          %and3A_466 = arith.andi %add3A_463, %and3A_465 : vector<16xi32>
          %add3A_467 = vector.broadcast %mul3A_413 : i32 to vector<16xi32>
          %add3A_468 = arith.addi %add3A_467, %and3A_466 : vector<16xi32>
          tpu.vector_store_idx %arg14[%add3A_404, %add3A_468], %broadcast_in_dim3A_3 masked %gt3A_378 : memref<32x512xf32, #tpu.memory_space<vmem>>[vector<16xi32>, vector<16xi32>], vector<16xf32>, vector<16xi1>
          %add3A_469 = arith.constant 7 : i32
          %add3A_470 = vector.broadcast %add3A_469 : i32 to vector<16xi32>
          %add3A_471 = arith.addi %iota3A, %add3A_470 : vector<16xi32>
          %and3A_472 = arith.constant 15 : i32
          %and3A_473 = vector.broadcast %and3A_472 : i32 to vector<16xi32>
          %and3A_474 = arith.andi %add3A_471, %and3A_473 : vector<16xi32>
          %add3A_475 = vector.broadcast %mul3A_413 : i32 to vector<16xi32>
          %add3A_476 = arith.addi %add3A_475, %and3A_474 : vector<16xi32>
          tpu.vector_store_idx %arg14[%add3A_404, %add3A_476], %broadcast_in_dim3A_3 masked %gt3A_378 : memref<32x512xf32, #tpu.memory_space<vmem>>[vector<16xi32>, vector<16xi32>], vector<16xf32>, vector<16xi1>
          %add3A_477 = arith.constant 8 : i32
          %add3A_478 = vector.broadcast %add3A_477 : i32 to vector<16xi32>
          %add3A_479 = arith.addi %iota3A, %add3A_478 : vector<16xi32>
          %and3A_480 = arith.constant 15 : i32
          %and3A_481 = vector.broadcast %and3A_480 : i32 to vector<16xi32>
          %and3A_482 = arith.andi %add3A_479, %and3A_481 : vector<16xi32>
          %add3A_483 = vector.broadcast %mul3A_413 : i32 to vector<16xi32>
          %add3A_484 = arith.addi %add3A_483, %and3A_482 : vector<16xi32>
          tpu.vector_store_idx %arg14[%add3A_404, %add3A_484], %broadcast_in_dim3A_3 masked %gt3A_378 : memref<32x512xf32, #tpu.memory_space<vmem>>[vector<16xi32>, vector<16xi32>], vector<16xf32>, vector<16xi1>
          %add3A_485 = arith.constant 9 : i32
          %add3A_486 = vector.broadcast %add3A_485 : i32 to vector<16xi32>
          %add3A_487 = arith.addi %iota3A, %add3A_486 : vector<16xi32>
          %and3A_488 = arith.constant 15 : i32
          %and3A_489 = vector.broadcast %and3A_488 : i32 to vector<16xi32>
          %and3A_490 = arith.andi %add3A_487, %and3A_489 : vector<16xi32>
          %add3A_491 = vector.broadcast %mul3A_413 : i32 to vector<16xi32>
          %add3A_492 = arith.addi %add3A_491, %and3A_490 : vector<16xi32>
          tpu.vector_store_idx %arg14[%add3A_404, %add3A_492], %broadcast_in_dim3A_3 masked %gt3A_378 : memref<32x512xf32, #tpu.memory_space<vmem>>[vector<16xi32>, vector<16xi32>], vector<16xf32>, vector<16xi1>
          %add3A_493 = arith.constant 10 : i32
          %add3A_494 = vector.broadcast %add3A_493 : i32 to vector<16xi32>
          %add3A_495 = arith.addi %iota3A, %add3A_494 : vector<16xi32>
          %and3A_496 = arith.constant 15 : i32
          %and3A_497 = vector.broadcast %and3A_496 : i32 to vector<16xi32>
          %and3A_498 = arith.andi %add3A_495, %and3A_497 : vector<16xi32>
          %add3A_499 = vector.broadcast %mul3A_413 : i32 to vector<16xi32>
          %add3A_500 = arith.addi %add3A_499, %and3A_498 : vector<16xi32>
          tpu.vector_store_idx %arg14[%add3A_404, %add3A_500], %broadcast_in_dim3A_3 masked %gt3A_378 : memref<32x512xf32, #tpu.memory_space<vmem>>[vector<16xi32>, vector<16xi32>], vector<16xf32>, vector<16xi1>
          %add3A_501 = arith.constant 11 : i32
          %add3A_502 = vector.broadcast %add3A_501 : i32 to vector<16xi32>
          %add3A_503 = arith.addi %iota3A, %add3A_502 : vector<16xi32>
          %and3A_504 = arith.constant 15 : i32
          %and3A_505 = vector.broadcast %and3A_504 : i32 to vector<16xi32>
          %and3A_506 = arith.andi %add3A_503, %and3A_505 : vector<16xi32>
          %add3A_507 = vector.broadcast %mul3A_413 : i32 to vector<16xi32>
          %add3A_508 = arith.addi %add3A_507, %and3A_506 : vector<16xi32>
          tpu.vector_store_idx %arg14[%add3A_404, %add3A_508], %broadcast_in_dim3A_3 masked %gt3A_378 : memref<32x512xf32, #tpu.memory_space<vmem>>[vector<16xi32>, vector<16xi32>], vector<16xf32>, vector<16xi1>
          %add3A_509 = arith.constant 12 : i32
          %add3A_510 = vector.broadcast %add3A_509 : i32 to vector<16xi32>
          %add3A_511 = arith.addi %iota3A, %add3A_510 : vector<16xi32>
          %and3A_512 = arith.constant 15 : i32
          %and3A_513 = vector.broadcast %and3A_512 : i32 to vector<16xi32>
          %and3A_514 = arith.andi %add3A_511, %and3A_513 : vector<16xi32>
          %add3A_515 = vector.broadcast %mul3A_413 : i32 to vector<16xi32>
          %add3A_516 = arith.addi %add3A_515, %and3A_514 : vector<16xi32>
          tpu.vector_store_idx %arg14[%add3A_404, %add3A_516], %broadcast_in_dim3A_3 masked %gt3A_378 : memref<32x512xf32, #tpu.memory_space<vmem>>[vector<16xi32>, vector<16xi32>], vector<16xf32>, vector<16xi1>
          %add3A_517 = arith.constant 13 : i32
          %add3A_518 = vector.broadcast %add3A_517 : i32 to vector<16xi32>
          %add3A_519 = arith.addi %iota3A, %add3A_518 : vector<16xi32>
          %and3A_520 = arith.constant 15 : i32
          %and3A_521 = vector.broadcast %and3A_520 : i32 to vector<16xi32>
          %and3A_522 = arith.andi %add3A_519, %and3A_521 : vector<16xi32>
          %add3A_523 = vector.broadcast %mul3A_413 : i32 to vector<16xi32>
          %add3A_524 = arith.addi %add3A_523, %and3A_522 : vector<16xi32>
          tpu.vector_store_idx %arg14[%add3A_404, %add3A_524], %broadcast_in_dim3A_3 masked %gt3A_378 : memref<32x512xf32, #tpu.memory_space<vmem>>[vector<16xi32>, vector<16xi32>], vector<16xf32>, vector<16xi1>
          %add3A_525 = arith.constant 14 : i32
          %add3A_526 = vector.broadcast %add3A_525 : i32 to vector<16xi32>
          %add3A_527 = arith.addi %iota3A, %add3A_526 : vector<16xi32>
          %and3A_528 = arith.constant 15 : i32
          %and3A_529 = vector.broadcast %and3A_528 : i32 to vector<16xi32>
          %and3A_530 = arith.andi %add3A_527, %and3A_529 : vector<16xi32>
          %add3A_531 = vector.broadcast %mul3A_413 : i32 to vector<16xi32>
          %add3A_532 = arith.addi %add3A_531, %and3A_530 : vector<16xi32>
          tpu.vector_store_idx %arg14[%add3A_404, %add3A_532], %broadcast_in_dim3A_3 masked %gt3A_378 : memref<32x512xf32, #tpu.memory_space<vmem>>[vector<16xi32>, vector<16xi32>], vector<16xf32>, vector<16xi1>
          %add3A_533 = arith.constant 15 : i32
          %add3A_534 = vector.broadcast %add3A_533 : i32 to vector<16xi32>
          %add3A_535 = arith.addi %iota3A, %add3A_534 : vector<16xi32>
          %and3A_536 = arith.constant 15 : i32
          %and3A_537 = vector.broadcast %and3A_536 : i32 to vector<16xi32>
          %and3A_538 = arith.andi %add3A_535, %and3A_537 : vector<16xi32>
          %add3A_539 = vector.broadcast %mul3A_413 : i32 to vector<16xi32>
          %add3A_540 = arith.addi %add3A_539, %and3A_538 : vector<16xi32>
          tpu.vector_store_idx %arg14[%add3A_404, %add3A_540], %broadcast_in_dim3A_3 masked %gt3A_378 : memref<32x512xf32, #tpu.memory_space<vmem>>[vector<16xi32>, vector<16xi32>], vector<16xf32>, vector<16xi1>
        }
        %scan3A_410 = arith.constant 32 : i32
      } else {
      }
      %multiple_of3A_387 = arith.constant 2000 : i32
      %multiple_of3A_388 = tpu.assume_multiple %multiple_of3A_387, 16 : i32
      %get3A_389 = arith.index_cast %multiple_of3A_388 : i32 to index
      %get3A_390 = tpu.vector_load %arg10[%get3A_389] {strides = array<i32>} : memref<2048xi32, #tpu.memory_space<vmem>>, vector<16xi32>,
      %gt3A_391 = arith.constant 0 : i32
      %gt3A_392 = vector.broadcast %gt3A_391 : i32 to vector<16xi32>
      %gt3A_393 = arith.cmpi sgt, %get3A_390, %gt3A_392 : vector<16xi32>
      %all_reduce_population_count3A_394 = tpu.all_reduce %gt3A_393 {dim = 0 : i64, kind = #tpu.reduction_kind<sum>} : vector<16xi1> -> vector<16xi32>
      %slice3A_395 = vector.extract_strided_slice %all_reduce_population_count3A_394 {offsets = [0], sizes = [1], strides = [1]} : vector<16xi32> to vector<1xi32>
      %squeeze3A_396 = vector.extract %slice3A_395[0] : i32 from vector<1xi32>
      %gt3A_397 = arith.constant 0 : i32
      %gt3A_398 = arith.cmpi sgt, %squeeze3A_396, %gt3A_397 : i32
      %convert_element_type3A_399 = arith.extui %gt3A_398 : i1 to i32
      %cond3A_400 = arith.constant 0 : i32
      %cond3A_401 = arith.cmpi ne, %convert_element_type3A_399, %cond3A_400 : i32
      scf.if %cond3A_401 {
        %add3A_402 = arith.constant 16 : i32
        %add3A_403 = vector.broadcast %add3A_402 : i32 to vector<16xi32>
        %add3A_404 = arith.addi %add3A_403, %iota3A : vector<16xi32>
        %scan3A_405 = arith.constant 0 : i32
        %scan3A_406 = arith.constant 0 : i32
        %scan3A_407 = arith.constant 32 : i32
        %scan3A_408 = arith.addi %scan3A_406, %scan3A_407 : i32
        %scan3A_409 = arith.constant 1 : i32
        scf.for %scan3A_411 = %scan3A_406 to %scan3A_408 step %scan3A_409  : i32 {
          %mul3A_412 = arith.constant 16 : i32
          %mul3A_413 = arith.muli %scan3A_411, %mul3A_412 : i32
          %add3A_414 = arith.constant 0 : i32
          %add3A_415 = vector.broadcast %add3A_414 : i32 to vector<16xi32>
          %add3A_416 = arith.addi %iota3A, %add3A_415 : vector<16xi32>
          %and3A = arith.constant 15 : i32
          %and3A_417 = vector.broadcast %and3A : i32 to vector<16xi32>
          %and3A_418 = arith.andi %add3A_416, %and3A_417 : vector<16xi32>
          %add3A_419 = vector.broadcast %mul3A_413 : i32 to vector<16xi32>
          %add3A_420 = arith.addi %add3A_419, %and3A_418 : vector<16xi32>
          tpu.vector_store_idx %arg14[%add3A_404, %add3A_420], %broadcast_in_dim3A_3 masked %gt3A_393 : memref<32x512xf32, #tpu.memory_space<vmem>>[vector<16xi32>, vector<16xi32>], vector<16xf32>, vector<16xi1>
          %add3A_421 = arith.constant 1 : i32
          %add3A_422 = vector.broadcast %add3A_421 : i32 to vector<16xi32>
          %add3A_423 = arith.addi %iota3A, %add3A_422 : vector<16xi32>
          %and3A_424 = arith.constant 15 : i32
          %and3A_425 = vector.broadcast %and3A_424 : i32 to vector<16xi32>
          %and3A_426 = arith.andi %add3A_423, %and3A_425 : vector<16xi32>
          %add3A_427 = vector.broadcast %mul3A_413 : i32 to vector<16xi32>
          %add3A_428 = arith.addi %add3A_427, %and3A_426 : vector<16xi32>
          tpu.vector_store_idx %arg14[%add3A_404, %add3A_428], %broadcast_in_dim3A_3 masked %gt3A_393 : memref<32x512xf32, #tpu.memory_space<vmem>>[vector<16xi32>, vector<16xi32>], vector<16xf32>, vector<16xi1>
          %add3A_429 = arith.constant 2 : i32
          %add3A_430 = vector.broadcast %add3A_429 : i32 to vector<16xi32>
          %add3A_431 = arith.addi %iota3A, %add3A_430 : vector<16xi32>
          %and3A_432 = arith.constant 15 : i32
          %and3A_433 = vector.broadcast %and3A_432 : i32 to vector<16xi32>
          %and3A_434 = arith.andi %add3A_431, %and3A_433 : vector<16xi32>
          %add3A_435 = vector.broadcast %mul3A_413 : i32 to vector<16xi32>
          %add3A_436 = arith.addi %add3A_435, %and3A_434 : vector<16xi32>
          tpu.vector_store_idx %arg14[%add3A_404, %add3A_436], %broadcast_in_dim3A_3 masked %gt3A_393 : memref<32x512xf32, #tpu.memory_space<vmem>>[vector<16xi32>, vector<16xi32>], vector<16xf32>, vector<16xi1>
          %add3A_437 = arith.constant 3 : i32
          %add3A_438 = vector.broadcast %add3A_437 : i32 to vector<16xi32>
          %add3A_439 = arith.addi %iota3A, %add3A_438 : vector<16xi32>
          %and3A_440 = arith.constant 15 : i32
          %and3A_441 = vector.broadcast %and3A_440 : i32 to vector<16xi32>
          %and3A_442 = arith.andi %add3A_439, %and3A_441 : vector<16xi32>
          %add3A_443 = vector.broadcast %mul3A_413 : i32 to vector<16xi32>
          %add3A_444 = arith.addi %add3A_443, %and3A_442 : vector<16xi32>
          tpu.vector_store_idx %arg14[%add3A_404, %add3A_444], %broadcast_in_dim3A_3 masked %gt3A_393 : memref<32x512xf32, #tpu.memory_space<vmem>>[vector<16xi32>, vector<16xi32>], vector<16xf32>, vector<16xi1>
          %add3A_445 = arith.constant 4 : i32
          %add3A_446 = vector.broadcast %add3A_445 : i32 to vector<16xi32>
          %add3A_447 = arith.addi %iota3A, %add3A_446 : vector<16xi32>
          %and3A_448 = arith.constant 15 : i32
          %and3A_449 = vector.broadcast %and3A_448 : i32 to vector<16xi32>
          %and3A_450 = arith.andi %add3A_447, %and3A_449 : vector<16xi32>
          %add3A_451 = vector.broadcast %mul3A_413 : i32 to vector<16xi32>
          %add3A_452 = arith.addi %add3A_451, %and3A_450 : vector<16xi32>
          tpu.vector_store_idx %arg14[%add3A_404, %add3A_452], %broadcast_in_dim3A_3 masked %gt3A_393 : memref<32x512xf32, #tpu.memory_space<vmem>>[vector<16xi32>, vector<16xi32>], vector<16xf32>, vector<16xi1>
          %add3A_453 = arith.constant 5 : i32
          %add3A_454 = vector.broadcast %add3A_453 : i32 to vector<16xi32>
          %add3A_455 = arith.addi %iota3A, %add3A_454 : vector<16xi32>
          %and3A_456 = arith.constant 15 : i32
          %and3A_457 = vector.broadcast %and3A_456 : i32 to vector<16xi32>
          %and3A_458 = arith.andi %add3A_455, %and3A_457 : vector<16xi32>
          %add3A_459 = vector.broadcast %mul3A_413 : i32 to vector<16xi32>
          %add3A_460 = arith.addi %add3A_459, %and3A_458 : vector<16xi32>
          tpu.vector_store_idx %arg14[%add3A_404, %add3A_460], %broadcast_in_dim3A_3 masked %gt3A_393 : memref<32x512xf32, #tpu.memory_space<vmem>>[vector<16xi32>, vector<16xi32>], vector<16xf32>, vector<16xi1>
          %add3A_461 = arith.constant 6 : i32
          %add3A_462 = vector.broadcast %add3A_461 : i32 to vector<16xi32>
          %add3A_463 = arith.addi %iota3A, %add3A_462 : vector<16xi32>
          %and3A_464 = arith.constant 15 : i32
          %and3A_465 = vector.broadcast %and3A_464 : i32 to vector<16xi32>
          %and3A_466 = arith.andi %add3A_463, %and3A_465 : vector<16xi32>
          %add3A_467 = vector.broadcast %mul3A_413 : i32 to vector<16xi32>
          %add3A_468 = arith.addi %add3A_467, %and3A_466 : vector<16xi32>
          tpu.vector_store_idx %arg14[%add3A_404, %add3A_468], %broadcast_in_dim3A_3 masked %gt3A_393 : memref<32x512xf32, #tpu.memory_space<vmem>>[vector<16xi32>, vector<16xi32>], vector<16xf32>, vector<16xi1>
          %add3A_469 = arith.constant 7 : i32
          %add3A_470 = vector.broadcast %add3A_469 : i32 to vector<16xi32>
          %add3A_471 = arith.addi %iota3A, %add3A_470 : vector<16xi32>
          %and3A_472 = arith.constant 15 : i32
          %and3A_473 = vector.broadcast %and3A_472 : i32 to vector<16xi32>
          %and3A_474 = arith.andi %add3A_471, %and3A_473 : vector<16xi32>
          %add3A_475 = vector.broadcast %mul3A_413 : i32 to vector<16xi32>
          %add3A_476 = arith.addi %add3A_475, %and3A_474 : vector<16xi32>
          tpu.vector_store_idx %arg14[%add3A_404, %add3A_476], %broadcast_in_dim3A_3 masked %gt3A_393 : memref<32x512xf32, #tpu.memory_space<vmem>>[vector<16xi32>, vector<16xi32>], vector<16xf32>, vector<16xi1>
          %add3A_477 = arith.constant 8 : i32
          %add3A_478 = vector.broadcast %add3A_477 : i32 to vector<16xi32>
          %add3A_479 = arith.addi %iota3A, %add3A_478 : vector<16xi32>
          %and3A_480 = arith.constant 15 : i32
          %and3A_481 = vector.broadcast %and3A_480 : i32 to vector<16xi32>
          %and3A_482 = arith.andi %add3A_479, %and3A_481 : vector<16xi32>
          %add3A_483 = vector.broadcast %mul3A_413 : i32 to vector<16xi32>
          %add3A_484 = arith.addi %add3A_483, %and3A_482 : vector<16xi32>
          tpu.vector_store_idx %arg14[%add3A_404, %add3A_484], %broadcast_in_dim3A_3 masked %gt3A_393 : memref<32x512xf32, #tpu.memory_space<vmem>>[vector<16xi32>, vector<16xi32>], vector<16xf32>, vector<16xi1>
          %add3A_485 = arith.constant 9 : i32
          %add3A_486 = vector.broadcast %add3A_485 : i32 to vector<16xi32>
          %add3A_487 = arith.addi %iota3A, %add3A_486 : vector<16xi32>
          %and3A_488 = arith.constant 15 : i32
          %and3A_489 = vector.broadcast %and3A_488 : i32 to vector<16xi32>
          %and3A_490 = arith.andi %add3A_487, %and3A_489 : vector<16xi32>
          %add3A_491 = vector.broadcast %mul3A_413 : i32 to vector<16xi32>
          %add3A_492 = arith.addi %add3A_491, %and3A_490 : vector<16xi32>
          tpu.vector_store_idx %arg14[%add3A_404, %add3A_492], %broadcast_in_dim3A_3 masked %gt3A_393 : memref<32x512xf32, #tpu.memory_space<vmem>>[vector<16xi32>, vector<16xi32>], vector<16xf32>, vector<16xi1>
          %add3A_493 = arith.constant 10 : i32
          %add3A_494 = vector.broadcast %add3A_493 : i32 to vector<16xi32>
          %add3A_495 = arith.addi %iota3A, %add3A_494 : vector<16xi32>
          %and3A_496 = arith.constant 15 : i32
          %and3A_497 = vector.broadcast %and3A_496 : i32 to vector<16xi32>
          %and3A_498 = arith.andi %add3A_495, %and3A_497 : vector<16xi32>
          %add3A_499 = vector.broadcast %mul3A_413 : i32 to vector<16xi32>
          %add3A_500 = arith.addi %add3A_499, %and3A_498 : vector<16xi32>
          tpu.vector_store_idx %arg14[%add3A_404, %add3A_500], %broadcast_in_dim3A_3 masked %gt3A_393 : memref<32x512xf32, #tpu.memory_space<vmem>>[vector<16xi32>, vector<16xi32>], vector<16xf32>, vector<16xi1>
          %add3A_501 = arith.constant 11 : i32
          %add3A_502 = vector.broadcast %add3A_501 : i32 to vector<16xi32>
          %add3A_503 = arith.addi %iota3A, %add3A_502 : vector<16xi32>
          %and3A_504 = arith.constant 15 : i32
          %and3A_505 = vector.broadcast %and3A_504 : i32 to vector<16xi32>
          %and3A_506 = arith.andi %add3A_503, %and3A_505 : vector<16xi32>
          %add3A_507 = vector.broadcast %mul3A_413 : i32 to vector<16xi32>
          %add3A_508 = arith.addi %add3A_507, %and3A_506 : vector<16xi32>
          tpu.vector_store_idx %arg14[%add3A_404, %add3A_508], %broadcast_in_dim3A_3 masked %gt3A_393 : memref<32x512xf32, #tpu.memory_space<vmem>>[vector<16xi32>, vector<16xi32>], vector<16xf32>, vector<16xi1>
          %add3A_509 = arith.constant 12 : i32
          %add3A_510 = vector.broadcast %add3A_509 : i32 to vector<16xi32>
          %add3A_511 = arith.addi %iota3A, %add3A_510 : vector<16xi32>
          %and3A_512 = arith.constant 15 : i32
          %and3A_513 = vector.broadcast %and3A_512 : i32 to vector<16xi32>
          %and3A_514 = arith.andi %add3A_511, %and3A_513 : vector<16xi32>
          %add3A_515 = vector.broadcast %mul3A_413 : i32 to vector<16xi32>
          %add3A_516 = arith.addi %add3A_515, %and3A_514 : vector<16xi32>
          tpu.vector_store_idx %arg14[%add3A_404, %add3A_516], %broadcast_in_dim3A_3 masked %gt3A_393 : memref<32x512xf32, #tpu.memory_space<vmem>>[vector<16xi32>, vector<16xi32>], vector<16xf32>, vector<16xi1>
          %add3A_517 = arith.constant 13 : i32
          %add3A_518 = vector.broadcast %add3A_517 : i32 to vector<16xi32>
          %add3A_519 = arith.addi %iota3A, %add3A_518 : vector<16xi32>
          %and3A_520 = arith.constant 15 : i32
          %and3A_521 = vector.broadcast %and3A_520 : i32 to vector<16xi32>
          %and3A_522 = arith.andi %add3A_519, %and3A_521 : vector<16xi32>
          %add3A_523 = vector.broadcast %mul3A_413 : i32 to vector<16xi32>
          %add3A_524 = arith.addi %add3A_523, %and3A_522 : vector<16xi32>
          tpu.vector_store_idx %arg14[%add3A_404, %add3A_524], %broadcast_in_dim3A_3 masked %gt3A_393 : memref<32x512xf32, #tpu.memory_space<vmem>>[vector<16xi32>, vector<16xi32>], vector<16xf32>, vector<16xi1>
          %add3A_525 = arith.constant 14 : i32
          %add3A_526 = vector.broadcast %add3A_525 : i32 to vector<16xi32>
          %add3A_527 = arith.addi %iota3A, %add3A_526 : vector<16xi32>
          %and3A_528 = arith.constant 15 : i32
          %and3A_529 = vector.broadcast %and3A_528 : i32 to vector<16xi32>
          %and3A_530 = arith.andi %add3A_527, %and3A_529 : vector<16xi32>
          %add3A_531 = vector.broadcast %mul3A_413 : i32 to vector<16xi32>
          %add3A_532 = arith.addi %add3A_531, %and3A_530 : vector<16xi32>
          tpu.vector_store_idx %arg14[%add3A_404, %add3A_532], %broadcast_in_dim3A_3 masked %gt3A_393 : memref<32x512xf32, #tpu.memory_space<vmem>>[vector<16xi32>, vector<16xi32>], vector<16xf32>, vector<16xi1>
          %add3A_533 = arith.constant 15 : i32
          %add3A_534 = vector.broadcast %add3A_533 : i32 to vector<16xi32>
          %add3A_535 = arith.addi %iota3A, %add3A_534 : vector<16xi32>
          %and3A_536 = arith.constant 15 : i32
          %and3A_537 = vector.broadcast %and3A_536 : i32 to vector<16xi32>
          %and3A_538 = arith.andi %add3A_535, %and3A_537 : vector<16xi32>
          %add3A_539 = vector.broadcast %mul3A_413 : i32 to vector<16xi32>
          %add3A_540 = arith.addi %add3A_539, %and3A_538 : vector<16xi32>
          tpu.vector_store_idx %arg14[%add3A_404, %add3A_540], %broadcast_in_dim3A_3 masked %gt3A_393 : memref<32x512xf32, #tpu.memory_space<vmem>>[vector<16xi32>, vector<16xi32>], vector<16xf32>, vector<16xi1>
        }
        %scan3A_410 = arith.constant 32 : i32
      } else {
      }
    } else {
    }
    %add3A_329 = arith.constant 1984 : i32
    %add3A_330 = arith.addi %multiple_of3A, %add3A_329 : i32
    %multiple_of3A_331 = tpu.assume_multiple %add3A_330, 32 : i32
    %dma_start3A_332 = arith.constant 0 : i32
    %dma_start3A_333 = tpu.memref_slice %arg5[%multiple_of3A_331, %dma_start3A_332] : memref<65536x512xf32, #tpu.memory_space<hbm>> -> memref<32x512xf32, #tpu.memory_space<hbm>>
    %dma_start3A_334 = arith.constant 0 : i32
    %dma_start3A_335 = tpu.memref_slice %arg5[%multiple_of3A_331, %dma_start3A_334] : memref<65536x512xf32, #tpu.memory_space<hbm>> -> memref<32x512xf32, #tpu.memory_space<hbm>>
    tpu.enqueue_dma source(%arg14 : memref<32x512xf32, #tpu.memory_space<vmem>>) target(%dma_start3A_335 : memref<32x512xf32, #tpu.memory_space<hbm>>) target_semaphore(%arg22 : memref<!tpu.dma_semaphore, #tpu.memory_space<semaphore_mem>>)
    %add3A_336 = arith.constant 1984 : i32
    %add3A_337 = arith.addi %multiple_of3A, %add3A_336 : i32
    %multiple_of3A_338 = tpu.assume_multiple %add3A_337, 32 : i32
    %dma_wait3A_339 = arith.constant 0 : i32
    %dma_wait3A_340 = tpu.memref_slice %arg5[%multiple_of3A_338, %dma_wait3A_339] : memref<65536x512xf32, #tpu.memory_space<hbm>> -> memref<32x512xf32, #tpu.memory_space<hbm>>
    %dma_wait3A_341 = arith.constant 0 : i32
    %dma_wait3A_342 = tpu.memref_slice %arg5[%multiple_of3A_338, %dma_wait3A_341] : memref<65536x512xf32, #tpu.memory_space<hbm>> -> memref<32x512xf32, #tpu.memory_space<hbm>>
    tpu.wait_dma2 semaphore(%arg22 : memref<!tpu.dma_semaphore, #tpu.memory_space<semaphore_mem>>) src(%arg14 : memref<32x512xf32, #tpu.memory_space<vmem>>) dst(%dma_wait3A_342 : memref<32x512xf32, #tpu.memory_space<hbm>>)
    %multiple_of3A_343 = arith.constant 2016 : i32
    %multiple_of3A_344 = tpu.assume_multiple %multiple_of3A_343, 32 : i32
    %dma_wait3A_345 = tpu.memref_slice %arg9[%multiple_of3A_344] : memref<2048xi32, #tpu.memory_space<vmem>> -> memref<32xi32, #tpu.memory_space<vmem>>
    %dma_wait3A_346 = arith.constant 0 : i32
    %dma_wait3A_347 = arith.constant 0 : i32
    %dma_wait3A_348 = tpu.memref_slice %arg2[%dma_wait3A_346, %dma_wait3A_347] : memref<32768x512xf32, #tpu.memory_space<hbm>> -> memref<32768x512xf32, #tpu.memory_space<hbm>>
    tpu.wait_indirect_dma semaphore(%arg19 : memref<!tpu.dma_semaphore, #tpu.memory_space<semaphore_mem>>) src(%dma_wait3A_348 : memref<32768x512xf32, #tpu.memory_space<hbm>>) dst(%arg15 : memref<32x512xf32, #tpu.memory_space<vmem>>)
    %get3A_349 = arith.constant 1008 : index
    %get3A_350 = tpu.vector_load %arg11[%get3A_349] {strides = array<i32>} : memref<1024xi32, #tpu.memory_space<vmem>>, vector<16xi32>,
    %slice3A_351 = vector.extract_strided_slice %get3A_350 {offsets = [0], sizes = [1], strides = [1]} : vector<16xi32> to vector<1xi32>
    %squeeze3A_352 = vector.extract %slice3A_351[0] : i32 from vector<1xi32>
    %gt3A_353 = arith.constant 0 : i32
    %gt3A_354 = arith.cmpi sgt, %squeeze3A_352, %gt3A_353 : i32
    %convert_element_type3A_355 = arith.extui %gt3A_354 : i1 to i32
    %cond3A_356 = arith.constant 0 : i32
    %cond3A_357 = arith.cmpi ne, %convert_element_type3A_355, %cond3A_356 : i32
    scf.if %cond3A_357 {
      %multiple_of3A_372 = arith.constant 2016 : i32
      %multiple_of3A_373 = tpu.assume_multiple %multiple_of3A_372, 16 : i32
      %get3A_374 = arith.index_cast %multiple_of3A_373 : i32 to index
      %get3A_375 = tpu.vector_load %arg10[%get3A_374] {strides = array<i32>} : memref<2048xi32, #tpu.memory_space<vmem>>, vector<16xi32>,
      %gt3A_376 = arith.constant 0 : i32
      %gt3A_377 = vector.broadcast %gt3A_376 : i32 to vector<16xi32>
      %gt3A_378 = arith.cmpi sgt, %get3A_375, %gt3A_377 : vector<16xi32>
      %all_reduce_population_count3A_379 = tpu.all_reduce %gt3A_378 {dim = 0 : i64, kind = #tpu.reduction_kind<sum>} : vector<16xi1> -> vector<16xi32>
      %slice3A_380 = vector.extract_strided_slice %all_reduce_population_count3A_379 {offsets = [0], sizes = [1], strides = [1]} : vector<16xi32> to vector<1xi32>
      %squeeze3A_381 = vector.extract %slice3A_380[0] : i32 from vector<1xi32>
      %gt3A_382 = arith.constant 0 : i32
      %gt3A_383 = arith.cmpi sgt, %squeeze3A_381, %gt3A_382 : i32
      %convert_element_type3A_384 = arith.extui %gt3A_383 : i1 to i32
      %cond3A_385 = arith.constant 0 : i32
      %cond3A_386 = arith.cmpi ne, %convert_element_type3A_384, %cond3A_385 : i32
      scf.if %cond3A_386 {
        %add3A_402 = arith.constant 0 : i32
        %add3A_403 = vector.broadcast %add3A_402 : i32 to vector<16xi32>
        %add3A_404 = arith.addi %add3A_403, %iota3A : vector<16xi32>
        %scan3A_405 = arith.constant 0 : i32
        %scan3A_406 = arith.constant 0 : i32
        %scan3A_407 = arith.constant 32 : i32
        %scan3A_408 = arith.addi %scan3A_406, %scan3A_407 : i32
        %scan3A_409 = arith.constant 1 : i32
        scf.for %scan3A_411 = %scan3A_406 to %scan3A_408 step %scan3A_409  : i32 {
          %mul3A_412 = arith.constant 16 : i32
          %mul3A_413 = arith.muli %scan3A_411, %mul3A_412 : i32
          %add3A_414 = arith.constant 0 : i32
          %add3A_415 = vector.broadcast %add3A_414 : i32 to vector<16xi32>
          %add3A_416 = arith.addi %iota3A, %add3A_415 : vector<16xi32>
          %and3A = arith.constant 15 : i32
          %and3A_417 = vector.broadcast %and3A : i32 to vector<16xi32>
          %and3A_418 = arith.andi %add3A_416, %and3A_417 : vector<16xi32>
          %add3A_419 = vector.broadcast %mul3A_413 : i32 to vector<16xi32>
          %add3A_420 = arith.addi %add3A_419, %and3A_418 : vector<16xi32>
          tpu.vector_store_idx %arg15[%add3A_404, %add3A_420], %broadcast_in_dim3A_3 masked %gt3A_378 : memref<32x512xf32, #tpu.memory_space<vmem>>[vector<16xi32>, vector<16xi32>], vector<16xf32>, vector<16xi1>
          %add3A_421 = arith.constant 1 : i32
          %add3A_422 = vector.broadcast %add3A_421 : i32 to vector<16xi32>
          %add3A_423 = arith.addi %iota3A, %add3A_422 : vector<16xi32>
          %and3A_424 = arith.constant 15 : i32
          %and3A_425 = vector.broadcast %and3A_424 : i32 to vector<16xi32>
          %and3A_426 = arith.andi %add3A_423, %and3A_425 : vector<16xi32>
          %add3A_427 = vector.broadcast %mul3A_413 : i32 to vector<16xi32>
          %add3A_428 = arith.addi %add3A_427, %and3A_426 : vector<16xi32>
          tpu.vector_store_idx %arg15[%add3A_404, %add3A_428], %broadcast_in_dim3A_3 masked %gt3A_378 : memref<32x512xf32, #tpu.memory_space<vmem>>[vector<16xi32>, vector<16xi32>], vector<16xf32>, vector<16xi1>
          %add3A_429 = arith.constant 2 : i32
          %add3A_430 = vector.broadcast %add3A_429 : i32 to vector<16xi32>
          %add3A_431 = arith.addi %iota3A, %add3A_430 : vector<16xi32>
          %and3A_432 = arith.constant 15 : i32
          %and3A_433 = vector.broadcast %and3A_432 : i32 to vector<16xi32>
          %and3A_434 = arith.andi %add3A_431, %and3A_433 : vector<16xi32>
          %add3A_435 = vector.broadcast %mul3A_413 : i32 to vector<16xi32>
          %add3A_436 = arith.addi %add3A_435, %and3A_434 : vector<16xi32>
          tpu.vector_store_idx %arg15[%add3A_404, %add3A_436], %broadcast_in_dim3A_3 masked %gt3A_378 : memref<32x512xf32, #tpu.memory_space<vmem>>[vector<16xi32>, vector<16xi32>], vector<16xf32>, vector<16xi1>
          %add3A_437 = arith.constant 3 : i32
          %add3A_438 = vector.broadcast %add3A_437 : i32 to vector<16xi32>
          %add3A_439 = arith.addi %iota3A, %add3A_438 : vector<16xi32>
          %and3A_440 = arith.constant 15 : i32
          %and3A_441 = vector.broadcast %and3A_440 : i32 to vector<16xi32>
          %and3A_442 = arith.andi %add3A_439, %and3A_441 : vector<16xi32>
          %add3A_443 = vector.broadcast %mul3A_413 : i32 to vector<16xi32>
          %add3A_444 = arith.addi %add3A_443, %and3A_442 : vector<16xi32>
          tpu.vector_store_idx %arg15[%add3A_404, %add3A_444], %broadcast_in_dim3A_3 masked %gt3A_378 : memref<32x512xf32, #tpu.memory_space<vmem>>[vector<16xi32>, vector<16xi32>], vector<16xf32>, vector<16xi1>
          %add3A_445 = arith.constant 4 : i32
          %add3A_446 = vector.broadcast %add3A_445 : i32 to vector<16xi32>
          %add3A_447 = arith.addi %iota3A, %add3A_446 : vector<16xi32>
          %and3A_448 = arith.constant 15 : i32
          %and3A_449 = vector.broadcast %and3A_448 : i32 to vector<16xi32>
          %and3A_450 = arith.andi %add3A_447, %and3A_449 : vector<16xi32>
          %add3A_451 = vector.broadcast %mul3A_413 : i32 to vector<16xi32>
          %add3A_452 = arith.addi %add3A_451, %and3A_450 : vector<16xi32>
          tpu.vector_store_idx %arg15[%add3A_404, %add3A_452], %broadcast_in_dim3A_3 masked %gt3A_378 : memref<32x512xf32, #tpu.memory_space<vmem>>[vector<16xi32>, vector<16xi32>], vector<16xf32>, vector<16xi1>
          %add3A_453 = arith.constant 5 : i32
          %add3A_454 = vector.broadcast %add3A_453 : i32 to vector<16xi32>
          %add3A_455 = arith.addi %iota3A, %add3A_454 : vector<16xi32>
          %and3A_456 = arith.constant 15 : i32
          %and3A_457 = vector.broadcast %and3A_456 : i32 to vector<16xi32>
          %and3A_458 = arith.andi %add3A_455, %and3A_457 : vector<16xi32>
          %add3A_459 = vector.broadcast %mul3A_413 : i32 to vector<16xi32>
          %add3A_460 = arith.addi %add3A_459, %and3A_458 : vector<16xi32>
          tpu.vector_store_idx %arg15[%add3A_404, %add3A_460], %broadcast_in_dim3A_3 masked %gt3A_378 : memref<32x512xf32, #tpu.memory_space<vmem>>[vector<16xi32>, vector<16xi32>], vector<16xf32>, vector<16xi1>
          %add3A_461 = arith.constant 6 : i32
          %add3A_462 = vector.broadcast %add3A_461 : i32 to vector<16xi32>
          %add3A_463 = arith.addi %iota3A, %add3A_462 : vector<16xi32>
          %and3A_464 = arith.constant 15 : i32
          %and3A_465 = vector.broadcast %and3A_464 : i32 to vector<16xi32>
          %and3A_466 = arith.andi %add3A_463, %and3A_465 : vector<16xi32>
          %add3A_467 = vector.broadcast %mul3A_413 : i32 to vector<16xi32>
          %add3A_468 = arith.addi %add3A_467, %and3A_466 : vector<16xi32>
          tpu.vector_store_idx %arg15[%add3A_404, %add3A_468], %broadcast_in_dim3A_3 masked %gt3A_378 : memref<32x512xf32, #tpu.memory_space<vmem>>[vector<16xi32>, vector<16xi32>], vector<16xf32>, vector<16xi1>
          %add3A_469 = arith.constant 7 : i32
          %add3A_470 = vector.broadcast %add3A_469 : i32 to vector<16xi32>
          %add3A_471 = arith.addi %iota3A, %add3A_470 : vector<16xi32>
          %and3A_472 = arith.constant 15 : i32
          %and3A_473 = vector.broadcast %and3A_472 : i32 to vector<16xi32>
          %and3A_474 = arith.andi %add3A_471, %and3A_473 : vector<16xi32>
          %add3A_475 = vector.broadcast %mul3A_413 : i32 to vector<16xi32>
          %add3A_476 = arith.addi %add3A_475, %and3A_474 : vector<16xi32>
          tpu.vector_store_idx %arg15[%add3A_404, %add3A_476], %broadcast_in_dim3A_3 masked %gt3A_378 : memref<32x512xf32, #tpu.memory_space<vmem>>[vector<16xi32>, vector<16xi32>], vector<16xf32>, vector<16xi1>
          %add3A_477 = arith.constant 8 : i32
          %add3A_478 = vector.broadcast %add3A_477 : i32 to vector<16xi32>
          %add3A_479 = arith.addi %iota3A, %add3A_478 : vector<16xi32>
          %and3A_480 = arith.constant 15 : i32
          %and3A_481 = vector.broadcast %and3A_480 : i32 to vector<16xi32>
          %and3A_482 = arith.andi %add3A_479, %and3A_481 : vector<16xi32>
          %add3A_483 = vector.broadcast %mul3A_413 : i32 to vector<16xi32>
          %add3A_484 = arith.addi %add3A_483, %and3A_482 : vector<16xi32>
          tpu.vector_store_idx %arg15[%add3A_404, %add3A_484], %broadcast_in_dim3A_3 masked %gt3A_378 : memref<32x512xf32, #tpu.memory_space<vmem>>[vector<16xi32>, vector<16xi32>], vector<16xf32>, vector<16xi1>
          %add3A_485 = arith.constant 9 : i32
          %add3A_486 = vector.broadcast %add3A_485 : i32 to vector<16xi32>
          %add3A_487 = arith.addi %iota3A, %add3A_486 : vector<16xi32>
          %and3A_488 = arith.constant 15 : i32
          %and3A_489 = vector.broadcast %and3A_488 : i32 to vector<16xi32>
          %and3A_490 = arith.andi %add3A_487, %and3A_489 : vector<16xi32>
          %add3A_491 = vector.broadcast %mul3A_413 : i32 to vector<16xi32>
          %add3A_492 = arith.addi %add3A_491, %and3A_490 : vector<16xi32>
          tpu.vector_store_idx %arg15[%add3A_404, %add3A_492], %broadcast_in_dim3A_3 masked %gt3A_378 : memref<32x512xf32, #tpu.memory_space<vmem>>[vector<16xi32>, vector<16xi32>], vector<16xf32>, vector<16xi1>
          %add3A_493 = arith.constant 10 : i32
          %add3A_494 = vector.broadcast %add3A_493 : i32 to vector<16xi32>
          %add3A_495 = arith.addi %iota3A, %add3A_494 : vector<16xi32>
          %and3A_496 = arith.constant 15 : i32
          %and3A_497 = vector.broadcast %and3A_496 : i32 to vector<16xi32>
          %and3A_498 = arith.andi %add3A_495, %and3A_497 : vector<16xi32>
          %add3A_499 = vector.broadcast %mul3A_413 : i32 to vector<16xi32>
          %add3A_500 = arith.addi %add3A_499, %and3A_498 : vector<16xi32>
          tpu.vector_store_idx %arg15[%add3A_404, %add3A_500], %broadcast_in_dim3A_3 masked %gt3A_378 : memref<32x512xf32, #tpu.memory_space<vmem>>[vector<16xi32>, vector<16xi32>], vector<16xf32>, vector<16xi1>
          %add3A_501 = arith.constant 11 : i32
          %add3A_502 = vector.broadcast %add3A_501 : i32 to vector<16xi32>
          %add3A_503 = arith.addi %iota3A, %add3A_502 : vector<16xi32>
          %and3A_504 = arith.constant 15 : i32
          %and3A_505 = vector.broadcast %and3A_504 : i32 to vector<16xi32>
          %and3A_506 = arith.andi %add3A_503, %and3A_505 : vector<16xi32>
          %add3A_507 = vector.broadcast %mul3A_413 : i32 to vector<16xi32>
          %add3A_508 = arith.addi %add3A_507, %and3A_506 : vector<16xi32>
          tpu.vector_store_idx %arg15[%add3A_404, %add3A_508], %broadcast_in_dim3A_3 masked %gt3A_378 : memref<32x512xf32, #tpu.memory_space<vmem>>[vector<16xi32>, vector<16xi32>], vector<16xf32>, vector<16xi1>
          %add3A_509 = arith.constant 12 : i32
          %add3A_510 = vector.broadcast %add3A_509 : i32 to vector<16xi32>
          %add3A_511 = arith.addi %iota3A, %add3A_510 : vector<16xi32>
          %and3A_512 = arith.constant 15 : i32
          %and3A_513 = vector.broadcast %and3A_512 : i32 to vector<16xi32>
          %and3A_514 = arith.andi %add3A_511, %and3A_513 : vector<16xi32>
          %add3A_515 = vector.broadcast %mul3A_413 : i32 to vector<16xi32>
          %add3A_516 = arith.addi %add3A_515, %and3A_514 : vector<16xi32>
          tpu.vector_store_idx %arg15[%add3A_404, %add3A_516], %broadcast_in_dim3A_3 masked %gt3A_378 : memref<32x512xf32, #tpu.memory_space<vmem>>[vector<16xi32>, vector<16xi32>], vector<16xf32>, vector<16xi1>
          %add3A_517 = arith.constant 13 : i32
          %add3A_518 = vector.broadcast %add3A_517 : i32 to vector<16xi32>
          %add3A_519 = arith.addi %iota3A, %add3A_518 : vector<16xi32>
          %and3A_520 = arith.constant 15 : i32
          %and3A_521 = vector.broadcast %and3A_520 : i32 to vector<16xi32>
          %and3A_522 = arith.andi %add3A_519, %and3A_521 : vector<16xi32>
          %add3A_523 = vector.broadcast %mul3A_413 : i32 to vector<16xi32>
          %add3A_524 = arith.addi %add3A_523, %and3A_522 : vector<16xi32>
          tpu.vector_store_idx %arg15[%add3A_404, %add3A_524], %broadcast_in_dim3A_3 masked %gt3A_378 : memref<32x512xf32, #tpu.memory_space<vmem>>[vector<16xi32>, vector<16xi32>], vector<16xf32>, vector<16xi1>
          %add3A_525 = arith.constant 14 : i32
          %add3A_526 = vector.broadcast %add3A_525 : i32 to vector<16xi32>
          %add3A_527 = arith.addi %iota3A, %add3A_526 : vector<16xi32>
          %and3A_528 = arith.constant 15 : i32
          %and3A_529 = vector.broadcast %and3A_528 : i32 to vector<16xi32>
          %and3A_530 = arith.andi %add3A_527, %and3A_529 : vector<16xi32>
          %add3A_531 = vector.broadcast %mul3A_413 : i32 to vector<16xi32>
          %add3A_532 = arith.addi %add3A_531, %and3A_530 : vector<16xi32>
          tpu.vector_store_idx %arg15[%add3A_404, %add3A_532], %broadcast_in_dim3A_3 masked %gt3A_378 : memref<32x512xf32, #tpu.memory_space<vmem>>[vector<16xi32>, vector<16xi32>], vector<16xf32>, vector<16xi1>
          %add3A_533 = arith.constant 15 : i32
          %add3A_534 = vector.broadcast %add3A_533 : i32 to vector<16xi32>
          %add3A_535 = arith.addi %iota3A, %add3A_534 : vector<16xi32>
          %and3A_536 = arith.constant 15 : i32
          %and3A_537 = vector.broadcast %and3A_536 : i32 to vector<16xi32>
          %and3A_538 = arith.andi %add3A_535, %and3A_537 : vector<16xi32>
          %add3A_539 = vector.broadcast %mul3A_413 : i32 to vector<16xi32>
          %add3A_540 = arith.addi %add3A_539, %and3A_538 : vector<16xi32>
          tpu.vector_store_idx %arg15[%add3A_404, %add3A_540], %broadcast_in_dim3A_3 masked %gt3A_378 : memref<32x512xf32, #tpu.memory_space<vmem>>[vector<16xi32>, vector<16xi32>], vector<16xf32>, vector<16xi1>
        }
        %scan3A_410 = arith.constant 32 : i32
      } else {
      }
      %multiple_of3A_387 = arith.constant 2032 : i32
      %multiple_of3A_388 = tpu.assume_multiple %multiple_of3A_387, 16 : i32
      %get3A_389 = arith.index_cast %multiple_of3A_388 : i32 to index
      %get3A_390 = tpu.vector_load %arg10[%get3A_389] {strides = array<i32>} : memref<2048xi32, #tpu.memory_space<vmem>>, vector<16xi32>,
      %gt3A_391 = arith.constant 0 : i32
      %gt3A_392 = vector.broadcast %gt3A_391 : i32 to vector<16xi32>
      %gt3A_393 = arith.cmpi sgt, %get3A_390, %gt3A_392 : vector<16xi32>
      %all_reduce_population_count3A_394 = tpu.all_reduce %gt3A_393 {dim = 0 : i64, kind = #tpu.reduction_kind<sum>} : vector<16xi1> -> vector<16xi32>
      %slice3A_395 = vector.extract_strided_slice %all_reduce_population_count3A_394 {offsets = [0], sizes = [1], strides = [1]} : vector<16xi32> to vector<1xi32>
      %squeeze3A_396 = vector.extract %slice3A_395[0] : i32 from vector<1xi32>
      %gt3A_397 = arith.constant 0 : i32
      %gt3A_398 = arith.cmpi sgt, %squeeze3A_396, %gt3A_397 : i32
      %convert_element_type3A_399 = arith.extui %gt3A_398 : i1 to i32
      %cond3A_400 = arith.constant 0 : i32
      %cond3A_401 = arith.cmpi ne, %convert_element_type3A_399, %cond3A_400 : i32
      scf.if %cond3A_401 {
        %add3A_402 = arith.constant 16 : i32
        %add3A_403 = vector.broadcast %add3A_402 : i32 to vector<16xi32>
        %add3A_404 = arith.addi %add3A_403, %iota3A : vector<16xi32>
        %scan3A_405 = arith.constant 0 : i32
        %scan3A_406 = arith.constant 0 : i32
        %scan3A_407 = arith.constant 32 : i32
        %scan3A_408 = arith.addi %scan3A_406, %scan3A_407 : i32
        %scan3A_409 = arith.constant 1 : i32
        scf.for %scan3A_411 = %scan3A_406 to %scan3A_408 step %scan3A_409  : i32 {
          %mul3A_412 = arith.constant 16 : i32
          %mul3A_413 = arith.muli %scan3A_411, %mul3A_412 : i32
          %add3A_414 = arith.constant 0 : i32
          %add3A_415 = vector.broadcast %add3A_414 : i32 to vector<16xi32>
          %add3A_416 = arith.addi %iota3A, %add3A_415 : vector<16xi32>
          %and3A = arith.constant 15 : i32
          %and3A_417 = vector.broadcast %and3A : i32 to vector<16xi32>
          %and3A_418 = arith.andi %add3A_416, %and3A_417 : vector<16xi32>
          %add3A_419 = vector.broadcast %mul3A_413 : i32 to vector<16xi32>
          %add3A_420 = arith.addi %add3A_419, %and3A_418 : vector<16xi32>
          tpu.vector_store_idx %arg15[%add3A_404, %add3A_420], %broadcast_in_dim3A_3 masked %gt3A_393 : memref<32x512xf32, #tpu.memory_space<vmem>>[vector<16xi32>, vector<16xi32>], vector<16xf32>, vector<16xi1>
          %add3A_421 = arith.constant 1 : i32
          %add3A_422 = vector.broadcast %add3A_421 : i32 to vector<16xi32>
          %add3A_423 = arith.addi %iota3A, %add3A_422 : vector<16xi32>
          %and3A_424 = arith.constant 15 : i32
          %and3A_425 = vector.broadcast %and3A_424 : i32 to vector<16xi32>
          %and3A_426 = arith.andi %add3A_423, %and3A_425 : vector<16xi32>
          %add3A_427 = vector.broadcast %mul3A_413 : i32 to vector<16xi32>
          %add3A_428 = arith.addi %add3A_427, %and3A_426 : vector<16xi32>
          tpu.vector_store_idx %arg15[%add3A_404, %add3A_428], %broadcast_in_dim3A_3 masked %gt3A_393 : memref<32x512xf32, #tpu.memory_space<vmem>>[vector<16xi32>, vector<16xi32>], vector<16xf32>, vector<16xi1>
          %add3A_429 = arith.constant 2 : i32
          %add3A_430 = vector.broadcast %add3A_429 : i32 to vector<16xi32>
          %add3A_431 = arith.addi %iota3A, %add3A_430 : vector<16xi32>
          %and3A_432 = arith.constant 15 : i32
          %and3A_433 = vector.broadcast %and3A_432 : i32 to vector<16xi32>
          %and3A_434 = arith.andi %add3A_431, %and3A_433 : vector<16xi32>
          %add3A_435 = vector.broadcast %mul3A_413 : i32 to vector<16xi32>
          %add3A_436 = arith.addi %add3A_435, %and3A_434 : vector<16xi32>
          tpu.vector_store_idx %arg15[%add3A_404, %add3A_436], %broadcast_in_dim3A_3 masked %gt3A_393 : memref<32x512xf32, #tpu.memory_space<vmem>>[vector<16xi32>, vector<16xi32>], vector<16xf32>, vector<16xi1>
          %add3A_437 = arith.constant 3 : i32
          %add3A_438 = vector.broadcast %add3A_437 : i32 to vector<16xi32>
          %add3A_439 = arith.addi %iota3A, %add3A_438 : vector<16xi32>
          %and3A_440 = arith.constant 15 : i32
          %and3A_441 = vector.broadcast %and3A_440 : i32 to vector<16xi32>
          %and3A_442 = arith.andi %add3A_439, %and3A_441 : vector<16xi32>
          %add3A_443 = vector.broadcast %mul3A_413 : i32 to vector<16xi32>
          %add3A_444 = arith.addi %add3A_443, %and3A_442 : vector<16xi32>
          tpu.vector_store_idx %arg15[%add3A_404, %add3A_444], %broadcast_in_dim3A_3 masked %gt3A_393 : memref<32x512xf32, #tpu.memory_space<vmem>>[vector<16xi32>, vector<16xi32>], vector<16xf32>, vector<16xi1>
          %add3A_445 = arith.constant 4 : i32
          %add3A_446 = vector.broadcast %add3A_445 : i32 to vector<16xi32>
          %add3A_447 = arith.addi %iota3A, %add3A_446 : vector<16xi32>
          %and3A_448 = arith.constant 15 : i32
          %and3A_449 = vector.broadcast %and3A_448 : i32 to vector<16xi32>
          %and3A_450 = arith.andi %add3A_447, %and3A_449 : vector<16xi32>
          %add3A_451 = vector.broadcast %mul3A_413 : i32 to vector<16xi32>
          %add3A_452 = arith.addi %add3A_451, %and3A_450 : vector<16xi32>
          tpu.vector_store_idx %arg15[%add3A_404, %add3A_452], %broadcast_in_dim3A_3 masked %gt3A_393 : memref<32x512xf32, #tpu.memory_space<vmem>>[vector<16xi32>, vector<16xi32>], vector<16xf32>, vector<16xi1>
          %add3A_453 = arith.constant 5 : i32
          %add3A_454 = vector.broadcast %add3A_453 : i32 to vector<16xi32>
          %add3A_455 = arith.addi %iota3A, %add3A_454 : vector<16xi32>
          %and3A_456 = arith.constant 15 : i32
          %and3A_457 = vector.broadcast %and3A_456 : i32 to vector<16xi32>
          %and3A_458 = arith.andi %add3A_455, %and3A_457 : vector<16xi32>
          %add3A_459 = vector.broadcast %mul3A_413 : i32 to vector<16xi32>
          %add3A_460 = arith.addi %add3A_459, %and3A_458 : vector<16xi32>
          tpu.vector_store_idx %arg15[%add3A_404, %add3A_460], %broadcast_in_dim3A_3 masked %gt3A_393 : memref<32x512xf32, #tpu.memory_space<vmem>>[vector<16xi32>, vector<16xi32>], vector<16xf32>, vector<16xi1>
          %add3A_461 = arith.constant 6 : i32
          %add3A_462 = vector.broadcast %add3A_461 : i32 to vector<16xi32>
          %add3A_463 = arith.addi %iota3A, %add3A_462 : vector<16xi32>
          %and3A_464 = arith.constant 15 : i32
          %and3A_465 = vector.broadcast %and3A_464 : i32 to vector<16xi32>
          %and3A_466 = arith.andi %add3A_463, %and3A_465 : vector<16xi32>
          %add3A_467 = vector.broadcast %mul3A_413 : i32 to vector<16xi32>
          %add3A_468 = arith.addi %add3A_467, %and3A_466 : vector<16xi32>
          tpu.vector_store_idx %arg15[%add3A_404, %add3A_468], %broadcast_in_dim3A_3 masked %gt3A_393 : memref<32x512xf32, #tpu.memory_space<vmem>>[vector<16xi32>, vector<16xi32>], vector<16xf32>, vector<16xi1>
          %add3A_469 = arith.constant 7 : i32
          %add3A_470 = vector.broadcast %add3A_469 : i32 to vector<16xi32>
          %add3A_471 = arith.addi %iota3A, %add3A_470 : vector<16xi32>
          %and3A_472 = arith.constant 15 : i32
          %and3A_473 = vector.broadcast %and3A_472 : i32 to vector<16xi32>
          %and3A_474 = arith.andi %add3A_471, %and3A_473 : vector<16xi32>
          %add3A_475 = vector.broadcast %mul3A_413 : i32 to vector<16xi32>
          %add3A_476 = arith.addi %add3A_475, %and3A_474 : vector<16xi32>
          tpu.vector_store_idx %arg15[%add3A_404, %add3A_476], %broadcast_in_dim3A_3 masked %gt3A_393 : memref<32x512xf32, #tpu.memory_space<vmem>>[vector<16xi32>, vector<16xi32>], vector<16xf32>, vector<16xi1>
          %add3A_477 = arith.constant 8 : i32
          %add3A_478 = vector.broadcast %add3A_477 : i32 to vector<16xi32>
          %add3A_479 = arith.addi %iota3A, %add3A_478 : vector<16xi32>
          %and3A_480 = arith.constant 15 : i32
          %and3A_481 = vector.broadcast %and3A_480 : i32 to vector<16xi32>
          %and3A_482 = arith.andi %add3A_479, %and3A_481 : vector<16xi32>
          %add3A_483 = vector.broadcast %mul3A_413 : i32 to vector<16xi32>
          %add3A_484 = arith.addi %add3A_483, %and3A_482 : vector<16xi32>
          tpu.vector_store_idx %arg15[%add3A_404, %add3A_484], %broadcast_in_dim3A_3 masked %gt3A_393 : memref<32x512xf32, #tpu.memory_space<vmem>>[vector<16xi32>, vector<16xi32>], vector<16xf32>, vector<16xi1>
          %add3A_485 = arith.constant 9 : i32
          %add3A_486 = vector.broadcast %add3A_485 : i32 to vector<16xi32>
          %add3A_487 = arith.addi %iota3A, %add3A_486 : vector<16xi32>
          %and3A_488 = arith.constant 15 : i32
          %and3A_489 = vector.broadcast %and3A_488 : i32 to vector<16xi32>
          %and3A_490 = arith.andi %add3A_487, %and3A_489 : vector<16xi32>
          %add3A_491 = vector.broadcast %mul3A_413 : i32 to vector<16xi32>
          %add3A_492 = arith.addi %add3A_491, %and3A_490 : vector<16xi32>
          tpu.vector_store_idx %arg15[%add3A_404, %add3A_492], %broadcast_in_dim3A_3 masked %gt3A_393 : memref<32x512xf32, #tpu.memory_space<vmem>>[vector<16xi32>, vector<16xi32>], vector<16xf32>, vector<16xi1>
          %add3A_493 = arith.constant 10 : i32
          %add3A_494 = vector.broadcast %add3A_493 : i32 to vector<16xi32>
          %add3A_495 = arith.addi %iota3A, %add3A_494 : vector<16xi32>
          %and3A_496 = arith.constant 15 : i32
          %and3A_497 = vector.broadcast %and3A_496 : i32 to vector<16xi32>
          %and3A_498 = arith.andi %add3A_495, %and3A_497 : vector<16xi32>
          %add3A_499 = vector.broadcast %mul3A_413 : i32 to vector<16xi32>
          %add3A_500 = arith.addi %add3A_499, %and3A_498 : vector<16xi32>
          tpu.vector_store_idx %arg15[%add3A_404, %add3A_500], %broadcast_in_dim3A_3 masked %gt3A_393 : memref<32x512xf32, #tpu.memory_space<vmem>>[vector<16xi32>, vector<16xi32>], vector<16xf32>, vector<16xi1>
          %add3A_501 = arith.constant 11 : i32
          %add3A_502 = vector.broadcast %add3A_501 : i32 to vector<16xi32>
          %add3A_503 = arith.addi %iota3A, %add3A_502 : vector<16xi32>
          %and3A_504 = arith.constant 15 : i32
          %and3A_505 = vector.broadcast %and3A_504 : i32 to vector<16xi32>
          %and3A_506 = arith.andi %add3A_503, %and3A_505 : vector<16xi32>
          %add3A_507 = vector.broadcast %mul3A_413 : i32 to vector<16xi32>
          %add3A_508 = arith.addi %add3A_507, %and3A_506 : vector<16xi32>
          tpu.vector_store_idx %arg15[%add3A_404, %add3A_508], %broadcast_in_dim3A_3 masked %gt3A_393 : memref<32x512xf32, #tpu.memory_space<vmem>>[vector<16xi32>, vector<16xi32>], vector<16xf32>, vector<16xi1>
          %add3A_509 = arith.constant 12 : i32
          %add3A_510 = vector.broadcast %add3A_509 : i32 to vector<16xi32>
          %add3A_511 = arith.addi %iota3A, %add3A_510 : vector<16xi32>
          %and3A_512 = arith.constant 15 : i32
          %and3A_513 = vector.broadcast %and3A_512 : i32 to vector<16xi32>
          %and3A_514 = arith.andi %add3A_511, %and3A_513 : vector<16xi32>
          %add3A_515 = vector.broadcast %mul3A_413 : i32 to vector<16xi32>
          %add3A_516 = arith.addi %add3A_515, %and3A_514 : vector<16xi32>
          tpu.vector_store_idx %arg15[%add3A_404, %add3A_516], %broadcast_in_dim3A_3 masked %gt3A_393 : memref<32x512xf32, #tpu.memory_space<vmem>>[vector<16xi32>, vector<16xi32>], vector<16xf32>, vector<16xi1>
          %add3A_517 = arith.constant 13 : i32
          %add3A_518 = vector.broadcast %add3A_517 : i32 to vector<16xi32>
          %add3A_519 = arith.addi %iota3A, %add3A_518 : vector<16xi32>
          %and3A_520 = arith.constant 15 : i32
          %and3A_521 = vector.broadcast %and3A_520 : i32 to vector<16xi32>
          %and3A_522 = arith.andi %add3A_519, %and3A_521 : vector<16xi32>
          %add3A_523 = vector.broadcast %mul3A_413 : i32 to vector<16xi32>
          %add3A_524 = arith.addi %add3A_523, %and3A_522 : vector<16xi32>
          tpu.vector_store_idx %arg15[%add3A_404, %add3A_524], %broadcast_in_dim3A_3 masked %gt3A_393 : memref<32x512xf32, #tpu.memory_space<vmem>>[vector<16xi32>, vector<16xi32>], vector<16xf32>, vector<16xi1>
          %add3A_525 = arith.constant 14 : i32
          %add3A_526 = vector.broadcast %add3A_525 : i32 to vector<16xi32>
          %add3A_527 = arith.addi %iota3A, %add3A_526 : vector<16xi32>
          %and3A_528 = arith.constant 15 : i32
          %and3A_529 = vector.broadcast %and3A_528 : i32 to vector<16xi32>
          %and3A_530 = arith.andi %add3A_527, %and3A_529 : vector<16xi32>
          %add3A_531 = vector.broadcast %mul3A_413 : i32 to vector<16xi32>
          %add3A_532 = arith.addi %add3A_531, %and3A_530 : vector<16xi32>
          tpu.vector_store_idx %arg15[%add3A_404, %add3A_532], %broadcast_in_dim3A_3 masked %gt3A_393 : memref<32x512xf32, #tpu.memory_space<vmem>>[vector<16xi32>, vector<16xi32>], vector<16xf32>, vector<16xi1>
          %add3A_533 = arith.constant 15 : i32
          %add3A_534 = vector.broadcast %add3A_533 : i32 to vector<16xi32>
          %add3A_535 = arith.addi %iota3A, %add3A_534 : vector<16xi32>
          %and3A_536 = arith.constant 15 : i32
          %and3A_537 = vector.broadcast %and3A_536 : i32 to vector<16xi32>
          %and3A_538 = arith.andi %add3A_535, %and3A_537 : vector<16xi32>
          %add3A_539 = vector.broadcast %mul3A_413 : i32 to vector<16xi32>
          %add3A_540 = arith.addi %add3A_539, %and3A_538 : vector<16xi32>
          tpu.vector_store_idx %arg15[%add3A_404, %add3A_540], %broadcast_in_dim3A_3 masked %gt3A_393 : memref<32x512xf32, #tpu.memory_space<vmem>>[vector<16xi32>, vector<16xi32>], vector<16xf32>, vector<16xi1>
        }
        %scan3A_410 = arith.constant 32 : i32
      } else {
      }
    } else {
    }
    %add3A_358 = arith.constant 2016 : i32
    %add3A_359 = arith.addi %multiple_of3A, %add3A_358 : i32
    %multiple_of3A_360 = tpu.assume_multiple %add3A_359, 32 : i32
    %dma_start3A_361 = arith.constant 0 : i32
    %dma_start3A_362 = tpu.memref_slice %arg5[%multiple_of3A_360, %dma_start3A_361] : memref<65536x512xf32, #tpu.memory_space<hbm>> -> memref<32x512xf32, #tpu.memory_space<hbm>>
    %dma_start3A_363 = arith.constant 0 : i32
    %dma_start3A_364 = tpu.memref_slice %arg5[%multiple_of3A_360, %dma_start3A_363] : memref<65536x512xf32, #tpu.memory_space<hbm>> -> memref<32x512xf32, #tpu.memory_space<hbm>>
    tpu.enqueue_dma source(%arg15 : memref<32x512xf32, #tpu.memory_space<vmem>>) target(%dma_start3A_364 : memref<32x512xf32, #tpu.memory_space<hbm>>) target_semaphore(%arg23 : memref<!tpu.dma_semaphore, #tpu.memory_space<semaphore_mem>>)
    %add3A_365 = arith.constant 2016 : i32
    %add3A_366 = arith.addi %multiple_of3A, %add3A_365 : i32
    %multiple_of3A_367 = tpu.assume_multiple %add3A_366, 32 : i32
    %dma_wait3A_368 = arith.constant 0 : i32
    %dma_wait3A_369 = tpu.memref_slice %arg5[%multiple_of3A_367, %dma_wait3A_368] : memref<65536x512xf32, #tpu.memory_space<hbm>> -> memref<32x512xf32, #tpu.memory_space<hbm>>
    %dma_wait3A_370 = arith.constant 0 : i32
    %dma_wait3A_371 = tpu.memref_slice %arg5[%multiple_of3A_367, %dma_wait3A_370] : memref<65536x512xf32, #tpu.memory_space<hbm>> -> memref<32x512xf32, #tpu.memory_space<hbm>>
    tpu.wait_dma2 semaphore(%arg23 : memref<!tpu.dma_semaphore, #tpu.memory_space<semaphore_mem>>) src(%arg15 : memref<32x512xf32, #tpu.memory_space<vmem>>) dst(%dma_wait3A_371 : memref<32x512xf32, #tpu.memory_space<hbm>>)
    return
  }
}

</mosaic_0001>

<sc_bundles>
// kernel: kernel.3.cloned.1.call-start
scs
__scs_entry_jumppad:
0x0: {  	(pc) =	sbr.rel $0x88, $3  }
0x1: {  	(tag) =	ssettag $0x0;
	lr =	simm.s32 $0x1  }
0x2: {  	[smem:$0x3F9E] =	sst lr;
	_ =	strace $0xD0000000  }
0x3: {  	_ = 	snop  }
0x4: {  	_ = 	snop  }
0x5: {  	_ = 	snop  }
0x6: {  	_ = 	snop  }
0x7: {  	_ = 	snop  }
__scs_overlays_trampoline_lowered:
0x8: {  	[smem:$0x3FAD] =	sst s0  }
0x9: {  	[smem:$0x3FAE] =	sst s1  }
0xa: {  	[smem:$0x3FAF] =	sst s2  }
0xb: {  	[smem:$0x3FB0] =	sst s3  }
0xc: {  	[smem:$0x3FB1] =	sst s4  }
0xd: {  	[smem:$0x3FB2] =	sst s5  }
0xe: {  	[smem:$0x3FB3] =	sst s6  }
0xf: {  	[smem:$0x3FB4] =	sst s7  }
0x10: {  	[smem:$0x3FB5] =	sst s8  }
0x11: {  	[smem:$0x3FB6] =	sst s9;
	s0 =	simm.s32 @!p0 $0x0  }
0x12: {  	s1 =	sld [smem:$0x3F9C];
	s0 =	simm.s32 @p0 $0x1  }
0x13: {  	[smem:$0x3FB7] =	sst s0;
	s0 =	simm.s32 @!p1 $0x0  }
0x14: {  	s2 =	sld [smem:$0x3F9B];
	s0 =	simm.s32 @p1 $0x1  }
0x15: {  	[smem:$0x3FB8] =	sst s0;
	s0 =	simm.s32 @!p2 $0x0  }
0x16: {  	s3 =	sld [smem:$0x3FDB];
	s0 =	simm.s32 @p2 $0x1  }
0x17: {  	s4 =	simm.s32 $0x1BF5;
	[smem:$0x3FBA] =	sst s0  }
0x18: {  	s0 =	sld [smem:$0x3F9D];
	_ =	swait.ge [sflag:s4], $0x0  }
0x19: {  	s7 =	sld [smem:$0x3F9E]  }
0x1a: {  	s8 =	sadd.s32 $0xFFFFE003, lr  }
0x1b: {  	s9 =	sadd.s32 $0xFFFFFEF7, lr;
	s5 =	simm.s32 $0xFFFFFFFF;
	p2 =	slt.u32 s8, $0xFFFFF086  }
0x1c: {  	p1 =	slt.u32 s9, $0xF7A;
	s5 =	simm.s32 @!p2 $0x0  }
0x1d: {  	s5 =	simm.s32 @p1 $0x1;
	p0 =	seq.s32 s7, s2  }
0x1e: {  	s7 =	smul.u32 @!p0 $0xF7A, s2;
	p2 =	seq.s32 @!p0 s5, $0x0  }
0x1f: {  	s9 =	smul.u32 $0xF7A, s1;
	s8 =	simm.s32 @!p0 $0x1BF5;
	p2 =	por !p2, p0  }
0x20: {  	[sflag:s8] =	ssyncset.s32 @!p0 $0xFFFFF086;
	s6 =	sadd.s32 @!p0 s3, s7;
	s7 =	simm.s32 @!p0 $0x108  }
0x21: {  	s3 =	sadd.s32 s3, s9;
	s6 =	sadd.s32 @!p0 $0x88, s6;
	s7 =	simm.s32 @p2 $0x1082  }
0x22: {  	[simem:s7], [sflag:s8] =	dma.local @!p0 [hbm:s6], $0xF7A  }
0x23: {  	s9 =	sor.u32 $0xD0000000, s2;
	s6 =	simm.s32 $0x108;
	_ =	swait.ge @!p0 [sflag:s8], $0x0  }
0x24: {  	s3 =	sadd.s32 $0x88, s3;
	s6 =	simm.s32 @!p1 $0x1082;
	[sflag:s4] =	ssyncset.s32 $0xFFFFF086  }
0x25: {  	[simem:s6], [sflag:s4] =	dma.local [hbm:s3], $0xF7A  }
0x26: {  	[smem:$0x3F9E] =	sst s1;
	(tag) =	ssettag s2;
	_ =	strace s9  }
0x27: {  	s1 =	sld [smem:$0x3FAE]  }
0x28: {  	s2 =	sld [smem:$0x3FAF]  }
0x29: {  	s4 =	sld [smem:$0x3FB1]  }
0x2a: {  	p0 =	seq.s32 s5, $0x0;
	s5 =	sld [smem:$0x3FB2]  }
0x2b: {  	s6 =	sld [smem:$0x3FB3]  }
0x2c: {  	s7 =	sld [smem:$0x3FB4]  }
0x2d: {  	s3 =	simm.s32 $0x108;
	s8 =	sld [smem:$0x3FB5]  }
0x2e: {  	s3 =	simm.s32 @!p0 $0x1082;
	s9 =	sld [smem:$0x3FB6]  }
0x2f: {  	lr =	sadd.s32 s0, s3;
	s0 =	sld [smem:$0x3FAD]  }
0x30: {  	s3 =	sld [smem:$0x3FB0]  }
0x31: {  	[smem:$0x3FB9] =	sst s10  }
0x32: {  	s10 =	sld [smem:$0x3FB7];
	_ =	sdelay $0x3  }
0x33: {  	p0 =	seq.s32 s10, $0x1;
	s10 =	sld [smem:$0x3FB9];
	_ =	sdelay $0x3  }
0x34: {  	[smem:$0x3FB9] =	sst s10  }
0x35: {  	s10 =	sld [smem:$0x3FB8];
	_ =	sdelay $0x3  }
0x36: {  	p1 =	seq.s32 s10, $0x1;
	s10 =	sld [smem:$0x3FB9];
	_ =	sdelay $0x3  }
0x37: {  	[smem:$0x3FB9] =	sst s10  }
0x38: {  	s10 =	sld [smem:$0x3FBA]  }
0x39: {  	_ = 	snop;
	(pc) =	sbr.ind lr, $3  }
0x3a: {  	_ = 	snop  }
0x3b: {  	_ = 	snop  }
0x3c: {  	p2 =	seq.s32 s10, $0x1;
	s10 =	sld [smem:$0x3FB9]  }
0x3d: {  	_ =	shalt  }
0x3e: {  	_ =	shalt  }
0x3f: {  	_ =	shalt  }
0x40: {  	_ =	shalt  }
0x41: {  	_ =	shalt  }
0x42: {  	_ =	shalt  }
0x43: {  	_ =	shalt  }
0x44: {  	_ =	shalt  }
0x45: {  	_ =	shalt  }
0x46: {  	_ =	shalt  }
0x47: {  	_ =	shalt  }
0x48: {  	_ =	shalt  }
0x49: {  	_ =	shalt  }
0x4a: {  	_ =	shalt  }
0x4b: {  	_ =	shalt  }
0x4c: {  	_ =	shalt  }
0x4d: {  	_ =	shalt  }
0x4e: {  	_ =	shalt  }
0x4f: {  	_ =	shalt  }
0x50: {  	_ =	shalt  }
0x51: {  	_ =	shalt  }
0x52: {  	_ =	shalt  }
0x53: {  	_ =	shalt  }
0x54: {  	_ =	shalt  }
0x55: {  	_ =	shalt  }
0x56: {  	_ =	shalt  }
0x57: {  	_ =	shalt  }
0x58: {  	_ =	shalt  }
0x59: {  	_ =	shalt  }
0x5a: {  	_ =	shalt  }
0x5b: {  	_ =	shalt  }
0x5c: {  	_ =	shalt  }
0x5d: {  	_ =	shalt  }
0x5e: {  	_ =	shalt  }
0x5f: {  	_ =	shalt  }
0x60: {  	_ =	shalt  }
0x61: {  	_ =	shalt  }
0x62: {  	_ =	shalt  }
0x63: {  	_ =	shalt  }
0x64: {  	_ =	shalt  }
0x65: {  	_ =	shalt  }
0x66: {  	_ =	shalt  }
0x67: {  	_ =	shalt  }
0x68: {  	_ =	shalt  }
0x69: {  	_ =	shalt  }
0x6a: {  	_ =	shalt  }
0x6b: {  	_ =	shalt  }
0x6c: {  	_ =	shalt  }
0x6d: {  	_ =	shalt  }
0x6e: {  	_ =	shalt  }
0x6f: {  	_ =	shalt  }
0x70: {  	_ =	shalt  }
0x71: {  	_ =	shalt  }
0x72: {  	_ =	shalt  }
0x73: {  	_ =	shalt  }
0x74: {  	_ =	shalt  }
0x75: {  	_ =	shalt  }
0x76: {  	_ =	shalt  }
0x77: {  	_ =	shalt  }
0x78: {  	_ =	shalt  }
0x79: {  	_ =	shalt  }
0x7a: {  	_ =	shalt  }
0x7b: {  	_ =	shalt  }
0x7c: {  	_ =	shalt  }
0x7d: {  	_ =	shalt  }
0x7e: {  	_ =	shalt  }
0x7f: {  	_ =	shalt  }
0x80: {  	_ =	shalt  }
0x81: {  	_ =	shalt  }
0x82: {  	_ =	shalt  }
0x83: {  	_ =	shalt  }
0x84: {  	_ =	shalt  }
0x85: {  	_ =	shalt  }
0x86: {  	_ =	shalt  }
0x87: {  	_ =	shalt  }
.Lfunc_end0:
.L_simem_size_0:
called_computation_lowered:
.L_overlay_start_0:
0x88: {  	s2 =	sld [smem:$0x3FD9]  }
0x89: {  	s3 =	sld [smem:$0x3FFE];
	_ =	sdelay $0x1  }
0x8a: {  	s1 =	srdreg.scid  }
0x8b: {  	s0 =	sand.u32 $0x1, s1  }
0x8c: {  	s14 =	sshll.u32 s0, $0xA;
	s2 =	sadd.s32 s3, s2  }
0x8d: {  	s2 =	sadd.s32 s2, s14  }
0x8e: {  	[smem:$0x3FC5] =	sst s2  }
0x8f: {  	_ = 	snop  }
0x90: {  	s2 =	sld [smem:$0x3FD0]  }
0x91: {  	s15 =	sld [smem:$0x3FC9]  }
0x92: {  	s4 =	sld [smem:$0x3FC8]  }
0x93: {  	s6 =	simm.s32 $0xA;
	s7 =	simm.s32 $0x10;
	s5 =	sld [smem:$0x3FC7]  }
0x94: {  	[smem:s7], [sflag:s6] =	dma.local [hbm:s2], $0x1  }
0x95: {  	_ =	swait.eq [sflag:s6], $0x1  }
0x96: {  	[sflag:s6] =	ssyncset.done $0x0  }
0x97: {  	[sflag:s6] =	ssyncadd.s32 $0xFFFFFFFF  }
0x98: {  	s16 =	sld [smem:$0x10];
	(tm) =	ssettm $0x1  }
0x99: {  	s17 =	sld [smem:$0x3FFB];
	_ =	sdelay $0x3  }
0x9a: {  	_ =	strace s17  }
0x9b: {  	s6 =	sld [smem:$0x3FFC];
	_ =	sdelay $0x3  }
0x9c: {  	_ =	strace s6  }
0x9d: {  	s6 =	sld [smem:$0x3FFD];
	_ =	sdelay $0x3  }
0x9e: {  	_ =	strace s6  }
0x9f: {  	_ =	strace $0x8FFFFFFF  }
0xa0: {  	s18 =	sld [smem:$0x3FDB];
	_ =	sdelay $0x1  }
0xa1: {  	s19 =	simm.s32 $_scs_section_size  }
0xa2: {  	s8 =	simm.s32 $_size__tile_overlayer_lowered;
	s9 =	simm.s32 $_tile_overlayer_lowered  }
0xa3: {  	s22 =	simm.s32 $0x1BFF;
	s21 =	sshll.u32 s9, $0x1;
	s6 =	sadd.s32 s19, s18  }
0xa4: {  	s10 =	simm.s32 $0x0;
	s20 =	sshll.u32 s8, $0x1;
	s8 =	sadd.s32 s21, s6  }
0xa5: {  	[timem:s10], [sflag:s22] =	dma.local [hbm:s8], s20  }
0xa6: {  	_ =	swait.ge [sflag:s22], s20  }
0xa7: {  	s7 =	ssub.s32 $0x0, s20;
	[sflag:s22] =	ssyncset.done $0x0  }
0xa8: {  	[sflag:s22] =	ssyncadd.s32 s7;
	_ =	sdelay $0x1  }
0xa9: {  	s23 =	simm.s32 $0x1B8B  }
0xaa: {  	_ =	swait.ge [sflag:s23], $0x1  }
0xab: {  	[sflag:s23] =	ssyncset.done $0x0  }
0xac: {  	s25 =	simm.s32 $0x1B8E;
	s24 =	sld [smem:$0x3FFE];
	[sflag:s23] =	ssyncadd.s32 $0xFFFFFFFF  }
0xad: {  	s26 =	simm.s32 $execute0_lowered;
	[smem:$0x3FD2] =	sst s25  }
0xae: {  	s8 =	sshll.u32 s26, $0x1;
	_ =	strace $0x80000046;
	[dreg:$0x1] =	wrdreg $0xFFFFFFFF  }
0xaf: {  	s28 =	simm.s32 $_size_execute0_lowered;
	s6 =	sadd.s32 s6, s8;
	[dreg:$0x0] =	wrdreg $0x0  }
0xb0: {  	s8 =	sshll.u32 s28, $0x1;
	[dreg:$0x2] =	wrdreg s6  }
0xb1: {  	[dreg:$0x3] =	wrdreg s8  }
0xb2: {  	[dreg:$0x4] =	wrdreg $0xC0  }
0xb3: {  	_ =	task [dreg:s10], $0x5FFFF  }
0xb4: {  	[dreg:$0x1] =	wrdreg $0xFFFFFFFF  }
0xb5: {  	[dreg:$0x0] =	wrdreg $0x60  }
0xb6: {  	[dreg:$0x2] =	wrdreg s15  }
0xb7: {  	[dreg:$0x3] =	wrdreg s4  }
0xb8: {  	[dreg:$0x4] =	wrdreg s5  }
0xb9: {  	[dreg:$0x5] =	wrdreg s16  }
0xba: {  	[dreg:$0x6] =	wrdreg s24  }
0xbb: {  	[dreg:$0x7] =	wrdreg $0x9  }
0xbc: {  	_ =	task.clear_ibuf [dreg:s10], $0x8FFFF;
	_ =	strace $0x90000046  }
0xbd: {  	s29 =	simm.s32 $0x9;
	_ =	strace $0x80000048  }
0xbe: {  	_ =	swait.ge [sflag:s29], $0x1  }
0xbf: {  	[sflag:s29] =	ssyncadd.s32 $0xFFFFFFFF  }
0xc0: {  	_ =	strace $0x90000048  }
0xc1: {  	_ =	sfence  }
0xc2: {  	s30 =	sld [smem:$0x0];
	_ =	sdelay $0x2  }
0xc3: {  	s31 =	sshll.u32 s1, $0xD;
	s1 =	sshrl.u32 s1, $0x2  }
0xc4: {  	s3 =	sand.u32 $0x4000, s31;
	s1 =	sadd.s32 s1, s30  }
0xc5: {  	s0 =	sor.u32 s3, s0;
	s1 =	sshll.u32 s1, $0x11  }
0xc6: {  	s0 =	sor.u32 s1, s0  }
0xc7: {  	s0 =	sadd.s32 $0x8F2B, s0  }
0xc8: {  	[sflag:s0] =	ssyncadd.remote.s32 $0x1  }
0xc9: {  	_ =	sfence.sel $0xFFFF  }
0xca: {  	[dreg:$0x0] =	wrdreg $0xFFFFFFFF;
	(pc) =	sbr.abs _section_cstart, $3  }
0xcb: {  	[dreg:$0x1] =	wrdreg $0xFFFFFFFF  }
0xcc: {  	_ =	task.clear_ibuf [dreg:s10], $0x2FFFF;
	_ =	strace $0x9FFFFFFF  }
0xcd: {  	(tm) =	ssettm $0x7FFFFFFF  }
tec
execute0_lowered:
.L_overlay_start_1:
0x0: {  	(tag) =	ssettag $0x1  }
0x1: {  	v0 =	vimm.s32 $0x1380;
	vm15 =	vcmask $0x300  }
0x2: {  	vm14 =	vcmask $0x704;
	vm13 =	vcmask $0xB08;
	vm12 =	vcmask $0xF0C  }
0x3: {  	vm11 =	vcmask $0x1310;
	vm10 =	vcmask $0x1714;
	vm9 =	vcmask $0x1B18  }
0x4: {  	vm8 =	vcmask $0x1F1C;
	vm7 =	vcmask $0x2320;
	vm6 =	vcmask $0x2724  }
0x5: {  	vm4 =	vcmask $0x2B28;
	vm3 =	vcmask $0x2F2C;
	vm2 =	vcmask $0x3330  }
0x6: {  	vm1 =	vcmask $0x3734;
	v6 =	vimm.s32 $0x87654321;
	v7 =	vimm.s32 $0x10FEDCBA  }
0x7: {  	v8 =	vimm.s32 $0x98765432;
	vm5 =	vcmask $0x3B38;
	vm0 =	vmmov $0xffff  }
0x8: {  	v10 =	vimm.s32 $0x210FEDCB;
	v14 =	vimm.s32 $0xA9876543;
	v15 =	vimm.s32 $0x3210FEDC  }
0x9: {  	v16 =	vimm.s32 $0xBA987654;
	v18 =	vimm.s32 $0x43210FED;
	v17 =	vimm.s32 $0x3380  }
0xa: {  	v19 =	vimm.s32 $0xCBA98765;
	v22 =	vimm.s32 $0x543210FE;
	v23 =	vimm.s32 $0xDCBA9876  }
0xb: {  	v20 =	vimm.s32 $0xFEDCBA98;
	v21 =	vimm.s32 $0x76543210;
	v24 =	vimm.s32 $0x6543210F  }
0xc: {  	v25 =	vimm.s32 $0xEDCBA987;
	v0 =	vsel vm15, $0x0, v0;
	v6 =	vunpack.c.l.s4.s8 v6  }
0xd: {  	v7 =	vunpack.c.l.s4.s8 v7;
	v8 =	vunpack.c.l.s4.s8 v8;
	v13 =	vunpack.c.l.s4.s8 v10  }
0xe: {  	v10 =	vimm.f32 $0.0e+00;
	v14 =	vunpack.c.l.s4.s8 v14;
	v15 =	vunpack.c.l.s4.s8 v15  }
0xf: {  	v16 =	vunpack.c.l.s4.s8 v16;
	v17 =	vsel vm15, $0x2000, v17;
	v20 =	vunpack.c.l.s4.s8 v20  }
0x10: {  	s0 =	rddreg [dreg:$0x0];
	v21 =	vunpack.c.l.s4.s8 v21;
	v28 =	vunpack.c.l.s4.s8 v19;
	v22 =	vunpack.c.l.s4.s8 v22  }
0x11: {  	s1 =	rddreg [dreg:$0x1];
	v23 =	vunpack.c.l.s4.s8 v23;
	v24 =	vunpack.c.l.s4.s8 v24;
	v0 =	vsel vm14, $0x80, v0  }
0x12: {  	s2 =	rddreg [dreg:$0x2];
	v25 =	vunpack.c.l.s4.s8 v25;
	v17 =	vsel vm14, $0x2080, v17;
	v0 =	vsel vm13, $0x100, v0  }
0x13: {  	s4 =	rddreg [dreg:$0x3];
	v13 =	vunpack.c.0.s8.s32 v13;
	v14 =	vunpack.c.0.s8.s32 v14;
	v15 =	vunpack.c.0.s8.s32 v15  }
0x14: {  	s5 =	rddreg [dreg:$0x4];
	v17 =	vsel vm13, $0x2100, v17;
	v20 =	vunpack.c.0.s8.s32 v20;
	v16 =	vunpack.c.0.s8.s32 v16  }
0x15: {  	s3 =	srdreg.scid;
	s7 =	stileid.u32;
	v21 =	vunpack.c.0.s8.s32 v21;
	v22 =	vunpack.c.0.s8.s32 v22;
	v23 =	vunpack.c.0.s8.s32 v23  }
0x16: {  	s11 =	simm.s32 $0x2400;
	s10 =	simm.s32 $0xA400;
	s19 =	simm.s32 $0xE400;
	v24 =	vunpack.c.0.s8.s32 v24;
	v0 =	vsel vm12, $0x180, v0;
	v17 =	vsel vm12, $0x2180, v17  }
0x17: {  	s13 =	simm.s32 $0xF400;
	s14 =	simm.s32 $0xFC00;
	s15 =	simm.s32 $0x10400;
	v25 =	vunpack.c.0.s8.s32 v25;
	v0 =	vsel vm11, $0x200, v0;
	v17 =	vsel vm11, $0x2200, v17  }
0x18: {  	s28 =	simm.s32 $0x6;
	s29 =	simm.s32 $0x3;
	s6 =	sand.u32 $0x1, s3;
	v26 =	vcombine.low v14, v13;
	v20 =	vand.u32 $0xF, v20;
	v1 =	vsel vm10, $0x280, v0  }
0x19: {  	s30 =	simm.s32 $0x7;
	s7 =	sshll.u32 s7, $0xC;
	s8 =	sshll.u32 s6, $0xB;
	v0 =	vimm.s32 $0x0;
	v17 =	vsel vm10, $0x2280, v17;
	v2 =	vsel vm9, $0x300, v1  }
0x1a: {  	s31 =	simm.s32 $0x4;
	s3 =	simm.s32 $0x0;
	s7 =	sor.u32 s8, s7;
	v1 =	vlaneseq.u32;
	v27 =	vsel vm9, $0x2300, v17;
	v17 =	vcombine.low v20, v21  }
0x1b: {  	s18 =	sadd.s32 $0x100, s0;
	[smem:$0x7FF] =	sst s3;
	s8 =	sshrl.u32 s7, $0x3;
	v20 =	vcombine.low v16, v15;
	v3 =	vsel vm8, $0x380, v2;
	v2 =	vand.u32 $0x7, v1  }
0x1c: {  	_ =	strace $0x80000047;
	s7 =	sshll.u32 s7, $0x6;
	s1 =	sadd.s32 s1, s8;
	v4 =	vshrl.u32 v1, $0x3;
	v21 =	vsel vm8, $0x2380, v27;
	v3 =	vsel vm7, $0x1000, v3  }
0x1d: {  	s5 =	sadd.s32 s8, s5;
	s25 =	sadd.s32 s2, s8;
	[dreg:$0xb] =	wrdreg s1;
	v27 =	vunpack.c.l.s4.s8 v18;
	v18 =	vand.u32 $0xF, v26;
	v5 =	vsel vm6, $0x1080, v3  }
0x1e: {  	s4 =	sadd.s32 s4, s7;
	s5 =	sadd.s32 $0x800, s5;
	[dreg:$0xc] =	wrdreg s25;
	v3 =	vmul.u32 $0x8, v4;
	v4 =	vsel vm4, $0x1100, v5;
	v5 =	vimm.s32 $0xFEDCBA9  }
0x1f: {  	s6 =	ssub.s32 $0x2, s6;
	s20 =	sadd.s32 $0x1E000, s4;
	[dreg:$0x6] =	wrdreg s5;
	v21 =	vsel vm7, $0x3000, v21;
	v4 =	vsel vm3, $0x1180, v4;
	v5 =	vunpack.c.l.s4.s8 v5  }
0x20: {  	s24 =	sshrl.u32 s6, $0x1;
	s21 =	sadd.s32 $0x1E800, s4;
	[dreg:$0x7] =	wrdreg s20;
	v19 =	vand.u32 $0xF, v20;
	v26 =	vsel vm6, $0x3080, v21;
	v4 =	vsel vm2, $0x1200, v4  }
0x21: {  	s22 =	sadd.s32 $0x1F000, s4;
	s23 =	sadd.s32 $0x1F800, s4;
	[dreg:$0x8] =	wrdreg s21;
	v26 =	vsel vm4, $0x3100, v26;
	v9 =	vsel vm1, $0x1280, v4;
	v4 =	vunpack.c.0.s8.s32 v5  }
.Ltmp0:
0x22: {  	s25 =	simm.s32 $0x2;
	[dreg:$0x9] =	wrdreg s22;
	v5 =	vunpack.c.0.s8.s32 v6;
	v6 =	vunpack.c.0.s8.s32 v7;
	v7 =	vunpack.c.0.s8.s32 v8;
	(pc) =	sbr.rel .LBB2_1-.Ltmp0, $4  }
0x23: {  	s1 =	simm.s32 $0x8;
	[dreg:$0xa] =	wrdreg s23;
	s5 =	ssub.s32 s6, s24;
	v20 =	vunpack.c.0.s8.s32 v27;
	v21 =	vunpack.c.0.s8.s32 v28;
	v26 =	vsel vm3, $0x3180, v26  }
0x24: {  	s22 =	simm.s32 $0x1;
	s24 =	simm.s32 $0x6400;
	s20 =	simm.s32 $0x10C00;
	v26 =	vsel vm2, $0x3200, v26;
	v11 =	vcombine.low v5, v4;
	v12 =	vcombine.low v7, v6  }
0x25: {  	s21 =	simm.s32 $0x11400;
	s23 =	simm.s32 $0x11C00;
	s26 =	smax.u32 s5, $0x1;
	v8 =	vor.u32 $0x8, v1;
	v26 =	vsel vm1, $0x3280, v26;
	v9 =	vsel vm5, $0x1300, v9  }
0x26: {  	s5 =	simm.s32 $0x0;
	[dreg:$0xd] =	wrdreg s26;
	s26 =	simm.s32 $0x5;
	v26 =	vsel vm5, $0x3300, v26;
	v11 =	vand.u32 $0xF, v11;
	v12 =	vand.u32 $0xF, v12  }
.LBB2_77:
0x27: {  	s2 =	rddreg [dreg:$0xa]  }
0x28: {  	[hbm4b:s2+s3] =	stream.linear.scatter [tilespmem:s19], [sflag:$0x8], $0x4000, $0x38;
	[tilespmem:$0x12400] =	vst v63  }
0x29: {  	_ =	swait.ge [sflag:s1], $0x4000  }
0x2a: {  	s5 =	sadd.s32 $0x1, s5;
	s17 =	rddreg [dreg:$0xd]  }
0x2b: {  	p0 =	sne.s32 s5, s17  }
.Ltmp1:
0x2c: {  	_ = 	snop;
	(pc) =	sbr.rel @!p0 .LBB2_78-.Ltmp1, $3  }
0x2d: {  	_ =	sdelay $0x1  }
0x2e: {  	[sflag:s1] =	ssyncset.done $0x0  }
0x2f: {  	[sflag:s1] =	ssyncadd.s32 $0xFFFFC000  }
.LBB2_1:
0x30: {  	[dreg:$0xe] =	wrdreg s5  }
0x31: {  	s2 =	rddreg [dreg:$0xb]  }
0x32: {  	[tilespmem:s3], [sflag:$0x1] =	stream.linear.gather [hbm4b:s2+s3], $0x800, $0x38;
	[tilespmem:$0x12400] =	vst v63  }
0x33: {  	s16 =	simm.s32 $0x800;
	s17 =	rddreg [dreg:$0xc]  }
0x34: {  	[tilespmem:s16], [sflag:$0x2] =	stream.linear.gather [hbm4b:s17+s3], $0x800, $0x38;
	[tilespmem:$0x12400] =	vst v63  }
0x35: {  	_ =	swait.ge [sflag:s22], $0x800  }
0x36: {  	[sflag:s22] =	ssyncset.done $0x0  }
0x37: {  	[sflag:s22] =	ssyncadd.s32 $0xFFFFF800  }
0x38: {  	_ =	swait.ge [sflag:s25], $0x800  }
0x39: {  	[sflag:s25] =	ssyncset.done $0x0  }
0x3a: {  	[sflag:s25] =	ssyncadd.s32 $0xFFFFF800  }
0x3b: {  	v27 =	vld [tilespmem:$0x800]  }
0x3c: {  	v28 =	vld [tilespmem:$0x0];
	_ =	sdelay $0x3  }
0x3d: {  	vm1 =	vlt.s32 v27, $0x7FF  }
0x3e: {  	v28 =	vshll.u32 v28, $0xB;
	v29 =	vnsel vm1, $0x7FF, v27  }
0x3f: {  	v28 =	vadd.s32 v29, v28  }
0x40: {  	[tilespmem:$0x1000] =	vst v28  }
0x41: {  	v28 =	vld [tilespmem:$0x1000];
	_ =	sdelay $0x2  }
0x42: {  	v29 =	vld [tilespmem:$0x810]  }
0x43: {  	v30 =	vld [tilespmem:$0x10]  }
0x44: {  	v31 =	vshll.u32 v28, $0x2  }
0x45: {  	v28 =	vand.u32 $0x7, v28;
	v31 =	vand.u32 $0xFFFFFFE0, v31  }
0x46: {  	v28 =	vor.u32 v28, v31  }
0x47: {  	vm1 =	vlt.s32 v29, $0x7FF;
	v31 =	vperm.xlane v28, v2  }
0x48: {  	vm2 =	veq.s32 v27, $0x800;
	v30 =	vshll.u32 v30, $0xB;
	v27 =	vnsel vm1, $0x7FF, v29  }
0x49: {  	vm1 =	veq.s32 v29, $0x800;
	v29 =	vsel vm2, $0x1, v0;
	v31 =	vadd.s32 v3, v31  }
0x4a: {  	[tilespmem:$0x1800] =	vst v29;
	v27 =	vadd.s32 v27, v30;
	vm2 =	vmor vm2, vm1  }
0x4b: {  	[tilespmem:$0x1010] =	vst v27;
	v27 =	vsel vm1, $0x1, v0;
	v29 =	vmpcnt.ones.xlane vm2;
	v28 =	vperm.xlane v28, v8  }
0x4c: {  	[tilespmem:$0x1810] =	vst v27  }
0x4d: {  	[tilespmem:$0x2000] =	vst v29;
	v27 =	vadd.s32 v3, v28  }
0x4e: {  	[tilespmem:s11], [sflag:$0x1] =	stream.indirect_vreg.gather [hbm4b:s0+s3], $0x80, v31, vm0, $0xb8;
	[tilespmem:$0x12400] =	vst v63  }
0x4f: {  	s6 =	simm.s32 $0x2C00  }
0x50: {  	[tilespmem:s6], [sflag:$0x1] =	stream.indirect_vreg.gather [hbm4b:s18+s3], $0x80, v31, vm0, $0xb8;
	[tilespmem:$0x12400] =	vst v63  }
0x51: {  	s7 =	simm.s32 $0x3400  }
0x52: {  	[tilespmem:s7], [sflag:$0x1] =	stream.indirect_vreg.gather [hbm4b:s0+s3], $0x80, v27, vm0, $0xb8;
	[tilespmem:$0x12400] =	vst v63  }
0x53: {  	s8 =	simm.s32 $0x3C00  }
0x54: {  	[tilespmem:s8], [sflag:$0x1] =	stream.indirect_vreg.gather [hbm4b:s18+s3], $0x80, v27, vm0, $0xb8;
	[tilespmem:$0x12400] =	vst v63  }
0x55: {  	v27 =	vld [tilespmem:$0x1010];
	_ =	sdelay $0x4  }
0x56: {  	v28 =	vshll.u32 v27, $0x2  }
0x57: {  	v27 =	vand.u32 $0x7, v27;
	v28 =	vand.u32 $0xFFFFFFE0, v28  }
0x58: {  	v27 =	vor.u32 v27, v28  }
0x59: {  	v28 =	vperm.xlane v27, v2;
	_ =	sdelay $0x1  }
0x5a: {  	v28 =	vadd.s32 v3, v28;
	_ =	sdelay $0x1  }
0x5b: {  	v27 =	vperm.xlane v27, v8;
	_ =	sdelay $0x1  }
0x5c: {  	s9 =	simm.s32 $0x4400;
	v27 =	vadd.s32 v3, v27  }
0x5d: {  	[tilespmem:s9], [sflag:$0x1] =	stream.indirect_vreg.gather [hbm4b:s0+s3], $0x80, v28, vm0, $0xb8;
	[tilespmem:$0x12400] =	vst v63  }
0x5e: {  	s12 =	simm.s32 $0x4C00  }
0x5f: {  	[tilespmem:s12], [sflag:$0x1] =	stream.indirect_vreg.gather [hbm4b:s18+s3], $0x80, v28, vm0, $0xb8;
	[tilespmem:$0x12400] =	vst v63  }
0x60: {  	s16 =	simm.s32 $0x5400  }
0x61: {  	[tilespmem:s16], [sflag:$0x1] =	stream.indirect_vreg.gather [hbm4b:s0+s3], $0x80, v27, vm0, $0xb8;
	[tilespmem:$0x12400] =	vst v63  }
0x62: {  	s17 =	simm.s32 $0x5C00  }
0x63: {  	[tilespmem:s17], [sflag:$0x1] =	stream.indirect_vreg.gather [hbm4b:s18+s3], $0x80, v27, vm0, $0xb8;
	[tilespmem:$0x12400] =	vst v63  }
0x64: {  	v27 =	vld [tilespmem:$0x820]  }
0x65: {  	v28 =	vld [tilespmem:$0x20];
	_ =	sdelay $0x3  }
0x66: {  	vm1 =	vlt.s32 v27, $0x7FF  }
0x67: {  	v28 =	vshll.u32 v28, $0xB;
	v29 =	vnsel vm1, $0x7FF, v27  }
0x68: {  	v28 =	vadd.s32 v29, v28  }
0x69: {  	[tilespmem:$0x1020] =	vst v28  }
0x6a: {  	v28 =	vld [tilespmem:$0x1020];
	_ =	sdelay $0x2  }
0x6b: {  	v29 =	vld [tilespmem:$0x830]  }
0x6c: {  	v30 =	vld [tilespmem:$0x30]  }
0x6d: {  	v31 =	vshll.u32 v28, $0x2  }
0x6e: {  	v28 =	vand.u32 $0x7, v28;
	v31 =	vand.u32 $0xFFFFFFE0, v31  }
0x6f: {  	v28 =	vor.u32 v28, v31  }
0x70: {  	vm1 =	vlt.s32 v29, $0x7FF;
	v31 =	vperm.xlane v28, v2  }
0x71: {  	vm2 =	veq.s32 v27, $0x800;
	v30 =	vshll.u32 v30, $0xB;
	v27 =	vnsel vm1, $0x7FF, v29  }
0x72: {  	vm1 =	veq.s32 v29, $0x800;
	v29 =	vsel vm2, $0x1, v0;
	v31 =	vadd.s32 v3, v31  }
0x73: {  	[tilespmem:$0x1820] =	vst v29;
	v27 =	vadd.s32 v27, v30;
	vm2 =	vmor vm2, vm1  }
0x74: {  	[tilespmem:$0x1030] =	vst v27;
	v27 =	vsel vm1, $0x1, v0;
	v29 =	vmpcnt.ones.xlane vm2;
	v28 =	vperm.xlane v28, v8  }
0x75: {  	[tilespmem:$0x1830] =	vst v27  }
0x76: {  	[tilespmem:$0x2010] =	vst v29;
	v27 =	vadd.s32 v3, v28  }
0x77: {  	[tilespmem:s24], [sflag:$0x2] =	stream.indirect_vreg.gather [hbm4b:s0+s3], $0x80, v31, vm0, $0xb8;
	[tilespmem:$0x12400] =	vst v63  }
0x78: {  	s5 =	simm.s32 $0x6C00  }
0x79: {  	[tilespmem:s5], [sflag:$0x2] =	stream.indirect_vreg.gather [hbm4b:s18+s3], $0x80, v31, vm0, $0xb8;
	[tilespmem:$0x12400] =	vst v63  }
0x7a: {  	s6 =	simm.s32 $0x7400  }
0x7b: {  	[tilespmem:s6], [sflag:$0x2] =	stream.indirect_vreg.gather [hbm4b:s0+s3], $0x80, v27, vm0, $0xb8;
	[tilespmem:$0x12400] =	vst v63  }
0x7c: {  	s7 =	simm.s32 $0x7C00  }
0x7d: {  	[tilespmem:s7], [sflag:$0x2] =	stream.indirect_vreg.gather [hbm4b:s18+s3], $0x80, v27, vm0, $0xb8;
	[tilespmem:$0x12400] =	vst v63  }
0x7e: {  	v27 =	vld [tilespmem:$0x1030];
	_ =	sdelay $0x4  }
0x7f: {  	v28 =	vshll.u32 v27, $0x2  }
0x80: {  	v27 =	vand.u32 $0x7, v27;
	v28 =	vand.u32 $0xFFFFFFE0, v28  }
0x81: {  	v27 =	vor.u32 v27, v28  }
0x82: {  	v28 =	vperm.xlane v27, v2;
	_ =	sdelay $0x1  }
0x83: {  	v28 =	vadd.s32 v3, v28;
	_ =	sdelay $0x1  }
0x84: {  	v27 =	vperm.xlane v27, v8;
	_ =	sdelay $0x1  }
0x85: {  	s8 =	simm.s32 $0x8400;
	v27 =	vadd.s32 v3, v27  }
0x86: {  	[tilespmem:s8], [sflag:$0x2] =	stream.indirect_vreg.gather [hbm4b:s0+s3], $0x80, v28, vm0, $0xb8;
	[tilespmem:$0x12400] =	vst v63  }
0x87: {  	s9 =	simm.s32 $0x8C00  }
0x88: {  	[tilespmem:s9], [sflag:$0x2] =	stream.indirect_vreg.gather [hbm4b:s18+s3], $0x80, v28, vm0, $0xb8;
	[tilespmem:$0x12400] =	vst v63  }
0x89: {  	s12 =	simm.s32 $0x9400  }
0x8a: {  	[tilespmem:s12], [sflag:$0x2] =	stream.indirect_vreg.gather [hbm4b:s0+s3], $0x80, v27, vm0, $0xb8;
	[tilespmem:$0x12400] =	vst v63  }
0x8b: {  	s16 =	simm.s32 $0x9C00  }
0x8c: {  	[tilespmem:s16], [sflag:$0x2] =	stream.indirect_vreg.gather [hbm4b:s18+s3], $0x80, v27, vm0, $0xb8;
	[tilespmem:$0x12400] =	vst v63  }
0x8d: {  	v27 =	vld [tilespmem:$0x840]  }
0x8e: {  	v28 =	vld [tilespmem:$0x40];
	_ =	sdelay $0x3  }
0x8f: {  	vm1 =	vlt.s32 v27, $0x7FF  }
0x90: {  	v28 =	vshll.u32 v28, $0xB;
	v29 =	vnsel vm1, $0x7FF, v27  }
0x91: {  	v28 =	vadd.s32 v29, v28  }
0x92: {  	[tilespmem:$0x1040] =	vst v28  }
0x93: {  	v28 =	vld [tilespmem:$0x1040];
	_ =	sdelay $0x2  }
0x94: {  	v29 =	vld [tilespmem:$0x850]  }
0x95: {  	v30 =	vld [tilespmem:$0x50]  }
0x96: {  	v31 =	vshll.u32 v28, $0x2  }
0x97: {  	v28 =	vand.u32 $0x7, v28;
	v31 =	vand.u32 $0xFFFFFFE0, v31  }
0x98: {  	v28 =	vor.u32 v28, v31  }
0x99: {  	vm1 =	vlt.s32 v29, $0x7FF;
	v31 =	vperm.xlane v28, v2  }
0x9a: {  	vm2 =	veq.s32 v27, $0x800;
	v30 =	vshll.u32 v30, $0xB;
	v27 =	vnsel vm1, $0x7FF, v29  }
0x9b: {  	vm1 =	veq.s32 v29, $0x800;
	v29 =	vsel vm2, $0x1, v0;
	v31 =	vadd.s32 v3, v31  }
0x9c: {  	[tilespmem:$0x1840] =	vst v29;
	v27 =	vadd.s32 v27, v30;
	vm2 =	vmor vm2, vm1  }
0x9d: {  	[tilespmem:$0x1050] =	vst v27;
	v27 =	vsel vm1, $0x1, v0;
	v29 =	vmpcnt.ones.xlane vm2;
	v28 =	vperm.xlane v28, v8  }
0x9e: {  	[tilespmem:$0x1850] =	vst v27  }
0x9f: {  	[tilespmem:$0x2020] =	vst v29;
	v27 =	vadd.s32 v3, v28  }
0xa0: {  	[tilespmem:s10], [sflag:$0x3] =	stream.indirect_vreg.gather [hbm4b:s0+s3], $0x80, v31, vm0, $0xb8;
	[tilespmem:$0x12400] =	vst v63  }
0xa1: {  	s17 =	simm.s32 $0xAC00  }
0xa2: {  	[tilespmem:s17], [sflag:$0x3] =	stream.indirect_vreg.gather [hbm4b:s18+s3], $0x80, v31, vm0, $0xb8;
	[tilespmem:$0x12400] =	vst v63  }
0xa3: {  	s5 =	simm.s32 $0xB400  }
0xa4: {  	[tilespmem:s5], [sflag:$0x3] =	stream.indirect_vreg.gather [hbm4b:s0+s3], $0x80, v27, vm0, $0xb8;
	[tilespmem:$0x12400] =	vst v63  }
0xa5: {  	s6 =	simm.s32 $0xBC00  }
0xa6: {  	[tilespmem:s6], [sflag:$0x3] =	stream.indirect_vreg.gather [hbm4b:s18+s3], $0x80, v27, vm0, $0xb8;
	[tilespmem:$0x12400] =	vst v63  }
0xa7: {  	v27 =	vld [tilespmem:$0x1050];
	_ =	sdelay $0x4  }
0xa8: {  	v28 =	vshll.u32 v27, $0x2  }
0xa9: {  	v27 =	vand.u32 $0x7, v27;
	v28 =	vand.u32 $0xFFFFFFE0, v28  }
0xaa: {  	v27 =	vor.u32 v27, v28  }
0xab: {  	v28 =	vperm.xlane v27, v2;
	_ =	sdelay $0x1  }
0xac: {  	v28 =	vadd.s32 v3, v28;
	_ =	sdelay $0x1  }
0xad: {  	v27 =	vperm.xlane v27, v8;
	_ =	sdelay $0x1  }
0xae: {  	s7 =	simm.s32 $0xC400;
	v27 =	vadd.s32 v3, v27  }
0xaf: {  	[tilespmem:s7], [sflag:$0x3] =	stream.indirect_vreg.gather [hbm4b:s0+s3], $0x80, v28, vm0, $0xb8;
	[tilespmem:$0x12400] =	vst v63  }
0xb0: {  	s8 =	simm.s32 $0xCC00  }
0xb1: {  	[tilespmem:s8], [sflag:$0x3] =	stream.indirect_vreg.gather [hbm4b:s18+s3], $0x80, v28, vm0, $0xb8;
	[tilespmem:$0x12400] =	vst v63  }
0xb2: {  	s9 =	simm.s32 $0xD400  }
0xb3: {  	[tilespmem:s9], [sflag:$0x3] =	stream.indirect_vreg.gather [hbm4b:s0+s3], $0x80, v27, vm0, $0xb8;
	[tilespmem:$0x12400] =	vst v63  }
0xb4: {  	s12 =	simm.s32 $0xDC00  }
0xb5: {  	[tilespmem:s12], [sflag:$0x3] =	stream.indirect_vreg.gather [hbm4b:s18+s3], $0x80, v27, vm0, $0xb8;
	[tilespmem:$0x12400] =	vst v63  }
0xb6: {  	v27 =	vld [tilespmem:$0x860]  }
0xb7: {  	v28 =	vld [tilespmem:$0x60];
	_ =	sdelay $0x3  }
0xb8: {  	vm1 =	vlt.s32 v27, $0x7FF  }
0xb9: {  	v28 =	vshll.u32 v28, $0xB;
	v29 =	vnsel vm1, $0x7FF, v27  }
0xba: {  	v28 =	vadd.s32 v29, v28  }
0xbb: {  	[tilespmem:$0x1060] =	vst v28  }
0xbc: {  	v28 =	vld [tilespmem:$0x1060];
	_ =	sdelay $0x2  }
0xbd: {  	v29 =	vld [tilespmem:$0x870]  }
0xbe: {  	v30 =	vld [tilespmem:$0x70]  }
0xbf: {  	v31 =	vshll.u32 v28, $0x2  }
0xc0: {  	v28 =	vand.u32 $0x7, v28;
	v31 =	vand.u32 $0xFFFFFFE0, v31  }
0xc1: {  	v28 =	vor.u32 v28, v31  }
0xc2: {  	vm1 =	vlt.s32 v29, $0x7FF;
	v31 =	vperm.xlane v28, v2  }
0xc3: {  	vm2 =	veq.s32 v27, $0x800;
	v30 =	vshll.u32 v30, $0xB;
	v27 =	vnsel vm1, $0x7FF, v29  }
0xc4: {  	vm1 =	veq.s32 v29, $0x800;
	v29 =	vsel vm2, $0x1, v0;
	v31 =	vadd.s32 v3, v31  }
0xc5: {  	[tilespmem:$0x1860] =	vst v29;
	v27 =	vadd.s32 v27, v30;
	vm2 =	vmor vm2, vm1  }
0xc6: {  	[tilespmem:$0x1070] =	vst v27;
	v27 =	vsel vm1, $0x1, v0;
	v29 =	vmpcnt.ones.xlane vm2;
	v28 =	vperm.xlane v28, v8  }
0xc7: {  	[tilespmem:$0x1870] =	vst v27  }
0xc8: {  	[tilespmem:$0x2030] =	vst v29;
	v27 =	vadd.s32 v3, v28  }
0xc9: {  	[tilespmem:s19], [sflag:$0x4] =	stream.indirect_vreg.gather [hbm4b:s0+s3], $0x80, v31, vm0, $0xb8;
	[tilespmem:$0x12400] =	vst v63  }
0xca: {  	s16 =	simm.s32 $0xEC00  }
0xcb: {  	[tilespmem:s16], [sflag:$0x4] =	stream.indirect_vreg.gather [hbm4b:s18+s3], $0x80, v31, vm0, $0xb8;
	[tilespmem:$0x12400] =	vst v63  }
0xcc: {  	_ = 	snop  }
0xcd: {  	[tilespmem:s13], [sflag:$0x4] =	stream.indirect_vreg.gather [hbm4b:s0+s3], $0x80, v27, vm0, $0xb8;
	[tilespmem:$0x12400] =	vst v63  }
0xce: {  	_ = 	snop  }
0xcf: {  	[tilespmem:s14], [sflag:$0x4] =	stream.indirect_vreg.gather [hbm4b:s18+s3], $0x80, v27, vm0, $0xb8;
	[tilespmem:$0x12400] =	vst v63  }
0xd0: {  	v27 =	vld [tilespmem:$0x1070];
	_ =	sdelay $0x4  }
0xd1: {  	v28 =	vshll.u32 v27, $0x2  }
0xd2: {  	v27 =	vand.u32 $0x7, v27;
	v28 =	vand.u32 $0xFFFFFFE0, v28  }
0xd3: {  	v27 =	vor.u32 v27, v28  }
0xd4: {  	v28 =	vperm.xlane v27, v2;
	_ =	sdelay $0x1  }
0xd5: {  	v28 =	vadd.s32 v3, v28;
	_ =	sdelay $0x1  }
0xd6: {  	v27 =	vperm.xlane v27, v8;
	_ =	sdelay $0x1  }
0xd7: {  	v27 =	vadd.s32 v3, v27  }
0xd8: {  	[tilespmem:s15], [sflag:$0x4] =	stream.indirect_vreg.gather [hbm4b:s0+s3], $0x80, v28, vm0, $0xb8;
	[tilespmem:$0x12400] =	vst v63  }
0xd9: {  	_ = 	snop  }
0xda: {  	[tilespmem:s20], [sflag:$0x4] =	stream.indirect_vreg.gather [hbm4b:s18+s3], $0x80, v28, vm0, $0xb8;
	[tilespmem:$0x12400] =	vst v63  }
0xdb: {  	_ = 	snop  }
0xdc: {  	[tilespmem:s21], [sflag:$0x4] =	stream.indirect_vreg.gather [hbm4b:s0+s3], $0x80, v27, vm0, $0xb8;
	[tilespmem:$0x12400] =	vst v63  }
0xdd: {  	s17 =	simm.s32 $0x0  }
0xde: {  	[tilespmem:s23], [sflag:$0x4] =	stream.indirect_vreg.gather [hbm4b:s18+s3], $0x80, v27, vm0, $0xb8;
	[tilespmem:$0x12400] =	vst v63  }
0xdf: {  	v27 =	vld [tilespmem:s17+$0x80]  }
0xe0: {  	v28 =	vld [tilespmem:s17+$0x880]  }
0xe1: {  	v29 =	vld [tilespmem:s17+$0x90]  }
0xe2: {  	v30 =	vld [tilespmem:s17+$0x890];
	_ =	sdelay $0x2  }
0xe3: {  	v27 =	vshll.u32 v27, $0xB;
	vm1 =	vlt.s32 v28, $0x7FF;
	vm2 =	veq.s32 v28, $0x800  }
0xe4: {  	v29 =	vshll.u32 v29, $0xB;
	v28 =	vnsel vm1, $0x7FF, v28;
	v31 =	vsel vm2, $0x1, v0  }
0xe5: {  	vm3 =	veq.s32 v30, $0x800;
	vm1 =	vlt.s32 v30, $0x7FF;
	v27 =	vadd.s32 v28, v27;
	[tilespmem:s17+$0x1880] =	vst v31  }
0xe6: {  	v28 =	vsel vm3, $0x1, v0;
	[tilespmem:s17+$0x1080] =	vst v27;
	v27 =	vnsel vm1, $0x7FF, v30;
	vm1 =	vmor vm2, vm3  }
0xe7: {  	[tilespmem:s17+$0x1890] =	vst v28;
	v27 =	vadd.s32 v27, v29;
	v28 =	vmpcnt.ones.xlane vm1  }
0xe8: {  	s2 =	simm.s32 $0x2040;
	[tilespmem:s17+$0x1090] =	vst v27  }
0xe9: {  	s5 =	simm.s32 $0x20;
	[tilespmem:s2+$0x0] =	vst v28  }
0xea: {  	v29 =	vld [tilespmem:s5+$0x80]  }
0xeb: {  	v28 =	vld [tilespmem:s5+$0x880]  }
0xec: {  	s6 =	simm.s32 $0x100;
	v27 =	vld [tilespmem:s5+$0x90]  }
.LBB2_2:
0xed: {  	p0 =	sne.s32 s6, $0x1D80;
	v30 =	vld [tilespmem:s5+$0x890];
	_ =	sdelay $0x2  }
0xee: {  	v29 =	vshll.u32 v29, $0xB;
	vm1 =	vlt.s32 v28, $0x7FF;
	vm2 =	veq.s32 v28, $0x800  }
0xef: {  	v28 =	vnsel vm1, $0x7FF, v28;
	v31 =	vsel vm2, $0x1, v0;
	v27 =	vshll.u32 v27, $0xB  }
0xf0: {  	v28 =	vadd.s32 v28, v29;
	[tilespmem:s5+$0x1880] =	vst v31;
	vm1 =	vlt.s32 v30, $0x7FF;
	vm3 =	veq.s32 v30, $0x800  }
0xf1: {  	[tilespmem:s5+$0x1080] =	vst v28;
	v28 =	vnsel vm1, $0x7FF, v30;
	v29 =	vsel vm3, $0x1, v0;
	vm1 =	vmor vm2, vm3  }
0xf2: {  	v27 =	vadd.s32 v28, v27;
	[tilespmem:s5+$0x1890] =	vst v29;
	v28 =	vmpcnt.ones.xlane vm1  }
.Ltmp2:
0xf3: {  	s2 =	sadd.s32 $0x10, s2;
	[tilespmem:s5+$0x1090] =	vst v27;
	(pc) =	sbr.rel @p0 .LBB2_2-.Ltmp2, $4  }
0xf4: {  	s5 =	sshra.s32 s6, $0x2;
	[tilespmem:s2+$0x0] =	vst v28  }
0xf5: {  	v29 =	vld [tilespmem:s5+$0x80]  }
0xf6: {  	v28 =	vld [tilespmem:s5+$0x880]  }
0xf7: {  	s6 =	sadd.s32 $0x80, s6;
	v27 =	vld [tilespmem:s5+$0x90]  }
0xf8: {  	v30 =	vld [tilespmem:s5+$0x890];
	_ =	sdelay $0x2  }
0xf9: {  	v29 =	vshll.u32 v29, $0xB;
	vm1 =	vlt.s32 v28, $0x7FF;
	vm2 =	veq.s32 v28, $0x800  }
0xfa: {  	v60 =	vnsel vm1, $0x7FF, v28;
	v31 =	vsel vm2, $0x1, v0;
	v27 =	vshll.u32 v27, $0xB  }
0xfb: {  	v28 =	vadd.s32 v60, v29;
	[tilespmem:s5+$0x1880] =	vst v31;
	vm1 =	vlt.s32 v30, $0x7FF;
	vm3 =	veq.s32 v30, $0x800  }
0xfc: {  	[tilespmem:s5+$0x1080] =	vst v28;
	v61 =	vnsel vm1, $0x7FF, v30;
	v62 =	vsel vm3, $0x1, v0;
	vm1 =	vmor vm2, vm3  }
0xfd: {  	v27 =	vadd.s32 v61, v27;
	[tilespmem:s5+$0x1890] =	vst v62;
	v63 =	vmpcnt.ones.xlane vm1  }
0xfe: {  	s2 =	sadd.s32 $0x10, s2;
	s16 =	rddreg [dreg:$0x6];
	s6 =	simm.s32 $0x1800;
	[tilespmem:s5+$0x1090] =	vst v27  }
.Ltmp3:
0xff: {  	s17 =	simm.s32 $0x9;
	[tilespmem:s2+$0x0] =	vst v63;
	s2 =	simm.s32 $0x0;
	(pc) =	sbr.rel .LBB2_4-.Ltmp3, $4  }
0x100: {  	[hbm4b:s16+s2] =	stream.linear.scatter [tilespmem:s6], [sflag:$0x9], $0x800, $0x38;
	[tilespmem:$0x12400] =	vst v63  }
0x101: {  	_ =	swait.ge [sflag:s17], $0x800  }
0x102: {  	[sflag:s17] =	ssyncset.done $0x0  }
0x103: {  	[sflag:s17] =	ssyncadd.s32 $0xFFFFF800  }
.LBB2_40:
0x104: {  	s6 =	sshll.u32 s6, $0xB  }
0x105: {  	s6 =	sadd.s32 s6, s4  }
0x106: {  	[hbm4b:s6+s3] =	stream.linear.scatter [tilespmem:s19], [sflag:$0x8], $0x4000, $0x38;
	[tilespmem:$0x12400] =	vst v63  }
0x107: {  	_ =	swait.ge [sflag:s1], $0x4000  }
0x108: {  	[sflag:s1] =	ssyncset.done $0x0  }
0x109: {  	[sflag:s1] =	ssyncadd.s32 $0xFFFFC000  }
0x10a: {  	v27 =	vld [tilespmem:s5+$0x10E0];
	_ =	sdelay $0x4  }
0x10b: {  	v28 =	vshll.u32 v27, $0x2  }
0x10c: {  	v27 =	vand.u32 $0x7, v27;
	v28 =	vand.u32 $0xFFFFFFE0, v28  }
0x10d: {  	v27 =	vor.u32 v27, v28  }
0x10e: {  	v28 =	vperm.xlane v27, v2;
	_ =	sdelay $0x1  }
0x10f: {  	v28 =	vadd.s32 v3, v28;
	_ =	sdelay $0x1  }
0x110: {  	v27 =	vperm.xlane v27, v8;
	_ =	sdelay $0x1  }
0x111: {  	v27 =	vadd.s32 v3, v27  }
0x112: {  	[tilespmem:s19], [sflag:$0x4] =	stream.indirect_vreg.gather [hbm4b:s0+s3], $0x80, v28, vm0, $0xb8;
	[tilespmem:$0x12400] =	vst v63  }
0x113: {  	s17 =	simm.s32 $0xEC00  }
0x114: {  	[tilespmem:s17], [sflag:$0x4] =	stream.indirect_vreg.gather [hbm4b:s18+s3], $0x80, v28, vm0, $0xb8;
	[tilespmem:$0x12400] =	vst v63  }
0x115: {  	_ = 	snop  }
0x116: {  	[tilespmem:s13], [sflag:$0x4] =	stream.indirect_vreg.gather [hbm4b:s0+s3], $0x80, v27, vm0, $0xb8;
	[tilespmem:$0x12400] =	vst v63  }
0x117: {  	_ = 	snop  }
0x118: {  	[tilespmem:s14], [sflag:$0x4] =	stream.indirect_vreg.gather [hbm4b:s18+s3], $0x80, v27, vm0, $0xb8;
	[tilespmem:$0x12400] =	vst v63  }
0x119: {  	v27 =	vld [tilespmem:s5+$0x10F0];
	_ =	sdelay $0x4  }
0x11a: {  	v63 =	vshll.u32 v27, $0x2  }
0x11b: {  	v27 =	vand.u32 $0x7, v27;
	v28 =	vand.u32 $0xFFFFFFE0, v63  }
0x11c: {  	v27 =	vor.u32 v27, v28  }
0x11d: {  	v28 =	vperm.xlane v27, v2;
	_ =	sdelay $0x1  }
0x11e: {  	v28 =	vadd.s32 v3, v28;
	_ =	sdelay $0x2  }
0x11f: {  	v27 =	vperm.xlane v27, v8  }
0x120: {  	s2 =	sadd.s32 $0x1, s2  }
0x121: {  	v27 =	vadd.s32 v3, v27;
	[tilespmem:s15], [sflag:$0x4] =	stream.indirect_vreg.gather [hbm4b:s0+s3], $0x80, v28, vm0, $0xb8;
	[tilespmem:$0x12400] =	vst v63  }
0x122: {  	p0 =	sne.s32 s2, $0xF  }
0x123: {  	[tilespmem:s20], [sflag:$0x4] =	stream.indirect_vreg.gather [hbm4b:s18+s3], $0x80, v28, vm0, $0xb8;
	[tilespmem:$0x12400] =	vst v63  }
.Ltmp4:
0x124: {  	_ = 	snop;
	(pc) =	sbr.rel @!p0 .LBB2_41-.Ltmp4, $4  }
0x125: {  	_ = 	snop  }
0x126: {  	[tilespmem:s21], [sflag:$0x4] =	stream.indirect_vreg.gather [hbm4b:s0+s3], $0x80, v27, vm0, $0xb8;
	[tilespmem:$0x12400] =	vst v63  }
0x127: {  	_ = 	snop  }
0x128: {  	[tilespmem:s23], [sflag:$0x4] =	stream.indirect_vreg.gather [hbm4b:s18+s3], $0x80, v27, vm0, $0xb8;
	[tilespmem:$0x12400] =	vst v63  }
.LBB2_4:
0x129: {  	_ =	swait.ge [sflag:s22], $0x4000  }
0x12a: {  	s5 =	sshll.u32 s2, $0x6;
	[sflag:s22] =	ssyncset.done $0x0  }
0x12b: {  	s5 =	sand.u32 $0x3FFFFFC0, s5;
	[sflag:s22] =	ssyncadd.s32 $0xFFFFC000  }
0x12c: {  	v27 =	vld [tilespmem:s5+$0x2000];
	_ =	sdelay $0x4  }
0x12d: {  	(v2sf) =	vpush v27, $0x0;
	_ =	sdelay $0xe  }
0x12e: {  	s16 =	spop (v2sf)  }
0x12f: {  	p0 =	slt.s32 s16, $0x1  }
.Ltmp5:
0x130: {  	_ = 	snop;
	(pc) =	sbr.rel @p0 .LBB2_13-.Ltmp5, $3  }
0x131: {  	_ =	sdelay $0x1  }
0x132: {  	s17 =	sshll.u32 s2, $0x9  }
0x133: {  	s5 =	sshrl.u32 s17, $0x2  }
0x134: {  	v27 =	vld [tilespmem:s5+$0x1800];
	_ =	sdelay $0x4  }
0x135: {  	vm1 =	vgt.s32 v27, $0x0  }
0x136: {  	v27 =	vmpcnt.ones.xlane vm1;
	_ =	sdelay $0x1  }
0x137: {  	(v2sf) =	vpush v27, $0x0;
	_ =	sdelay $0xe  }
0x138: {  	s6 =	spop (v2sf)  }
0x139: {  	p0 =	slt.s32 s6, $0x1  }
.Ltmp6:
0x13a: {  	_ = 	snop;
	(pc) =	sbr.rel @p0 .LBB2_9-.Ltmp6, $2  }
0x13b: {  	_ =	sdelay $0x2  }
0x13c: {  	s6 =	simm.s32 $0x0  }
0x13d: {  	v40 =	vcombine.low v24, v25  }
0x13e: {  	v31 =	vcombine.low v6, v7;
	v27 =	vcombine.low v20, v21  }
0x13f: {  	v33 =	vcombine.low v13, v14;
	v36 =	vor.u32 s6, v17;
	v28 =	vcombine.low v15, v16  }
0x140: {  	v29 =	vor.u32 s6, v11;
	v34 =	vcombine.low v25, v24;
	v35 =	vcombine.low v21, v20  }
0x141: {  	v37 =	vcombine.low v23, v22;
	v30 =	vmov s6;
	v39 =	vor.u32 s6, v19  }
0x142: {  	v41 =	vor.u32 s6, v12;
	v38 =	vand.u32 $0x7F, v29;
	v29 =	vshll.u32 v30, $0x3  }
0x143: {  	v42 =	vor.u32 s6, v1;
	v55 =	vor.u32 s6, v18;
	v29 =	vand.u32 $0xC00, v29  }
0x144: {  	v48 =	vcombine.low v4, v5;
	v42 =	vand.u32 $0x7F, v42;
	v43 =	vor.u32 v9, v29  }
0x145: {  	v44 =	vand.u32 $0x7F, v36;
	v54 =	vand.u32 $0x7F, v41;
	v42 =	vor.u32 v42, v43  }
0x146: {  	v39 =	vand.u32 $0x7F, v39;
	v41 =	vand.u32 $0x7F, v55;
	v38 =	vor.u32 v38, v43  }
0x147: {  	v30 =	vand.u32 $0xF, v37;
	v32 =	vand.u32 $0xF, v35;
	v46 =	vor.u32 v54, v43  }
0x148: {  	v36 =	vand.u32 $0xF, v34;
	v56 =	vor.u32 s6, v32;
	v41 =	vor.u32 v41, v43  }
0x149: {  	v57 =	vor.u32 s6, v30;
	v45 =	vor.u32 v39, v43;
	v47 =	vand.u32 $0x7F, v56  }
0x14a: {  	v59 =	vor.u32 s6, v36;
	v39 =	vand.u32 $0x7F, v57;
	v58 =	vor.u32 v47, v43;
	[tilespmem:v42+s11+$0x0] =	vst.idx.msk vm1, v10  }
0x14b: {  	v60 =	vand.u32 $0x7F, v59;
	v49 =	vor.u32 v39, v43;
	v39 =	vand.u32 $0xF, v48;
	[tilespmem:v38+s11+$0x0] =	vst.idx.msk vm1, v10  }
0x14c: {  	v27 =	vand.u32 $0xF, v27;
	v47 =	vor.u32 v60, v43;
	v48 =	vor.u32 s6, v39;
	[tilespmem:v46+s11+$0x0] =	vst.idx.msk vm1, v10  }
0x14d: {  	v28 =	vand.u32 $0xF, v28;
	v44 =	vor.u32 v44, v43;
	v61 =	vand.u32 $0x7F, v48;
	[tilespmem:v41+s11+$0x0] =	vst.idx.msk vm1, v10  }
0x14e: {  	v29 =	vand.u32 $0xF, v33;
	v63 =	vor.u32 v61, v43;
	v38 =	vand.u32 $0xF, v31;
	[tilespmem:v45+s11+$0x0] =	vst.idx.msk vm1, v10  }
0x14f: {  	v53 =	vor.u32 s6, v29;
	v56 =	vor.u32 s6, v28;
	v62 =	vor.u32 s6, v38;
	[tilespmem:v58+s11+$0x0] =	vst.idx.msk vm1, v10  }
0x150: {  	v59 =	vcombine.low v22, v23;
	v55 =	vand.u32 $0x7F, v53;
	v52 =	vand.u32 $0x7F, v62;
	[tilespmem:v49+s11+$0x0] =	vst.idx.msk vm1, v10  }
0x151: {  	v57 =	vand.u32 $0x7F, v56;
	v42 =	vand.u32 $0xF, v40;
	v54 =	vor.u32 v52, v43;
	[tilespmem:v47+s11+$0x0] =	vst.idx.msk vm1, v10  }
0x152: {  	v40 =	vand.u32 $0xF, v59;
	v46 =	vor.u32 v55, v43;
	v58 =	vor.u32 s6, v27;
	[tilespmem:v44+s11+$0x0] =	vst.idx.msk vm1, v10  }
0x153: {  	v50 =	vor.u32 v57, v43;
	v60 =	vand.u32 $0x7F, v58;
	[tilespmem:v63+s11+$0x0] =	vst.idx.msk vm1, v10;
	v63 =	vor.u32 s6, v40  }
0x154: {  	v62 =	vor.u32 s6, v42;
	v61 =	vor.u32 v60, v43;
	v44 =	vand.u32 $0x7F, v63  }
0x155: {  	v41 =	vand.u32 $0x7F, v62;
	v45 =	vor.u32 v44, v43  }
0x156: {  	[tilespmem:v54+s11+$0x0] =	vst.idx.msk vm1, v10;
	v44 =	vor.u32 v41, v43  }
0x157: {  	[tilespmem:v46+s11+$0x0] =	vst.idx.msk vm1, v10  }
0x158: {  	s7 =	simm.s32 $0x10;
	[tilespmem:v50+s11+$0x0] =	vst.idx.msk vm1, v10  }
0x159: {  	s8 =	simm.s32 $0x20;
	v41 =	vor.u32 s7, v42;
	v43 =	vor.u32 s7, v17;
	v46 =	vor.u32 s7, v11;
	[tilespmem:v61+s11+$0x0] =	vst.idx.msk vm1, v10  }
.LBB2_7:
0x15a: {  	p0 =	sne.s32 s8, $0x1F0;
	v47 =	vmov s7;
	v46 =	vand.u32 $0x7F, v46;
	v48 =	vor.u32 s7, v19;
	[tilespmem:v45+s11+$0x0] =	vst.idx.msk vm1, v10;
	s9 =	smov.u32 s8;
	s8 =	sadd.s32 $0x10, s8  }
0x15b: {  	v49 =	vand.u32 $0xF, v37;
	v45 =	vshll.u32 v47, $0x3;
	v47 =	vor.u32 s7, v12;
	[tilespmem:v44+s11+$0x0] =	vst.idx.msk vm1, v10  }
0x15c: {  	v50 =	vand.u32 $0xF, v35;
	v44 =	vor.u32 s7, v1;
	v45 =	vand.u32 $0xC00, v45  }
0x15d: {  	v44 =	vand.u32 $0x7F, v44;
	v51 =	vor.u32 v9, v45;
	v45 =	vand.u32 $0xF, v33  }
0x15e: {  	v43 =	vand.u32 $0x7F, v43;
	v44 =	vor.u32 v44, v51;
	v46 =	vor.u32 v46, v51  }
0x15f: {  	v52 =	vor.u32 s7, v18;
	v48 =	vand.u32 $0x7F, v48;
	v47 =	vand.u32 $0x7F, v47  }
0x160: {  	v52 =	vand.u32 $0x7F, v52;
	v50 =	vor.u32 s7, v50;
	v48 =	vor.u32 v48, v51  }
0x161: {  	v49 =	vor.u32 s7, v49;
	v47 =	vor.u32 v47, v51;
	v52 =	vor.u32 v52, v51  }
0x162: {  	v53 =	vand.u32 $0xF, v34;
	v50 =	vand.u32 $0x7F, v50  }
0x163: {  	v49 =	vand.u32 $0x7F, v49;
	[tilespmem:v44+s11+$0x0] =	vst.idx.msk vm1, v10;
	v44 =	vor.u32 v50, v51;
	v50 =	vor.u32 s7, v53  }
0x164: {  	[tilespmem:v46+s11+$0x0] =	vst.idx.msk vm1, v10;
	v46 =	vor.u32 v49, v51;
	v49 =	vand.u32 $0x7F, v50  }
0x165: {  	v53 =	vand.u32 $0xF, v31;
	v50 =	vor.u32 s7, v39;
	v49 =	vor.u32 v49, v51  }
0x166: {  	v43 =	vor.u32 v43, v51;
	[tilespmem:v47+s11+$0x0] =	vst.idx.msk vm1, v10;
	v47 =	vand.u32 $0x7F, v50;
	v50 =	vor.u32 s7, v53  }
0x167: {  	v45 =	vor.u32 s7, v45;
	[tilespmem:v52+s11+$0x0] =	vst.idx.msk vm1, v10;
	v47 =	vor.u32 v47, v51;
	v50 =	vand.u32 $0x7F, v50  }
0x168: {  	v45 =	vand.u32 $0x7F, v45;
	[tilespmem:v48+s11+$0x0] =	vst.idx.msk vm1, v10;
	v48 =	vor.u32 v50, v51;
	v50 =	vor.u32 s7, v28  }
0x169: {  	v52 =	vor.u32 v45, v51;
	v45 =	vor.u32 s7, v27;
	[tilespmem:v44+s11+$0x0] =	vst.idx.msk vm1, v10;
	v44 =	vand.u32 $0x7F, v50  }
0x16a: {  	[tilespmem:v46+s11+$0x0] =	vst.idx.msk vm1, v10;
	v50 =	vor.u32 v44, v51;
	v44 =	vand.u32 $0x7F, v45;
	v45 =	vor.u32 s7, v40;
	s7 =	smov.u32 s9  }
0x16b: {  	[tilespmem:v49+s11+$0x0] =	vst.idx.msk vm1, v10;
	v49 =	vor.u32 v44, v51;
	v44 =	vand.u32 $0x7F, v45  }
0x16c: {  	v41 =	vand.u32 $0x7F, v41;
	[tilespmem:v43+s11+$0x0] =	vst.idx.msk vm1, v10;
	v45 =	vor.u32 v44, v51  }
.Ltmp7:
0x16d: {  	v44 =	vor.u32 v41, v51;
	[tilespmem:v47+s11+$0x0] =	vst.idx.msk vm1, v10;
	(pc) =	sbr.rel @p0 .LBB2_7-.Ltmp7, $4  }
0x16e: {  	v41 =	vor.u32 s7, v42;
	[tilespmem:v48+s11+$0x0] =	vst.idx.msk vm1, v10  }
0x16f: {  	v43 =	vor.u32 s7, v17;
	[tilespmem:v52+s11+$0x0] =	vst.idx.msk vm1, v10  }
0x170: {  	v46 =	vor.u32 s7, v11;
	[tilespmem:v50+s11+$0x0] =	vst.idx.msk vm1, v10  }
0x171: {  	[tilespmem:v49+s11+$0x0] =	vst.idx.msk vm1, v10  }
0x172: {  	v31 =	vmov s7  }
0x173: {  	v31 =	vshll.u32 v31, $0x3  }
0x174: {  	v33 =	vor.u32 s7, v1;
	v31 =	vand.u32 $0xC00, v31  }
0x175: {  	v33 =	vand.u32 $0x7F, v33;
	v31 =	vor.u32 v9, v31  }
0x176: {  	v34 =	vand.u32 $0x7F, v46;
	v35 =	vor.u32 s7, v12;
	v33 =	vor.u32 v33, v31  }
0x177: {  	v37 =	vor.u32 s7, v18;
	v35 =	vand.u32 $0x7F, v35;
	v34 =	vor.u32 v34, v31  }
0x178: {  	v42 =	vor.u32 s7, v19;
	v37 =	vand.u32 $0x7F, v37;
	v35 =	vor.u32 v35, v31  }
0x179: {  	[tilespmem:v45+s11+$0x0] =	vst.idx.msk vm1, v10;
	v32 =	vor.u32 s7, v32;
	v42 =	vand.u32 $0x7F, v42;
	v37 =	vor.u32 v37, v31  }
0x17a: {  	v30 =	vor.u32 s7, v30;
	[tilespmem:v44+s11+$0x0] =	vst.idx.msk vm1, v10;
	v32 =	vand.u32 $0x7F, v32;
	v42 =	vor.u32 v42, v31  }
0x17b: {  	v57 =	vor.u32 s7, v36;
	v30 =	vand.u32 $0x7F, v30;
	v32 =	vor.u32 v32, v31;
	[tilespmem:v33+s11+$0x0] =	vst.idx.msk vm1, v10  }
0x17c: {  	v30 =	vor.u32 v30, v31;
	v33 =	vand.u32 $0x7F, v57;
	[tilespmem:v34+s11+$0x0] =	vst.idx.msk vm1, v10  }
0x17d: {  	v58 =	vand.u32 $0x7F, v43;
	v59 =	vor.u32 s7, v39;
	v33 =	vor.u32 v33, v31;
	[tilespmem:v35+s11+$0x0] =	vst.idx.msk vm1, v10  }
0x17e: {  	v61 =	vor.u32 s7, v38;
	v60 =	vand.u32 $0x7F, v59;
	v34 =	vor.u32 v58, v31;
	[tilespmem:v37+s11+$0x0] =	vst.idx.msk vm1, v10  }
0x17f: {  	v29 =	vor.u32 s7, v29;
	v36 =	vand.u32 $0x7F, v61;
	v35 =	vor.u32 v60, v31;
	[tilespmem:v42+s11+$0x0] =	vst.idx.msk vm1, v10  }
0x180: {  	v28 =	vor.u32 s7, v28;
	v29 =	vand.u32 $0x7F, v29;
	v36 =	vor.u32 v36, v31;
	[tilespmem:v32+s11+$0x0] =	vst.idx.msk vm1, v10  }
0x181: {  	v27 =	vor.u32 s7, v27;
	v28 =	vand.u32 $0x7F, v28;
	v29 =	vor.u32 v29, v31;
	[tilespmem:v30+s11+$0x0] =	vst.idx.msk vm1, v10  }
0x182: {  	v62 =	vor.u32 s7, v40;
	v27 =	vand.u32 $0x7F, v27;
	v28 =	vor.u32 v28, v31;
	[tilespmem:v33+s11+$0x0] =	vst.idx.msk vm1, v10  }
0x183: {  	v27 =	vor.u32 v27, v31;
	v30 =	vand.u32 $0x7F, v62;
	[tilespmem:v34+s11+$0x0] =	vst.idx.msk vm1, v10  }
0x184: {  	v63 =	vand.u32 $0x7F, v41;
	v30 =	vor.u32 v30, v31;
	[tilespmem:v35+s11+$0x0] =	vst.idx.msk vm1, v10  }
0x185: {  	v31 =	vor.u32 v63, v31;
	[tilespmem:v36+s11+$0x0] =	vst.idx.msk vm1, v10  }
0x186: {  	[tilespmem:v29+s11+$0x0] =	vst.idx.msk vm1, v10  }
0x187: {  	[tilespmem:v28+s11+$0x0] =	vst.idx.msk vm1, v10  }
0x188: {  	[tilespmem:v27+s11+$0x0] =	vst.idx.msk vm1, v10  }
0x189: {  	[tilespmem:v30+s11+$0x0] =	vst.idx.msk vm1, v10  }
0x18a: {  	[tilespmem:v31+s11+$0x0] =	vst.idx.msk vm1, v10  }
.LBB2_9:
0x18b: {  	v27 =	vld [tilespmem:s5+$0x1810];
	_ =	sdelay $0x4  }
0x18c: {  	vm1 =	vgt.s32 v27, $0x0  }
0x18d: {  	v27 =	vmpcnt.ones.xlane vm1;
	_ =	sdelay $0x1  }
0x18e: {  	(v2sf) =	vpush v27, $0x0;
	_ =	sdelay $0xe  }
0x18f: {  	s7 =	spop (v2sf)  }
0x190: {  	p0 =	slt.s32 s7, $0x1  }
.Ltmp8:
0x191: {  	_ = 	snop;
	(pc) =	sbr.rel @p0 .LBB2_13-.Ltmp8, $1  }
0x192: {  	_ =	sdelay $0x3  }
0x193: {  	v40 =	vcombine.low v24, v25  }
0x194: {  	v31 =	vcombine.low v6, v7;
	v27 =	vcombine.low v20, v21  }
0x195: {  	v33 =	vcombine.low v13, v14;
	v36 =	vor.u32 s6, v17;
	v28 =	vcombine.low v15, v16  }
0x196: {  	v29 =	vor.u32 s6, v11;
	v34 =	vcombine.low v25, v24;
	v35 =	vcombine.low v21, v20  }
0x197: {  	v37 =	vcombine.low v23, v22;
	v30 =	vmov s6;
	v39 =	vor.u32 s6, v19  }
0x198: {  	v41 =	vor.u32 s6, v12;
	v38 =	vand.u32 $0x7F, v29;
	v29 =	vshll.u32 v30, $0x3  }
0x199: {  	v42 =	vor.u32 s6, v1;
	v55 =	vor.u32 s6, v18;
	v29 =	vand.u32 $0xC00, v29  }
0x19a: {  	v48 =	vcombine.low v4, v5;
	v42 =	vand.u32 $0x7F, v42;
	v43 =	vor.u32 v26, v29  }
0x19b: {  	v44 =	vand.u32 $0x7F, v36;
	v54 =	vand.u32 $0x7F, v41;
	v42 =	vor.u32 v42, v43  }
0x19c: {  	v39 =	vand.u32 $0x7F, v39;
	v41 =	vand.u32 $0x7F, v55;
	v38 =	vor.u32 v38, v43  }
0x19d: {  	v30 =	vand.u32 $0xF, v37;
	v32 =	vand.u32 $0xF, v35;
	v46 =	vor.u32 v54, v43  }
0x19e: {  	v36 =	vand.u32 $0xF, v34;
	v56 =	vor.u32 s6, v32;
	v41 =	vor.u32 v41, v43  }
0x19f: {  	v57 =	vor.u32 s6, v30;
	v45 =	vor.u32 v39, v43;
	v47 =	vand.u32 $0x7F, v56  }
0x1a0: {  	v59 =	vor.u32 s6, v36;
	v39 =	vand.u32 $0x7F, v57;
	v58 =	vor.u32 v47, v43;
	[tilespmem:v42+s11+$0x0] =	vst.idx.msk vm1, v10  }
0x1a1: {  	v60 =	vand.u32 $0x7F, v59;
	v49 =	vor.u32 v39, v43;
	v39 =	vand.u32 $0xF, v48;
	[tilespmem:v38+s11+$0x0] =	vst.idx.msk vm1, v10  }
0x1a2: {  	v27 =	vand.u32 $0xF, v27;
	v47 =	vor.u32 v60, v43;
	v48 =	vor.u32 s6, v39;
	[tilespmem:v46+s11+$0x0] =	vst.idx.msk vm1, v10  }
0x1a3: {  	v28 =	vand.u32 $0xF, v28;
	v44 =	vor.u32 v44, v43;
	v61 =	vand.u32 $0x7F, v48;
	[tilespmem:v41+s11+$0x0] =	vst.idx.msk vm1, v10  }
0x1a4: {  	v29 =	vand.u32 $0xF, v33;
	v63 =	vor.u32 v61, v43;
	v38 =	vand.u32 $0xF, v31;
	[tilespmem:v45+s11+$0x0] =	vst.idx.msk vm1, v10  }
0x1a5: {  	v53 =	vor.u32 s6, v29;
	v56 =	vor.u32 s6, v28;
	v62 =	vor.u32 s6, v38;
	[tilespmem:v58+s11+$0x0] =	vst.idx.msk vm1, v10  }
0x1a6: {  	v59 =	vcombine.low v22, v23;
	v55 =	vand.u32 $0x7F, v53;
	v52 =	vand.u32 $0x7F, v62;
	[tilespmem:v49+s11+$0x0] =	vst.idx.msk vm1, v10  }
0x1a7: {  	v57 =	vand.u32 $0x7F, v56;
	v42 =	vand.u32 $0xF, v40;
	v54 =	vor.u32 v52, v43;
	[tilespmem:v47+s11+$0x0] =	vst.idx.msk vm1, v10  }
0x1a8: {  	v40 =	vand.u32 $0xF, v59;
	v46 =	vor.u32 v55, v43;
	v58 =	vor.u32 s6, v27;
	[tilespmem:v44+s11+$0x0] =	vst.idx.msk vm1, v10  }
0x1a9: {  	v50 =	vor.u32 v57, v43;
	v60 =	vand.u32 $0x7F, v58;
	[tilespmem:v63+s11+$0x0] =	vst.idx.msk vm1, v10;
	v63 =	vor.u32 s6, v40  }
0x1aa: {  	v62 =	vor.u32 s6, v42;
	v61 =	vor.u32 v60, v43;
	v44 =	vand.u32 $0x7F, v63  }
0x1ab: {  	v41 =	vand.u32 $0x7F, v62;
	v45 =	vor.u32 v44, v43  }
0x1ac: {  	[tilespmem:v54+s11+$0x0] =	vst.idx.msk vm1, v10;
	v44 =	vor.u32 v41, v43  }
0x1ad: {  	[tilespmem:v46+s11+$0x0] =	vst.idx.msk vm1, v10  }
0x1ae: {  	s6 =	simm.s32 $0x10;
	[tilespmem:v50+s11+$0x0] =	vst.idx.msk vm1, v10  }
0x1af: {  	s7 =	simm.s32 $0x20;
	v41 =	vor.u32 s6, v42;
	v43 =	vor.u32 s6, v17;
	v46 =	vor.u32 s6, v11;
	[tilespmem:v61+s11+$0x0] =	vst.idx.msk vm1, v10  }
.LBB2_11:
0x1b0: {  	p0 =	sne.s32 s7, $0x1F0;
	v47 =	vmov s6;
	v46 =	vand.u32 $0x7F, v46;
	v48 =	vor.u32 s6, v19;
	[tilespmem:v45+s11+$0x0] =	vst.idx.msk vm1, v10;
	s8 =	smov.u32 s7;
	s7 =	sadd.s32 $0x10, s7  }
0x1b1: {  	v49 =	vand.u32 $0xF, v37;
	v45 =	vshll.u32 v47, $0x3;
	v47 =	vor.u32 s6, v12;
	[tilespmem:v44+s11+$0x0] =	vst.idx.msk vm1, v10  }
0x1b2: {  	v50 =	vand.u32 $0xF, v35;
	v44 =	vor.u32 s6, v1;
	v45 =	vand.u32 $0xC00, v45  }
0x1b3: {  	v44 =	vand.u32 $0x7F, v44;
	v51 =	vor.u32 v26, v45;
	v45 =	vand.u32 $0xF, v33  }
0x1b4: {  	v43 =	vand.u32 $0x7F, v43;
	v44 =	vor.u32 v44, v51;
	v46 =	vor.u32 v46, v51  }
0x1b5: {  	v52 =	vor.u32 s6, v18;
	v48 =	vand.u32 $0x7F, v48;
	v47 =	vand.u32 $0x7F, v47  }
0x1b6: {  	v52 =	vand.u32 $0x7F, v52;
	v50 =	vor.u32 s6, v50;
	v48 =	vor.u32 v48, v51  }
0x1b7: {  	v49 =	vor.u32 s6, v49;
	v47 =	vor.u32 v47, v51;
	v52 =	vor.u32 v52, v51  }
0x1b8: {  	v53 =	vand.u32 $0xF, v34;
	v50 =	vand.u32 $0x7F, v50  }
0x1b9: {  	v49 =	vand.u32 $0x7F, v49;
	[tilespmem:v44+s11+$0x0] =	vst.idx.msk vm1, v10;
	v44 =	vor.u32 v50, v51;
	v50 =	vor.u32 s6, v53  }
0x1ba: {  	[tilespmem:v46+s11+$0x0] =	vst.idx.msk vm1, v10;
	v46 =	vor.u32 v49, v51;
	v49 =	vand.u32 $0x7F, v50  }
0x1bb: {  	v53 =	vand.u32 $0xF, v31;
	v50 =	vor.u32 s6, v39;
	v49 =	vor.u32 v49, v51  }
0x1bc: {  	v43 =	vor.u32 v43, v51;
	[tilespmem:v47+s11+$0x0] =	vst.idx.msk vm1, v10;
	v47 =	vand.u32 $0x7F, v50;
	v50 =	vor.u32 s6, v53  }
0x1bd: {  	v45 =	vor.u32 s6, v45;
	[tilespmem:v52+s11+$0x0] =	vst.idx.msk vm1, v10;
	v47 =	vor.u32 v47, v51;
	v50 =	vand.u32 $0x7F, v50  }
0x1be: {  	v45 =	vand.u32 $0x7F, v45;
	[tilespmem:v48+s11+$0x0] =	vst.idx.msk vm1, v10;
	v48 =	vor.u32 v50, v51;
	v50 =	vor.u32 s6, v28  }
0x1bf: {  	v52 =	vor.u32 v45, v51;
	v45 =	vor.u32 s6, v27;
	[tilespmem:v44+s11+$0x0] =	vst.idx.msk vm1, v10;
	v44 =	vand.u32 $0x7F, v50  }
0x1c0: {  	[tilespmem:v46+s11+$0x0] =	vst.idx.msk vm1, v10;
	v50 =	vor.u32 v44, v51;
	v44 =	vand.u32 $0x7F, v45;
	v45 =	vor.u32 s6, v40;
	s6 =	smov.u32 s8  }
0x1c1: {  	[tilespmem:v49+s11+$0x0] =	vst.idx.msk vm1, v10;
	v49 =	vor.u32 v44, v51;
	v44 =	vand.u32 $0x7F, v45  }
0x1c2: {  	v41 =	vand.u32 $0x7F, v41;
	[tilespmem:v43+s11+$0x0] =	vst.idx.msk vm1, v10;
	v45 =	vor.u32 v44, v51  }
.Ltmp9:
0x1c3: {  	v44 =	vor.u32 v41, v51;
	[tilespmem:v47+s11+$0x0] =	vst.idx.msk vm1, v10;
	(pc) =	sbr.rel @p0 .LBB2_11-.Ltmp9, $4  }
0x1c4: {  	v41 =	vor.u32 s6, v42;
	[tilespmem:v48+s11+$0x0] =	vst.idx.msk vm1, v10  }
0x1c5: {  	v43 =	vor.u32 s6, v17;
	[tilespmem:v52+s11+$0x0] =	vst.idx.msk vm1, v10  }
0x1c6: {  	v46 =	vor.u32 s6, v11;
	[tilespmem:v50+s11+$0x0] =	vst.idx.msk vm1, v10  }
0x1c7: {  	[tilespmem:v49+s11+$0x0] =	vst.idx.msk vm1, v10  }
0x1c8: {  	v31 =	vmov s6  }
0x1c9: {  	v31 =	vshll.u32 v31, $0x3  }
0x1ca: {  	v33 =	vor.u32 s6, v1;
	v31 =	vand.u32 $0xC00, v31  }
0x1cb: {  	v33 =	vand.u32 $0x7F, v33;
	v31 =	vor.u32 v26, v31  }
0x1cc: {  	v34 =	vand.u32 $0x7F, v46;
	v35 =	vor.u32 s6, v12;
	v33 =	vor.u32 v33, v31  }
0x1cd: {  	v37 =	vor.u32 s6, v18;
	v35 =	vand.u32 $0x7F, v35;
	v34 =	vor.u32 v34, v31  }
0x1ce: {  	v42 =	vor.u32 s6, v19;
	v37 =	vand.u32 $0x7F, v37;
	v35 =	vor.u32 v35, v31  }
0x1cf: {  	[tilespmem:v45+s11+$0x0] =	vst.idx.msk vm1, v10;
	v32 =	vor.u32 s6, v32;
	v42 =	vand.u32 $0x7F, v42;
	v37 =	vor.u32 v37, v31  }
0x1d0: {  	v30 =	vor.u32 s6, v30;
	[tilespmem:v44+s11+$0x0] =	vst.idx.msk vm1, v10;
	v32 =	vand.u32 $0x7F, v32;
	v42 =	vor.u32 v42, v31  }
0x1d1: {  	v57 =	vor.u32 s6, v36;
	v30 =	vand.u32 $0x7F, v30;
	v32 =	vor.u32 v32, v31;
	[tilespmem:v33+s11+$0x0] =	vst.idx.msk vm1, v10  }
0x1d2: {  	v30 =	vor.u32 v30, v31;
	v33 =	vand.u32 $0x7F, v57;
	[tilespmem:v34+s11+$0x0] =	vst.idx.msk vm1, v10  }
0x1d3: {  	v58 =	vand.u32 $0x7F, v43;
	v59 =	vor.u32 s6, v39;
	v33 =	vor.u32 v33, v31;
	[tilespmem:v35+s11+$0x0] =	vst.idx.msk vm1, v10  }
0x1d4: {  	v61 =	vor.u32 s6, v38;
	v60 =	vand.u32 $0x7F, v59;
	v34 =	vor.u32 v58, v31;
	[tilespmem:v37+s11+$0x0] =	vst.idx.msk vm1, v10  }
0x1d5: {  	v29 =	vor.u32 s6, v29;
	v36 =	vand.u32 $0x7F, v61;
	v35 =	vor.u32 v60, v31;
	[tilespmem:v42+s11+$0x0] =	vst.idx.msk vm1, v10  }
0x1d6: {  	v28 =	vor.u32 s6, v28;
	v29 =	vand.u32 $0x7F, v29;
	v36 =	vor.u32 v36, v31;
	[tilespmem:v32+s11+$0x0] =	vst.idx.msk vm1, v10  }
0x1d7: {  	v27 =	vor.u32 s6, v27;
	v28 =	vand.u32 $0x7F, v28;
	v29 =	vor.u32 v29, v31;
	[tilespmem:v30+s11+$0x0] =	vst.idx.msk vm1, v10  }
0x1d8: {  	v62 =	vor.u32 s6, v40;
	v27 =	vand.u32 $0x7F, v27;
	v28 =	vor.u32 v28, v31;
	[tilespmem:v33+s11+$0x0] =	vst.idx.msk vm1, v10  }
0x1d9: {  	v27 =	vor.u32 v27, v31;
	v30 =	vand.u32 $0x7F, v62;
	[tilespmem:v34+s11+$0x0] =	vst.idx.msk vm1, v10  }
0x1da: {  	v63 =	vand.u32 $0x7F, v41;
	v30 =	vor.u32 v30, v31;
	[tilespmem:v35+s11+$0x0] =	vst.idx.msk vm1, v10  }
0x1db: {  	v31 =	vor.u32 v63, v31;
	[tilespmem:v36+s11+$0x0] =	vst.idx.msk vm1, v10  }
0x1dc: {  	[tilespmem:v29+s11+$0x0] =	vst.idx.msk vm1, v10  }
0x1dd: {  	[tilespmem:v28+s11+$0x0] =	vst.idx.msk vm1, v10  }
0x1de: {  	[tilespmem:v27+s11+$0x0] =	vst.idx.msk vm1, v10  }
0x1df: {  	[tilespmem:v30+s11+$0x0] =	vst.idx.msk vm1, v10  }
0x1e0: {  	[tilespmem:v31+s11+$0x0] =	vst.idx.msk vm1, v10  }
.LBB2_13:
0x1e1: {  	s6 =	sshll.u32 s2, $0xD  }
0x1e2: {  	s6 =	sadd.s32 s6, s4  }
0x1e3: {  	[hbm4b:s6+s3] =	stream.linear.scatter [tilespmem:s11], [sflag:$0x5], $0x4000, $0x38;
	[tilespmem:$0x12400] =	vst v63  }
0x1e4: {  	_ =	swait.ge [sflag:s26], $0x4000  }
0x1e5: {  	[sflag:s26] =	ssyncset.done $0x0  }
0x1e6: {  	[sflag:s26] =	ssyncadd.s32 $0xFFFFC000  }
0x1e7: {  	v27 =	vld [tilespmem:s5+$0x1080];
	_ =	sdelay $0x4  }
0x1e8: {  	v28 =	vshll.u32 v27, $0x2  }
0x1e9: {  	v27 =	vand.u32 $0x7, v27;
	v28 =	vand.u32 $0xFFFFFFE0, v28  }
0x1ea: {  	v27 =	vor.u32 v27, v28  }
0x1eb: {  	v28 =	vperm.xlane v27, v2;
	_ =	sdelay $0x1  }
0x1ec: {  	v28 =	vadd.s32 v3, v28;
	_ =	sdelay $0x1  }
0x1ed: {  	v27 =	vperm.xlane v27, v8;
	_ =	sdelay $0x1  }
0x1ee: {  	v27 =	vadd.s32 v3, v27  }
0x1ef: {  	[tilespmem:s11], [sflag:$0x1] =	stream.indirect_vreg.gather [hbm4b:s0+s3], $0x80, v28, vm0, $0xb8;
	[tilespmem:$0x12400] =	vst v63  }
0x1f0: {  	s17 =	simm.s32 $0x2C00  }
0x1f1: {  	[tilespmem:s17], [sflag:$0x1] =	stream.indirect_vreg.gather [hbm4b:s18+s3], $0x80, v28, vm0, $0xb8;
	[tilespmem:$0x12400] =	vst v63  }
0x1f2: {  	s7 =	simm.s32 $0x3400  }
0x1f3: {  	[tilespmem:s7], [sflag:$0x1] =	stream.indirect_vreg.gather [hbm4b:s0+s3], $0x80, v27, vm0, $0xb8;
	[tilespmem:$0x12400] =	vst v63  }
0x1f4: {  	s8 =	simm.s32 $0x3C00  }
0x1f5: {  	[tilespmem:s8], [sflag:$0x1] =	stream.indirect_vreg.gather [hbm4b:s18+s3], $0x80, v27, vm0, $0xb8;
	[tilespmem:$0x12400] =	vst v63  }
0x1f6: {  	v27 =	vld [tilespmem:s5+$0x1090];
	_ =	sdelay $0x4  }
0x1f7: {  	v63 =	vshll.u32 v27, $0x2  }
0x1f8: {  	v27 =	vand.u32 $0x7, v27;
	v28 =	vand.u32 $0xFFFFFFE0, v63  }
0x1f9: {  	v27 =	vor.u32 v27, v28  }
0x1fa: {  	v28 =	vperm.xlane v27, v2;
	_ =	sdelay $0x1  }
0x1fb: {  	v28 =	vadd.s32 v3, v28;
	_ =	sdelay $0x1  }
0x1fc: {  	v27 =	vperm.xlane v27, v8;
	_ =	sdelay $0x1  }
0x1fd: {  	s9 =	simm.s32 $0x4400;
	v27 =	vadd.s32 v3, v27  }
0x1fe: {  	[tilespmem:s9], [sflag:$0x1] =	stream.indirect_vreg.gather [hbm4b:s0+s3], $0x80, v28, vm0, $0xb8;
	[tilespmem:$0x12400] =	vst v63  }
0x1ff: {  	s12 =	simm.s32 $0x4C00  }
0x200: {  	[tilespmem:s12], [sflag:$0x1] =	stream.indirect_vreg.gather [hbm4b:s18+s3], $0x80, v28, vm0, $0xb8;
	[tilespmem:$0x12400] =	vst v63  }
0x201: {  	s16 =	simm.s32 $0x5400  }
0x202: {  	[tilespmem:s16], [sflag:$0x1] =	stream.indirect_vreg.gather [hbm4b:s0+s3], $0x80, v27, vm0, $0xb8;
	[tilespmem:$0x12400] =	vst v63  }
0x203: {  	s6 =	sshll.u32 s2, $0x2;
	s7 =	simm.s32 $0x5C00  }
0x204: {  	[tilespmem:s7], [sflag:$0x1] =	stream.indirect_vreg.gather [hbm4b:s18+s3], $0x80, v27, vm0, $0xb8;
	[tilespmem:$0x12400] =	vst v63  }
0x205: {  	s7 =	sor.u32 $0x1, s6;
	_ =	swait.ge [sflag:s25], $0x4000  }
0x206: {  	s8 =	sshll.u32 s7, $0x4;
	[sflag:s25] =	ssyncset.done $0x0  }
0x207: {  	s8 =	sand.u32 $0x3FFFFFF0, s8;
	[sflag:s25] =	ssyncadd.s32 $0xFFFFC000  }
0x208: {  	v27 =	vld [tilespmem:s8+$0x2000];
	_ =	sdelay $0x4  }
0x209: {  	(v2sf) =	vpush v27, $0x0;
	_ =	sdelay $0xe  }
0x20a: {  	s17 =	spop (v2sf)  }
0x20b: {  	p0 =	slt.s32 s17, $0x1  }
.Ltmp10:
0x20c: {  	_ = 	snop;
	(pc) =	sbr.rel @p0 .LBB2_22-.Ltmp10, $1  }
0x20d: {  	_ =	sdelay $0x3  }
0x20e: {  	s9 =	sshll.u32 s7, $0x5  }
0x20f: {  	v27 =	vld [tilespmem:s9+$0x1800];
	_ =	sdelay $0x4  }
0x210: {  	vm1 =	vgt.s32 v27, $0x0  }
0x211: {  	v27 =	vmpcnt.ones.xlane vm1;
	_ =	sdelay $0x1  }
0x212: {  	(v2sf) =	vpush v27, $0x0;
	_ =	sdelay $0xe  }
0x213: {  	s8 =	spop (v2sf)  }
0x214: {  	p0 =	slt.s32 s8, $0x1  }
.Ltmp11:
0x215: {  	_ = 	snop;
	(pc) =	sbr.rel @p0 .LBB2_18-.Ltmp11, $2  }
0x216: {  	_ =	sdelay $0x2  }
0x217: {  	s8 =	simm.s32 $0x0  }
0x218: {  	v40 =	vcombine.low v24, v25  }
0x219: {  	v31 =	vcombine.low v6, v7;
	v27 =	vcombine.low v20, v21  }
0x21a: {  	v33 =	vcombine.low v13, v14;
	v36 =	vor.u32 s8, v17;
	v28 =	vcombine.low v15, v16  }
0x21b: {  	v29 =	vor.u32 s8, v11;
	v34 =	vcombine.low v25, v24;
	v35 =	vcombine.low v21, v20  }
0x21c: {  	v37 =	vcombine.low v23, v22;
	v30 =	vmov s8;
	v39 =	vor.u32 s8, v19  }
0x21d: {  	v41 =	vor.u32 s8, v12;
	v38 =	vand.u32 $0x7F, v29;
	v29 =	vshll.u32 v30, $0x3  }
0x21e: {  	v42 =	vor.u32 s8, v1;
	v55 =	vor.u32 s8, v18;
	v29 =	vand.u32 $0xC00, v29  }
0x21f: {  	v48 =	vcombine.low v4, v5;
	v42 =	vand.u32 $0x7F, v42;
	v43 =	vor.u32 v9, v29  }
0x220: {  	v44 =	vand.u32 $0x7F, v36;
	v54 =	vand.u32 $0x7F, v41;
	v42 =	vor.u32 v42, v43  }
0x221: {  	v39 =	vand.u32 $0x7F, v39;
	v41 =	vand.u32 $0x7F, v55;
	v38 =	vor.u32 v38, v43  }
0x222: {  	v30 =	vand.u32 $0xF, v37;
	v32 =	vand.u32 $0xF, v35;
	v46 =	vor.u32 v54, v43  }
0x223: {  	v36 =	vand.u32 $0xF, v34;
	v56 =	vor.u32 s8, v32;
	v41 =	vor.u32 v41, v43  }
0x224: {  	v57 =	vor.u32 s8, v30;
	v45 =	vor.u32 v39, v43;
	v47 =	vand.u32 $0x7F, v56  }
0x225: {  	v59 =	vor.u32 s8, v36;
	v39 =	vand.u32 $0x7F, v57;
	v58 =	vor.u32 v47, v43;
	[tilespmem:v42+s24+$0x0] =	vst.idx.msk vm1, v10  }
0x226: {  	v60 =	vand.u32 $0x7F, v59;
	v49 =	vor.u32 v39, v43;
	v39 =	vand.u32 $0xF, v48;
	[tilespmem:v38+s24+$0x0] =	vst.idx.msk vm1, v10  }
0x227: {  	v27 =	vand.u32 $0xF, v27;
	v47 =	vor.u32 v60, v43;
	v48 =	vor.u32 s8, v39;
	[tilespmem:v46+s24+$0x0] =	vst.idx.msk vm1, v10  }
0x228: {  	v28 =	vand.u32 $0xF, v28;
	v44 =	vor.u32 v44, v43;
	v61 =	vand.u32 $0x7F, v48;
	[tilespmem:v41+s24+$0x0] =	vst.idx.msk vm1, v10  }
0x229: {  	v29 =	vand.u32 $0xF, v33;
	v63 =	vor.u32 v61, v43;
	v38 =	vand.u32 $0xF, v31;
	[tilespmem:v45+s24+$0x0] =	vst.idx.msk vm1, v10  }
0x22a: {  	v53 =	vor.u32 s8, v29;
	v56 =	vor.u32 s8, v28;
	v62 =	vor.u32 s8, v38;
	[tilespmem:v58+s24+$0x0] =	vst.idx.msk vm1, v10  }
0x22b: {  	v59 =	vcombine.low v22, v23;
	v55 =	vand.u32 $0x7F, v53;
	v52 =	vand.u32 $0x7F, v62;
	[tilespmem:v49+s24+$0x0] =	vst.idx.msk vm1, v10  }
0x22c: {  	v57 =	vand.u32 $0x7F, v56;
	v42 =	vand.u32 $0xF, v40;
	v54 =	vor.u32 v52, v43;
	[tilespmem:v47+s24+$0x0] =	vst.idx.msk vm1, v10  }
0x22d: {  	v40 =	vand.u32 $0xF, v59;
	v46 =	vor.u32 v55, v43;
	v58 =	vor.u32 s8, v27;
	[tilespmem:v44+s24+$0x0] =	vst.idx.msk vm1, v10  }
0x22e: {  	v50 =	vor.u32 v57, v43;
	v60 =	vand.u32 $0x7F, v58;
	[tilespmem:v63+s24+$0x0] =	vst.idx.msk vm1, v10;
	v63 =	vor.u32 s8, v40  }
0x22f: {  	v62 =	vor.u32 s8, v42;
	v61 =	vor.u32 v60, v43;
	v44 =	vand.u32 $0x7F, v63  }
0x230: {  	v41 =	vand.u32 $0x7F, v62;
	v45 =	vor.u32 v44, v43  }
0x231: {  	[tilespmem:v54+s24+$0x0] =	vst.idx.msk vm1, v10;
	v44 =	vor.u32 v41, v43  }
0x232: {  	[tilespmem:v46+s24+$0x0] =	vst.idx.msk vm1, v10  }
0x233: {  	s16 =	simm.s32 $0x10;
	[tilespmem:v50+s24+$0x0] =	vst.idx.msk vm1, v10  }
0x234: {  	s17 =	simm.s32 $0x20;
	v41 =	vor.u32 s16, v42;
	v43 =	vor.u32 s16, v17;
	v46 =	vor.u32 s16, v11;
	[tilespmem:v61+s24+$0x0] =	vst.idx.msk vm1, v10  }
.LBB2_16:
0x235: {  	p0 =	sne.s32 s17, $0x1F0;
	v47 =	vmov s16;
	v46 =	vand.u32 $0x7F, v46;
	v48 =	vor.u32 s16, v19;
	[tilespmem:v45+s24+$0x0] =	vst.idx.msk vm1, v10;
	s12 =	smov.u32 s17;
	s17 =	sadd.s32 $0x10, s17  }
0x236: {  	v49 =	vand.u32 $0xF, v37;
	v45 =	vshll.u32 v47, $0x3;
	v47 =	vor.u32 s16, v12;
	[tilespmem:v44+s24+$0x0] =	vst.idx.msk vm1, v10  }
0x237: {  	v50 =	vand.u32 $0xF, v35;
	v44 =	vor.u32 s16, v1;
	v45 =	vand.u32 $0xC00, v45  }
0x238: {  	v44 =	vand.u32 $0x7F, v44;
	v51 =	vor.u32 v9, v45;
	v45 =	vand.u32 $0xF, v33  }
0x239: {  	v43 =	vand.u32 $0x7F, v43;
	v44 =	vor.u32 v44, v51;
	v46 =	vor.u32 v46, v51  }
0x23a: {  	v52 =	vor.u32 s16, v18;
	v48 =	vand.u32 $0x7F, v48;
	v47 =	vand.u32 $0x7F, v47  }
0x23b: {  	v52 =	vand.u32 $0x7F, v52;
	v50 =	vor.u32 s16, v50;
	v48 =	vor.u32 v48, v51  }
0x23c: {  	v49 =	vor.u32 s16, v49;
	v47 =	vor.u32 v47, v51;
	v52 =	vor.u32 v52, v51  }
0x23d: {  	v53 =	vand.u32 $0xF, v34;
	v50 =	vand.u32 $0x7F, v50  }
0x23e: {  	v49 =	vand.u32 $0x7F, v49;
	[tilespmem:v44+s24+$0x0] =	vst.idx.msk vm1, v10;
	v44 =	vor.u32 v50, v51;
	v50 =	vor.u32 s16, v53  }
0x23f: {  	[tilespmem:v46+s24+$0x0] =	vst.idx.msk vm1, v10;
	v46 =	vor.u32 v49, v51;
	v49 =	vand.u32 $0x7F, v50  }
0x240: {  	v53 =	vand.u32 $0xF, v31;
	v50 =	vor.u32 s16, v39;
	v49 =	vor.u32 v49, v51  }
0x241: {  	v43 =	vor.u32 v43, v51;
	[tilespmem:v47+s24+$0x0] =	vst.idx.msk vm1, v10;
	v47 =	vand.u32 $0x7F, v50;
	v50 =	vor.u32 s16, v53  }
0x242: {  	v45 =	vor.u32 s16, v45;
	[tilespmem:v52+s24+$0x0] =	vst.idx.msk vm1, v10;
	v47 =	vor.u32 v47, v51;
	v50 =	vand.u32 $0x7F, v50  }
0x243: {  	v45 =	vand.u32 $0x7F, v45;
	[tilespmem:v48+s24+$0x0] =	vst.idx.msk vm1, v10;
	v48 =	vor.u32 v50, v51;
	v50 =	vor.u32 s16, v28  }
0x244: {  	v52 =	vor.u32 v45, v51;
	v45 =	vor.u32 s16, v27;
	[tilespmem:v44+s24+$0x0] =	vst.idx.msk vm1, v10;
	v44 =	vand.u32 $0x7F, v50  }
0x245: {  	[tilespmem:v46+s24+$0x0] =	vst.idx.msk vm1, v10;
	v50 =	vor.u32 v44, v51;
	v44 =	vand.u32 $0x7F, v45;
	v45 =	vor.u32 s16, v40;
	s16 =	smov.u32 s12  }
0x246: {  	[tilespmem:v49+s24+$0x0] =	vst.idx.msk vm1, v10;
	v49 =	vor.u32 v44, v51;
	v44 =	vand.u32 $0x7F, v45  }
0x247: {  	v41 =	vand.u32 $0x7F, v41;
	[tilespmem:v43+s24+$0x0] =	vst.idx.msk vm1, v10;
	v45 =	vor.u32 v44, v51  }
.Ltmp12:
0x248: {  	v44 =	vor.u32 v41, v51;
	[tilespmem:v47+s24+$0x0] =	vst.idx.msk vm1, v10;
	(pc) =	sbr.rel @p0 .LBB2_16-.Ltmp12, $4  }
0x249: {  	v41 =	vor.u32 s16, v42;
	[tilespmem:v48+s24+$0x0] =	vst.idx.msk vm1, v10  }
0x24a: {  	v43 =	vor.u32 s16, v17;
	[tilespmem:v52+s24+$0x0] =	vst.idx.msk vm1, v10  }
0x24b: {  	v46 =	vor.u32 s16, v11;
	[tilespmem:v50+s24+$0x0] =	vst.idx.msk vm1, v10  }
0x24c: {  	[tilespmem:v49+s24+$0x0] =	vst.idx.msk vm1, v10  }
0x24d: {  	v31 =	vmov s16  }
0x24e: {  	v31 =	vshll.u32 v31, $0x3  }
0x24f: {  	v33 =	vor.u32 s16, v1;
	v31 =	vand.u32 $0xC00, v31  }
0x250: {  	v33 =	vand.u32 $0x7F, v33;
	v31 =	vor.u32 v9, v31  }
0x251: {  	v34 =	vand.u32 $0x7F, v46;
	v35 =	vor.u32 s16, v12;
	v33 =	vor.u32 v33, v31  }
0x252: {  	v37 =	vor.u32 s16, v18;
	v35 =	vand.u32 $0x7F, v35;
	v34 =	vor.u32 v34, v31  }
0x253: {  	v42 =	vor.u32 s16, v19;
	v37 =	vand.u32 $0x7F, v37;
	v35 =	vor.u32 v35, v31  }
0x254: {  	[tilespmem:v45+s24+$0x0] =	vst.idx.msk vm1, v10;
	v32 =	vor.u32 s16, v32;
	v42 =	vand.u32 $0x7F, v42;
	v37 =	vor.u32 v37, v31  }
0x255: {  	v30 =	vor.u32 s16, v30;
	[tilespmem:v44+s24+$0x0] =	vst.idx.msk vm1, v10;
	v32 =	vand.u32 $0x7F, v32;
	v42 =	vor.u32 v42, v31  }
0x256: {  	v57 =	vor.u32 s16, v36;
	v30 =	vand.u32 $0x7F, v30;
	v32 =	vor.u32 v32, v31;
	[tilespmem:v33+s24+$0x0] =	vst.idx.msk vm1, v10  }
0x257: {  	v30 =	vor.u32 v30, v31;
	v33 =	vand.u32 $0x7F, v57;
	[tilespmem:v34+s24+$0x0] =	vst.idx.msk vm1, v10  }
0x258: {  	v58 =	vand.u32 $0x7F, v43;
	v59 =	vor.u32 s16, v39;
	v33 =	vor.u32 v33, v31;
	[tilespmem:v35+s24+$0x0] =	vst.idx.msk vm1, v10  }
0x259: {  	v61 =	vor.u32 s16, v38;
	v60 =	vand.u32 $0x7F, v59;
	v34 =	vor.u32 v58, v31;
	[tilespmem:v37+s24+$0x0] =	vst.idx.msk vm1, v10  }
0x25a: {  	v29 =	vor.u32 s16, v29;
	v36 =	vand.u32 $0x7F, v61;
	v35 =	vor.u32 v60, v31;
	[tilespmem:v42+s24+$0x0] =	vst.idx.msk vm1, v10  }
0x25b: {  	v28 =	vor.u32 s16, v28;
	v29 =	vand.u32 $0x7F, v29;
	v36 =	vor.u32 v36, v31;
	[tilespmem:v32+s24+$0x0] =	vst.idx.msk vm1, v10  }
0x25c: {  	v27 =	vor.u32 s16, v27;
	v28 =	vand.u32 $0x7F, v28;
	v29 =	vor.u32 v29, v31;
	[tilespmem:v30+s24+$0x0] =	vst.idx.msk vm1, v10  }
0x25d: {  	v62 =	vor.u32 s16, v40;
	v27 =	vand.u32 $0x7F, v27;
	v28 =	vor.u32 v28, v31;
	[tilespmem:v33+s24+$0x0] =	vst.idx.msk vm1, v10  }
0x25e: {  	v27 =	vor.u32 v27, v31;
	v30 =	vand.u32 $0x7F, v62;
	[tilespmem:v34+s24+$0x0] =	vst.idx.msk vm1, v10  }
0x25f: {  	v63 =	vand.u32 $0x7F, v41;
	v30 =	vor.u32 v30, v31;
	[tilespmem:v35+s24+$0x0] =	vst.idx.msk vm1, v10  }
0x260: {  	v31 =	vor.u32 v63, v31;
	[tilespmem:v36+s24+$0x0] =	vst.idx.msk vm1, v10  }
0x261: {  	[tilespmem:v29+s24+$0x0] =	vst.idx.msk vm1, v10  }
0x262: {  	[tilespmem:v28+s24+$0x0] =	vst.idx.msk vm1, v10  }
0x263: {  	[tilespmem:v27+s24+$0x0] =	vst.idx.msk vm1, v10  }
0x264: {  	[tilespmem:v30+s24+$0x0] =	vst.idx.msk vm1, v10  }
0x265: {  	[tilespmem:v31+s24+$0x0] =	vst.idx.msk vm1, v10  }
.LBB2_18:
0x266: {  	s9 =	sor.u32 $0x30, s9  }
0x267: {  	v27 =	vld [tilespmem:s9+$0x1800];
	_ =	sdelay $0x4  }
0x268: {  	vm1 =	vgt.s32 v27, $0x0  }
0x269: {  	v27 =	vmpcnt.ones.xlane vm1;
	_ =	sdelay $0x1  }
0x26a: {  	(v2sf) =	vpush v27, $0x0;
	_ =	sdelay $0xe  }
0x26b: {  	s17 =	spop (v2sf)  }
0x26c: {  	p0 =	slt.s32 s17, $0x1  }
.Ltmp13:
0x26d: {  	_ = 	snop;
	(pc) =	sbr.rel @p0 .LBB2_22-.Ltmp13, $1  }
0x26e: {  	_ =	sdelay $0x3  }
0x26f: {  	v40 =	vcombine.low v24, v25  }
0x270: {  	v31 =	vcombine.low v6, v7;
	v27 =	vcombine.low v20, v21  }
0x271: {  	v33 =	vcombine.low v13, v14;
	v36 =	vor.u32 s8, v17;
	v28 =	vcombine.low v15, v16  }
0x272: {  	v29 =	vor.u32 s8, v11;
	v34 =	vcombine.low v25, v24;
	v35 =	vcombine.low v21, v20  }
0x273: {  	v37 =	vcombine.low v23, v22;
	v30 =	vmov s8;
	v39 =	vor.u32 s8, v19  }
0x274: {  	v41 =	vor.u32 s8, v12;
	v38 =	vand.u32 $0x7F, v29;
	v29 =	vshll.u32 v30, $0x3  }
0x275: {  	v42 =	vor.u32 s8, v1;
	v55 =	vor.u32 s8, v18;
	v29 =	vand.u32 $0xC00, v29  }
0x276: {  	v48 =	vcombine.low v4, v5;
	v42 =	vand.u32 $0x7F, v42;
	v43 =	vor.u32 v26, v29  }
0x277: {  	v44 =	vand.u32 $0x7F, v36;
	v54 =	vand.u32 $0x7F, v41;
	v42 =	vor.u32 v42, v43  }
0x278: {  	v39 =	vand.u32 $0x7F, v39;
	v41 =	vand.u32 $0x7F, v55;
	v38 =	vor.u32 v38, v43  }
0x279: {  	v30 =	vand.u32 $0xF, v37;
	v32 =	vand.u32 $0xF, v35;
	v46 =	vor.u32 v54, v43  }
0x27a: {  	v36 =	vand.u32 $0xF, v34;
	v56 =	vor.u32 s8, v32;
	v41 =	vor.u32 v41, v43  }
0x27b: {  	v57 =	vor.u32 s8, v30;
	v45 =	vor.u32 v39, v43;
	v47 =	vand.u32 $0x7F, v56  }
0x27c: {  	v59 =	vor.u32 s8, v36;
	v39 =	vand.u32 $0x7F, v57;
	v58 =	vor.u32 v47, v43;
	[tilespmem:v42+s24+$0x0] =	vst.idx.msk vm1, v10  }
0x27d: {  	v60 =	vand.u32 $0x7F, v59;
	v49 =	vor.u32 v39, v43;
	v39 =	vand.u32 $0xF, v48;
	[tilespmem:v38+s24+$0x0] =	vst.idx.msk vm1, v10  }
0x27e: {  	v27 =	vand.u32 $0xF, v27;
	v47 =	vor.u32 v60, v43;
	v48 =	vor.u32 s8, v39;
	[tilespmem:v46+s24+$0x0] =	vst.idx.msk vm1, v10  }
0x27f: {  	v28 =	vand.u32 $0xF, v28;
	v44 =	vor.u32 v44, v43;
	v61 =	vand.u32 $0x7F, v48;
	[tilespmem:v41+s24+$0x0] =	vst.idx.msk vm1, v10  }
0x280: {  	v29 =	vand.u32 $0xF, v33;
	v63 =	vor.u32 v61, v43;
	v38 =	vand.u32 $0xF, v31;
	[tilespmem:v45+s24+$0x0] =	vst.idx.msk vm1, v10  }
0x281: {  	v53 =	vor.u32 s8, v29;
	v56 =	vor.u32 s8, v28;
	v62 =	vor.u32 s8, v38;
	[tilespmem:v58+s24+$0x0] =	vst.idx.msk vm1, v10  }
0x282: {  	v59 =	vcombine.low v22, v23;
	v55 =	vand.u32 $0x7F, v53;
	v52 =	vand.u32 $0x7F, v62;
	[tilespmem:v49+s24+$0x0] =	vst.idx.msk vm1, v10  }
0x283: {  	v57 =	vand.u32 $0x7F, v56;
	v42 =	vand.u32 $0xF, v40;
	v54 =	vor.u32 v52, v43;
	[tilespmem:v47+s24+$0x0] =	vst.idx.msk vm1, v10  }
0x284: {  	v40 =	vand.u32 $0xF, v59;
	v46 =	vor.u32 v55, v43;
	v58 =	vor.u32 s8, v27;
	[tilespmem:v44+s24+$0x0] =	vst.idx.msk vm1, v10  }
0x285: {  	v50 =	vor.u32 v57, v43;
	v60 =	vand.u32 $0x7F, v58;
	[tilespmem:v63+s24+$0x0] =	vst.idx.msk vm1, v10;
	v63 =	vor.u32 s8, v40  }
0x286: {  	v62 =	vor.u32 s8, v42;
	v61 =	vor.u32 v60, v43;
	v44 =	vand.u32 $0x7F, v63  }
0x287: {  	v41 =	vand.u32 $0x7F, v62;
	v45 =	vor.u32 v44, v43  }
0x288: {  	[tilespmem:v54+s24+$0x0] =	vst.idx.msk vm1, v10;
	v44 =	vor.u32 v41, v43  }
0x289: {  	[tilespmem:v46+s24+$0x0] =	vst.idx.msk vm1, v10  }
0x28a: {  	s8 =	simm.s32 $0x10;
	[tilespmem:v50+s24+$0x0] =	vst.idx.msk vm1, v10  }
0x28b: {  	s9 =	simm.s32 $0x20;
	v41 =	vor.u32 s8, v42;
	v43 =	vor.u32 s8, v17;
	v46 =	vor.u32 s8, v11;
	[tilespmem:v61+s24+$0x0] =	vst.idx.msk vm1, v10  }
.LBB2_20:
0x28c: {  	p0 =	sne.s32 s9, $0x1F0;
	v47 =	vmov s8;
	v46 =	vand.u32 $0x7F, v46;
	v48 =	vor.u32 s8, v19;
	[tilespmem:v45+s24+$0x0] =	vst.idx.msk vm1, v10;
	s12 =	smov.u32 s9;
	s9 =	sadd.s32 $0x10, s9  }
0x28d: {  	v49 =	vand.u32 $0xF, v37;
	v45 =	vshll.u32 v47, $0x3;
	v47 =	vor.u32 s8, v12;
	[tilespmem:v44+s24+$0x0] =	vst.idx.msk vm1, v10  }
0x28e: {  	v50 =	vand.u32 $0xF, v35;
	v44 =	vor.u32 s8, v1;
	v45 =	vand.u32 $0xC00, v45  }
0x28f: {  	v44 =	vand.u32 $0x7F, v44;
	v51 =	vor.u32 v26, v45;
	v45 =	vand.u32 $0xF, v33  }
0x290: {  	v43 =	vand.u32 $0x7F, v43;
	v44 =	vor.u32 v44, v51;
	v46 =	vor.u32 v46, v51  }
0x291: {  	v52 =	vor.u32 s8, v18;
	v48 =	vand.u32 $0x7F, v48;
	v47 =	vand.u32 $0x7F, v47  }
0x292: {  	v52 =	vand.u32 $0x7F, v52;
	v50 =	vor.u32 s8, v50;
	v48 =	vor.u32 v48, v51  }
0x293: {  	v49 =	vor.u32 s8, v49;
	v47 =	vor.u32 v47, v51;
	v52 =	vor.u32 v52, v51  }
0x294: {  	v53 =	vand.u32 $0xF, v34;
	v50 =	vand.u32 $0x7F, v50  }
0x295: {  	v49 =	vand.u32 $0x7F, v49;
	[tilespmem:v44+s24+$0x0] =	vst.idx.msk vm1, v10;
	v44 =	vor.u32 v50, v51;
	v50 =	vor.u32 s8, v53  }
0x296: {  	[tilespmem:v46+s24+$0x0] =	vst.idx.msk vm1, v10;
	v46 =	vor.u32 v49, v51;
	v49 =	vand.u32 $0x7F, v50  }
0x297: {  	v53 =	vand.u32 $0xF, v31;
	v50 =	vor.u32 s8, v39;
	v49 =	vor.u32 v49, v51  }
0x298: {  	v43 =	vor.u32 v43, v51;
	[tilespmem:v47+s24+$0x0] =	vst.idx.msk vm1, v10;
	v47 =	vand.u32 $0x7F, v50;
	v50 =	vor.u32 s8, v53  }
0x299: {  	v45 =	vor.u32 s8, v45;
	[tilespmem:v52+s24+$0x0] =	vst.idx.msk vm1, v10;
	v47 =	vor.u32 v47, v51;
	v50 =	vand.u32 $0x7F, v50  }
0x29a: {  	v45 =	vand.u32 $0x7F, v45;
	[tilespmem:v48+s24+$0x0] =	vst.idx.msk vm1, v10;
	v48 =	vor.u32 v50, v51;
	v50 =	vor.u32 s8, v28  }
0x29b: {  	v52 =	vor.u32 v45, v51;
	v45 =	vor.u32 s8, v27;
	[tilespmem:v44+s24+$0x0] =	vst.idx.msk vm1, v10;
	v44 =	vand.u32 $0x7F, v50  }
0x29c: {  	[tilespmem:v46+s24+$0x0] =	vst.idx.msk vm1, v10;
	v50 =	vor.u32 v44, v51;
	v44 =	vand.u32 $0x7F, v45;
	v45 =	vor.u32 s8, v40;
	s8 =	smov.u32 s12  }
0x29d: {  	[tilespmem:v49+s24+$0x0] =	vst.idx.msk vm1, v10;
	v49 =	vor.u32 v44, v51;
	v44 =	vand.u32 $0x7F, v45  }
0x29e: {  	v41 =	vand.u32 $0x7F, v41;
	[tilespmem:v43+s24+$0x0] =	vst.idx.msk vm1, v10;
	v45 =	vor.u32 v44, v51  }
.Ltmp14:
0x29f: {  	v44 =	vor.u32 v41, v51;
	[tilespmem:v47+s24+$0x0] =	vst.idx.msk vm1, v10;
	(pc) =	sbr.rel @p0 .LBB2_20-.Ltmp14, $4  }
0x2a0: {  	v41 =	vor.u32 s8, v42;
	[tilespmem:v48+s24+$0x0] =	vst.idx.msk vm1, v10  }
0x2a1: {  	v43 =	vor.u32 s8, v17;
	[tilespmem:v52+s24+$0x0] =	vst.idx.msk vm1, v10  }
0x2a2: {  	v46 =	vor.u32 s8, v11;
	[tilespmem:v50+s24+$0x0] =	vst.idx.msk vm1, v10  }
0x2a3: {  	[tilespmem:v49+s24+$0x0] =	vst.idx.msk vm1, v10  }
0x2a4: {  	v31 =	vmov s8  }
0x2a5: {  	v31 =	vshll.u32 v31, $0x3  }
0x2a6: {  	v33 =	vor.u32 s8, v1;
	v31 =	vand.u32 $0xC00, v31  }
0x2a7: {  	v33 =	vand.u32 $0x7F, v33;
	v31 =	vor.u32 v26, v31  }
0x2a8: {  	v34 =	vand.u32 $0x7F, v46;
	v35 =	vor.u32 s8, v12;
	v33 =	vor.u32 v33, v31  }
0x2a9: {  	v37 =	vor.u32 s8, v18;
	v35 =	vand.u32 $0x7F, v35;
	v34 =	vor.u32 v34, v31  }
0x2aa: {  	v42 =	vor.u32 s8, v19;
	v37 =	vand.u32 $0x7F, v37;
	v35 =	vor.u32 v35, v31  }
0x2ab: {  	[tilespmem:v45+s24+$0x0] =	vst.idx.msk vm1, v10;
	v32 =	vor.u32 s8, v32;
	v42 =	vand.u32 $0x7F, v42;
	v37 =	vor.u32 v37, v31  }
0x2ac: {  	v30 =	vor.u32 s8, v30;
	[tilespmem:v44+s24+$0x0] =	vst.idx.msk vm1, v10;
	v32 =	vand.u32 $0x7F, v32;
	v42 =	vor.u32 v42, v31  }
0x2ad: {  	v57 =	vor.u32 s8, v36;
	v30 =	vand.u32 $0x7F, v30;
	v32 =	vor.u32 v32, v31;
	[tilespmem:v33+s24+$0x0] =	vst.idx.msk vm1, v10  }
0x2ae: {  	v30 =	vor.u32 v30, v31;
	v33 =	vand.u32 $0x7F, v57;
	[tilespmem:v34+s24+$0x0] =	vst.idx.msk vm1, v10  }
0x2af: {  	v58 =	vand.u32 $0x7F, v43;
	v59 =	vor.u32 s8, v39;
	v33 =	vor.u32 v33, v31;
	[tilespmem:v35+s24+$0x0] =	vst.idx.msk vm1, v10  }
0x2b0: {  	v61 =	vor.u32 s8, v38;
	v60 =	vand.u32 $0x7F, v59;
	v34 =	vor.u32 v58, v31;
	[tilespmem:v37+s24+$0x0] =	vst.idx.msk vm1, v10  }
0x2b1: {  	v29 =	vor.u32 s8, v29;
	v36 =	vand.u32 $0x7F, v61;
	v35 =	vor.u32 v60, v31;
	[tilespmem:v42+s24+$0x0] =	vst.idx.msk vm1, v10  }
0x2b2: {  	v28 =	vor.u32 s8, v28;
	v29 =	vand.u32 $0x7F, v29;
	v36 =	vor.u32 v36, v31;
	[tilespmem:v32+s24+$0x0] =	vst.idx.msk vm1, v10  }
0x2b3: {  	v27 =	vor.u32 s8, v27;
	v28 =	vand.u32 $0x7F, v28;
	v29 =	vor.u32 v29, v31;
	[tilespmem:v30+s24+$0x0] =	vst.idx.msk vm1, v10  }
0x2b4: {  	v62 =	vor.u32 s8, v40;
	v27 =	vand.u32 $0x7F, v27;
	v28 =	vor.u32 v28, v31;
	[tilespmem:v33+s24+$0x0] =	vst.idx.msk vm1, v10  }
0x2b5: {  	v27 =	vor.u32 v27, v31;
	v30 =	vand.u32 $0x7F, v62;
	[tilespmem:v34+s24+$0x0] =	vst.idx.msk vm1, v10  }
0x2b6: {  	v63 =	vand.u32 $0x7F, v41;
	v30 =	vor.u32 v30, v31;
	[tilespmem:v35+s24+$0x0] =	vst.idx.msk vm1, v10  }
0x2b7: {  	v31 =	vor.u32 v63, v31;
	[tilespmem:v36+s24+$0x0] =	vst.idx.msk vm1, v10  }
0x2b8: {  	[tilespmem:v29+s24+$0x0] =	vst.idx.msk vm1, v10  }
0x2b9: {  	[tilespmem:v28+s24+$0x0] =	vst.idx.msk vm1, v10  }
0x2ba: {  	[tilespmem:v27+s24+$0x0] =	vst.idx.msk vm1, v10  }
0x2bb: {  	[tilespmem:v30+s24+$0x0] =	vst.idx.msk vm1, v10  }
0x2bc: {  	[tilespmem:v31+s24+$0x0] =	vst.idx.msk vm1, v10  }
.LBB2_22:
0x2bd: {  	s7 =	sshll.u32 s7, $0xB  }
0x2be: {  	s7 =	sadd.s32 s7, s4  }
0x2bf: {  	[hbm4b:s7+s3] =	stream.linear.scatter [tilespmem:s24], [sflag:$0x6], $0x4000, $0x38;
	[tilespmem:$0x12400] =	vst v63  }
0x2c0: {  	_ =	swait.ge [sflag:s28], $0x4000  }
0x2c1: {  	[sflag:s28] =	ssyncset.done $0x0  }
0x2c2: {  	[sflag:s28] =	ssyncadd.s32 $0xFFFFC000  }
0x2c3: {  	v27 =	vld [tilespmem:s5+$0x10A0];
	_ =	sdelay $0x4  }
0x2c4: {  	v28 =	vshll.u32 v27, $0x2  }
0x2c5: {  	v27 =	vand.u32 $0x7, v27;
	v28 =	vand.u32 $0xFFFFFFE0, v28  }
0x2c6: {  	v27 =	vor.u32 v27, v28  }
0x2c7: {  	v28 =	vperm.xlane v27, v2;
	_ =	sdelay $0x1  }
0x2c8: {  	v28 =	vadd.s32 v3, v28;
	_ =	sdelay $0x1  }
0x2c9: {  	v27 =	vperm.xlane v27, v8;
	_ =	sdelay $0x1  }
0x2ca: {  	v27 =	vadd.s32 v3, v27  }
0x2cb: {  	[tilespmem:s24], [sflag:$0x2] =	stream.indirect_vreg.gather [hbm4b:s0+s3], $0x80, v28, vm0, $0xb8;
	[tilespmem:$0x12400] =	vst v63  }
0x2cc: {  	s12 =	simm.s32 $0x6C00  }
0x2cd: {  	[tilespmem:s12], [sflag:$0x2] =	stream.indirect_vreg.gather [hbm4b:s18+s3], $0x80, v28, vm0, $0xb8;
	[tilespmem:$0x12400] =	vst v63  }
0x2ce: {  	s16 =	simm.s32 $0x7400  }
0x2cf: {  	[tilespmem:s16], [sflag:$0x2] =	stream.indirect_vreg.gather [hbm4b:s0+s3], $0x80, v27, vm0, $0xb8;
	[tilespmem:$0x12400] =	vst v63  }
0x2d0: {  	s17 =	simm.s32 $0x7C00  }
0x2d1: {  	[tilespmem:s17], [sflag:$0x2] =	stream.indirect_vreg.gather [hbm4b:s18+s3], $0x80, v27, vm0, $0xb8;
	[tilespmem:$0x12400] =	vst v63  }
0x2d2: {  	v27 =	vld [tilespmem:s5+$0x10B0];
	_ =	sdelay $0x4  }
0x2d3: {  	v63 =	vshll.u32 v27, $0x2  }
0x2d4: {  	v27 =	vand.u32 $0x7, v27;
	v28 =	vand.u32 $0xFFFFFFE0, v63  }
0x2d5: {  	v27 =	vor.u32 v27, v28  }
0x2d6: {  	v28 =	vperm.xlane v27, v2;
	_ =	sdelay $0x1  }
0x2d7: {  	v28 =	vadd.s32 v3, v28;
	_ =	sdelay $0x1  }
0x2d8: {  	v27 =	vperm.xlane v27, v8;
	_ =	sdelay $0x1  }
0x2d9: {  	s8 =	simm.s32 $0x8400;
	v27 =	vadd.s32 v3, v27  }
0x2da: {  	[tilespmem:s8], [sflag:$0x2] =	stream.indirect_vreg.gather [hbm4b:s0+s3], $0x80, v28, vm0, $0xb8;
	[tilespmem:$0x12400] =	vst v63  }
0x2db: {  	s9 =	simm.s32 $0x8C00  }
0x2dc: {  	[tilespmem:s9], [sflag:$0x2] =	stream.indirect_vreg.gather [hbm4b:s18+s3], $0x80, v28, vm0, $0xb8;
	[tilespmem:$0x12400] =	vst v63  }
0x2dd: {  	s12 =	simm.s32 $0x9400  }
0x2de: {  	[tilespmem:s12], [sflag:$0x2] =	stream.indirect_vreg.gather [hbm4b:s0+s3], $0x80, v27, vm0, $0xb8;
	[tilespmem:$0x12400] =	vst v63  }
0x2df: {  	s16 =	simm.s32 $0x9C00  }
0x2e0: {  	[tilespmem:s16], [sflag:$0x2] =	stream.indirect_vreg.gather [hbm4b:s18+s3], $0x80, v27, vm0, $0xb8;
	[tilespmem:$0x12400] =	vst v63  }
0x2e1: {  	s7 =	sor.u32 $0x2, s6;
	_ =	swait.ge [sflag:s29], $0x4000  }
0x2e2: {  	s8 =	sshll.u32 s7, $0x4;
	[sflag:s29] =	ssyncset.done $0x0  }
0x2e3: {  	s8 =	sand.u32 $0x3FFFFFF0, s8;
	[sflag:s29] =	ssyncadd.s32 $0xFFFFC000  }
0x2e4: {  	v27 =	vld [tilespmem:s8+$0x2000];
	_ =	sdelay $0x4  }
0x2e5: {  	(v2sf) =	vpush v27, $0x0;
	_ =	sdelay $0xe  }
0x2e6: {  	s17 =	spop (v2sf)  }
0x2e7: {  	p0 =	slt.s32 s17, $0x1  }
.Ltmp15:
0x2e8: {  	_ = 	snop;
	(pc) =	sbr.rel @p0 .LBB2_31-.Ltmp15, $1  }
0x2e9: {  	_ =	sdelay $0x3  }
0x2ea: {  	s9 =	sshll.u32 s7, $0x5  }
0x2eb: {  	v27 =	vld [tilespmem:s9+$0x1800];
	_ =	sdelay $0x4  }
0x2ec: {  	vm1 =	vgt.s32 v27, $0x0  }
0x2ed: {  	v27 =	vmpcnt.ones.xlane vm1;
	_ =	sdelay $0x1  }
0x2ee: {  	(v2sf) =	vpush v27, $0x0;
	_ =	sdelay $0xe  }
0x2ef: {  	s8 =	spop (v2sf)  }
0x2f0: {  	p0 =	slt.s32 s8, $0x1  }
.Ltmp16:
0x2f1: {  	_ = 	snop;
	(pc) =	sbr.rel @p0 .LBB2_27-.Ltmp16, $2  }
0x2f2: {  	_ =	sdelay $0x2  }
0x2f3: {  	s8 =	simm.s32 $0x0  }
0x2f4: {  	v40 =	vcombine.low v24, v25  }
0x2f5: {  	v31 =	vcombine.low v6, v7;
	v27 =	vcombine.low v20, v21  }
0x2f6: {  	v33 =	vcombine.low v13, v14;
	v36 =	vor.u32 s8, v17;
	v28 =	vcombine.low v15, v16  }
0x2f7: {  	v29 =	vor.u32 s8, v11;
	v34 =	vcombine.low v25, v24;
	v35 =	vcombine.low v21, v20  }
0x2f8: {  	v37 =	vcombine.low v23, v22;
	v30 =	vmov s8;
	v39 =	vor.u32 s8, v19  }
0x2f9: {  	v41 =	vor.u32 s8, v12;
	v38 =	vand.u32 $0x7F, v29;
	v29 =	vshll.u32 v30, $0x3  }
0x2fa: {  	v42 =	vor.u32 s8, v1;
	v55 =	vor.u32 s8, v18;
	v29 =	vand.u32 $0xC00, v29  }
0x2fb: {  	v48 =	vcombine.low v4, v5;
	v42 =	vand.u32 $0x7F, v42;
	v43 =	vor.u32 v9, v29  }
0x2fc: {  	v44 =	vand.u32 $0x7F, v36;
	v54 =	vand.u32 $0x7F, v41;
	v42 =	vor.u32 v42, v43  }
0x2fd: {  	v39 =	vand.u32 $0x7F, v39;
	v41 =	vand.u32 $0x7F, v55;
	v38 =	vor.u32 v38, v43  }
0x2fe: {  	v30 =	vand.u32 $0xF, v37;
	v32 =	vand.u32 $0xF, v35;
	v46 =	vor.u32 v54, v43  }
0x2ff: {  	v36 =	vand.u32 $0xF, v34;
	v56 =	vor.u32 s8, v32;
	v41 =	vor.u32 v41, v43  }
0x300: {  	v57 =	vor.u32 s8, v30;
	v45 =	vor.u32 v39, v43;
	v47 =	vand.u32 $0x7F, v56  }
0x301: {  	v59 =	vor.u32 s8, v36;
	v39 =	vand.u32 $0x7F, v57;
	v58 =	vor.u32 v47, v43;
	[tilespmem:v42+s10+$0x0] =	vst.idx.msk vm1, v10  }
0x302: {  	v60 =	vand.u32 $0x7F, v59;
	v49 =	vor.u32 v39, v43;
	v39 =	vand.u32 $0xF, v48;
	[tilespmem:v38+s10+$0x0] =	vst.idx.msk vm1, v10  }
0x303: {  	v27 =	vand.u32 $0xF, v27;
	v47 =	vor.u32 v60, v43;
	v48 =	vor.u32 s8, v39;
	[tilespmem:v46+s10+$0x0] =	vst.idx.msk vm1, v10  }
0x304: {  	v28 =	vand.u32 $0xF, v28;
	v44 =	vor.u32 v44, v43;
	v61 =	vand.u32 $0x7F, v48;
	[tilespmem:v41+s10+$0x0] =	vst.idx.msk vm1, v10  }
0x305: {  	v29 =	vand.u32 $0xF, v33;
	v63 =	vor.u32 v61, v43;
	v38 =	vand.u32 $0xF, v31;
	[tilespmem:v45+s10+$0x0] =	vst.idx.msk vm1, v10  }
0x306: {  	v53 =	vor.u32 s8, v29;
	v56 =	vor.u32 s8, v28;
	v62 =	vor.u32 s8, v38;
	[tilespmem:v58+s10+$0x0] =	vst.idx.msk vm1, v10  }
0x307: {  	v59 =	vcombine.low v22, v23;
	v55 =	vand.u32 $0x7F, v53;
	v52 =	vand.u32 $0x7F, v62;
	[tilespmem:v49+s10+$0x0] =	vst.idx.msk vm1, v10  }
0x308: {  	v57 =	vand.u32 $0x7F, v56;
	v42 =	vand.u32 $0xF, v40;
	v54 =	vor.u32 v52, v43;
	[tilespmem:v47+s10+$0x0] =	vst.idx.msk vm1, v10  }
0x309: {  	v40 =	vand.u32 $0xF, v59;
	v46 =	vor.u32 v55, v43;
	v58 =	vor.u32 s8, v27;
	[tilespmem:v44+s10+$0x0] =	vst.idx.msk vm1, v10  }
0x30a: {  	v50 =	vor.u32 v57, v43;
	v60 =	vand.u32 $0x7F, v58;
	[tilespmem:v63+s10+$0x0] =	vst.idx.msk vm1, v10;
	v63 =	vor.u32 s8, v40  }
0x30b: {  	v62 =	vor.u32 s8, v42;
	v61 =	vor.u32 v60, v43;
	v44 =	vand.u32 $0x7F, v63  }
0x30c: {  	v41 =	vand.u32 $0x7F, v62;
	v45 =	vor.u32 v44, v43  }
0x30d: {  	[tilespmem:v54+s10+$0x0] =	vst.idx.msk vm1, v10;
	v44 =	vor.u32 v41, v43  }
0x30e: {  	[tilespmem:v46+s10+$0x0] =	vst.idx.msk vm1, v10  }
0x30f: {  	s16 =	simm.s32 $0x10;
	[tilespmem:v50+s10+$0x0] =	vst.idx.msk vm1, v10  }
0x310: {  	s17 =	simm.s32 $0x20;
	v41 =	vor.u32 s16, v42;
	v43 =	vor.u32 s16, v17;
	v46 =	vor.u32 s16, v11;
	[tilespmem:v61+s10+$0x0] =	vst.idx.msk vm1, v10  }
.LBB2_25:
0x311: {  	p0 =	sne.s32 s17, $0x1F0;
	v47 =	vmov s16;
	v46 =	vand.u32 $0x7F, v46;
	v48 =	vor.u32 s16, v19;
	[tilespmem:v45+s10+$0x0] =	vst.idx.msk vm1, v10;
	s12 =	smov.u32 s17;
	s17 =	sadd.s32 $0x10, s17  }
0x312: {  	v49 =	vand.u32 $0xF, v37;
	v45 =	vshll.u32 v47, $0x3;
	v47 =	vor.u32 s16, v12;
	[tilespmem:v44+s10+$0x0] =	vst.idx.msk vm1, v10  }
0x313: {  	v50 =	vand.u32 $0xF, v35;
	v44 =	vor.u32 s16, v1;
	v45 =	vand.u32 $0xC00, v45  }
0x314: {  	v44 =	vand.u32 $0x7F, v44;
	v51 =	vor.u32 v9, v45;
	v45 =	vand.u32 $0xF, v33  }
0x315: {  	v43 =	vand.u32 $0x7F, v43;
	v44 =	vor.u32 v44, v51;
	v46 =	vor.u32 v46, v51  }
0x316: {  	v52 =	vor.u32 s16, v18;
	v48 =	vand.u32 $0x7F, v48;
	v47 =	vand.u32 $0x7F, v47  }
0x317: {  	v52 =	vand.u32 $0x7F, v52;
	v50 =	vor.u32 s16, v50;
	v48 =	vor.u32 v48, v51  }
0x318: {  	v49 =	vor.u32 s16, v49;
	v47 =	vor.u32 v47, v51;
	v52 =	vor.u32 v52, v51  }
0x319: {  	v53 =	vand.u32 $0xF, v34;
	v50 =	vand.u32 $0x7F, v50  }
0x31a: {  	v49 =	vand.u32 $0x7F, v49;
	[tilespmem:v44+s10+$0x0] =	vst.idx.msk vm1, v10;
	v44 =	vor.u32 v50, v51;
	v50 =	vor.u32 s16, v53  }
0x31b: {  	[tilespmem:v46+s10+$0x0] =	vst.idx.msk vm1, v10;
	v46 =	vor.u32 v49, v51;
	v49 =	vand.u32 $0x7F, v50  }
0x31c: {  	v53 =	vand.u32 $0xF, v31;
	v50 =	vor.u32 s16, v39;
	v49 =	vor.u32 v49, v51  }
0x31d: {  	v43 =	vor.u32 v43, v51;
	[tilespmem:v47+s10+$0x0] =	vst.idx.msk vm1, v10;
	v47 =	vand.u32 $0x7F, v50;
	v50 =	vor.u32 s16, v53  }
0x31e: {  	v45 =	vor.u32 s16, v45;
	[tilespmem:v52+s10+$0x0] =	vst.idx.msk vm1, v10;
	v47 =	vor.u32 v47, v51;
	v50 =	vand.u32 $0x7F, v50  }
0x31f: {  	v45 =	vand.u32 $0x7F, v45;
	[tilespmem:v48+s10+$0x0] =	vst.idx.msk vm1, v10;
	v48 =	vor.u32 v50, v51;
	v50 =	vor.u32 s16, v28  }
0x320: {  	v52 =	vor.u32 v45, v51;
	v45 =	vor.u32 s16, v27;
	[tilespmem:v44+s10+$0x0] =	vst.idx.msk vm1, v10;
	v44 =	vand.u32 $0x7F, v50  }
0x321: {  	[tilespmem:v46+s10+$0x0] =	vst.idx.msk vm1, v10;
	v50 =	vor.u32 v44, v51;
	v44 =	vand.u32 $0x7F, v45;
	v45 =	vor.u32 s16, v40;
	s16 =	smov.u32 s12  }
0x322: {  	[tilespmem:v49+s10+$0x0] =	vst.idx.msk vm1, v10;
	v49 =	vor.u32 v44, v51;
	v44 =	vand.u32 $0x7F, v45  }
0x323: {  	v41 =	vand.u32 $0x7F, v41;
	[tilespmem:v43+s10+$0x0] =	vst.idx.msk vm1, v10;
	v45 =	vor.u32 v44, v51  }
.Ltmp17:
0x324: {  	v44 =	vor.u32 v41, v51;
	[tilespmem:v47+s10+$0x0] =	vst.idx.msk vm1, v10;
	(pc) =	sbr.rel @p0 .LBB2_25-.Ltmp17, $4  }
0x325: {  	v41 =	vor.u32 s16, v42;
	[tilespmem:v48+s10+$0x0] =	vst.idx.msk vm1, v10  }
0x326: {  	v43 =	vor.u32 s16, v17;
	[tilespmem:v52+s10+$0x0] =	vst.idx.msk vm1, v10  }
0x327: {  	v46 =	vor.u32 s16, v11;
	[tilespmem:v50+s10+$0x0] =	vst.idx.msk vm1, v10  }
0x328: {  	[tilespmem:v49+s10+$0x0] =	vst.idx.msk vm1, v10  }
0x329: {  	v31 =	vmov s16  }
0x32a: {  	v31 =	vshll.u32 v31, $0x3  }
0x32b: {  	v33 =	vor.u32 s16, v1;
	v31 =	vand.u32 $0xC00, v31  }
0x32c: {  	v33 =	vand.u32 $0x7F, v33;
	v31 =	vor.u32 v9, v31  }
0x32d: {  	v34 =	vand.u32 $0x7F, v46;
	v35 =	vor.u32 s16, v12;
	v33 =	vor.u32 v33, v31  }
0x32e: {  	v37 =	vor.u32 s16, v18;
	v35 =	vand.u32 $0x7F, v35;
	v34 =	vor.u32 v34, v31  }
0x32f: {  	v42 =	vor.u32 s16, v19;
	v37 =	vand.u32 $0x7F, v37;
	v35 =	vor.u32 v35, v31  }
0x330: {  	[tilespmem:v45+s10+$0x0] =	vst.idx.msk vm1, v10;
	v32 =	vor.u32 s16, v32;
	v42 =	vand.u32 $0x7F, v42;
	v37 =	vor.u32 v37, v31  }
0x331: {  	v30 =	vor.u32 s16, v30;
	[tilespmem:v44+s10+$0x0] =	vst.idx.msk vm1, v10;
	v32 =	vand.u32 $0x7F, v32;
	v42 =	vor.u32 v42, v31  }
0x332: {  	v57 =	vor.u32 s16, v36;
	v30 =	vand.u32 $0x7F, v30;
	v32 =	vor.u32 v32, v31;
	[tilespmem:v33+s10+$0x0] =	vst.idx.msk vm1, v10  }
0x333: {  	v30 =	vor.u32 v30, v31;
	v33 =	vand.u32 $0x7F, v57;
	[tilespmem:v34+s10+$0x0] =	vst.idx.msk vm1, v10  }
0x334: {  	v58 =	vand.u32 $0x7F, v43;
	v59 =	vor.u32 s16, v39;
	v33 =	vor.u32 v33, v31;
	[tilespmem:v35+s10+$0x0] =	vst.idx.msk vm1, v10  }
0x335: {  	v61 =	vor.u32 s16, v38;
	v60 =	vand.u32 $0x7F, v59;
	v34 =	vor.u32 v58, v31;
	[tilespmem:v37+s10+$0x0] =	vst.idx.msk vm1, v10  }
0x336: {  	v29 =	vor.u32 s16, v29;
	v36 =	vand.u32 $0x7F, v61;
	v35 =	vor.u32 v60, v31;
	[tilespmem:v42+s10+$0x0] =	vst.idx.msk vm1, v10  }
0x337: {  	v28 =	vor.u32 s16, v28;
	v29 =	vand.u32 $0x7F, v29;
	v36 =	vor.u32 v36, v31;
	[tilespmem:v32+s10+$0x0] =	vst.idx.msk vm1, v10  }
0x338: {  	v27 =	vor.u32 s16, v27;
	v28 =	vand.u32 $0x7F, v28;
	v29 =	vor.u32 v29, v31;
	[tilespmem:v30+s10+$0x0] =	vst.idx.msk vm1, v10  }
0x339: {  	v62 =	vor.u32 s16, v40;
	v27 =	vand.u32 $0x7F, v27;
	v28 =	vor.u32 v28, v31;
	[tilespmem:v33+s10+$0x0] =	vst.idx.msk vm1, v10  }
0x33a: {  	v27 =	vor.u32 v27, v31;
	v30 =	vand.u32 $0x7F, v62;
	[tilespmem:v34+s10+$0x0] =	vst.idx.msk vm1, v10  }
0x33b: {  	v63 =	vand.u32 $0x7F, v41;
	v30 =	vor.u32 v30, v31;
	[tilespmem:v35+s10+$0x0] =	vst.idx.msk vm1, v10  }
0x33c: {  	v31 =	vor.u32 v63, v31;
	[tilespmem:v36+s10+$0x0] =	vst.idx.msk vm1, v10  }
0x33d: {  	[tilespmem:v29+s10+$0x0] =	vst.idx.msk vm1, v10  }
0x33e: {  	[tilespmem:v28+s10+$0x0] =	vst.idx.msk vm1, v10  }
0x33f: {  	[tilespmem:v27+s10+$0x0] =	vst.idx.msk vm1, v10  }
0x340: {  	[tilespmem:v30+s10+$0x0] =	vst.idx.msk vm1, v10  }
0x341: {  	[tilespmem:v31+s10+$0x0] =	vst.idx.msk vm1, v10  }
.LBB2_27:
0x342: {  	s9 =	sor.u32 $0x50, s9  }
0x343: {  	v27 =	vld [tilespmem:s9+$0x1800];
	_ =	sdelay $0x4  }
0x344: {  	vm1 =	vgt.s32 v27, $0x0  }
0x345: {  	v27 =	vmpcnt.ones.xlane vm1;
	_ =	sdelay $0x1  }
0x346: {  	(v2sf) =	vpush v27, $0x0;
	_ =	sdelay $0xe  }
0x347: {  	s17 =	spop (v2sf)  }
0x348: {  	p0 =	slt.s32 s17, $0x1  }
.Ltmp18:
0x349: {  	_ = 	snop;
	(pc) =	sbr.rel @p0 .LBB2_31-.Ltmp18, $1  }
0x34a: {  	_ =	sdelay $0x3  }
0x34b: {  	v40 =	vcombine.low v24, v25  }
0x34c: {  	v31 =	vcombine.low v6, v7;
	v27 =	vcombine.low v20, v21  }
0x34d: {  	v33 =	vcombine.low v13, v14;
	v36 =	vor.u32 s8, v17;
	v28 =	vcombine.low v15, v16  }
0x34e: {  	v29 =	vor.u32 s8, v11;
	v34 =	vcombine.low v25, v24;
	v35 =	vcombine.low v21, v20  }
0x34f: {  	v37 =	vcombine.low v23, v22;
	v30 =	vmov s8;
	v39 =	vor.u32 s8, v19  }
0x350: {  	v41 =	vor.u32 s8, v12;
	v38 =	vand.u32 $0x7F, v29;
	v29 =	vshll.u32 v30, $0x3  }
0x351: {  	v42 =	vor.u32 s8, v1;
	v55 =	vor.u32 s8, v18;
	v29 =	vand.u32 $0xC00, v29  }
0x352: {  	v48 =	vcombine.low v4, v5;
	v42 =	vand.u32 $0x7F, v42;
	v43 =	vor.u32 v26, v29  }
0x353: {  	v44 =	vand.u32 $0x7F, v36;
	v54 =	vand.u32 $0x7F, v41;
	v42 =	vor.u32 v42, v43  }
0x354: {  	v39 =	vand.u32 $0x7F, v39;
	v41 =	vand.u32 $0x7F, v55;
	v38 =	vor.u32 v38, v43  }
0x355: {  	v30 =	vand.u32 $0xF, v37;
	v32 =	vand.u32 $0xF, v35;
	v46 =	vor.u32 v54, v43  }
0x356: {  	v36 =	vand.u32 $0xF, v34;
	v56 =	vor.u32 s8, v32;
	v41 =	vor.u32 v41, v43  }
0x357: {  	v57 =	vor.u32 s8, v30;
	v45 =	vor.u32 v39, v43;
	v47 =	vand.u32 $0x7F, v56  }
0x358: {  	v59 =	vor.u32 s8, v36;
	v39 =	vand.u32 $0x7F, v57;
	v58 =	vor.u32 v47, v43;
	[tilespmem:v42+s10+$0x0] =	vst.idx.msk vm1, v10  }
0x359: {  	v60 =	vand.u32 $0x7F, v59;
	v49 =	vor.u32 v39, v43;
	v39 =	vand.u32 $0xF, v48;
	[tilespmem:v38+s10+$0x0] =	vst.idx.msk vm1, v10  }
0x35a: {  	v27 =	vand.u32 $0xF, v27;
	v47 =	vor.u32 v60, v43;
	v48 =	vor.u32 s8, v39;
	[tilespmem:v46+s10+$0x0] =	vst.idx.msk vm1, v10  }
0x35b: {  	v28 =	vand.u32 $0xF, v28;
	v44 =	vor.u32 v44, v43;
	v61 =	vand.u32 $0x7F, v48;
	[tilespmem:v41+s10+$0x0] =	vst.idx.msk vm1, v10  }
0x35c: {  	v29 =	vand.u32 $0xF, v33;
	v63 =	vor.u32 v61, v43;
	v38 =	vand.u32 $0xF, v31;
	[tilespmem:v45+s10+$0x0] =	vst.idx.msk vm1, v10  }
0x35d: {  	v53 =	vor.u32 s8, v29;
	v56 =	vor.u32 s8, v28;
	v62 =	vor.u32 s8, v38;
	[tilespmem:v58+s10+$0x0] =	vst.idx.msk vm1, v10  }
0x35e: {  	v59 =	vcombine.low v22, v23;
	v55 =	vand.u32 $0x7F, v53;
	v52 =	vand.u32 $0x7F, v62;
	[tilespmem:v49+s10+$0x0] =	vst.idx.msk vm1, v10  }
0x35f: {  	v57 =	vand.u32 $0x7F, v56;
	v42 =	vand.u32 $0xF, v40;
	v54 =	vor.u32 v52, v43;
	[tilespmem:v47+s10+$0x0] =	vst.idx.msk vm1, v10  }
0x360: {  	v40 =	vand.u32 $0xF, v59;
	v46 =	vor.u32 v55, v43;
	v58 =	vor.u32 s8, v27;
	[tilespmem:v44+s10+$0x0] =	vst.idx.msk vm1, v10  }
0x361: {  	v50 =	vor.u32 v57, v43;
	v60 =	vand.u32 $0x7F, v58;
	[tilespmem:v63+s10+$0x0] =	vst.idx.msk vm1, v10;
	v63 =	vor.u32 s8, v40  }
0x362: {  	v62 =	vor.u32 s8, v42;
	v61 =	vor.u32 v60, v43;
	v44 =	vand.u32 $0x7F, v63  }
0x363: {  	v41 =	vand.u32 $0x7F, v62;
	v45 =	vor.u32 v44, v43  }
0x364: {  	[tilespmem:v54+s10+$0x0] =	vst.idx.msk vm1, v10;
	v44 =	vor.u32 v41, v43  }
0x365: {  	[tilespmem:v46+s10+$0x0] =	vst.idx.msk vm1, v10  }
0x366: {  	s8 =	simm.s32 $0x10;
	[tilespmem:v50+s10+$0x0] =	vst.idx.msk vm1, v10  }
0x367: {  	s9 =	simm.s32 $0x20;
	v41 =	vor.u32 s8, v42;
	v43 =	vor.u32 s8, v17;
	v46 =	vor.u32 s8, v11;
	[tilespmem:v61+s10+$0x0] =	vst.idx.msk vm1, v10  }
.LBB2_29:
0x368: {  	p0 =	sne.s32 s9, $0x1F0;
	v47 =	vmov s8;
	v46 =	vand.u32 $0x7F, v46;
	v48 =	vor.u32 s8, v19;
	[tilespmem:v45+s10+$0x0] =	vst.idx.msk vm1, v10;
	s12 =	smov.u32 s9;
	s9 =	sadd.s32 $0x10, s9  }
0x369: {  	v49 =	vand.u32 $0xF, v37;
	v45 =	vshll.u32 v47, $0x3;
	v47 =	vor.u32 s8, v12;
	[tilespmem:v44+s10+$0x0] =	vst.idx.msk vm1, v10  }
0x36a: {  	v50 =	vand.u32 $0xF, v35;
	v44 =	vor.u32 s8, v1;
	v45 =	vand.u32 $0xC00, v45  }
0x36b: {  	v44 =	vand.u32 $0x7F, v44;
	v51 =	vor.u32 v26, v45;
	v45 =	vand.u32 $0xF, v33  }
0x36c: {  	v43 =	vand.u32 $0x7F, v43;
	v44 =	vor.u32 v44, v51;
	v46 =	vor.u32 v46, v51  }
0x36d: {  	v52 =	vor.u32 s8, v18;
	v48 =	vand.u32 $0x7F, v48;
	v47 =	vand.u32 $0x7F, v47  }
0x36e: {  	v52 =	vand.u32 $0x7F, v52;
	v50 =	vor.u32 s8, v50;
	v48 =	vor.u32 v48, v51  }
0x36f: {  	v49 =	vor.u32 s8, v49;
	v47 =	vor.u32 v47, v51;
	v52 =	vor.u32 v52, v51  }
0x370: {  	v53 =	vand.u32 $0xF, v34;
	v50 =	vand.u32 $0x7F, v50  }
0x371: {  	v49 =	vand.u32 $0x7F, v49;
	[tilespmem:v44+s10+$0x0] =	vst.idx.msk vm1, v10;
	v44 =	vor.u32 v50, v51;
	v50 =	vor.u32 s8, v53  }
0x372: {  	[tilespmem:v46+s10+$0x0] =	vst.idx.msk vm1, v10;
	v46 =	vor.u32 v49, v51;
	v49 =	vand.u32 $0x7F, v50  }
0x373: {  	v53 =	vand.u32 $0xF, v31;
	v50 =	vor.u32 s8, v39;
	v49 =	vor.u32 v49, v51  }
0x374: {  	v43 =	vor.u32 v43, v51;
	[tilespmem:v47+s10+$0x0] =	vst.idx.msk vm1, v10;
	v47 =	vand.u32 $0x7F, v50;
	v50 =	vor.u32 s8, v53  }
0x375: {  	v45 =	vor.u32 s8, v45;
	[tilespmem:v52+s10+$0x0] =	vst.idx.msk vm1, v10;
	v47 =	vor.u32 v47, v51;
	v50 =	vand.u32 $0x7F, v50  }
0x376: {  	v45 =	vand.u32 $0x7F, v45;
	[tilespmem:v48+s10+$0x0] =	vst.idx.msk vm1, v10;
	v48 =	vor.u32 v50, v51;
	v50 =	vor.u32 s8, v28  }
0x377: {  	v52 =	vor.u32 v45, v51;
	v45 =	vor.u32 s8, v27;
	[tilespmem:v44+s10+$0x0] =	vst.idx.msk vm1, v10;
	v44 =	vand.u32 $0x7F, v50  }
0x378: {  	[tilespmem:v46+s10+$0x0] =	vst.idx.msk vm1, v10;
	v50 =	vor.u32 v44, v51;
	v44 =	vand.u32 $0x7F, v45;
	v45 =	vor.u32 s8, v40;
	s8 =	smov.u32 s12  }
0x379: {  	[tilespmem:v49+s10+$0x0] =	vst.idx.msk vm1, v10;
	v49 =	vor.u32 v44, v51;
	v44 =	vand.u32 $0x7F, v45  }
0x37a: {  	v41 =	vand.u32 $0x7F, v41;
	[tilespmem:v43+s10+$0x0] =	vst.idx.msk vm1, v10;
	v45 =	vor.u32 v44, v51  }
.Ltmp19:
0x37b: {  	v44 =	vor.u32 v41, v51;
	[tilespmem:v47+s10+$0x0] =	vst.idx.msk vm1, v10;
	(pc) =	sbr.rel @p0 .LBB2_29-.Ltmp19, $4  }
0x37c: {  	v41 =	vor.u32 s8, v42;
	[tilespmem:v48+s10+$0x0] =	vst.idx.msk vm1, v10  }
0x37d: {  	v43 =	vor.u32 s8, v17;
	[tilespmem:v52+s10+$0x0] =	vst.idx.msk vm1, v10  }
0x37e: {  	v46 =	vor.u32 s8, v11;
	[tilespmem:v50+s10+$0x0] =	vst.idx.msk vm1, v10  }
0x37f: {  	[tilespmem:v49+s10+$0x0] =	vst.idx.msk vm1, v10  }
0x380: {  	v31 =	vmov s8  }
0x381: {  	v31 =	vshll.u32 v31, $0x3  }
0x382: {  	v33 =	vor.u32 s8, v1;
	v31 =	vand.u32 $0xC00, v31  }
0x383: {  	v33 =	vand.u32 $0x7F, v33;
	v31 =	vor.u32 v26, v31  }
0x384: {  	v34 =	vand.u32 $0x7F, v46;
	v35 =	vor.u32 s8, v12;
	v33 =	vor.u32 v33, v31  }
0x385: {  	v37 =	vor.u32 s8, v18;
	v35 =	vand.u32 $0x7F, v35;
	v34 =	vor.u32 v34, v31  }
0x386: {  	v42 =	vor.u32 s8, v19;
	v37 =	vand.u32 $0x7F, v37;
	v35 =	vor.u32 v35, v31  }
0x387: {  	[tilespmem:v45+s10+$0x0] =	vst.idx.msk vm1, v10;
	v32 =	vor.u32 s8, v32;
	v42 =	vand.u32 $0x7F, v42;
	v37 =	vor.u32 v37, v31  }
0x388: {  	v30 =	vor.u32 s8, v30;
	[tilespmem:v44+s10+$0x0] =	vst.idx.msk vm1, v10;
	v32 =	vand.u32 $0x7F, v32;
	v42 =	vor.u32 v42, v31  }
0x389: {  	v57 =	vor.u32 s8, v36;
	v30 =	vand.u32 $0x7F, v30;
	v32 =	vor.u32 v32, v31;
	[tilespmem:v33+s10+$0x0] =	vst.idx.msk vm1, v10  }
0x38a: {  	v30 =	vor.u32 v30, v31;
	v33 =	vand.u32 $0x7F, v57;
	[tilespmem:v34+s10+$0x0] =	vst.idx.msk vm1, v10  }
0x38b: {  	v58 =	vand.u32 $0x7F, v43;
	v59 =	vor.u32 s8, v39;
	v33 =	vor.u32 v33, v31;
	[tilespmem:v35+s10+$0x0] =	vst.idx.msk vm1, v10  }
0x38c: {  	v61 =	vor.u32 s8, v38;
	v60 =	vand.u32 $0x7F, v59;
	v34 =	vor.u32 v58, v31;
	[tilespmem:v37+s10+$0x0] =	vst.idx.msk vm1, v10  }
0x38d: {  	v29 =	vor.u32 s8, v29;
	v36 =	vand.u32 $0x7F, v61;
	v35 =	vor.u32 v60, v31;
	[tilespmem:v42+s10+$0x0] =	vst.idx.msk vm1, v10  }
0x38e: {  	v28 =	vor.u32 s8, v28;
	v29 =	vand.u32 $0x7F, v29;
	v36 =	vor.u32 v36, v31;
	[tilespmem:v32+s10+$0x0] =	vst.idx.msk vm1, v10  }
0x38f: {  	v27 =	vor.u32 s8, v27;
	v28 =	vand.u32 $0x7F, v28;
	v29 =	vor.u32 v29, v31;
	[tilespmem:v30+s10+$0x0] =	vst.idx.msk vm1, v10  }
0x390: {  	v62 =	vor.u32 s8, v40;
	v27 =	vand.u32 $0x7F, v27;
	v28 =	vor.u32 v28, v31;
	[tilespmem:v33+s10+$0x0] =	vst.idx.msk vm1, v10  }
0x391: {  	v27 =	vor.u32 v27, v31;
	v30 =	vand.u32 $0x7F, v62;
	[tilespmem:v34+s10+$0x0] =	vst.idx.msk vm1, v10  }
0x392: {  	v63 =	vand.u32 $0x7F, v41;
	v30 =	vor.u32 v30, v31;
	[tilespmem:v35+s10+$0x0] =	vst.idx.msk vm1, v10  }
0x393: {  	v31 =	vor.u32 v63, v31;
	[tilespmem:v36+s10+$0x0] =	vst.idx.msk vm1, v10  }
0x394: {  	[tilespmem:v29+s10+$0x0] =	vst.idx.msk vm1, v10  }
0x395: {  	[tilespmem:v28+s10+$0x0] =	vst.idx.msk vm1, v10  }
0x396: {  	[tilespmem:v27+s10+$0x0] =	vst.idx.msk vm1, v10  }
0x397: {  	[tilespmem:v30+s10+$0x0] =	vst.idx.msk vm1, v10  }
0x398: {  	[tilespmem:v31+s10+$0x0] =	vst.idx.msk vm1, v10  }
.LBB2_31:
0x399: {  	s7 =	sshll.u32 s7, $0xB  }
0x39a: {  	s7 =	sadd.s32 s7, s4  }
0x39b: {  	[hbm4b:s7+s3] =	stream.linear.scatter [tilespmem:s10], [sflag:$0x7], $0x4000, $0x38;
	[tilespmem:$0x12400] =	vst v63  }
0x39c: {  	_ =	swait.ge [sflag:s30], $0x4000  }
0x39d: {  	[sflag:s30] =	ssyncset.done $0x0  }
0x39e: {  	[sflag:s30] =	ssyncadd.s32 $0xFFFFC000  }
0x39f: {  	v27 =	vld [tilespmem:s5+$0x10C0];
	_ =	sdelay $0x4  }
0x3a0: {  	v28 =	vshll.u32 v27, $0x2  }
0x3a1: {  	v27 =	vand.u32 $0x7, v27;
	v28 =	vand.u32 $0xFFFFFFE0, v28  }
0x3a2: {  	v27 =	vor.u32 v27, v28  }
0x3a3: {  	v28 =	vperm.xlane v27, v2;
	_ =	sdelay $0x1  }
0x3a4: {  	v28 =	vadd.s32 v3, v28;
	_ =	sdelay $0x1  }
0x3a5: {  	v27 =	vperm.xlane v27, v8;
	_ =	sdelay $0x1  }
0x3a6: {  	v27 =	vadd.s32 v3, v27  }
0x3a7: {  	[tilespmem:s10], [sflag:$0x3] =	stream.indirect_vreg.gather [hbm4b:s0+s3], $0x80, v28, vm0, $0xb8;
	[tilespmem:$0x12400] =	vst v63  }
0x3a8: {  	s9 =	simm.s32 $0xAC00  }
0x3a9: {  	[tilespmem:s9], [sflag:$0x3] =	stream.indirect_vreg.gather [hbm4b:s18+s3], $0x80, v28, vm0, $0xb8;
	[tilespmem:$0x12400] =	vst v63  }
0x3aa: {  	s12 =	simm.s32 $0xB400  }
0x3ab: {  	[tilespmem:s12], [sflag:$0x3] =	stream.indirect_vreg.gather [hbm4b:s0+s3], $0x80, v27, vm0, $0xb8;
	[tilespmem:$0x12400] =	vst v63  }
0x3ac: {  	s16 =	simm.s32 $0xBC00  }
0x3ad: {  	[tilespmem:s16], [sflag:$0x3] =	stream.indirect_vreg.gather [hbm4b:s18+s3], $0x80, v27, vm0, $0xb8;
	[tilespmem:$0x12400] =	vst v63  }
0x3ae: {  	v27 =	vld [tilespmem:s5+$0x10D0];
	_ =	sdelay $0x4  }
0x3af: {  	v63 =	vshll.u32 v27, $0x2  }
0x3b0: {  	v27 =	vand.u32 $0x7, v27;
	v28 =	vand.u32 $0xFFFFFFE0, v63  }
0x3b1: {  	v27 =	vor.u32 v27, v28  }
0x3b2: {  	v28 =	vperm.xlane v27, v2;
	_ =	sdelay $0x1  }
0x3b3: {  	v28 =	vadd.s32 v3, v28;
	_ =	sdelay $0x1  }
0x3b4: {  	v27 =	vperm.xlane v27, v8;
	_ =	sdelay $0x1  }
0x3b5: {  	s17 =	simm.s32 $0xC400;
	v27 =	vadd.s32 v3, v27  }
0x3b6: {  	[tilespmem:s17], [sflag:$0x3] =	stream.indirect_vreg.gather [hbm4b:s0+s3], $0x80, v28, vm0, $0xb8;
	[tilespmem:$0x12400] =	vst v63  }
0x3b7: {  	s8 =	simm.s32 $0xCC00  }
0x3b8: {  	[tilespmem:s8], [sflag:$0x3] =	stream.indirect_vreg.gather [hbm4b:s18+s3], $0x80, v28, vm0, $0xb8;
	[tilespmem:$0x12400] =	vst v63  }
0x3b9: {  	s9 =	simm.s32 $0xD400  }
0x3ba: {  	[tilespmem:s9], [sflag:$0x3] =	stream.indirect_vreg.gather [hbm4b:s0+s3], $0x80, v27, vm0, $0xb8;
	[tilespmem:$0x12400] =	vst v63  }
0x3bb: {  	s12 =	simm.s32 $0xDC00  }
0x3bc: {  	[tilespmem:s12], [sflag:$0x3] =	stream.indirect_vreg.gather [hbm4b:s18+s3], $0x80, v27, vm0, $0xb8;
	[tilespmem:$0x12400] =	vst v63  }
0x3bd: {  	s6 =	sor.u32 $0x3, s6;
	_ =	swait.ge [sflag:s31], $0x4000  }
0x3be: {  	s16 =	sshll.u32 s6, $0x4;
	[sflag:s31] =	ssyncset.done $0x0  }
0x3bf: {  	s7 =	sand.u32 $0x3FFFFFF0, s16;
	[sflag:s31] =	ssyncadd.s32 $0xFFFFC000  }
0x3c0: {  	v27 =	vld [tilespmem:s7+$0x2000];
	_ =	sdelay $0x4  }
0x3c1: {  	(v2sf) =	vpush v27, $0x0;
	_ =	sdelay $0xe  }
0x3c2: {  	s17 =	spop (v2sf)  }
0x3c3: {  	p0 =	slt.s32 s17, $0x1  }
.Ltmp20:
0x3c4: {  	_ = 	snop;
	(pc) =	sbr.rel @p0 .LBB2_40-.Ltmp20, $1  }
0x3c5: {  	_ =	sdelay $0x3  }
0x3c6: {  	s8 =	sshll.u32 s6, $0x5  }
0x3c7: {  	v27 =	vld [tilespmem:s8+$0x1800];
	_ =	sdelay $0x4  }
0x3c8: {  	vm1 =	vgt.s32 v27, $0x0  }
0x3c9: {  	v27 =	vmpcnt.ones.xlane vm1;
	_ =	sdelay $0x1  }
0x3ca: {  	(v2sf) =	vpush v27, $0x0;
	_ =	sdelay $0xe  }
0x3cb: {  	s7 =	spop (v2sf)  }
0x3cc: {  	p0 =	slt.s32 s7, $0x1  }
.Ltmp21:
0x3cd: {  	_ = 	snop;
	(pc) =	sbr.rel @p0 .LBB2_36-.Ltmp21, $2  }
0x3ce: {  	_ =	sdelay $0x2  }
0x3cf: {  	s7 =	simm.s32 $0x0  }
0x3d0: {  	v40 =	vcombine.low v24, v25  }
0x3d1: {  	v31 =	vcombine.low v6, v7;
	v27 =	vcombine.low v20, v21  }
0x3d2: {  	v33 =	vcombine.low v13, v14;
	v36 =	vor.u32 s7, v17;
	v28 =	vcombine.low v15, v16  }
0x3d3: {  	v29 =	vor.u32 s7, v11;
	v34 =	vcombine.low v25, v24;
	v35 =	vcombine.low v21, v20  }
0x3d4: {  	v37 =	vcombine.low v23, v22;
	v30 =	vmov s7;
	v39 =	vor.u32 s7, v19  }
0x3d5: {  	v41 =	vor.u32 s7, v12;
	v38 =	vand.u32 $0x7F, v29;
	v29 =	vshll.u32 v30, $0x3  }
0x3d6: {  	v42 =	vor.u32 s7, v1;
	v55 =	vor.u32 s7, v18;
	v29 =	vand.u32 $0xC00, v29  }
0x3d7: {  	v48 =	vcombine.low v4, v5;
	v42 =	vand.u32 $0x7F, v42;
	v43 =	vor.u32 v9, v29  }
0x3d8: {  	v44 =	vand.u32 $0x7F, v36;
	v54 =	vand.u32 $0x7F, v41;
	v42 =	vor.u32 v42, v43  }
0x3d9: {  	v39 =	vand.u32 $0x7F, v39;
	v41 =	vand.u32 $0x7F, v55;
	v38 =	vor.u32 v38, v43  }
0x3da: {  	v30 =	vand.u32 $0xF, v37;
	v32 =	vand.u32 $0xF, v35;
	v46 =	vor.u32 v54, v43  }
0x3db: {  	v36 =	vand.u32 $0xF, v34;
	v56 =	vor.u32 s7, v32;
	v41 =	vor.u32 v41, v43  }
0x3dc: {  	v57 =	vor.u32 s7, v30;
	v45 =	vor.u32 v39, v43;
	v47 =	vand.u32 $0x7F, v56  }
0x3dd: {  	v59 =	vor.u32 s7, v36;
	v39 =	vand.u32 $0x7F, v57;
	v58 =	vor.u32 v47, v43;
	[tilespmem:v42+s19+$0x0] =	vst.idx.msk vm1, v10  }
0x3de: {  	v60 =	vand.u32 $0x7F, v59;
	v49 =	vor.u32 v39, v43;
	v39 =	vand.u32 $0xF, v48;
	[tilespmem:v38+s19+$0x0] =	vst.idx.msk vm1, v10  }
0x3df: {  	v27 =	vand.u32 $0xF, v27;
	v47 =	vor.u32 v60, v43;
	v48 =	vor.u32 s7, v39;
	[tilespmem:v46+s19+$0x0] =	vst.idx.msk vm1, v10  }
0x3e0: {  	v28 =	vand.u32 $0xF, v28;
	v44 =	vor.u32 v44, v43;
	v61 =	vand.u32 $0x7F, v48;
	[tilespmem:v41+s19+$0x0] =	vst.idx.msk vm1, v10  }
0x3e1: {  	v29 =	vand.u32 $0xF, v33;
	v63 =	vor.u32 v61, v43;
	v38 =	vand.u32 $0xF, v31;
	[tilespmem:v45+s19+$0x0] =	vst.idx.msk vm1, v10  }
0x3e2: {  	v53 =	vor.u32 s7, v29;
	v56 =	vor.u32 s7, v28;
	v62 =	vor.u32 s7, v38;
	[tilespmem:v58+s19+$0x0] =	vst.idx.msk vm1, v10  }
0x3e3: {  	v59 =	vcombine.low v22, v23;
	v55 =	vand.u32 $0x7F, v53;
	v52 =	vand.u32 $0x7F, v62;
	[tilespmem:v49+s19+$0x0] =	vst.idx.msk vm1, v10  }
0x3e4: {  	v57 =	vand.u32 $0x7F, v56;
	v42 =	vand.u32 $0xF, v40;
	v54 =	vor.u32 v52, v43;
	[tilespmem:v47+s19+$0x0] =	vst.idx.msk vm1, v10  }
0x3e5: {  	v40 =	vand.u32 $0xF, v59;
	v46 =	vor.u32 v55, v43;
	v58 =	vor.u32 s7, v27;
	[tilespmem:v44+s19+$0x0] =	vst.idx.msk vm1, v10  }
0x3e6: {  	v50 =	vor.u32 v57, v43;
	v60 =	vand.u32 $0x7F, v58;
	[tilespmem:v63+s19+$0x0] =	vst.idx.msk vm1, v10;
	v63 =	vor.u32 s7, v40  }
0x3e7: {  	v62 =	vor.u32 s7, v42;
	v61 =	vor.u32 v60, v43;
	v44 =	vand.u32 $0x7F, v63  }
0x3e8: {  	v41 =	vand.u32 $0x7F, v62;
	v45 =	vor.u32 v44, v43  }
0x3e9: {  	[tilespmem:v54+s19+$0x0] =	vst.idx.msk vm1, v10;
	v44 =	vor.u32 v41, v43  }
0x3ea: {  	[tilespmem:v46+s19+$0x0] =	vst.idx.msk vm1, v10  }
0x3eb: {  	s9 =	simm.s32 $0x10;
	[tilespmem:v50+s19+$0x0] =	vst.idx.msk vm1, v10  }
0x3ec: {  	s16 =	simm.s32 $0x20;
	v41 =	vor.u32 s9, v42;
	v43 =	vor.u32 s9, v17;
	v46 =	vor.u32 s9, v11;
	[tilespmem:v61+s19+$0x0] =	vst.idx.msk vm1, v10  }
.LBB2_34:
0x3ed: {  	p0 =	sne.s32 s16, $0x1F0;
	v47 =	vmov s9;
	v46 =	vand.u32 $0x7F, v46;
	v48 =	vor.u32 s9, v19;
	[tilespmem:v45+s19+$0x0] =	vst.idx.msk vm1, v10;
	s12 =	smov.u32 s16;
	s16 =	sadd.s32 $0x10, s16  }
0x3ee: {  	v49 =	vand.u32 $0xF, v37;
	v45 =	vshll.u32 v47, $0x3;
	v47 =	vor.u32 s9, v12;
	[tilespmem:v44+s19+$0x0] =	vst.idx.msk vm1, v10  }
0x3ef: {  	v50 =	vand.u32 $0xF, v35;
	v44 =	vor.u32 s9, v1;
	v45 =	vand.u32 $0xC00, v45  }
0x3f0: {  	v44 =	vand.u32 $0x7F, v44;
	v51 =	vor.u32 v9, v45;
	v45 =	vand.u32 $0xF, v33  }
0x3f1: {  	v43 =	vand.u32 $0x7F, v43;
	v44 =	vor.u32 v44, v51;
	v46 =	vor.u32 v46, v51  }
0x3f2: {  	v52 =	vor.u32 s9, v18;
	v48 =	vand.u32 $0x7F, v48;
	v47 =	vand.u32 $0x7F, v47  }
0x3f3: {  	v52 =	vand.u32 $0x7F, v52;
	v50 =	vor.u32 s9, v50;
	v48 =	vor.u32 v48, v51  }
0x3f4: {  	v49 =	vor.u32 s9, v49;
	v47 =	vor.u32 v47, v51;
	v52 =	vor.u32 v52, v51  }
0x3f5: {  	v53 =	vand.u32 $0xF, v34;
	v50 =	vand.u32 $0x7F, v50  }
0x3f6: {  	v49 =	vand.u32 $0x7F, v49;
	[tilespmem:v44+s19+$0x0] =	vst.idx.msk vm1, v10;
	v44 =	vor.u32 v50, v51;
	v50 =	vor.u32 s9, v53  }
0x3f7: {  	[tilespmem:v46+s19+$0x0] =	vst.idx.msk vm1, v10;
	v46 =	vor.u32 v49, v51;
	v49 =	vand.u32 $0x7F, v50  }
0x3f8: {  	v53 =	vand.u32 $0xF, v31;
	v50 =	vor.u32 s9, v39;
	v49 =	vor.u32 v49, v51  }
0x3f9: {  	v43 =	vor.u32 v43, v51;
	[tilespmem:v47+s19+$0x0] =	vst.idx.msk vm1, v10;
	v47 =	vand.u32 $0x7F, v50;
	v50 =	vor.u32 s9, v53  }
0x3fa: {  	v45 =	vor.u32 s9, v45;
	[tilespmem:v52+s19+$0x0] =	vst.idx.msk vm1, v10;
	v47 =	vor.u32 v47, v51;
	v50 =	vand.u32 $0x7F, v50  }
0x3fb: {  	v45 =	vand.u32 $0x7F, v45;
	[tilespmem:v48+s19+$0x0] =	vst.idx.msk vm1, v10;
	v48 =	vor.u32 v50, v51;
	v50 =	vor.u32 s9, v28  }
0x3fc: {  	v52 =	vor.u32 v45, v51;
	v45 =	vor.u32 s9, v27;
	[tilespmem:v44+s19+$0x0] =	vst.idx.msk vm1, v10;
	v44 =	vand.u32 $0x7F, v50  }
0x3fd: {  	[tilespmem:v46+s19+$0x0] =	vst.idx.msk vm1, v10;
	v50 =	vor.u32 v44, v51;
	v44 =	vand.u32 $0x7F, v45;
	v45 =	vor.u32 s9, v40;
	s9 =	smov.u32 s12  }
0x3fe: {  	[tilespmem:v49+s19+$0x0] =	vst.idx.msk vm1, v10;
	v49 =	vor.u32 v44, v51;
	v44 =	vand.u32 $0x7F, v45  }
0x3ff: {  	v41 =	vand.u32 $0x7F, v41;
	[tilespmem:v43+s19+$0x0] =	vst.idx.msk vm1, v10;
	v45 =	vor.u32 v44, v51  }
.Ltmp22:
0x400: {  	v44 =	vor.u32 v41, v51;
	[tilespmem:v47+s19+$0x0] =	vst.idx.msk vm1, v10;
	(pc) =	sbr.rel @p0 .LBB2_34-.Ltmp22, $4  }
0x401: {  	v41 =	vor.u32 s9, v42;
	[tilespmem:v48+s19+$0x0] =	vst.idx.msk vm1, v10  }
0x402: {  	v43 =	vor.u32 s9, v17;
	[tilespmem:v52+s19+$0x0] =	vst.idx.msk vm1, v10  }
0x403: {  	v46 =	vor.u32 s9, v11;
	[tilespmem:v50+s19+$0x0] =	vst.idx.msk vm1, v10  }
0x404: {  	[tilespmem:v49+s19+$0x0] =	vst.idx.msk vm1, v10  }
0x405: {  	v31 =	vmov s9  }
0x406: {  	v31 =	vshll.u32 v31, $0x3  }
0x407: {  	v33 =	vor.u32 s9, v1;
	v31 =	vand.u32 $0xC00, v31  }
0x408: {  	v33 =	vand.u32 $0x7F, v33;
	v31 =	vor.u32 v9, v31  }
0x409: {  	v34 =	vand.u32 $0x7F, v46;
	v35 =	vor.u32 s9, v12;
	v33 =	vor.u32 v33, v31  }
0x40a: {  	v37 =	vor.u32 s9, v18;
	v35 =	vand.u32 $0x7F, v35;
	v34 =	vor.u32 v34, v31  }
0x40b: {  	v42 =	vor.u32 s9, v19;
	v37 =	vand.u32 $0x7F, v37;
	v35 =	vor.u32 v35, v31  }
0x40c: {  	[tilespmem:v45+s19+$0x0] =	vst.idx.msk vm1, v10;
	v32 =	vor.u32 s9, v32;
	v42 =	vand.u32 $0x7F, v42;
	v37 =	vor.u32 v37, v31  }
0x40d: {  	v30 =	vor.u32 s9, v30;
	[tilespmem:v44+s19+$0x0] =	vst.idx.msk vm1, v10;
	v32 =	vand.u32 $0x7F, v32;
	v42 =	vor.u32 v42, v31  }
0x40e: {  	v57 =	vor.u32 s9, v36;
	v30 =	vand.u32 $0x7F, v30;
	v32 =	vor.u32 v32, v31;
	[tilespmem:v33+s19+$0x0] =	vst.idx.msk vm1, v10  }
0x40f: {  	v30 =	vor.u32 v30, v31;
	v33 =	vand.u32 $0x7F, v57;
	[tilespmem:v34+s19+$0x0] =	vst.idx.msk vm1, v10  }
0x410: {  	v58 =	vand.u32 $0x7F, v43;
	v59 =	vor.u32 s9, v39;
	v33 =	vor.u32 v33, v31;
	[tilespmem:v35+s19+$0x0] =	vst.idx.msk vm1, v10  }
0x411: {  	v61 =	vor.u32 s9, v38;
	v60 =	vand.u32 $0x7F, v59;
	v34 =	vor.u32 v58, v31;
	[tilespmem:v37+s19+$0x0] =	vst.idx.msk vm1, v10  }
0x412: {  	v29 =	vor.u32 s9, v29;
	v36 =	vand.u32 $0x7F, v61;
	v35 =	vor.u32 v60, v31;
	[tilespmem:v42+s19+$0x0] =	vst.idx.msk vm1, v10  }
0x413: {  	v28 =	vor.u32 s9, v28;
	v29 =	vand.u32 $0x7F, v29;
	v36 =	vor.u32 v36, v31;
	[tilespmem:v32+s19+$0x0] =	vst.idx.msk vm1, v10  }
0x414: {  	v27 =	vor.u32 s9, v27;
	v28 =	vand.u32 $0x7F, v28;
	v29 =	vor.u32 v29, v31;
	[tilespmem:v30+s19+$0x0] =	vst.idx.msk vm1, v10  }
0x415: {  	v62 =	vor.u32 s9, v40;
	v27 =	vand.u32 $0x7F, v27;
	v28 =	vor.u32 v28, v31;
	[tilespmem:v33+s19+$0x0] =	vst.idx.msk vm1, v10  }
0x416: {  	v27 =	vor.u32 v27, v31;
	v30 =	vand.u32 $0x7F, v62;
	[tilespmem:v34+s19+$0x0] =	vst.idx.msk vm1, v10  }
0x417: {  	v63 =	vand.u32 $0x7F, v41;
	v30 =	vor.u32 v30, v31;
	[tilespmem:v35+s19+$0x0] =	vst.idx.msk vm1, v10  }
0x418: {  	v31 =	vor.u32 v63, v31;
	[tilespmem:v36+s19+$0x0] =	vst.idx.msk vm1, v10  }
0x419: {  	[tilespmem:v29+s19+$0x0] =	vst.idx.msk vm1, v10  }
0x41a: {  	[tilespmem:v28+s19+$0x0] =	vst.idx.msk vm1, v10  }
0x41b: {  	[tilespmem:v27+s19+$0x0] =	vst.idx.msk vm1, v10  }
0x41c: {  	[tilespmem:v30+s19+$0x0] =	vst.idx.msk vm1, v10  }
0x41d: {  	[tilespmem:v31+s19+$0x0] =	vst.idx.msk vm1, v10  }
.LBB2_36:
0x41e: {  	s8 =	sor.u32 $0x70, s8  }
0x41f: {  	v27 =	vld [tilespmem:s8+$0x1800];
	_ =	sdelay $0x4  }
0x420: {  	vm1 =	vgt.s32 v27, $0x0  }
0x421: {  	v27 =	vmpcnt.ones.xlane vm1;
	_ =	sdelay $0x1  }
0x422: {  	(v2sf) =	vpush v27, $0x0;
	_ =	sdelay $0xe  }
0x423: {  	s17 =	spop (v2sf)  }
0x424: {  	p0 =	slt.s32 s17, $0x1  }
.Ltmp23:
0x425: {  	_ = 	snop;
	(pc) =	sbr.rel @p0 .LBB2_40-.Ltmp23, $1  }
0x426: {  	_ =	sdelay $0x3  }
0x427: {  	v40 =	vcombine.low v24, v25  }
0x428: {  	v31 =	vcombine.low v6, v7;
	v27 =	vcombine.low v20, v21  }
0x429: {  	v33 =	vcombine.low v13, v14;
	v36 =	vor.u32 s7, v17;
	v28 =	vcombine.low v15, v16  }
0x42a: {  	v29 =	vor.u32 s7, v11;
	v34 =	vcombine.low v25, v24;
	v35 =	vcombine.low v21, v20  }
0x42b: {  	v37 =	vcombine.low v23, v22;
	v30 =	vmov s7;
	v39 =	vor.u32 s7, v19  }
0x42c: {  	v41 =	vor.u32 s7, v12;
	v38 =	vand.u32 $0x7F, v29;
	v29 =	vshll.u32 v30, $0x3  }
0x42d: {  	v42 =	vor.u32 s7, v1;
	v55 =	vor.u32 s7, v18;
	v29 =	vand.u32 $0xC00, v29  }
0x42e: {  	v48 =	vcombine.low v4, v5;
	v42 =	vand.u32 $0x7F, v42;
	v43 =	vor.u32 v26, v29  }
0x42f: {  	v44 =	vand.u32 $0x7F, v36;
	v54 =	vand.u32 $0x7F, v41;
	v42 =	vor.u32 v42, v43  }
0x430: {  	v39 =	vand.u32 $0x7F, v39;
	v41 =	vand.u32 $0x7F, v55;
	v38 =	vor.u32 v38, v43  }
0x431: {  	v30 =	vand.u32 $0xF, v37;
	v32 =	vand.u32 $0xF, v35;
	v46 =	vor.u32 v54, v43  }
0x432: {  	v36 =	vand.u32 $0xF, v34;
	v56 =	vor.u32 s7, v32;
	v41 =	vor.u32 v41, v43  }
0x433: {  	v57 =	vor.u32 s7, v30;
	v45 =	vor.u32 v39, v43;
	v47 =	vand.u32 $0x7F, v56  }
0x434: {  	v59 =	vor.u32 s7, v36;
	v39 =	vand.u32 $0x7F, v57;
	v58 =	vor.u32 v47, v43;
	[tilespmem:v42+s19+$0x0] =	vst.idx.msk vm1, v10  }
0x435: {  	v60 =	vand.u32 $0x7F, v59;
	v49 =	vor.u32 v39, v43;
	v39 =	vand.u32 $0xF, v48;
	[tilespmem:v38+s19+$0x0] =	vst.idx.msk vm1, v10  }
0x436: {  	v27 =	vand.u32 $0xF, v27;
	v47 =	vor.u32 v60, v43;
	v48 =	vor.u32 s7, v39;
	[tilespmem:v46+s19+$0x0] =	vst.idx.msk vm1, v10  }
0x437: {  	v28 =	vand.u32 $0xF, v28;
	v44 =	vor.u32 v44, v43;
	v61 =	vand.u32 $0x7F, v48;
	[tilespmem:v41+s19+$0x0] =	vst.idx.msk vm1, v10  }
0x438: {  	v29 =	vand.u32 $0xF, v33;
	v63 =	vor.u32 v61, v43;
	v38 =	vand.u32 $0xF, v31;
	[tilespmem:v45+s19+$0x0] =	vst.idx.msk vm1, v10  }
0x439: {  	v53 =	vor.u32 s7, v29;
	v56 =	vor.u32 s7, v28;
	v62 =	vor.u32 s7, v38;
	[tilespmem:v58+s19+$0x0] =	vst.idx.msk vm1, v10  }
0x43a: {  	v59 =	vcombine.low v22, v23;
	v55 =	vand.u32 $0x7F, v53;
	v52 =	vand.u32 $0x7F, v62;
	[tilespmem:v49+s19+$0x0] =	vst.idx.msk vm1, v10  }
0x43b: {  	v57 =	vand.u32 $0x7F, v56;
	v42 =	vand.u32 $0xF, v40;
	v54 =	vor.u32 v52, v43;
	[tilespmem:v47+s19+$0x0] =	vst.idx.msk vm1, v10  }
0x43c: {  	v40 =	vand.u32 $0xF, v59;
	v46 =	vor.u32 v55, v43;
	v58 =	vor.u32 s7, v27;
	[tilespmem:v44+s19+$0x0] =	vst.idx.msk vm1, v10  }
0x43d: {  	v50 =	vor.u32 v57, v43;
	v60 =	vand.u32 $0x7F, v58;
	[tilespmem:v63+s19+$0x0] =	vst.idx.msk vm1, v10;
	v63 =	vor.u32 s7, v40  }
0x43e: {  	v62 =	vor.u32 s7, v42;
	v61 =	vor.u32 v60, v43;
	v44 =	vand.u32 $0x7F, v63  }
0x43f: {  	v41 =	vand.u32 $0x7F, v62;
	v45 =	vor.u32 v44, v43  }
0x440: {  	[tilespmem:v54+s19+$0x0] =	vst.idx.msk vm1, v10;
	v44 =	vor.u32 v41, v43  }
0x441: {  	[tilespmem:v46+s19+$0x0] =	vst.idx.msk vm1, v10  }
0x442: {  	s7 =	simm.s32 $0x10;
	[tilespmem:v50+s19+$0x0] =	vst.idx.msk vm1, v10  }
0x443: {  	s8 =	simm.s32 $0x20;
	v41 =	vor.u32 s7, v42;
	v43 =	vor.u32 s7, v17;
	v46 =	vor.u32 s7, v11;
	[tilespmem:v61+s19+$0x0] =	vst.idx.msk vm1, v10  }
.LBB2_38:
0x444: {  	p0 =	sne.s32 s8, $0x1F0;
	v47 =	vmov s7;
	v46 =	vand.u32 $0x7F, v46;
	v48 =	vor.u32 s7, v19;
	[tilespmem:v45+s19+$0x0] =	vst.idx.msk vm1, v10;
	s9 =	smov.u32 s8;
	s8 =	sadd.s32 $0x10, s8  }
0x445: {  	v49 =	vand.u32 $0xF, v37;
	v45 =	vshll.u32 v47, $0x3;
	v47 =	vor.u32 s7, v12;
	[tilespmem:v44+s19+$0x0] =	vst.idx.msk vm1, v10  }
0x446: {  	v50 =	vand.u32 $0xF, v35;
	v44 =	vor.u32 s7, v1;
	v45 =	vand.u32 $0xC00, v45  }
0x447: {  	v44 =	vand.u32 $0x7F, v44;
	v51 =	vor.u32 v26, v45;
	v45 =	vand.u32 $0xF, v33  }
0x448: {  	v43 =	vand.u32 $0x7F, v43;
	v44 =	vor.u32 v44, v51;
	v46 =	vor.u32 v46, v51  }
0x449: {  	v52 =	vor.u32 s7, v18;
	v48 =	vand.u32 $0x7F, v48;
	v47 =	vand.u32 $0x7F, v47  }
0x44a: {  	v52 =	vand.u32 $0x7F, v52;
	v50 =	vor.u32 s7, v50;
	v48 =	vor.u32 v48, v51  }
0x44b: {  	v49 =	vor.u32 s7, v49;
	v47 =	vor.u32 v47, v51;
	v52 =	vor.u32 v52, v51  }
0x44c: {  	v53 =	vand.u32 $0xF, v34;
	v50 =	vand.u32 $0x7F, v50  }
0x44d: {  	v49 =	vand.u32 $0x7F, v49;
	[tilespmem:v44+s19+$0x0] =	vst.idx.msk vm1, v10;
	v44 =	vor.u32 v50, v51;
	v50 =	vor.u32 s7, v53  }
0x44e: {  	[tilespmem:v46+s19+$0x0] =	vst.idx.msk vm1, v10;
	v46 =	vor.u32 v49, v51;
	v49 =	vand.u32 $0x7F, v50  }
0x44f: {  	v53 =	vand.u32 $0xF, v31;
	v50 =	vor.u32 s7, v39;
	v49 =	vor.u32 v49, v51  }
0x450: {  	v43 =	vor.u32 v43, v51;
	[tilespmem:v47+s19+$0x0] =	vst.idx.msk vm1, v10;
	v47 =	vand.u32 $0x7F, v50;
	v50 =	vor.u32 s7, v53  }
0x451: {  	v45 =	vor.u32 s7, v45;
	[tilespmem:v52+s19+$0x0] =	vst.idx.msk vm1, v10;
	v47 =	vor.u32 v47, v51;
	v50 =	vand.u32 $0x7F, v50  }
0x452: {  	v45 =	vand.u32 $0x7F, v45;
	[tilespmem:v48+s19+$0x0] =	vst.idx.msk vm1, v10;
	v48 =	vor.u32 v50, v51;
	v50 =	vor.u32 s7, v28  }
0x453: {  	v52 =	vor.u32 v45, v51;
	v45 =	vor.u32 s7, v27;
	[tilespmem:v44+s19+$0x0] =	vst.idx.msk vm1, v10;
	v44 =	vand.u32 $0x7F, v50  }
0x454: {  	[tilespmem:v46+s19+$0x0] =	vst.idx.msk vm1, v10;
	v50 =	vor.u32 v44, v51;
	v44 =	vand.u32 $0x7F, v45;
	v45 =	vor.u32 s7, v40;
	s7 =	smov.u32 s9  }
0x455: {  	[tilespmem:v49+s19+$0x0] =	vst.idx.msk vm1, v10;
	v49 =	vor.u32 v44, v51;
	v44 =	vand.u32 $0x7F, v45  }
0x456: {  	v41 =	vand.u32 $0x7F, v41;
	[tilespmem:v43+s19+$0x0] =	vst.idx.msk vm1, v10;
	v45 =	vor.u32 v44, v51  }
.Ltmp24:
0x457: {  	v44 =	vor.u32 v41, v51;
	[tilespmem:v47+s19+$0x0] =	vst.idx.msk vm1, v10;
	(pc) =	sbr.rel @p0 .LBB2_38-.Ltmp24, $4  }
0x458: {  	v41 =	vor.u32 s7, v42;
	[tilespmem:v48+s19+$0x0] =	vst.idx.msk vm1, v10  }
0x459: {  	v43 =	vor.u32 s7, v17;
	[tilespmem:v52+s19+$0x0] =	vst.idx.msk vm1, v10  }
0x45a: {  	v46 =	vor.u32 s7, v11;
	[tilespmem:v50+s19+$0x0] =	vst.idx.msk vm1, v10  }
0x45b: {  	[tilespmem:v49+s19+$0x0] =	vst.idx.msk vm1, v10  }
0x45c: {  	v31 =	vmov s7  }
0x45d: {  	v31 =	vshll.u32 v31, $0x3  }
0x45e: {  	v33 =	vor.u32 s7, v1;
	v31 =	vand.u32 $0xC00, v31  }
0x45f: {  	v33 =	vand.u32 $0x7F, v33;
	v31 =	vor.u32 v26, v31  }
0x460: {  	v34 =	vand.u32 $0x7F, v46;
	v35 =	vor.u32 s7, v12;
	v33 =	vor.u32 v33, v31  }
0x461: {  	v37 =	vor.u32 s7, v18;
	v35 =	vand.u32 $0x7F, v35;
	v34 =	vor.u32 v34, v31  }
0x462: {  	v42 =	vor.u32 s7, v19;
	v37 =	vand.u32 $0x7F, v37;
	v35 =	vor.u32 v35, v31  }
0x463: {  	[tilespmem:v45+s19+$0x0] =	vst.idx.msk vm1, v10;
	v32 =	vor.u32 s7, v32;
	v42 =	vand.u32 $0x7F, v42;
	v37 =	vor.u32 v37, v31  }
0x464: {  	v30 =	vor.u32 s7, v30;
	[tilespmem:v44+s19+$0x0] =	vst.idx.msk vm1, v10;
	v32 =	vand.u32 $0x7F, v32;
	v42 =	vor.u32 v42, v31  }
0x465: {  	v57 =	vor.u32 s7, v36;
	v30 =	vand.u32 $0x7F, v30;
	v32 =	vor.u32 v32, v31;
	[tilespmem:v33+s19+$0x0] =	vst.idx.msk vm1, v10  }
0x466: {  	v30 =	vor.u32 v30, v31;
	v33 =	vand.u32 $0x7F, v57;
	[tilespmem:v34+s19+$0x0] =	vst.idx.msk vm1, v10  }
0x467: {  	v58 =	vand.u32 $0x7F, v43;
	v59 =	vor.u32 s7, v39;
	v33 =	vor.u32 v33, v31;
	[tilespmem:v35+s19+$0x0] =	vst.idx.msk vm1, v10  }
0x468: {  	v61 =	vor.u32 s7, v38;
	v60 =	vand.u32 $0x7F, v59;
	v34 =	vor.u32 v58, v31;
	[tilespmem:v37+s19+$0x0] =	vst.idx.msk vm1, v10  }
0x469: {  	v29 =	vor.u32 s7, v29;
	v36 =	vand.u32 $0x7F, v61;
	v35 =	vor.u32 v60, v31;
	[tilespmem:v42+s19+$0x0] =	vst.idx.msk vm1, v10  }
0x46a: {  	v28 =	vor.u32 s7, v28;
	v29 =	vand.u32 $0x7F, v29;
	v36 =	vor.u32 v36, v31;
	[tilespmem:v32+s19+$0x0] =	vst.idx.msk vm1, v10  }
0x46b: {  	v27 =	vor.u32 s7, v27;
	v28 =	vand.u32 $0x7F, v28;
	v29 =	vor.u32 v29, v31;
	[tilespmem:v30+s19+$0x0] =	vst.idx.msk vm1, v10  }
0x46c: {  	v62 =	vor.u32 s7, v40;
	v27 =	vand.u32 $0x7F, v27;
	v28 =	vor.u32 v28, v31;
	[tilespmem:v33+s19+$0x0] =	vst.idx.msk vm1, v10  }
0x46d: {  	v27 =	vor.u32 v27, v31;
	v30 =	vand.u32 $0x7F, v62;
	[tilespmem:v34+s19+$0x0] =	vst.idx.msk vm1, v10  }
0x46e: {  	v63 =	vand.u32 $0x7F, v41;
	v30 =	vor.u32 v30, v31;
	[tilespmem:v35+s19+$0x0] =	vst.idx.msk vm1, v10  }
0x46f: {  	v31 =	vor.u32 v63, v31;
	[tilespmem:v36+s19+$0x0] =	vst.idx.msk vm1, v10  }
.Ltmp25:
0x470: {  	[tilespmem:v29+s19+$0x0] =	vst.idx.msk vm1, v10;
	(pc) =	sbr.rel .LBB2_40-.Ltmp25, $4  }
0x471: {  	[tilespmem:v28+s19+$0x0] =	vst.idx.msk vm1, v10  }
0x472: {  	[tilespmem:v27+s19+$0x0] =	vst.idx.msk vm1, v10  }
0x473: {  	[tilespmem:v30+s19+$0x0] =	vst.idx.msk vm1, v10  }
0x474: {  	[tilespmem:v31+s19+$0x0] =	vst.idx.msk vm1, v10  }
.LBB2_41:
0x475: {  	_ =	swait.ge [sflag:s22], $0x4000  }
0x476: {  	[sflag:s22] =	ssyncset.done $0x0  }
0x477: {  	[sflag:s22] =	ssyncadd.s32 $0xFFFFC000  }
0x478: {  	v27 =	vld [tilespmem:$0x23C0];
	_ =	sdelay $0x4  }
0x479: {  	(v2sf) =	vpush v27, $0x0;
	_ =	sdelay $0xe  }
0x47a: {  	s2 =	spop (v2sf)  }
0x47b: {  	p0 =	slt.s32 s2, $0x1  }
.Ltmp26:
0x47c: {  	_ = 	snop;
	(pc) =	sbr.rel @p0 .LBB2_50-.Ltmp26, $1  }
0x47d: {  	_ =	sdelay $0x3  }
0x47e: {  	v27 =	vld [tilespmem:$0x1F80];
	_ =	sdelay $0x4  }
0x47f: {  	vm1 =	vgt.s32 v27, $0x0  }
0x480: {  	v27 =	vmpcnt.ones.xlane vm1;
	_ =	sdelay $0x1  }
0x481: {  	(v2sf) =	vpush v27, $0x0;
	_ =	sdelay $0xe  }
0x482: {  	s2 =	spop (v2sf)  }
0x483: {  	p0 =	slt.s32 s2, $0x1  }
.Ltmp27:
0x484: {  	_ = 	snop;
	(pc) =	sbr.rel @p0 .LBB2_46-.Ltmp27, $2  }
0x485: {  	_ =	sdelay $0x2  }
0x486: {  	s2 =	simm.s32 $0x0  }
0x487: {  	v40 =	vcombine.low v24, v25  }
0x488: {  	v31 =	vcombine.low v6, v7;
	v27 =	vcombine.low v20, v21  }
0x489: {  	v33 =	vcombine.low v13, v14;
	v36 =	vor.u32 s2, v17;
	v28 =	vcombine.low v15, v16  }
0x48a: {  	v29 =	vor.u32 s2, v11;
	v34 =	vcombine.low v25, v24;
	v35 =	vcombine.low v21, v20  }
0x48b: {  	v37 =	vcombine.low v23, v22;
	v30 =	vmov s2;
	v39 =	vor.u32 s2, v19  }
0x48c: {  	v41 =	vor.u32 s2, v12;
	v38 =	vand.u32 $0x7F, v29;
	v29 =	vshll.u32 v30, $0x3  }
0x48d: {  	v42 =	vor.u32 s2, v1;
	v55 =	vor.u32 s2, v18;
	v29 =	vand.u32 $0xC00, v29  }
0x48e: {  	v48 =	vcombine.low v4, v5;
	v42 =	vand.u32 $0x7F, v42;
	v43 =	vor.u32 v9, v29  }
0x48f: {  	v44 =	vand.u32 $0x7F, v36;
	v54 =	vand.u32 $0x7F, v41;
	v42 =	vor.u32 v42, v43  }
0x490: {  	v39 =	vand.u32 $0x7F, v39;
	v41 =	vand.u32 $0x7F, v55;
	v38 =	vor.u32 v38, v43  }
0x491: {  	v30 =	vand.u32 $0xF, v37;
	v32 =	vand.u32 $0xF, v35;
	v46 =	vor.u32 v54, v43  }
0x492: {  	v36 =	vand.u32 $0xF, v34;
	v56 =	vor.u32 s2, v32;
	v41 =	vor.u32 v41, v43  }
0x493: {  	v57 =	vor.u32 s2, v30;
	v45 =	vor.u32 v39, v43;
	v47 =	vand.u32 $0x7F, v56  }
0x494: {  	v59 =	vor.u32 s2, v36;
	v39 =	vand.u32 $0x7F, v57;
	v58 =	vor.u32 v47, v43;
	[tilespmem:v42+s11+$0x0] =	vst.idx.msk vm1, v10  }
0x495: {  	v60 =	vand.u32 $0x7F, v59;
	v49 =	vor.u32 v39, v43;
	v39 =	vand.u32 $0xF, v48;
	[tilespmem:v38+s11+$0x0] =	vst.idx.msk vm1, v10  }
0x496: {  	v27 =	vand.u32 $0xF, v27;
	v47 =	vor.u32 v60, v43;
	v48 =	vor.u32 s2, v39;
	[tilespmem:v46+s11+$0x0] =	vst.idx.msk vm1, v10  }
0x497: {  	v28 =	vand.u32 $0xF, v28;
	v44 =	vor.u32 v44, v43;
	v61 =	vand.u32 $0x7F, v48;
	[tilespmem:v41+s11+$0x0] =	vst.idx.msk vm1, v10  }
0x498: {  	v29 =	vand.u32 $0xF, v33;
	v63 =	vor.u32 v61, v43;
	v38 =	vand.u32 $0xF, v31;
	[tilespmem:v45+s11+$0x0] =	vst.idx.msk vm1, v10  }
0x499: {  	v53 =	vor.u32 s2, v29;
	v56 =	vor.u32 s2, v28;
	v62 =	vor.u32 s2, v38;
	[tilespmem:v58+s11+$0x0] =	vst.idx.msk vm1, v10  }
0x49a: {  	v59 =	vcombine.low v22, v23;
	v55 =	vand.u32 $0x7F, v53;
	v52 =	vand.u32 $0x7F, v62;
	[tilespmem:v49+s11+$0x0] =	vst.idx.msk vm1, v10  }
0x49b: {  	v57 =	vand.u32 $0x7F, v56;
	v42 =	vand.u32 $0xF, v40;
	v54 =	vor.u32 v52, v43;
	[tilespmem:v47+s11+$0x0] =	vst.idx.msk vm1, v10  }
0x49c: {  	v40 =	vand.u32 $0xF, v59;
	v46 =	vor.u32 v55, v43;
	v58 =	vor.u32 s2, v27;
	[tilespmem:v44+s11+$0x0] =	vst.idx.msk vm1, v10  }
0x49d: {  	v50 =	vor.u32 v57, v43;
	v60 =	vand.u32 $0x7F, v58;
	[tilespmem:v63+s11+$0x0] =	vst.idx.msk vm1, v10;
	v63 =	vor.u32 s2, v40  }
0x49e: {  	v62 =	vor.u32 s2, v42;
	v61 =	vor.u32 v60, v43;
	v44 =	vand.u32 $0x7F, v63  }
0x49f: {  	v41 =	vand.u32 $0x7F, v62;
	v45 =	vor.u32 v44, v43  }
0x4a0: {  	[tilespmem:v54+s11+$0x0] =	vst.idx.msk vm1, v10;
	v44 =	vor.u32 v41, v43  }
0x4a1: {  	[tilespmem:v46+s11+$0x0] =	vst.idx.msk vm1, v10  }
0x4a2: {  	s5 =	simm.s32 $0x10;
	[tilespmem:v50+s11+$0x0] =	vst.idx.msk vm1, v10  }
0x4a3: {  	s6 =	simm.s32 $0x20;
	v41 =	vor.u32 s5, v42;
	v43 =	vor.u32 s5, v17;
	v46 =	vor.u32 s5, v11;
	[tilespmem:v61+s11+$0x0] =	vst.idx.msk vm1, v10  }
.LBB2_44:
0x4a4: {  	p0 =	sne.s32 s6, $0x1F0;
	v47 =	vmov s5;
	v46 =	vand.u32 $0x7F, v46;
	v48 =	vor.u32 s5, v19;
	[tilespmem:v45+s11+$0x0] =	vst.idx.msk vm1, v10;
	s7 =	smov.u32 s6;
	s6 =	sadd.s32 $0x10, s6  }
0x4a5: {  	v49 =	vand.u32 $0xF, v37;
	v45 =	vshll.u32 v47, $0x3;
	v47 =	vor.u32 s5, v12;
	[tilespmem:v44+s11+$0x0] =	vst.idx.msk vm1, v10  }
0x4a6: {  	v50 =	vand.u32 $0xF, v35;
	v44 =	vor.u32 s5, v1;
	v45 =	vand.u32 $0xC00, v45  }
0x4a7: {  	v44 =	vand.u32 $0x7F, v44;
	v51 =	vor.u32 v9, v45;
	v45 =	vand.u32 $0xF, v33  }
0x4a8: {  	v43 =	vand.u32 $0x7F, v43;
	v44 =	vor.u32 v44, v51;
	v46 =	vor.u32 v46, v51  }
0x4a9: {  	v52 =	vor.u32 s5, v18;
	v48 =	vand.u32 $0x7F, v48;
	v47 =	vand.u32 $0x7F, v47  }
0x4aa: {  	v52 =	vand.u32 $0x7F, v52;
	v50 =	vor.u32 s5, v50;
	v48 =	vor.u32 v48, v51  }
0x4ab: {  	v49 =	vor.u32 s5, v49;
	v47 =	vor.u32 v47, v51;
	v52 =	vor.u32 v52, v51  }
0x4ac: {  	v53 =	vand.u32 $0xF, v34;
	v50 =	vand.u32 $0x7F, v50  }
0x4ad: {  	v49 =	vand.u32 $0x7F, v49;
	[tilespmem:v44+s11+$0x0] =	vst.idx.msk vm1, v10;
	v44 =	vor.u32 v50, v51;
	v50 =	vor.u32 s5, v53  }
0x4ae: {  	[tilespmem:v46+s11+$0x0] =	vst.idx.msk vm1, v10;
	v46 =	vor.u32 v49, v51;
	v49 =	vand.u32 $0x7F, v50  }
0x4af: {  	v53 =	vand.u32 $0xF, v31;
	v50 =	vor.u32 s5, v39;
	v49 =	vor.u32 v49, v51  }
0x4b0: {  	v43 =	vor.u32 v43, v51;
	[tilespmem:v47+s11+$0x0] =	vst.idx.msk vm1, v10;
	v47 =	vand.u32 $0x7F, v50;
	v50 =	vor.u32 s5, v53  }
0x4b1: {  	v45 =	vor.u32 s5, v45;
	[tilespmem:v52+s11+$0x0] =	vst.idx.msk vm1, v10;
	v47 =	vor.u32 v47, v51;
	v50 =	vand.u32 $0x7F, v50  }
0x4b2: {  	v45 =	vand.u32 $0x7F, v45;
	[tilespmem:v48+s11+$0x0] =	vst.idx.msk vm1, v10;
	v48 =	vor.u32 v50, v51;
	v50 =	vor.u32 s5, v28  }
0x4b3: {  	v52 =	vor.u32 v45, v51;
	v45 =	vor.u32 s5, v27;
	[tilespmem:v44+s11+$0x0] =	vst.idx.msk vm1, v10;
	v44 =	vand.u32 $0x7F, v50  }
0x4b4: {  	[tilespmem:v46+s11+$0x0] =	vst.idx.msk vm1, v10;
	v50 =	vor.u32 v44, v51;
	v44 =	vand.u32 $0x7F, v45;
	v45 =	vor.u32 s5, v40;
	s5 =	smov.u32 s7  }
0x4b5: {  	[tilespmem:v49+s11+$0x0] =	vst.idx.msk vm1, v10;
	v49 =	vor.u32 v44, v51;
	v44 =	vand.u32 $0x7F, v45  }
0x4b6: {  	v41 =	vand.u32 $0x7F, v41;
	[tilespmem:v43+s11+$0x0] =	vst.idx.msk vm1, v10;
	v45 =	vor.u32 v44, v51  }
.Ltmp28:
0x4b7: {  	v44 =	vor.u32 v41, v51;
	[tilespmem:v47+s11+$0x0] =	vst.idx.msk vm1, v10;
	(pc) =	sbr.rel @p0 .LBB2_44-.Ltmp28, $4  }
0x4b8: {  	v41 =	vor.u32 s5, v42;
	[tilespmem:v48+s11+$0x0] =	vst.idx.msk vm1, v10  }
0x4b9: {  	v43 =	vor.u32 s5, v17;
	[tilespmem:v52+s11+$0x0] =	vst.idx.msk vm1, v10  }
0x4ba: {  	v46 =	vor.u32 s5, v11;
	[tilespmem:v50+s11+$0x0] =	vst.idx.msk vm1, v10  }
0x4bb: {  	[tilespmem:v49+s11+$0x0] =	vst.idx.msk vm1, v10  }
0x4bc: {  	v31 =	vmov s5  }
0x4bd: {  	v31 =	vshll.u32 v31, $0x3  }
0x4be: {  	v33 =	vor.u32 s5, v1;
	v31 =	vand.u32 $0xC00, v31  }
0x4bf: {  	v33 =	vand.u32 $0x7F, v33;
	v31 =	vor.u32 v9, v31  }
0x4c0: {  	v34 =	vand.u32 $0x7F, v46;
	v35 =	vor.u32 s5, v12;
	v33 =	vor.u32 v33, v31  }
0x4c1: {  	v37 =	vor.u32 s5, v18;
	v35 =	vand.u32 $0x7F, v35;
	v34 =	vor.u32 v34, v31  }
0x4c2: {  	v42 =	vor.u32 s5, v19;
	v37 =	vand.u32 $0x7F, v37;
	v35 =	vor.u32 v35, v31  }
0x4c3: {  	[tilespmem:v45+s11+$0x0] =	vst.idx.msk vm1, v10;
	v32 =	vor.u32 s5, v32;
	v42 =	vand.u32 $0x7F, v42;
	v37 =	vor.u32 v37, v31  }
0x4c4: {  	v30 =	vor.u32 s5, v30;
	[tilespmem:v44+s11+$0x0] =	vst.idx.msk vm1, v10;
	v32 =	vand.u32 $0x7F, v32;
	v42 =	vor.u32 v42, v31  }
0x4c5: {  	v57 =	vor.u32 s5, v36;
	v30 =	vand.u32 $0x7F, v30;
	v32 =	vor.u32 v32, v31;
	[tilespmem:v33+s11+$0x0] =	vst.idx.msk vm1, v10  }
0x4c6: {  	v30 =	vor.u32 v30, v31;
	v33 =	vand.u32 $0x7F, v57;
	[tilespmem:v34+s11+$0x0] =	vst.idx.msk vm1, v10  }
0x4c7: {  	v58 =	vand.u32 $0x7F, v43;
	v59 =	vor.u32 s5, v39;
	v33 =	vor.u32 v33, v31;
	[tilespmem:v35+s11+$0x0] =	vst.idx.msk vm1, v10  }
0x4c8: {  	v61 =	vor.u32 s5, v38;
	v60 =	vand.u32 $0x7F, v59;
	v34 =	vor.u32 v58, v31;
	[tilespmem:v37+s11+$0x0] =	vst.idx.msk vm1, v10  }
0x4c9: {  	v29 =	vor.u32 s5, v29;
	v36 =	vand.u32 $0x7F, v61;
	v35 =	vor.u32 v60, v31;
	[tilespmem:v42+s11+$0x0] =	vst.idx.msk vm1, v10  }
0x4ca: {  	v28 =	vor.u32 s5, v28;
	v29 =	vand.u32 $0x7F, v29;
	v36 =	vor.u32 v36, v31;
	[tilespmem:v32+s11+$0x0] =	vst.idx.msk vm1, v10  }
0x4cb: {  	v27 =	vor.u32 s5, v27;
	v28 =	vand.u32 $0x7F, v28;
	v29 =	vor.u32 v29, v31;
	[tilespmem:v30+s11+$0x0] =	vst.idx.msk vm1, v10  }
0x4cc: {  	v62 =	vor.u32 s5, v40;
	v27 =	vand.u32 $0x7F, v27;
	v28 =	vor.u32 v28, v31;
	[tilespmem:v33+s11+$0x0] =	vst.idx.msk vm1, v10  }
0x4cd: {  	v27 =	vor.u32 v27, v31;
	v30 =	vand.u32 $0x7F, v62;
	[tilespmem:v34+s11+$0x0] =	vst.idx.msk vm1, v10  }
0x4ce: {  	v63 =	vand.u32 $0x7F, v41;
	v30 =	vor.u32 v30, v31;
	[tilespmem:v35+s11+$0x0] =	vst.idx.msk vm1, v10  }
0x4cf: {  	v31 =	vor.u32 v63, v31;
	[tilespmem:v36+s11+$0x0] =	vst.idx.msk vm1, v10  }
0x4d0: {  	[tilespmem:v29+s11+$0x0] =	vst.idx.msk vm1, v10  }
0x4d1: {  	[tilespmem:v28+s11+$0x0] =	vst.idx.msk vm1, v10  }
0x4d2: {  	[tilespmem:v27+s11+$0x0] =	vst.idx.msk vm1, v10  }
0x4d3: {  	[tilespmem:v30+s11+$0x0] =	vst.idx.msk vm1, v10  }
0x4d4: {  	[tilespmem:v31+s11+$0x0] =	vst.idx.msk vm1, v10  }
.LBB2_46:
0x4d5: {  	v27 =	vld [tilespmem:$0x1F90];
	_ =	sdelay $0x4  }
0x4d6: {  	vm1 =	vgt.s32 v27, $0x0  }
0x4d7: {  	v27 =	vmpcnt.ones.xlane vm1;
	_ =	sdelay $0x1  }
0x4d8: {  	(v2sf) =	vpush v27, $0x0;
	_ =	sdelay $0xe  }
0x4d9: {  	s5 =	spop (v2sf)  }
0x4da: {  	p0 =	slt.s32 s5, $0x1  }
.Ltmp29:
0x4db: {  	_ = 	snop;
	(pc) =	sbr.rel @p0 .LBB2_50-.Ltmp29, $1  }
0x4dc: {  	_ =	sdelay $0x3  }
0x4dd: {  	v40 =	vcombine.low v24, v25  }
0x4de: {  	v31 =	vcombine.low v6, v7;
	v27 =	vcombine.low v20, v21  }
0x4df: {  	v33 =	vcombine.low v13, v14;
	v36 =	vor.u32 s2, v17;
	v28 =	vcombine.low v15, v16  }
0x4e0: {  	v29 =	vor.u32 s2, v11;
	v34 =	vcombine.low v25, v24;
	v35 =	vcombine.low v21, v20  }
0x4e1: {  	v37 =	vcombine.low v23, v22;
	v30 =	vmov s2;
	v39 =	vor.u32 s2, v19  }
0x4e2: {  	v41 =	vor.u32 s2, v12;
	v38 =	vand.u32 $0x7F, v29;
	v29 =	vshll.u32 v30, $0x3  }
0x4e3: {  	v42 =	vor.u32 s2, v1;
	v55 =	vor.u32 s2, v18;
	v29 =	vand.u32 $0xC00, v29  }
0x4e4: {  	v48 =	vcombine.low v4, v5;
	v42 =	vand.u32 $0x7F, v42;
	v43 =	vor.u32 v26, v29  }
0x4e5: {  	v44 =	vand.u32 $0x7F, v36;
	v54 =	vand.u32 $0x7F, v41;
	v42 =	vor.u32 v42, v43  }
0x4e6: {  	v39 =	vand.u32 $0x7F, v39;
	v41 =	vand.u32 $0x7F, v55;
	v38 =	vor.u32 v38, v43  }
0x4e7: {  	v30 =	vand.u32 $0xF, v37;
	v32 =	vand.u32 $0xF, v35;
	v46 =	vor.u32 v54, v43  }
0x4e8: {  	v36 =	vand.u32 $0xF, v34;
	v56 =	vor.u32 s2, v32;
	v41 =	vor.u32 v41, v43  }
0x4e9: {  	v57 =	vor.u32 s2, v30;
	v45 =	vor.u32 v39, v43;
	v47 =	vand.u32 $0x7F, v56  }
0x4ea: {  	v59 =	vor.u32 s2, v36;
	v39 =	vand.u32 $0x7F, v57;
	v58 =	vor.u32 v47, v43;
	[tilespmem:v42+s11+$0x0] =	vst.idx.msk vm1, v10  }
0x4eb: {  	v60 =	vand.u32 $0x7F, v59;
	v49 =	vor.u32 v39, v43;
	v39 =	vand.u32 $0xF, v48;
	[tilespmem:v38+s11+$0x0] =	vst.idx.msk vm1, v10  }
0x4ec: {  	v27 =	vand.u32 $0xF, v27;
	v47 =	vor.u32 v60, v43;
	v48 =	vor.u32 s2, v39;
	[tilespmem:v46+s11+$0x0] =	vst.idx.msk vm1, v10  }
0x4ed: {  	v28 =	vand.u32 $0xF, v28;
	v44 =	vor.u32 v44, v43;
	v61 =	vand.u32 $0x7F, v48;
	[tilespmem:v41+s11+$0x0] =	vst.idx.msk vm1, v10  }
0x4ee: {  	v29 =	vand.u32 $0xF, v33;
	v63 =	vor.u32 v61, v43;
	v38 =	vand.u32 $0xF, v31;
	[tilespmem:v45+s11+$0x0] =	vst.idx.msk vm1, v10  }
0x4ef: {  	v53 =	vor.u32 s2, v29;
	v56 =	vor.u32 s2, v28;
	v62 =	vor.u32 s2, v38;
	[tilespmem:v58+s11+$0x0] =	vst.idx.msk vm1, v10  }
0x4f0: {  	v59 =	vcombine.low v22, v23;
	v55 =	vand.u32 $0x7F, v53;
	v52 =	vand.u32 $0x7F, v62;
	[tilespmem:v49+s11+$0x0] =	vst.idx.msk vm1, v10  }
0x4f1: {  	v57 =	vand.u32 $0x7F, v56;
	v42 =	vand.u32 $0xF, v40;
	v54 =	vor.u32 v52, v43;
	[tilespmem:v47+s11+$0x0] =	vst.idx.msk vm1, v10  }
0x4f2: {  	v40 =	vand.u32 $0xF, v59;
	v46 =	vor.u32 v55, v43;
	v58 =	vor.u32 s2, v27;
	[tilespmem:v44+s11+$0x0] =	vst.idx.msk vm1, v10  }
0x4f3: {  	v50 =	vor.u32 v57, v43;
	v60 =	vand.u32 $0x7F, v58;
	[tilespmem:v63+s11+$0x0] =	vst.idx.msk vm1, v10;
	v63 =	vor.u32 s2, v40  }
0x4f4: {  	v62 =	vor.u32 s2, v42;
	v61 =	vor.u32 v60, v43;
	v44 =	vand.u32 $0x7F, v63  }
0x4f5: {  	v41 =	vand.u32 $0x7F, v62;
	v45 =	vor.u32 v44, v43  }
0x4f6: {  	[tilespmem:v54+s11+$0x0] =	vst.idx.msk vm1, v10;
	v44 =	vor.u32 v41, v43  }
0x4f7: {  	[tilespmem:v46+s11+$0x0] =	vst.idx.msk vm1, v10  }
0x4f8: {  	s2 =	simm.s32 $0x10;
	[tilespmem:v50+s11+$0x0] =	vst.idx.msk vm1, v10  }
0x4f9: {  	s5 =	simm.s32 $0x20;
	v41 =	vor.u32 s2, v42;
	v43 =	vor.u32 s2, v17;
	v46 =	vor.u32 s2, v11;
	[tilespmem:v61+s11+$0x0] =	vst.idx.msk vm1, v10  }
.LBB2_48:
0x4fa: {  	p0 =	sne.s32 s5, $0x1F0;
	v47 =	vmov s2;
	v46 =	vand.u32 $0x7F, v46;
	v48 =	vor.u32 s2, v19;
	[tilespmem:v45+s11+$0x0] =	vst.idx.msk vm1, v10;
	s6 =	smov.u32 s5;
	s5 =	sadd.s32 $0x10, s5  }
0x4fb: {  	v49 =	vand.u32 $0xF, v37;
	v45 =	vshll.u32 v47, $0x3;
	v47 =	vor.u32 s2, v12;
	[tilespmem:v44+s11+$0x0] =	vst.idx.msk vm1, v10  }
0x4fc: {  	v50 =	vand.u32 $0xF, v35;
	v44 =	vor.u32 s2, v1;
	v45 =	vand.u32 $0xC00, v45  }
0x4fd: {  	v44 =	vand.u32 $0x7F, v44;
	v51 =	vor.u32 v26, v45;
	v45 =	vand.u32 $0xF, v33  }
0x4fe: {  	v43 =	vand.u32 $0x7F, v43;
	v44 =	vor.u32 v44, v51;
	v46 =	vor.u32 v46, v51  }
0x4ff: {  	v52 =	vor.u32 s2, v18;
	v48 =	vand.u32 $0x7F, v48;
	v47 =	vand.u32 $0x7F, v47  }
0x500: {  	v52 =	vand.u32 $0x7F, v52;
	v50 =	vor.u32 s2, v50;
	v48 =	vor.u32 v48, v51  }
0x501: {  	v49 =	vor.u32 s2, v49;
	v47 =	vor.u32 v47, v51;
	v52 =	vor.u32 v52, v51  }
0x502: {  	v53 =	vand.u32 $0xF, v34;
	v50 =	vand.u32 $0x7F, v50  }
0x503: {  	v49 =	vand.u32 $0x7F, v49;
	[tilespmem:v44+s11+$0x0] =	vst.idx.msk vm1, v10;
	v44 =	vor.u32 v50, v51;
	v50 =	vor.u32 s2, v53  }
0x504: {  	[tilespmem:v46+s11+$0x0] =	vst.idx.msk vm1, v10;
	v46 =	vor.u32 v49, v51;
	v49 =	vand.u32 $0x7F, v50  }
0x505: {  	v53 =	vand.u32 $0xF, v31;
	v50 =	vor.u32 s2, v39;
	v49 =	vor.u32 v49, v51  }
0x506: {  	v43 =	vor.u32 v43, v51;
	[tilespmem:v47+s11+$0x0] =	vst.idx.msk vm1, v10;
	v47 =	vand.u32 $0x7F, v50;
	v50 =	vor.u32 s2, v53  }
0x507: {  	v45 =	vor.u32 s2, v45;
	[tilespmem:v52+s11+$0x0] =	vst.idx.msk vm1, v10;
	v47 =	vor.u32 v47, v51;
	v50 =	vand.u32 $0x7F, v50  }
0x508: {  	v45 =	vand.u32 $0x7F, v45;
	[tilespmem:v48+s11+$0x0] =	vst.idx.msk vm1, v10;
	v48 =	vor.u32 v50, v51;
	v50 =	vor.u32 s2, v28  }
0x509: {  	v52 =	vor.u32 v45, v51;
	v45 =	vor.u32 s2, v27;
	[tilespmem:v44+s11+$0x0] =	vst.idx.msk vm1, v10;
	v44 =	vand.u32 $0x7F, v50  }
0x50a: {  	[tilespmem:v46+s11+$0x0] =	vst.idx.msk vm1, v10;
	v50 =	vor.u32 v44, v51;
	v44 =	vand.u32 $0x7F, v45;
	v45 =	vor.u32 s2, v40;
	s2 =	smov.u32 s6  }
0x50b: {  	[tilespmem:v49+s11+$0x0] =	vst.idx.msk vm1, v10;
	v49 =	vor.u32 v44, v51;
	v44 =	vand.u32 $0x7F, v45  }
0x50c: {  	v41 =	vand.u32 $0x7F, v41;
	[tilespmem:v43+s11+$0x0] =	vst.idx.msk vm1, v10;
	v45 =	vor.u32 v44, v51  }
.Ltmp30:
0x50d: {  	v44 =	vor.u32 v41, v51;
	[tilespmem:v47+s11+$0x0] =	vst.idx.msk vm1, v10;
	(pc) =	sbr.rel @p0 .LBB2_48-.Ltmp30, $4  }
0x50e: {  	v41 =	vor.u32 s2, v42;
	[tilespmem:v48+s11+$0x0] =	vst.idx.msk vm1, v10  }
0x50f: {  	v43 =	vor.u32 s2, v17;
	[tilespmem:v52+s11+$0x0] =	vst.idx.msk vm1, v10  }
0x510: {  	v46 =	vor.u32 s2, v11;
	[tilespmem:v50+s11+$0x0] =	vst.idx.msk vm1, v10  }
0x511: {  	[tilespmem:v49+s11+$0x0] =	vst.idx.msk vm1, v10  }
0x512: {  	v31 =	vmov s2  }
0x513: {  	v31 =	vshll.u32 v31, $0x3  }
0x514: {  	v33 =	vor.u32 s2, v1;
	v31 =	vand.u32 $0xC00, v31  }
0x515: {  	v33 =	vand.u32 $0x7F, v33;
	v31 =	vor.u32 v26, v31  }
0x516: {  	v34 =	vand.u32 $0x7F, v46;
	v35 =	vor.u32 s2, v12;
	v33 =	vor.u32 v33, v31  }
0x517: {  	v37 =	vor.u32 s2, v18;
	v35 =	vand.u32 $0x7F, v35;
	v34 =	vor.u32 v34, v31  }
0x518: {  	v42 =	vor.u32 s2, v19;
	v37 =	vand.u32 $0x7F, v37;
	v35 =	vor.u32 v35, v31  }
0x519: {  	[tilespmem:v45+s11+$0x0] =	vst.idx.msk vm1, v10;
	v32 =	vor.u32 s2, v32;
	v42 =	vand.u32 $0x7F, v42;
	v37 =	vor.u32 v37, v31  }
0x51a: {  	v30 =	vor.u32 s2, v30;
	[tilespmem:v44+s11+$0x0] =	vst.idx.msk vm1, v10;
	v32 =	vand.u32 $0x7F, v32;
	v42 =	vor.u32 v42, v31  }
0x51b: {  	v57 =	vor.u32 s2, v36;
	v30 =	vand.u32 $0x7F, v30;
	v32 =	vor.u32 v32, v31;
	[tilespmem:v33+s11+$0x0] =	vst.idx.msk vm1, v10  }
0x51c: {  	v30 =	vor.u32 v30, v31;
	v33 =	vand.u32 $0x7F, v57;
	[tilespmem:v34+s11+$0x0] =	vst.idx.msk vm1, v10  }
0x51d: {  	v58 =	vand.u32 $0x7F, v43;
	v59 =	vor.u32 s2, v39;
	v33 =	vor.u32 v33, v31;
	[tilespmem:v35+s11+$0x0] =	vst.idx.msk vm1, v10  }
0x51e: {  	v61 =	vor.u32 s2, v38;
	v60 =	vand.u32 $0x7F, v59;
	v34 =	vor.u32 v58, v31;
	[tilespmem:v37+s11+$0x0] =	vst.idx.msk vm1, v10  }
0x51f: {  	v29 =	vor.u32 s2, v29;
	v36 =	vand.u32 $0x7F, v61;
	v35 =	vor.u32 v60, v31;
	[tilespmem:v42+s11+$0x0] =	vst.idx.msk vm1, v10  }
0x520: {  	v28 =	vor.u32 s2, v28;
	v29 =	vand.u32 $0x7F, v29;
	v36 =	vor.u32 v36, v31;
	[tilespmem:v32+s11+$0x0] =	vst.idx.msk vm1, v10  }
0x521: {  	v27 =	vor.u32 s2, v27;
	v28 =	vand.u32 $0x7F, v28;
	v29 =	vor.u32 v29, v31;
	[tilespmem:v30+s11+$0x0] =	vst.idx.msk vm1, v10  }
0x522: {  	v62 =	vor.u32 s2, v40;
	v27 =	vand.u32 $0x7F, v27;
	v28 =	vor.u32 v28, v31;
	[tilespmem:v33+s11+$0x0] =	vst.idx.msk vm1, v10  }
0x523: {  	v27 =	vor.u32 v27, v31;
	v30 =	vand.u32 $0x7F, v62;
	[tilespmem:v34+s11+$0x0] =	vst.idx.msk vm1, v10  }
0x524: {  	v63 =	vand.u32 $0x7F, v41;
	v30 =	vor.u32 v30, v31;
	[tilespmem:v35+s11+$0x0] =	vst.idx.msk vm1, v10  }
0x525: {  	v31 =	vor.u32 v63, v31;
	[tilespmem:v36+s11+$0x0] =	vst.idx.msk vm1, v10  }
0x526: {  	[tilespmem:v29+s11+$0x0] =	vst.idx.msk vm1, v10  }
0x527: {  	[tilespmem:v28+s11+$0x0] =	vst.idx.msk vm1, v10  }
0x528: {  	[tilespmem:v27+s11+$0x0] =	vst.idx.msk vm1, v10  }
0x529: {  	[tilespmem:v30+s11+$0x0] =	vst.idx.msk vm1, v10  }
0x52a: {  	[tilespmem:v31+s11+$0x0] =	vst.idx.msk vm1, v10  }
.LBB2_50:
0x52b: {  	s2 =	rddreg [dreg:$0x7]  }
0x52c: {  	[hbm4b:s2+s3] =	stream.linear.scatter [tilespmem:s11], [sflag:$0x5], $0x4000, $0x38;
	[tilespmem:$0x12400] =	vst v63  }
0x52d: {  	_ =	swait.ge [sflag:s26], $0x4000  }
0x52e: {  	[sflag:s26] =	ssyncset.done $0x0  }
0x52f: {  	[sflag:s26] =	ssyncadd.s32 $0xFFFFC000  }
0x530: {  	_ =	swait.ge [sflag:s25], $0x4000  }
0x531: {  	[sflag:s25] =	ssyncset.done $0x0  }
0x532: {  	[sflag:s25] =	ssyncadd.s32 $0xFFFFC000  }
0x533: {  	v27 =	vld [tilespmem:$0x23D0];
	_ =	sdelay $0x4  }
0x534: {  	(v2sf) =	vpush v27, $0x0;
	_ =	sdelay $0xe  }
0x535: {  	s17 =	spop (v2sf)  }
0x536: {  	p0 =	slt.s32 s17, $0x1  }
.Ltmp31:
0x537: {  	_ = 	snop;
	(pc) =	sbr.rel @p0 .LBB2_59-.Ltmp31, $1  }
0x538: {  	_ =	sdelay $0x3  }
0x539: {  	v27 =	vld [tilespmem:$0x1FA0];
	_ =	sdelay $0x4  }
0x53a: {  	vm1 =	vgt.s32 v27, $0x0  }
0x53b: {  	v27 =	vmpcnt.ones.xlane vm1;
	_ =	sdelay $0x1  }
0x53c: {  	(v2sf) =	vpush v27, $0x0;
	_ =	sdelay $0xe  }
0x53d: {  	s2 =	spop (v2sf)  }
0x53e: {  	p0 =	slt.s32 s2, $0x1  }
.Ltmp32:
0x53f: {  	_ = 	snop;
	(pc) =	sbr.rel @p0 .LBB2_55-.Ltmp32, $2  }
0x540: {  	_ =	sdelay $0x2  }
0x541: {  	s2 =	simm.s32 $0x0  }
0x542: {  	v40 =	vcombine.low v24, v25  }
0x543: {  	v31 =	vcombine.low v6, v7;
	v27 =	vcombine.low v20, v21  }
0x544: {  	v33 =	vcombine.low v13, v14;
	v36 =	vor.u32 s2, v17;
	v28 =	vcombine.low v15, v16  }
0x545: {  	v29 =	vor.u32 s2, v11;
	v34 =	vcombine.low v25, v24;
	v35 =	vcombine.low v21, v20  }
0x546: {  	v37 =	vcombine.low v23, v22;
	v30 =	vmov s2;
	v39 =	vor.u32 s2, v19  }
0x547: {  	v41 =	vor.u32 s2, v12;
	v38 =	vand.u32 $0x7F, v29;
	v29 =	vshll.u32 v30, $0x3  }
0x548: {  	v42 =	vor.u32 s2, v1;
	v55 =	vor.u32 s2, v18;
	v29 =	vand.u32 $0xC00, v29  }
0x549: {  	v48 =	vcombine.low v4, v5;
	v42 =	vand.u32 $0x7F, v42;
	v43 =	vor.u32 v9, v29  }
0x54a: {  	v44 =	vand.u32 $0x7F, v36;
	v54 =	vand.u32 $0x7F, v41;
	v42 =	vor.u32 v42, v43  }
0x54b: {  	v39 =	vand.u32 $0x7F, v39;
	v41 =	vand.u32 $0x7F, v55;
	v38 =	vor.u32 v38, v43  }
0x54c: {  	v30 =	vand.u32 $0xF, v37;
	v32 =	vand.u32 $0xF, v35;
	v46 =	vor.u32 v54, v43  }
0x54d: {  	v36 =	vand.u32 $0xF, v34;
	v56 =	vor.u32 s2, v32;
	v41 =	vor.u32 v41, v43  }
0x54e: {  	v57 =	vor.u32 s2, v30;
	v45 =	vor.u32 v39, v43;
	v47 =	vand.u32 $0x7F, v56  }
0x54f: {  	v59 =	vor.u32 s2, v36;
	v39 =	vand.u32 $0x7F, v57;
	v58 =	vor.u32 v47, v43;
	[tilespmem:v42+s24+$0x0] =	vst.idx.msk vm1, v10  }
0x550: {  	v60 =	vand.u32 $0x7F, v59;
	v49 =	vor.u32 v39, v43;
	v39 =	vand.u32 $0xF, v48;
	[tilespmem:v38+s24+$0x0] =	vst.idx.msk vm1, v10  }
0x551: {  	v27 =	vand.u32 $0xF, v27;
	v47 =	vor.u32 v60, v43;
	v48 =	vor.u32 s2, v39;
	[tilespmem:v46+s24+$0x0] =	vst.idx.msk vm1, v10  }
0x552: {  	v28 =	vand.u32 $0xF, v28;
	v44 =	vor.u32 v44, v43;
	v61 =	vand.u32 $0x7F, v48;
	[tilespmem:v41+s24+$0x0] =	vst.idx.msk vm1, v10  }
0x553: {  	v29 =	vand.u32 $0xF, v33;
	v63 =	vor.u32 v61, v43;
	v38 =	vand.u32 $0xF, v31;
	[tilespmem:v45+s24+$0x0] =	vst.idx.msk vm1, v10  }
0x554: {  	v53 =	vor.u32 s2, v29;
	v56 =	vor.u32 s2, v28;
	v62 =	vor.u32 s2, v38;
	[tilespmem:v58+s24+$0x0] =	vst.idx.msk vm1, v10  }
0x555: {  	v59 =	vcombine.low v22, v23;
	v55 =	vand.u32 $0x7F, v53;
	v52 =	vand.u32 $0x7F, v62;
	[tilespmem:v49+s24+$0x0] =	vst.idx.msk vm1, v10  }
0x556: {  	v57 =	vand.u32 $0x7F, v56;
	v42 =	vand.u32 $0xF, v40;
	v54 =	vor.u32 v52, v43;
	[tilespmem:v47+s24+$0x0] =	vst.idx.msk vm1, v10  }
0x557: {  	v40 =	vand.u32 $0xF, v59;
	v46 =	vor.u32 v55, v43;
	v58 =	vor.u32 s2, v27;
	[tilespmem:v44+s24+$0x0] =	vst.idx.msk vm1, v10  }
0x558: {  	v50 =	vor.u32 v57, v43;
	v60 =	vand.u32 $0x7F, v58;
	[tilespmem:v63+s24+$0x0] =	vst.idx.msk vm1, v10;
	v63 =	vor.u32 s2, v40  }
0x559: {  	v62 =	vor.u32 s2, v42;
	v61 =	vor.u32 v60, v43;
	v44 =	vand.u32 $0x7F, v63  }
0x55a: {  	v41 =	vand.u32 $0x7F, v62;
	v45 =	vor.u32 v44, v43  }
0x55b: {  	[tilespmem:v54+s24+$0x0] =	vst.idx.msk vm1, v10;
	v44 =	vor.u32 v41, v43  }
0x55c: {  	[tilespmem:v46+s24+$0x0] =	vst.idx.msk vm1, v10  }
0x55d: {  	s5 =	simm.s32 $0x10;
	[tilespmem:v50+s24+$0x0] =	vst.idx.msk vm1, v10  }
0x55e: {  	s6 =	simm.s32 $0x20;
	v41 =	vor.u32 s5, v42;
	v43 =	vor.u32 s5, v17;
	v46 =	vor.u32 s5, v11;
	[tilespmem:v61+s24+$0x0] =	vst.idx.msk vm1, v10  }
.LBB2_53:
0x55f: {  	p0 =	sne.s32 s6, $0x1F0;
	v47 =	vmov s5;
	v46 =	vand.u32 $0x7F, v46;
	v48 =	vor.u32 s5, v19;
	[tilespmem:v45+s24+$0x0] =	vst.idx.msk vm1, v10;
	s7 =	smov.u32 s6;
	s6 =	sadd.s32 $0x10, s6  }
0x560: {  	v49 =	vand.u32 $0xF, v37;
	v45 =	vshll.u32 v47, $0x3;
	v47 =	vor.u32 s5, v12;
	[tilespmem:v44+s24+$0x0] =	vst.idx.msk vm1, v10  }
0x561: {  	v50 =	vand.u32 $0xF, v35;
	v44 =	vor.u32 s5, v1;
	v45 =	vand.u32 $0xC00, v45  }
0x562: {  	v44 =	vand.u32 $0x7F, v44;
	v51 =	vor.u32 v9, v45;
	v45 =	vand.u32 $0xF, v33  }
0x563: {  	v43 =	vand.u32 $0x7F, v43;
	v44 =	vor.u32 v44, v51;
	v46 =	vor.u32 v46, v51  }
0x564: {  	v52 =	vor.u32 s5, v18;
	v48 =	vand.u32 $0x7F, v48;
	v47 =	vand.u32 $0x7F, v47  }
0x565: {  	v52 =	vand.u32 $0x7F, v52;
	v50 =	vor.u32 s5, v50;
	v48 =	vor.u32 v48, v51  }
0x566: {  	v49 =	vor.u32 s5, v49;
	v47 =	vor.u32 v47, v51;
	v52 =	vor.u32 v52, v51  }
0x567: {  	v53 =	vand.u32 $0xF, v34;
	v50 =	vand.u32 $0x7F, v50  }
0x568: {  	v49 =	vand.u32 $0x7F, v49;
	[tilespmem:v44+s24+$0x0] =	vst.idx.msk vm1, v10;
	v44 =	vor.u32 v50, v51;
	v50 =	vor.u32 s5, v53  }
0x569: {  	[tilespmem:v46+s24+$0x0] =	vst.idx.msk vm1, v10;
	v46 =	vor.u32 v49, v51;
	v49 =	vand.u32 $0x7F, v50  }
0x56a: {  	v53 =	vand.u32 $0xF, v31;
	v50 =	vor.u32 s5, v39;
	v49 =	vor.u32 v49, v51  }
0x56b: {  	v43 =	vor.u32 v43, v51;
	[tilespmem:v47+s24+$0x0] =	vst.idx.msk vm1, v10;
	v47 =	vand.u32 $0x7F, v50;
	v50 =	vor.u32 s5, v53  }
0x56c: {  	v45 =	vor.u32 s5, v45;
	[tilespmem:v52+s24+$0x0] =	vst.idx.msk vm1, v10;
	v47 =	vor.u32 v47, v51;
	v50 =	vand.u32 $0x7F, v50  }
0x56d: {  	v45 =	vand.u32 $0x7F, v45;
	[tilespmem:v48+s24+$0x0] =	vst.idx.msk vm1, v10;
	v48 =	vor.u32 v50, v51;
	v50 =	vor.u32 s5, v28  }
0x56e: {  	v52 =	vor.u32 v45, v51;
	v45 =	vor.u32 s5, v27;
	[tilespmem:v44+s24+$0x0] =	vst.idx.msk vm1, v10;
	v44 =	vand.u32 $0x7F, v50  }
0x56f: {  	[tilespmem:v46+s24+$0x0] =	vst.idx.msk vm1, v10;
	v50 =	vor.u32 v44, v51;
	v44 =	vand.u32 $0x7F, v45;
	v45 =	vor.u32 s5, v40;
	s5 =	smov.u32 s7  }
0x570: {  	[tilespmem:v49+s24+$0x0] =	vst.idx.msk vm1, v10;
	v49 =	vor.u32 v44, v51;
	v44 =	vand.u32 $0x7F, v45  }
0x571: {  	v41 =	vand.u32 $0x7F, v41;
	[tilespmem:v43+s24+$0x0] =	vst.idx.msk vm1, v10;
	v45 =	vor.u32 v44, v51  }
.Ltmp33:
0x572: {  	v44 =	vor.u32 v41, v51;
	[tilespmem:v47+s24+$0x0] =	vst.idx.msk vm1, v10;
	(pc) =	sbr.rel @p0 .LBB2_53-.Ltmp33, $4  }
0x573: {  	v41 =	vor.u32 s5, v42;
	[tilespmem:v48+s24+$0x0] =	vst.idx.msk vm1, v10  }
0x574: {  	v43 =	vor.u32 s5, v17;
	[tilespmem:v52+s24+$0x0] =	vst.idx.msk vm1, v10  }
0x575: {  	v46 =	vor.u32 s5, v11;
	[tilespmem:v50+s24+$0x0] =	vst.idx.msk vm1, v10  }
0x576: {  	[tilespmem:v49+s24+$0x0] =	vst.idx.msk vm1, v10  }
0x577: {  	v31 =	vmov s5  }
0x578: {  	v31 =	vshll.u32 v31, $0x3  }
0x579: {  	v33 =	vor.u32 s5, v1;
	v31 =	vand.u32 $0xC00, v31  }
0x57a: {  	v33 =	vand.u32 $0x7F, v33;
	v31 =	vor.u32 v9, v31  }
0x57b: {  	v34 =	vand.u32 $0x7F, v46;
	v35 =	vor.u32 s5, v12;
	v33 =	vor.u32 v33, v31  }
0x57c: {  	v37 =	vor.u32 s5, v18;
	v35 =	vand.u32 $0x7F, v35;
	v34 =	vor.u32 v34, v31  }
0x57d: {  	v42 =	vor.u32 s5, v19;
	v37 =	vand.u32 $0x7F, v37;
	v35 =	vor.u32 v35, v31  }
0x57e: {  	[tilespmem:v45+s24+$0x0] =	vst.idx.msk vm1, v10;
	v32 =	vor.u32 s5, v32;
	v42 =	vand.u32 $0x7F, v42;
	v37 =	vor.u32 v37, v31  }
0x57f: {  	v30 =	vor.u32 s5, v30;
	[tilespmem:v44+s24+$0x0] =	vst.idx.msk vm1, v10;
	v32 =	vand.u32 $0x7F, v32;
	v42 =	vor.u32 v42, v31  }
0x580: {  	v57 =	vor.u32 s5, v36;
	v30 =	vand.u32 $0x7F, v30;
	v32 =	vor.u32 v32, v31;
	[tilespmem:v33+s24+$0x0] =	vst.idx.msk vm1, v10  }
0x581: {  	v30 =	vor.u32 v30, v31;
	v33 =	vand.u32 $0x7F, v57;
	[tilespmem:v34+s24+$0x0] =	vst.idx.msk vm1, v10  }
0x582: {  	v58 =	vand.u32 $0x7F, v43;
	v59 =	vor.u32 s5, v39;
	v33 =	vor.u32 v33, v31;
	[tilespmem:v35+s24+$0x0] =	vst.idx.msk vm1, v10  }
0x583: {  	v61 =	vor.u32 s5, v38;
	v60 =	vand.u32 $0x7F, v59;
	v34 =	vor.u32 v58, v31;
	[tilespmem:v37+s24+$0x0] =	vst.idx.msk vm1, v10  }
0x584: {  	v29 =	vor.u32 s5, v29;
	v36 =	vand.u32 $0x7F, v61;
	v35 =	vor.u32 v60, v31;
	[tilespmem:v42+s24+$0x0] =	vst.idx.msk vm1, v10  }
0x585: {  	v28 =	vor.u32 s5, v28;
	v29 =	vand.u32 $0x7F, v29;
	v36 =	vor.u32 v36, v31;
	[tilespmem:v32+s24+$0x0] =	vst.idx.msk vm1, v10  }
0x586: {  	v27 =	vor.u32 s5, v27;
	v28 =	vand.u32 $0x7F, v28;
	v29 =	vor.u32 v29, v31;
	[tilespmem:v30+s24+$0x0] =	vst.idx.msk vm1, v10  }
0x587: {  	v62 =	vor.u32 s5, v40;
	v27 =	vand.u32 $0x7F, v27;
	v28 =	vor.u32 v28, v31;
	[tilespmem:v33+s24+$0x0] =	vst.idx.msk vm1, v10  }
0x588: {  	v27 =	vor.u32 v27, v31;
	v30 =	vand.u32 $0x7F, v62;
	[tilespmem:v34+s24+$0x0] =	vst.idx.msk vm1, v10  }
0x589: {  	v63 =	vand.u32 $0x7F, v41;
	v30 =	vor.u32 v30, v31;
	[tilespmem:v35+s24+$0x0] =	vst.idx.msk vm1, v10  }
0x58a: {  	v31 =	vor.u32 v63, v31;
	[tilespmem:v36+s24+$0x0] =	vst.idx.msk vm1, v10  }
0x58b: {  	[tilespmem:v29+s24+$0x0] =	vst.idx.msk vm1, v10  }
0x58c: {  	[tilespmem:v28+s24+$0x0] =	vst.idx.msk vm1, v10  }
0x58d: {  	[tilespmem:v27+s24+$0x0] =	vst.idx.msk vm1, v10  }
0x58e: {  	[tilespmem:v30+s24+$0x0] =	vst.idx.msk vm1, v10  }
0x58f: {  	[tilespmem:v31+s24+$0x0] =	vst.idx.msk vm1, v10  }
.LBB2_55:
0x590: {  	v27 =	vld [tilespmem:$0x1FB0];
	_ =	sdelay $0x4  }
0x591: {  	vm1 =	vgt.s32 v27, $0x0  }
0x592: {  	v27 =	vmpcnt.ones.xlane vm1;
	_ =	sdelay $0x1  }
0x593: {  	(v2sf) =	vpush v27, $0x0;
	_ =	sdelay $0xe  }
0x594: {  	s5 =	spop (v2sf)  }
0x595: {  	p0 =	slt.s32 s5, $0x1  }
.Ltmp34:
0x596: {  	_ = 	snop;
	(pc) =	sbr.rel @p0 .LBB2_59-.Ltmp34, $1  }
0x597: {  	_ =	sdelay $0x3  }
0x598: {  	v40 =	vcombine.low v24, v25  }
0x599: {  	v31 =	vcombine.low v6, v7;
	v27 =	vcombine.low v20, v21  }
0x59a: {  	v33 =	vcombine.low v13, v14;
	v36 =	vor.u32 s2, v17;
	v28 =	vcombine.low v15, v16  }
0x59b: {  	v29 =	vor.u32 s2, v11;
	v34 =	vcombine.low v25, v24;
	v35 =	vcombine.low v21, v20  }
0x59c: {  	v37 =	vcombine.low v23, v22;
	v30 =	vmov s2;
	v39 =	vor.u32 s2, v19  }
0x59d: {  	v41 =	vor.u32 s2, v12;
	v38 =	vand.u32 $0x7F, v29;
	v29 =	vshll.u32 v30, $0x3  }
0x59e: {  	v42 =	vor.u32 s2, v1;
	v55 =	vor.u32 s2, v18;
	v29 =	vand.u32 $0xC00, v29  }
0x59f: {  	v48 =	vcombine.low v4, v5;
	v42 =	vand.u32 $0x7F, v42;
	v43 =	vor.u32 v26, v29  }
0x5a0: {  	v44 =	vand.u32 $0x7F, v36;
	v54 =	vand.u32 $0x7F, v41;
	v42 =	vor.u32 v42, v43  }
0x5a1: {  	v39 =	vand.u32 $0x7F, v39;
	v41 =	vand.u32 $0x7F, v55;
	v38 =	vor.u32 v38, v43  }
0x5a2: {  	v30 =	vand.u32 $0xF, v37;
	v32 =	vand.u32 $0xF, v35;
	v46 =	vor.u32 v54, v43  }
0x5a3: {  	v36 =	vand.u32 $0xF, v34;
	v56 =	vor.u32 s2, v32;
	v41 =	vor.u32 v41, v43  }
0x5a4: {  	v57 =	vor.u32 s2, v30;
	v45 =	vor.u32 v39, v43;
	v47 =	vand.u32 $0x7F, v56  }
0x5a5: {  	v59 =	vor.u32 s2, v36;
	v39 =	vand.u32 $0x7F, v57;
	v58 =	vor.u32 v47, v43;
	[tilespmem:v42+s24+$0x0] =	vst.idx.msk vm1, v10  }
0x5a6: {  	v60 =	vand.u32 $0x7F, v59;
	v49 =	vor.u32 v39, v43;
	v39 =	vand.u32 $0xF, v48;
	[tilespmem:v38+s24+$0x0] =	vst.idx.msk vm1, v10  }
0x5a7: {  	v27 =	vand.u32 $0xF, v27;
	v47 =	vor.u32 v60, v43;
	v48 =	vor.u32 s2, v39;
	[tilespmem:v46+s24+$0x0] =	vst.idx.msk vm1, v10  }
0x5a8: {  	v28 =	vand.u32 $0xF, v28;
	v44 =	vor.u32 v44, v43;
	v61 =	vand.u32 $0x7F, v48;
	[tilespmem:v41+s24+$0x0] =	vst.idx.msk vm1, v10  }
0x5a9: {  	v29 =	vand.u32 $0xF, v33;
	v63 =	vor.u32 v61, v43;
	v38 =	vand.u32 $0xF, v31;
	[tilespmem:v45+s24+$0x0] =	vst.idx.msk vm1, v10  }
0x5aa: {  	v53 =	vor.u32 s2, v29;
	v56 =	vor.u32 s2, v28;
	v62 =	vor.u32 s2, v38;
	[tilespmem:v58+s24+$0x0] =	vst.idx.msk vm1, v10  }
0x5ab: {  	v59 =	vcombine.low v22, v23;
	v55 =	vand.u32 $0x7F, v53;
	v52 =	vand.u32 $0x7F, v62;
	[tilespmem:v49+s24+$0x0] =	vst.idx.msk vm1, v10  }
0x5ac: {  	v57 =	vand.u32 $0x7F, v56;
	v42 =	vand.u32 $0xF, v40;
	v54 =	vor.u32 v52, v43;
	[tilespmem:v47+s24+$0x0] =	vst.idx.msk vm1, v10  }
0x5ad: {  	v40 =	vand.u32 $0xF, v59;
	v46 =	vor.u32 v55, v43;
	v58 =	vor.u32 s2, v27;
	[tilespmem:v44+s24+$0x0] =	vst.idx.msk vm1, v10  }
0x5ae: {  	v50 =	vor.u32 v57, v43;
	v60 =	vand.u32 $0x7F, v58;
	[tilespmem:v63+s24+$0x0] =	vst.idx.msk vm1, v10;
	v63 =	vor.u32 s2, v40  }
0x5af: {  	v62 =	vor.u32 s2, v42;
	v61 =	vor.u32 v60, v43;
	v44 =	vand.u32 $0x7F, v63  }
0x5b0: {  	v41 =	vand.u32 $0x7F, v62;
	v45 =	vor.u32 v44, v43  }
0x5b1: {  	[tilespmem:v54+s24+$0x0] =	vst.idx.msk vm1, v10;
	v44 =	vor.u32 v41, v43  }
0x5b2: {  	[tilespmem:v46+s24+$0x0] =	vst.idx.msk vm1, v10  }
0x5b3: {  	s2 =	simm.s32 $0x10;
	[tilespmem:v50+s24+$0x0] =	vst.idx.msk vm1, v10  }
0x5b4: {  	s5 =	simm.s32 $0x20;
	v41 =	vor.u32 s2, v42;
	v43 =	vor.u32 s2, v17;
	v46 =	vor.u32 s2, v11;
	[tilespmem:v61+s24+$0x0] =	vst.idx.msk vm1, v10  }
.LBB2_57:
0x5b5: {  	p0 =	sne.s32 s5, $0x1F0;
	v47 =	vmov s2;
	v46 =	vand.u32 $0x7F, v46;
	v48 =	vor.u32 s2, v19;
	[tilespmem:v45+s24+$0x0] =	vst.idx.msk vm1, v10;
	s6 =	smov.u32 s5;
	s5 =	sadd.s32 $0x10, s5  }
0x5b6: {  	v49 =	vand.u32 $0xF, v37;
	v45 =	vshll.u32 v47, $0x3;
	v47 =	vor.u32 s2, v12;
	[tilespmem:v44+s24+$0x0] =	vst.idx.msk vm1, v10  }
0x5b7: {  	v50 =	vand.u32 $0xF, v35;
	v44 =	vor.u32 s2, v1;
	v45 =	vand.u32 $0xC00, v45  }
0x5b8: {  	v44 =	vand.u32 $0x7F, v44;
	v51 =	vor.u32 v26, v45;
	v45 =	vand.u32 $0xF, v33  }
0x5b9: {  	v43 =	vand.u32 $0x7F, v43;
	v44 =	vor.u32 v44, v51;
	v46 =	vor.u32 v46, v51  }
0x5ba: {  	v52 =	vor.u32 s2, v18;
	v48 =	vand.u32 $0x7F, v48;
	v47 =	vand.u32 $0x7F, v47  }
0x5bb: {  	v52 =	vand.u32 $0x7F, v52;
	v50 =	vor.u32 s2, v50;
	v48 =	vor.u32 v48, v51  }
0x5bc: {  	v49 =	vor.u32 s2, v49;
	v47 =	vor.u32 v47, v51;
	v52 =	vor.u32 v52, v51  }
0x5bd: {  	v53 =	vand.u32 $0xF, v34;
	v50 =	vand.u32 $0x7F, v50  }
0x5be: {  	v49 =	vand.u32 $0x7F, v49;
	[tilespmem:v44+s24+$0x0] =	vst.idx.msk vm1, v10;
	v44 =	vor.u32 v50, v51;
	v50 =	vor.u32 s2, v53  }
0x5bf: {  	[tilespmem:v46+s24+$0x0] =	vst.idx.msk vm1, v10;
	v46 =	vor.u32 v49, v51;
	v49 =	vand.u32 $0x7F, v50  }
0x5c0: {  	v53 =	vand.u32 $0xF, v31;
	v50 =	vor.u32 s2, v39;
	v49 =	vor.u32 v49, v51  }
0x5c1: {  	v43 =	vor.u32 v43, v51;
	[tilespmem:v47+s24+$0x0] =	vst.idx.msk vm1, v10;
	v47 =	vand.u32 $0x7F, v50;
	v50 =	vor.u32 s2, v53  }
0x5c2: {  	v45 =	vor.u32 s2, v45;
	[tilespmem:v52+s24+$0x0] =	vst.idx.msk vm1, v10;
	v47 =	vor.u32 v47, v51;
	v50 =	vand.u32 $0x7F, v50  }
0x5c3: {  	v45 =	vand.u32 $0x7F, v45;
	[tilespmem:v48+s24+$0x0] =	vst.idx.msk vm1, v10;
	v48 =	vor.u32 v50, v51;
	v50 =	vor.u32 s2, v28  }
0x5c4: {  	v52 =	vor.u32 v45, v51;
	v45 =	vor.u32 s2, v27;
	[tilespmem:v44+s24+$0x0] =	vst.idx.msk vm1, v10;
	v44 =	vand.u32 $0x7F, v50  }
0x5c5: {  	[tilespmem:v46+s24+$0x0] =	vst.idx.msk vm1, v10;
	v50 =	vor.u32 v44, v51;
	v44 =	vand.u32 $0x7F, v45;
	v45 =	vor.u32 s2, v40;
	s2 =	smov.u32 s6  }
0x5c6: {  	[tilespmem:v49+s24+$0x0] =	vst.idx.msk vm1, v10;
	v49 =	vor.u32 v44, v51;
	v44 =	vand.u32 $0x7F, v45  }
0x5c7: {  	v41 =	vand.u32 $0x7F, v41;
	[tilespmem:v43+s24+$0x0] =	vst.idx.msk vm1, v10;
	v45 =	vor.u32 v44, v51  }
.Ltmp35:
0x5c8: {  	v44 =	vor.u32 v41, v51;
	[tilespmem:v47+s24+$0x0] =	vst.idx.msk vm1, v10;
	(pc) =	sbr.rel @p0 .LBB2_57-.Ltmp35, $4  }
0x5c9: {  	v41 =	vor.u32 s2, v42;
	[tilespmem:v48+s24+$0x0] =	vst.idx.msk vm1, v10  }
0x5ca: {  	v43 =	vor.u32 s2, v17;
	[tilespmem:v52+s24+$0x0] =	vst.idx.msk vm1, v10  }
0x5cb: {  	v46 =	vor.u32 s2, v11;
	[tilespmem:v50+s24+$0x0] =	vst.idx.msk vm1, v10  }
0x5cc: {  	[tilespmem:v49+s24+$0x0] =	vst.idx.msk vm1, v10  }
0x5cd: {  	v31 =	vmov s2  }
0x5ce: {  	v31 =	vshll.u32 v31, $0x3  }
0x5cf: {  	v33 =	vor.u32 s2, v1;
	v31 =	vand.u32 $0xC00, v31  }
0x5d0: {  	v33 =	vand.u32 $0x7F, v33;
	v31 =	vor.u32 v26, v31  }
0x5d1: {  	v34 =	vand.u32 $0x7F, v46;
	v35 =	vor.u32 s2, v12;
	v33 =	vor.u32 v33, v31  }
0x5d2: {  	v37 =	vor.u32 s2, v18;
	v35 =	vand.u32 $0x7F, v35;
	v34 =	vor.u32 v34, v31  }
0x5d3: {  	v42 =	vor.u32 s2, v19;
	v37 =	vand.u32 $0x7F, v37;
	v35 =	vor.u32 v35, v31  }
0x5d4: {  	[tilespmem:v45+s24+$0x0] =	vst.idx.msk vm1, v10;
	v32 =	vor.u32 s2, v32;
	v42 =	vand.u32 $0x7F, v42;
	v37 =	vor.u32 v37, v31  }
0x5d5: {  	v30 =	vor.u32 s2, v30;
	[tilespmem:v44+s24+$0x0] =	vst.idx.msk vm1, v10;
	v32 =	vand.u32 $0x7F, v32;
	v42 =	vor.u32 v42, v31  }
0x5d6: {  	v57 =	vor.u32 s2, v36;
	v30 =	vand.u32 $0x7F, v30;
	v32 =	vor.u32 v32, v31;
	[tilespmem:v33+s24+$0x0] =	vst.idx.msk vm1, v10  }
0x5d7: {  	v30 =	vor.u32 v30, v31;
	v33 =	vand.u32 $0x7F, v57;
	[tilespmem:v34+s24+$0x0] =	vst.idx.msk vm1, v10  }
0x5d8: {  	v58 =	vand.u32 $0x7F, v43;
	v59 =	vor.u32 s2, v39;
	v33 =	vor.u32 v33, v31;
	[tilespmem:v35+s24+$0x0] =	vst.idx.msk vm1, v10  }
0x5d9: {  	v61 =	vor.u32 s2, v38;
	v60 =	vand.u32 $0x7F, v59;
	v34 =	vor.u32 v58, v31;
	[tilespmem:v37+s24+$0x0] =	vst.idx.msk vm1, v10  }
0x5da: {  	v29 =	vor.u32 s2, v29;
	v36 =	vand.u32 $0x7F, v61;
	v35 =	vor.u32 v60, v31;
	[tilespmem:v42+s24+$0x0] =	vst.idx.msk vm1, v10  }
0x5db: {  	v28 =	vor.u32 s2, v28;
	v29 =	vand.u32 $0x7F, v29;
	v36 =	vor.u32 v36, v31;
	[tilespmem:v32+s24+$0x0] =	vst.idx.msk vm1, v10  }
0x5dc: {  	v27 =	vor.u32 s2, v27;
	v28 =	vand.u32 $0x7F, v28;
	v29 =	vor.u32 v29, v31;
	[tilespmem:v30+s24+$0x0] =	vst.idx.msk vm1, v10  }
0x5dd: {  	v62 =	vor.u32 s2, v40;
	v27 =	vand.u32 $0x7F, v27;
	v28 =	vor.u32 v28, v31;
	[tilespmem:v33+s24+$0x0] =	vst.idx.msk vm1, v10  }
0x5de: {  	v27 =	vor.u32 v27, v31;
	v30 =	vand.u32 $0x7F, v62;
	[tilespmem:v34+s24+$0x0] =	vst.idx.msk vm1, v10  }
0x5df: {  	v63 =	vand.u32 $0x7F, v41;
	v30 =	vor.u32 v30, v31;
	[tilespmem:v35+s24+$0x0] =	vst.idx.msk vm1, v10  }
0x5e0: {  	v31 =	vor.u32 v63, v31;
	[tilespmem:v36+s24+$0x0] =	vst.idx.msk vm1, v10  }
0x5e1: {  	[tilespmem:v29+s24+$0x0] =	vst.idx.msk vm1, v10  }
0x5e2: {  	[tilespmem:v28+s24+$0x0] =	vst.idx.msk vm1, v10  }
0x5e3: {  	[tilespmem:v27+s24+$0x0] =	vst.idx.msk vm1, v10  }
0x5e4: {  	[tilespmem:v30+s24+$0x0] =	vst.idx.msk vm1, v10  }
0x5e5: {  	[tilespmem:v31+s24+$0x0] =	vst.idx.msk vm1, v10  }
.LBB2_59:
0x5e6: {  	s2 =	rddreg [dreg:$0x8]  }
0x5e7: {  	[hbm4b:s2+s3] =	stream.linear.scatter [tilespmem:s24], [sflag:$0x6], $0x4000, $0x38;
	[tilespmem:$0x12400] =	vst v63  }
0x5e8: {  	_ =	swait.ge [sflag:s28], $0x4000  }
0x5e9: {  	[sflag:s28] =	ssyncset.done $0x0  }
0x5ea: {  	[sflag:s28] =	ssyncadd.s32 $0xFFFFC000  }
0x5eb: {  	_ =	swait.ge [sflag:s29], $0x4000  }
0x5ec: {  	[sflag:s29] =	ssyncset.done $0x0  }
0x5ed: {  	[sflag:s29] =	ssyncadd.s32 $0xFFFFC000  }
0x5ee: {  	v27 =	vld [tilespmem:$0x23E0];
	_ =	sdelay $0x4  }
0x5ef: {  	(v2sf) =	vpush v27, $0x0;
	_ =	sdelay $0xe  }
0x5f0: {  	s17 =	spop (v2sf)  }
0x5f1: {  	p0 =	slt.s32 s17, $0x1  }
.Ltmp36:
0x5f2: {  	_ = 	snop;
	(pc) =	sbr.rel @p0 .LBB2_68-.Ltmp36, $1  }
0x5f3: {  	_ =	sdelay $0x3  }
0x5f4: {  	v27 =	vld [tilespmem:$0x1FC0];
	_ =	sdelay $0x4  }
0x5f5: {  	vm1 =	vgt.s32 v27, $0x0  }
0x5f6: {  	v27 =	vmpcnt.ones.xlane vm1;
	_ =	sdelay $0x1  }
0x5f7: {  	(v2sf) =	vpush v27, $0x0;
	_ =	sdelay $0xe  }
0x5f8: {  	s2 =	spop (v2sf)  }
0x5f9: {  	p0 =	slt.s32 s2, $0x1  }
.Ltmp37:
0x5fa: {  	_ = 	snop;
	(pc) =	sbr.rel @p0 .LBB2_64-.Ltmp37, $2  }
0x5fb: {  	_ =	sdelay $0x2  }
0x5fc: {  	s2 =	simm.s32 $0x0  }
0x5fd: {  	v40 =	vcombine.low v24, v25  }
0x5fe: {  	v31 =	vcombine.low v6, v7;
	v27 =	vcombine.low v20, v21  }
0x5ff: {  	v33 =	vcombine.low v13, v14;
	v36 =	vor.u32 s2, v17;
	v28 =	vcombine.low v15, v16  }
0x600: {  	v29 =	vor.u32 s2, v11;
	v34 =	vcombine.low v25, v24;
	v35 =	vcombine.low v21, v20  }
0x601: {  	v37 =	vcombine.low v23, v22;
	v30 =	vmov s2;
	v39 =	vor.u32 s2, v19  }
0x602: {  	v41 =	vor.u32 s2, v12;
	v38 =	vand.u32 $0x7F, v29;
	v29 =	vshll.u32 v30, $0x3  }
0x603: {  	v42 =	vor.u32 s2, v1;
	v55 =	vor.u32 s2, v18;
	v29 =	vand.u32 $0xC00, v29  }
0x604: {  	v48 =	vcombine.low v4, v5;
	v42 =	vand.u32 $0x7F, v42;
	v43 =	vor.u32 v9, v29  }
0x605: {  	v44 =	vand.u32 $0x7F, v36;
	v54 =	vand.u32 $0x7F, v41;
	v42 =	vor.u32 v42, v43  }
0x606: {  	v39 =	vand.u32 $0x7F, v39;
	v41 =	vand.u32 $0x7F, v55;
	v38 =	vor.u32 v38, v43  }
0x607: {  	v30 =	vand.u32 $0xF, v37;
	v32 =	vand.u32 $0xF, v35;
	v46 =	vor.u32 v54, v43  }
0x608: {  	v36 =	vand.u32 $0xF, v34;
	v56 =	vor.u32 s2, v32;
	v41 =	vor.u32 v41, v43  }
0x609: {  	v57 =	vor.u32 s2, v30;
	v45 =	vor.u32 v39, v43;
	v47 =	vand.u32 $0x7F, v56  }
0x60a: {  	v59 =	vor.u32 s2, v36;
	v39 =	vand.u32 $0x7F, v57;
	v58 =	vor.u32 v47, v43;
	[tilespmem:v42+s10+$0x0] =	vst.idx.msk vm1, v10  }
0x60b: {  	v60 =	vand.u32 $0x7F, v59;
	v49 =	vor.u32 v39, v43;
	v39 =	vand.u32 $0xF, v48;
	[tilespmem:v38+s10+$0x0] =	vst.idx.msk vm1, v10  }
0x60c: {  	v27 =	vand.u32 $0xF, v27;
	v47 =	vor.u32 v60, v43;
	v48 =	vor.u32 s2, v39;
	[tilespmem:v46+s10+$0x0] =	vst.idx.msk vm1, v10  }
0x60d: {  	v28 =	vand.u32 $0xF, v28;
	v44 =	vor.u32 v44, v43;
	v61 =	vand.u32 $0x7F, v48;
	[tilespmem:v41+s10+$0x0] =	vst.idx.msk vm1, v10  }
0x60e: {  	v29 =	vand.u32 $0xF, v33;
	v63 =	vor.u32 v61, v43;
	v38 =	vand.u32 $0xF, v31;
	[tilespmem:v45+s10+$0x0] =	vst.idx.msk vm1, v10  }
0x60f: {  	v53 =	vor.u32 s2, v29;
	v56 =	vor.u32 s2, v28;
	v62 =	vor.u32 s2, v38;
	[tilespmem:v58+s10+$0x0] =	vst.idx.msk vm1, v10  }
0x610: {  	v59 =	vcombine.low v22, v23;
	v55 =	vand.u32 $0x7F, v53;
	v52 =	vand.u32 $0x7F, v62;
	[tilespmem:v49+s10+$0x0] =	vst.idx.msk vm1, v10  }
0x611: {  	v57 =	vand.u32 $0x7F, v56;
	v42 =	vand.u32 $0xF, v40;
	v54 =	vor.u32 v52, v43;
	[tilespmem:v47+s10+$0x0] =	vst.idx.msk vm1, v10  }
0x612: {  	v40 =	vand.u32 $0xF, v59;
	v46 =	vor.u32 v55, v43;
	v58 =	vor.u32 s2, v27;
	[tilespmem:v44+s10+$0x0] =	vst.idx.msk vm1, v10  }
0x613: {  	v50 =	vor.u32 v57, v43;
	v60 =	vand.u32 $0x7F, v58;
	[tilespmem:v63+s10+$0x0] =	vst.idx.msk vm1, v10;
	v63 =	vor.u32 s2, v40  }
0x614: {  	v62 =	vor.u32 s2, v42;
	v61 =	vor.u32 v60, v43;
	v44 =	vand.u32 $0x7F, v63  }
0x615: {  	v41 =	vand.u32 $0x7F, v62;
	v45 =	vor.u32 v44, v43  }
0x616: {  	[tilespmem:v54+s10+$0x0] =	vst.idx.msk vm1, v10;
	v44 =	vor.u32 v41, v43  }
0x617: {  	[tilespmem:v46+s10+$0x0] =	vst.idx.msk vm1, v10  }
0x618: {  	s5 =	simm.s32 $0x10;
	[tilespmem:v50+s10+$0x0] =	vst.idx.msk vm1, v10  }
0x619: {  	s6 =	simm.s32 $0x20;
	v41 =	vor.u32 s5, v42;
	v43 =	vor.u32 s5, v17;
	v46 =	vor.u32 s5, v11;
	[tilespmem:v61+s10+$0x0] =	vst.idx.msk vm1, v10  }
.LBB2_62:
0x61a: {  	p0 =	sne.s32 s6, $0x1F0;
	v47 =	vmov s5;
	v46 =	vand.u32 $0x7F, v46;
	v48 =	vor.u32 s5, v19;
	[tilespmem:v45+s10+$0x0] =	vst.idx.msk vm1, v10;
	s7 =	smov.u32 s6;
	s6 =	sadd.s32 $0x10, s6  }
0x61b: {  	v49 =	vand.u32 $0xF, v37;
	v45 =	vshll.u32 v47, $0x3;
	v47 =	vor.u32 s5, v12;
	[tilespmem:v44+s10+$0x0] =	vst.idx.msk vm1, v10  }
0x61c: {  	v50 =	vand.u32 $0xF, v35;
	v44 =	vor.u32 s5, v1;
	v45 =	vand.u32 $0xC00, v45  }
0x61d: {  	v44 =	vand.u32 $0x7F, v44;
	v51 =	vor.u32 v9, v45;
	v45 =	vand.u32 $0xF, v33  }
0x61e: {  	v43 =	vand.u32 $0x7F, v43;
	v44 =	vor.u32 v44, v51;
	v46 =	vor.u32 v46, v51  }
0x61f: {  	v52 =	vor.u32 s5, v18;
	v48 =	vand.u32 $0x7F, v48;
	v47 =	vand.u32 $0x7F, v47  }
0x620: {  	v52 =	vand.u32 $0x7F, v52;
	v50 =	vor.u32 s5, v50;
	v48 =	vor.u32 v48, v51  }
0x621: {  	v49 =	vor.u32 s5, v49;
	v47 =	vor.u32 v47, v51;
	v52 =	vor.u32 v52, v51  }
0x622: {  	v53 =	vand.u32 $0xF, v34;
	v50 =	vand.u32 $0x7F, v50  }
0x623: {  	v49 =	vand.u32 $0x7F, v49;
	[tilespmem:v44+s10+$0x0] =	vst.idx.msk vm1, v10;
	v44 =	vor.u32 v50, v51;
	v50 =	vor.u32 s5, v53  }
0x624: {  	[tilespmem:v46+s10+$0x0] =	vst.idx.msk vm1, v10;
	v46 =	vor.u32 v49, v51;
	v49 =	vand.u32 $0x7F, v50  }
0x625: {  	v53 =	vand.u32 $0xF, v31;
	v50 =	vor.u32 s5, v39;
	v49 =	vor.u32 v49, v51  }
0x626: {  	v43 =	vor.u32 v43, v51;
	[tilespmem:v47+s10+$0x0] =	vst.idx.msk vm1, v10;
	v47 =	vand.u32 $0x7F, v50;
	v50 =	vor.u32 s5, v53  }
0x627: {  	v45 =	vor.u32 s5, v45;
	[tilespmem:v52+s10+$0x0] =	vst.idx.msk vm1, v10;
	v47 =	vor.u32 v47, v51;
	v50 =	vand.u32 $0x7F, v50  }
0x628: {  	v45 =	vand.u32 $0x7F, v45;
	[tilespmem:v48+s10+$0x0] =	vst.idx.msk vm1, v10;
	v48 =	vor.u32 v50, v51;
	v50 =	vor.u32 s5, v28  }
0x629: {  	v52 =	vor.u32 v45, v51;
	v45 =	vor.u32 s5, v27;
	[tilespmem:v44+s10+$0x0] =	vst.idx.msk vm1, v10;
	v44 =	vand.u32 $0x7F, v50  }
0x62a: {  	[tilespmem:v46+s10+$0x0] =	vst.idx.msk vm1, v10;
	v50 =	vor.u32 v44, v51;
	v44 =	vand.u32 $0x7F, v45;
	v45 =	vor.u32 s5, v40;
	s5 =	smov.u32 s7  }
0x62b: {  	[tilespmem:v49+s10+$0x0] =	vst.idx.msk vm1, v10;
	v49 =	vor.u32 v44, v51;
	v44 =	vand.u32 $0x7F, v45  }
0x62c: {  	v41 =	vand.u32 $0x7F, v41;
	[tilespmem:v43+s10+$0x0] =	vst.idx.msk vm1, v10;
	v45 =	vor.u32 v44, v51  }
.Ltmp38:
0x62d: {  	v44 =	vor.u32 v41, v51;
	[tilespmem:v47+s10+$0x0] =	vst.idx.msk vm1, v10;
	(pc) =	sbr.rel @p0 .LBB2_62-.Ltmp38, $4  }
0x62e: {  	v41 =	vor.u32 s5, v42;
	[tilespmem:v48+s10+$0x0] =	vst.idx.msk vm1, v10  }
0x62f: {  	v43 =	vor.u32 s5, v17;
	[tilespmem:v52+s10+$0x0] =	vst.idx.msk vm1, v10  }
0x630: {  	v46 =	vor.u32 s5, v11;
	[tilespmem:v50+s10+$0x0] =	vst.idx.msk vm1, v10  }
0x631: {  	[tilespmem:v49+s10+$0x0] =	vst.idx.msk vm1, v10  }
0x632: {  	v31 =	vmov s5  }
0x633: {  	v31 =	vshll.u32 v31, $0x3  }
0x634: {  	v33 =	vor.u32 s5, v1;
	v31 =	vand.u32 $0xC00, v31  }
0x635: {  	v33 =	vand.u32 $0x7F, v33;
	v31 =	vor.u32 v9, v31  }
0x636: {  	v34 =	vand.u32 $0x7F, v46;
	v35 =	vor.u32 s5, v12;
	v33 =	vor.u32 v33, v31  }
0x637: {  	v37 =	vor.u32 s5, v18;
	v35 =	vand.u32 $0x7F, v35;
	v34 =	vor.u32 v34, v31  }
0x638: {  	v42 =	vor.u32 s5, v19;
	v37 =	vand.u32 $0x7F, v37;
	v35 =	vor.u32 v35, v31  }
0x639: {  	[tilespmem:v45+s10+$0x0] =	vst.idx.msk vm1, v10;
	v32 =	vor.u32 s5, v32;
	v42 =	vand.u32 $0x7F, v42;
	v37 =	vor.u32 v37, v31  }
0x63a: {  	v30 =	vor.u32 s5, v30;
	[tilespmem:v44+s10+$0x0] =	vst.idx.msk vm1, v10;
	v32 =	vand.u32 $0x7F, v32;
	v42 =	vor.u32 v42, v31  }
0x63b: {  	v57 =	vor.u32 s5, v36;
	v30 =	vand.u32 $0x7F, v30;
	v32 =	vor.u32 v32, v31;
	[tilespmem:v33+s10+$0x0] =	vst.idx.msk vm1, v10  }
0x63c: {  	v30 =	vor.u32 v30, v31;
	v33 =	vand.u32 $0x7F, v57;
	[tilespmem:v34+s10+$0x0] =	vst.idx.msk vm1, v10  }
0x63d: {  	v58 =	vand.u32 $0x7F, v43;
	v59 =	vor.u32 s5, v39;
	v33 =	vor.u32 v33, v31;
	[tilespmem:v35+s10+$0x0] =	vst.idx.msk vm1, v10  }
0x63e: {  	v61 =	vor.u32 s5, v38;
	v60 =	vand.u32 $0x7F, v59;
	v34 =	vor.u32 v58, v31;
	[tilespmem:v37+s10+$0x0] =	vst.idx.msk vm1, v10  }
0x63f: {  	v29 =	vor.u32 s5, v29;
	v36 =	vand.u32 $0x7F, v61;
	v35 =	vor.u32 v60, v31;
	[tilespmem:v42+s10+$0x0] =	vst.idx.msk vm1, v10  }
0x640: {  	v28 =	vor.u32 s5, v28;
	v29 =	vand.u32 $0x7F, v29;
	v36 =	vor.u32 v36, v31;
	[tilespmem:v32+s10+$0x0] =	vst.idx.msk vm1, v10  }
0x641: {  	v27 =	vor.u32 s5, v27;
	v28 =	vand.u32 $0x7F, v28;
	v29 =	vor.u32 v29, v31;
	[tilespmem:v30+s10+$0x0] =	vst.idx.msk vm1, v10  }
0x642: {  	v62 =	vor.u32 s5, v40;
	v27 =	vand.u32 $0x7F, v27;
	v28 =	vor.u32 v28, v31;
	[tilespmem:v33+s10+$0x0] =	vst.idx.msk vm1, v10  }
0x643: {  	v27 =	vor.u32 v27, v31;
	v30 =	vand.u32 $0x7F, v62;
	[tilespmem:v34+s10+$0x0] =	vst.idx.msk vm1, v10  }
0x644: {  	v63 =	vand.u32 $0x7F, v41;
	v30 =	vor.u32 v30, v31;
	[tilespmem:v35+s10+$0x0] =	vst.idx.msk vm1, v10  }
0x645: {  	v31 =	vor.u32 v63, v31;
	[tilespmem:v36+s10+$0x0] =	vst.idx.msk vm1, v10  }
0x646: {  	[tilespmem:v29+s10+$0x0] =	vst.idx.msk vm1, v10  }
0x647: {  	[tilespmem:v28+s10+$0x0] =	vst.idx.msk vm1, v10  }
0x648: {  	[tilespmem:v27+s10+$0x0] =	vst.idx.msk vm1, v10  }
0x649: {  	[tilespmem:v30+s10+$0x0] =	vst.idx.msk vm1, v10  }
0x64a: {  	[tilespmem:v31+s10+$0x0] =	vst.idx.msk vm1, v10  }
.LBB2_64:
0x64b: {  	v27 =	vld [tilespmem:$0x1FD0];
	_ =	sdelay $0x4  }
0x64c: {  	vm1 =	vgt.s32 v27, $0x0  }
0x64d: {  	v27 =	vmpcnt.ones.xlane vm1;
	_ =	sdelay $0x1  }
0x64e: {  	(v2sf) =	vpush v27, $0x0;
	_ =	sdelay $0xe  }
0x64f: {  	s5 =	spop (v2sf)  }
0x650: {  	p0 =	slt.s32 s5, $0x1  }
.Ltmp39:
0x651: {  	_ = 	snop;
	(pc) =	sbr.rel @p0 .LBB2_68-.Ltmp39, $1  }
0x652: {  	_ =	sdelay $0x3  }
0x653: {  	v40 =	vcombine.low v24, v25  }
0x654: {  	v31 =	vcombine.low v6, v7;
	v27 =	vcombine.low v20, v21  }
0x655: {  	v33 =	vcombine.low v13, v14;
	v36 =	vor.u32 s2, v17;
	v28 =	vcombine.low v15, v16  }
0x656: {  	v29 =	vor.u32 s2, v11;
	v34 =	vcombine.low v25, v24;
	v35 =	vcombine.low v21, v20  }
0x657: {  	v37 =	vcombine.low v23, v22;
	v30 =	vmov s2;
	v39 =	vor.u32 s2, v19  }
0x658: {  	v41 =	vor.u32 s2, v12;
	v38 =	vand.u32 $0x7F, v29;
	v29 =	vshll.u32 v30, $0x3  }
0x659: {  	v42 =	vor.u32 s2, v1;
	v55 =	vor.u32 s2, v18;
	v29 =	vand.u32 $0xC00, v29  }
0x65a: {  	v48 =	vcombine.low v4, v5;
	v42 =	vand.u32 $0x7F, v42;
	v43 =	vor.u32 v26, v29  }
0x65b: {  	v44 =	vand.u32 $0x7F, v36;
	v54 =	vand.u32 $0x7F, v41;
	v42 =	vor.u32 v42, v43  }
0x65c: {  	v39 =	vand.u32 $0x7F, v39;
	v41 =	vand.u32 $0x7F, v55;
	v38 =	vor.u32 v38, v43  }
0x65d: {  	v30 =	vand.u32 $0xF, v37;
	v32 =	vand.u32 $0xF, v35;
	v46 =	vor.u32 v54, v43  }
0x65e: {  	v36 =	vand.u32 $0xF, v34;
	v56 =	vor.u32 s2, v32;
	v41 =	vor.u32 v41, v43  }
0x65f: {  	v57 =	vor.u32 s2, v30;
	v45 =	vor.u32 v39, v43;
	v47 =	vand.u32 $0x7F, v56  }
0x660: {  	v59 =	vor.u32 s2, v36;
	v39 =	vand.u32 $0x7F, v57;
	v58 =	vor.u32 v47, v43;
	[tilespmem:v42+s10+$0x0] =	vst.idx.msk vm1, v10  }
0x661: {  	v60 =	vand.u32 $0x7F, v59;
	v49 =	vor.u32 v39, v43;
	v39 =	vand.u32 $0xF, v48;
	[tilespmem:v38+s10+$0x0] =	vst.idx.msk vm1, v10  }
0x662: {  	v27 =	vand.u32 $0xF, v27;
	v47 =	vor.u32 v60, v43;
	v48 =	vor.u32 s2, v39;
	[tilespmem:v46+s10+$0x0] =	vst.idx.msk vm1, v10  }
0x663: {  	v28 =	vand.u32 $0xF, v28;
	v44 =	vor.u32 v44, v43;
	v61 =	vand.u32 $0x7F, v48;
	[tilespmem:v41+s10+$0x0] =	vst.idx.msk vm1, v10  }
0x664: {  	v29 =	vand.u32 $0xF, v33;
	v63 =	vor.u32 v61, v43;
	v38 =	vand.u32 $0xF, v31;
	[tilespmem:v45+s10+$0x0] =	vst.idx.msk vm1, v10  }
0x665: {  	v53 =	vor.u32 s2, v29;
	v56 =	vor.u32 s2, v28;
	v62 =	vor.u32 s2, v38;
	[tilespmem:v58+s10+$0x0] =	vst.idx.msk vm1, v10  }
0x666: {  	v59 =	vcombine.low v22, v23;
	v55 =	vand.u32 $0x7F, v53;
	v52 =	vand.u32 $0x7F, v62;
	[tilespmem:v49+s10+$0x0] =	vst.idx.msk vm1, v10  }
0x667: {  	v57 =	vand.u32 $0x7F, v56;
	v42 =	vand.u32 $0xF, v40;
	v54 =	vor.u32 v52, v43;
	[tilespmem:v47+s10+$0x0] =	vst.idx.msk vm1, v10  }
0x668: {  	v40 =	vand.u32 $0xF, v59;
	v46 =	vor.u32 v55, v43;
	v58 =	vor.u32 s2, v27;
	[tilespmem:v44+s10+$0x0] =	vst.idx.msk vm1, v10  }
0x669: {  	v50 =	vor.u32 v57, v43;
	v60 =	vand.u32 $0x7F, v58;
	[tilespmem:v63+s10+$0x0] =	vst.idx.msk vm1, v10;
	v63 =	vor.u32 s2, v40  }
0x66a: {  	v62 =	vor.u32 s2, v42;
	v61 =	vor.u32 v60, v43;
	v44 =	vand.u32 $0x7F, v63  }
0x66b: {  	v41 =	vand.u32 $0x7F, v62;
	v45 =	vor.u32 v44, v43  }
0x66c: {  	[tilespmem:v54+s10+$0x0] =	vst.idx.msk vm1, v10;
	v44 =	vor.u32 v41, v43  }
0x66d: {  	[tilespmem:v46+s10+$0x0] =	vst.idx.msk vm1, v10  }
0x66e: {  	s2 =	simm.s32 $0x10;
	[tilespmem:v50+s10+$0x0] =	vst.idx.msk vm1, v10  }
0x66f: {  	s5 =	simm.s32 $0x20;
	v41 =	vor.u32 s2, v42;
	v43 =	vor.u32 s2, v17;
	v46 =	vor.u32 s2, v11;
	[tilespmem:v61+s10+$0x0] =	vst.idx.msk vm1, v10  }
.LBB2_66:
0x670: {  	p0 =	sne.s32 s5, $0x1F0;
	v47 =	vmov s2;
	v46 =	vand.u32 $0x7F, v46;
	v48 =	vor.u32 s2, v19;
	[tilespmem:v45+s10+$0x0] =	vst.idx.msk vm1, v10;
	s6 =	smov.u32 s5;
	s5 =	sadd.s32 $0x10, s5  }
0x671: {  	v49 =	vand.u32 $0xF, v37;
	v45 =	vshll.u32 v47, $0x3;
	v47 =	vor.u32 s2, v12;
	[tilespmem:v44+s10+$0x0] =	vst.idx.msk vm1, v10  }
0x672: {  	v50 =	vand.u32 $0xF, v35;
	v44 =	vor.u32 s2, v1;
	v45 =	vand.u32 $0xC00, v45  }
0x673: {  	v44 =	vand.u32 $0x7F, v44;
	v51 =	vor.u32 v26, v45;
	v45 =	vand.u32 $0xF, v33  }
0x674: {  	v43 =	vand.u32 $0x7F, v43;
	v44 =	vor.u32 v44, v51;
	v46 =	vor.u32 v46, v51  }
0x675: {  	v52 =	vor.u32 s2, v18;
	v48 =	vand.u32 $0x7F, v48;
	v47 =	vand.u32 $0x7F, v47  }
0x676: {  	v52 =	vand.u32 $0x7F, v52;
	v50 =	vor.u32 s2, v50;
	v48 =	vor.u32 v48, v51  }
0x677: {  	v49 =	vor.u32 s2, v49;
	v47 =	vor.u32 v47, v51;
	v52 =	vor.u32 v52, v51  }
0x678: {  	v53 =	vand.u32 $0xF, v34;
	v50 =	vand.u32 $0x7F, v50  }
0x679: {  	v49 =	vand.u32 $0x7F, v49;
	[tilespmem:v44+s10+$0x0] =	vst.idx.msk vm1, v10;
	v44 =	vor.u32 v50, v51;
	v50 =	vor.u32 s2, v53  }
0x67a: {  	[tilespmem:v46+s10+$0x0] =	vst.idx.msk vm1, v10;
	v46 =	vor.u32 v49, v51;
	v49 =	vand.u32 $0x7F, v50  }
0x67b: {  	v53 =	vand.u32 $0xF, v31;
	v50 =	vor.u32 s2, v39;
	v49 =	vor.u32 v49, v51  }
0x67c: {  	v43 =	vor.u32 v43, v51;
	[tilespmem:v47+s10+$0x0] =	vst.idx.msk vm1, v10;
	v47 =	vand.u32 $0x7F, v50;
	v50 =	vor.u32 s2, v53  }
0x67d: {  	v45 =	vor.u32 s2, v45;
	[tilespmem:v52+s10+$0x0] =	vst.idx.msk vm1, v10;
	v47 =	vor.u32 v47, v51;
	v50 =	vand.u32 $0x7F, v50  }
0x67e: {  	v45 =	vand.u32 $0x7F, v45;
	[tilespmem:v48+s10+$0x0] =	vst.idx.msk vm1, v10;
	v48 =	vor.u32 v50, v51;
	v50 =	vor.u32 s2, v28  }
0x67f: {  	v52 =	vor.u32 v45, v51;
	v45 =	vor.u32 s2, v27;
	[tilespmem:v44+s10+$0x0] =	vst.idx.msk vm1, v10;
	v44 =	vand.u32 $0x7F, v50  }
0x680: {  	[tilespmem:v46+s10+$0x0] =	vst.idx.msk vm1, v10;
	v50 =	vor.u32 v44, v51;
	v44 =	vand.u32 $0x7F, v45;
	v45 =	vor.u32 s2, v40;
	s2 =	smov.u32 s6  }
0x681: {  	[tilespmem:v49+s10+$0x0] =	vst.idx.msk vm1, v10;
	v49 =	vor.u32 v44, v51;
	v44 =	vand.u32 $0x7F, v45  }
0x682: {  	v41 =	vand.u32 $0x7F, v41;
	[tilespmem:v43+s10+$0x0] =	vst.idx.msk vm1, v10;
	v45 =	vor.u32 v44, v51  }
.Ltmp40:
0x683: {  	v44 =	vor.u32 v41, v51;
	[tilespmem:v47+s10+$0x0] =	vst.idx.msk vm1, v10;
	(pc) =	sbr.rel @p0 .LBB2_66-.Ltmp40, $4  }
0x684: {  	v41 =	vor.u32 s2, v42;
	[tilespmem:v48+s10+$0x0] =	vst.idx.msk vm1, v10  }
0x685: {  	v43 =	vor.u32 s2, v17;
	[tilespmem:v52+s10+$0x0] =	vst.idx.msk vm1, v10  }
0x686: {  	v46 =	vor.u32 s2, v11;
	[tilespmem:v50+s10+$0x0] =	vst.idx.msk vm1, v10  }
0x687: {  	[tilespmem:v49+s10+$0x0] =	vst.idx.msk vm1, v10  }
0x688: {  	v31 =	vmov s2  }
0x689: {  	v31 =	vshll.u32 v31, $0x3  }
0x68a: {  	v33 =	vor.u32 s2, v1;
	v31 =	vand.u32 $0xC00, v31  }
0x68b: {  	v33 =	vand.u32 $0x7F, v33;
	v31 =	vor.u32 v26, v31  }
0x68c: {  	v34 =	vand.u32 $0x7F, v46;
	v35 =	vor.u32 s2, v12;
	v33 =	vor.u32 v33, v31  }
0x68d: {  	v37 =	vor.u32 s2, v18;
	v35 =	vand.u32 $0x7F, v35;
	v34 =	vor.u32 v34, v31  }
0x68e: {  	v42 =	vor.u32 s2, v19;
	v37 =	vand.u32 $0x7F, v37;
	v35 =	vor.u32 v35, v31  }
0x68f: {  	[tilespmem:v45+s10+$0x0] =	vst.idx.msk vm1, v10;
	v32 =	vor.u32 s2, v32;
	v42 =	vand.u32 $0x7F, v42;
	v37 =	vor.u32 v37, v31  }
0x690: {  	v30 =	vor.u32 s2, v30;
	[tilespmem:v44+s10+$0x0] =	vst.idx.msk vm1, v10;
	v32 =	vand.u32 $0x7F, v32;
	v42 =	vor.u32 v42, v31  }
0x691: {  	v57 =	vor.u32 s2, v36;
	v30 =	vand.u32 $0x7F, v30;
	v32 =	vor.u32 v32, v31;
	[tilespmem:v33+s10+$0x0] =	vst.idx.msk vm1, v10  }
0x692: {  	v30 =	vor.u32 v30, v31;
	v33 =	vand.u32 $0x7F, v57;
	[tilespmem:v34+s10+$0x0] =	vst.idx.msk vm1, v10  }
0x693: {  	v58 =	vand.u32 $0x7F, v43;
	v59 =	vor.u32 s2, v39;
	v33 =	vor.u32 v33, v31;
	[tilespmem:v35+s10+$0x0] =	vst.idx.msk vm1, v10  }
0x694: {  	v61 =	vor.u32 s2, v38;
	v60 =	vand.u32 $0x7F, v59;
	v34 =	vor.u32 v58, v31;
	[tilespmem:v37+s10+$0x0] =	vst.idx.msk vm1, v10  }
0x695: {  	v29 =	vor.u32 s2, v29;
	v36 =	vand.u32 $0x7F, v61;
	v35 =	vor.u32 v60, v31;
	[tilespmem:v42+s10+$0x0] =	vst.idx.msk vm1, v10  }
0x696: {  	v28 =	vor.u32 s2, v28;
	v29 =	vand.u32 $0x7F, v29;
	v36 =	vor.u32 v36, v31;
	[tilespmem:v32+s10+$0x0] =	vst.idx.msk vm1, v10  }
0x697: {  	v27 =	vor.u32 s2, v27;
	v28 =	vand.u32 $0x7F, v28;
	v29 =	vor.u32 v29, v31;
	[tilespmem:v30+s10+$0x0] =	vst.idx.msk vm1, v10  }
0x698: {  	v62 =	vor.u32 s2, v40;
	v27 =	vand.u32 $0x7F, v27;
	v28 =	vor.u32 v28, v31;
	[tilespmem:v33+s10+$0x0] =	vst.idx.msk vm1, v10  }
0x699: {  	v27 =	vor.u32 v27, v31;
	v30 =	vand.u32 $0x7F, v62;
	[tilespmem:v34+s10+$0x0] =	vst.idx.msk vm1, v10  }
0x69a: {  	v63 =	vand.u32 $0x7F, v41;
	v30 =	vor.u32 v30, v31;
	[tilespmem:v35+s10+$0x0] =	vst.idx.msk vm1, v10  }
0x69b: {  	v31 =	vor.u32 v63, v31;
	[tilespmem:v36+s10+$0x0] =	vst.idx.msk vm1, v10  }
0x69c: {  	[tilespmem:v29+s10+$0x0] =	vst.idx.msk vm1, v10  }
0x69d: {  	[tilespmem:v28+s10+$0x0] =	vst.idx.msk vm1, v10  }
0x69e: {  	[tilespmem:v27+s10+$0x0] =	vst.idx.msk vm1, v10  }
0x69f: {  	[tilespmem:v30+s10+$0x0] =	vst.idx.msk vm1, v10  }
0x6a0: {  	[tilespmem:v31+s10+$0x0] =	vst.idx.msk vm1, v10  }
.LBB2_68:
0x6a1: {  	s2 =	rddreg [dreg:$0x9]  }
0x6a2: {  	[hbm4b:s2+s3] =	stream.linear.scatter [tilespmem:s10], [sflag:$0x7], $0x4000, $0x38;
	[tilespmem:$0x12400] =	vst v63  }
0x6a3: {  	_ =	swait.ge [sflag:s30], $0x4000  }
0x6a4: {  	[sflag:s30] =	ssyncset.done $0x0  }
0x6a5: {  	[sflag:s30] =	ssyncadd.s32 $0xFFFFC000  }
0x6a6: {  	_ =	swait.ge [sflag:s31], $0x4000  }
0x6a7: {  	[sflag:s31] =	ssyncset.done $0x0  }
0x6a8: {  	[sflag:s31] =	ssyncadd.s32 $0xFFFFC000  }
0x6a9: {  	v27 =	vld [tilespmem:$0x23F0];
	_ =	sdelay $0x4  }
0x6aa: {  	(v2sf) =	vpush v27, $0x0;
	_ =	sdelay $0xe  }
0x6ab: {  	s17 =	spop (v2sf)  }
0x6ac: {  	p0 =	slt.s32 s17, $0x1  }
.Ltmp41:
0x6ad: {  	_ = 	snop;
	(pc) =	sbr.rel @p0 .LBB2_77-.Ltmp41, $2  }
0x6ae: {  	_ =	sdelay $0x2  }
0x6af: {  	s5 =	rddreg [dreg:$0xe]  }
0x6b0: {  	v27 =	vld [tilespmem:$0x1FE0];
	_ =	sdelay $0x4  }
0x6b1: {  	vm1 =	vgt.s32 v27, $0x0  }
0x6b2: {  	v27 =	vmpcnt.ones.xlane vm1;
	_ =	sdelay $0x1  }
0x6b3: {  	(v2sf) =	vpush v27, $0x0;
	_ =	sdelay $0xe  }
0x6b4: {  	s2 =	spop (v2sf)  }
0x6b5: {  	p0 =	slt.s32 s2, $0x1  }
.Ltmp42:
0x6b6: {  	_ = 	snop;
	(pc) =	sbr.rel @p0 .LBB2_73-.Ltmp42, $2  }
0x6b7: {  	_ =	sdelay $0x2  }
0x6b8: {  	s2 =	simm.s32 $0x0  }
0x6b9: {  	v40 =	vcombine.low v24, v25  }
0x6ba: {  	v31 =	vcombine.low v6, v7;
	v27 =	vcombine.low v20, v21  }
0x6bb: {  	v33 =	vcombine.low v13, v14;
	v36 =	vor.u32 s2, v17;
	v28 =	vcombine.low v15, v16  }
0x6bc: {  	v29 =	vor.u32 s2, v11;
	v34 =	vcombine.low v25, v24;
	v35 =	vcombine.low v21, v20  }
0x6bd: {  	v37 =	vcombine.low v23, v22;
	v30 =	vmov s2;
	v39 =	vor.u32 s2, v19  }
0x6be: {  	v41 =	vor.u32 s2, v12;
	v38 =	vand.u32 $0x7F, v29;
	v29 =	vshll.u32 v30, $0x3  }
0x6bf: {  	v42 =	vor.u32 s2, v1;
	v55 =	vor.u32 s2, v18;
	v29 =	vand.u32 $0xC00, v29  }
0x6c0: {  	v48 =	vcombine.low v4, v5;
	v42 =	vand.u32 $0x7F, v42;
	v43 =	vor.u32 v9, v29  }
0x6c1: {  	v44 =	vand.u32 $0x7F, v36;
	v54 =	vand.u32 $0x7F, v41;
	v42 =	vor.u32 v42, v43  }
0x6c2: {  	v39 =	vand.u32 $0x7F, v39;
	v41 =	vand.u32 $0x7F, v55;
	v38 =	vor.u32 v38, v43  }
0x6c3: {  	v30 =	vand.u32 $0xF, v37;
	v32 =	vand.u32 $0xF, v35;
	v46 =	vor.u32 v54, v43  }
0x6c4: {  	v36 =	vand.u32 $0xF, v34;
	v56 =	vor.u32 s2, v32;
	v41 =	vor.u32 v41, v43  }
0x6c5: {  	v57 =	vor.u32 s2, v30;
	v45 =	vor.u32 v39, v43;
	v47 =	vand.u32 $0x7F, v56  }
0x6c6: {  	v59 =	vor.u32 s2, v36;
	v39 =	vand.u32 $0x7F, v57;
	v58 =	vor.u32 v47, v43;
	[tilespmem:v42+s19+$0x0] =	vst.idx.msk vm1, v10  }
0x6c7: {  	v60 =	vand.u32 $0x7F, v59;
	v49 =	vor.u32 v39, v43;
	v39 =	vand.u32 $0xF, v48;
	[tilespmem:v38+s19+$0x0] =	vst.idx.msk vm1, v10  }
0x6c8: {  	v27 =	vand.u32 $0xF, v27;
	v47 =	vor.u32 v60, v43;
	v48 =	vor.u32 s2, v39;
	[tilespmem:v46+s19+$0x0] =	vst.idx.msk vm1, v10  }
0x6c9: {  	v28 =	vand.u32 $0xF, v28;
	v44 =	vor.u32 v44, v43;
	v61 =	vand.u32 $0x7F, v48;
	[tilespmem:v41+s19+$0x0] =	vst.idx.msk vm1, v10  }
0x6ca: {  	v29 =	vand.u32 $0xF, v33;
	v63 =	vor.u32 v61, v43;
	v38 =	vand.u32 $0xF, v31;
	[tilespmem:v45+s19+$0x0] =	vst.idx.msk vm1, v10  }
0x6cb: {  	v53 =	vor.u32 s2, v29;
	v56 =	vor.u32 s2, v28;
	v62 =	vor.u32 s2, v38;
	[tilespmem:v58+s19+$0x0] =	vst.idx.msk vm1, v10  }
0x6cc: {  	v59 =	vcombine.low v22, v23;
	v55 =	vand.u32 $0x7F, v53;
	v52 =	vand.u32 $0x7F, v62;
	[tilespmem:v49+s19+$0x0] =	vst.idx.msk vm1, v10  }
0x6cd: {  	v57 =	vand.u32 $0x7F, v56;
	v42 =	vand.u32 $0xF, v40;
	v54 =	vor.u32 v52, v43;
	[tilespmem:v47+s19+$0x0] =	vst.idx.msk vm1, v10  }
0x6ce: {  	v40 =	vand.u32 $0xF, v59;
	v46 =	vor.u32 v55, v43;
	v58 =	vor.u32 s2, v27;
	[tilespmem:v44+s19+$0x0] =	vst.idx.msk vm1, v10  }
0x6cf: {  	v50 =	vor.u32 v57, v43;
	v60 =	vand.u32 $0x7F, v58;
	[tilespmem:v63+s19+$0x0] =	vst.idx.msk vm1, v10;
	v63 =	vor.u32 s2, v40  }
0x6d0: {  	v62 =	vor.u32 s2, v42;
	v61 =	vor.u32 v60, v43;
	v44 =	vand.u32 $0x7F, v63  }
0x6d1: {  	v41 =	vand.u32 $0x7F, v62;
	v45 =	vor.u32 v44, v43  }
0x6d2: {  	[tilespmem:v54+s19+$0x0] =	vst.idx.msk vm1, v10;
	v44 =	vor.u32 v41, v43  }
0x6d3: {  	[tilespmem:v46+s19+$0x0] =	vst.idx.msk vm1, v10  }
0x6d4: {  	s5 =	simm.s32 $0x10;
	[tilespmem:v50+s19+$0x0] =	vst.idx.msk vm1, v10  }
0x6d5: {  	s6 =	simm.s32 $0x20;
	v41 =	vor.u32 s5, v42;
	v43 =	vor.u32 s5, v17;
	v46 =	vor.u32 s5, v11;
	[tilespmem:v61+s19+$0x0] =	vst.idx.msk vm1, v10  }
.LBB2_71:
0x6d6: {  	p0 =	sne.s32 s6, $0x1F0;
	v47 =	vmov s5;
	v46 =	vand.u32 $0x7F, v46;
	v48 =	vor.u32 s5, v19;
	[tilespmem:v45+s19+$0x0] =	vst.idx.msk vm1, v10;
	s7 =	smov.u32 s6;
	s6 =	sadd.s32 $0x10, s6  }
0x6d7: {  	v49 =	vand.u32 $0xF, v37;
	v45 =	vshll.u32 v47, $0x3;
	v47 =	vor.u32 s5, v12;
	[tilespmem:v44+s19+$0x0] =	vst.idx.msk vm1, v10  }
0x6d8: {  	v50 =	vand.u32 $0xF, v35;
	v44 =	vor.u32 s5, v1;
	v45 =	vand.u32 $0xC00, v45  }
0x6d9: {  	v44 =	vand.u32 $0x7F, v44;
	v51 =	vor.u32 v9, v45;
	v45 =	vand.u32 $0xF, v33  }
0x6da: {  	v43 =	vand.u32 $0x7F, v43;
	v44 =	vor.u32 v44, v51;
	v46 =	vor.u32 v46, v51  }
0x6db: {  	v52 =	vor.u32 s5, v18;
	v48 =	vand.u32 $0x7F, v48;
	v47 =	vand.u32 $0x7F, v47  }
0x6dc: {  	v52 =	vand.u32 $0x7F, v52;
	v50 =	vor.u32 s5, v50;
	v48 =	vor.u32 v48, v51  }
0x6dd: {  	v49 =	vor.u32 s5, v49;
	v47 =	vor.u32 v47, v51;
	v52 =	vor.u32 v52, v51  }
0x6de: {  	v53 =	vand.u32 $0xF, v34;
	v50 =	vand.u32 $0x7F, v50  }
0x6df: {  	v49 =	vand.u32 $0x7F, v49;
	[tilespmem:v44+s19+$0x0] =	vst.idx.msk vm1, v10;
	v44 =	vor.u32 v50, v51;
	v50 =	vor.u32 s5, v53  }
0x6e0: {  	[tilespmem:v46+s19+$0x0] =	vst.idx.msk vm1, v10;
	v46 =	vor.u32 v49, v51;
	v49 =	vand.u32 $0x7F, v50  }
0x6e1: {  	v53 =	vand.u32 $0xF, v31;
	v50 =	vor.u32 s5, v39;
	v49 =	vor.u32 v49, v51  }
0x6e2: {  	v43 =	vor.u32 v43, v51;
	[tilespmem:v47+s19+$0x0] =	vst.idx.msk vm1, v10;
	v47 =	vand.u32 $0x7F, v50;
	v50 =	vor.u32 s5, v53  }
0x6e3: {  	v45 =	vor.u32 s5, v45;
	[tilespmem:v52+s19+$0x0] =	vst.idx.msk vm1, v10;
	v47 =	vor.u32 v47, v51;
	v50 =	vand.u32 $0x7F, v50  }
0x6e4: {  	v45 =	vand.u32 $0x7F, v45;
	[tilespmem:v48+s19+$0x0] =	vst.idx.msk vm1, v10;
	v48 =	vor.u32 v50, v51;
	v50 =	vor.u32 s5, v28  }
0x6e5: {  	v52 =	vor.u32 v45, v51;
	v45 =	vor.u32 s5, v27;
	[tilespmem:v44+s19+$0x0] =	vst.idx.msk vm1, v10;
	v44 =	vand.u32 $0x7F, v50  }
0x6e6: {  	[tilespmem:v46+s19+$0x0] =	vst.idx.msk vm1, v10;
	v50 =	vor.u32 v44, v51;
	v44 =	vand.u32 $0x7F, v45;
	v45 =	vor.u32 s5, v40;
	s5 =	smov.u32 s7  }
0x6e7: {  	[tilespmem:v49+s19+$0x0] =	vst.idx.msk vm1, v10;
	v49 =	vor.u32 v44, v51;
	v44 =	vand.u32 $0x7F, v45  }
0x6e8: {  	v41 =	vand.u32 $0x7F, v41;
	[tilespmem:v43+s19+$0x0] =	vst.idx.msk vm1, v10;
	v45 =	vor.u32 v44, v51  }
.Ltmp43:
0x6e9: {  	v44 =	vor.u32 v41, v51;
	[tilespmem:v47+s19+$0x0] =	vst.idx.msk vm1, v10;
	(pc) =	sbr.rel @p0 .LBB2_71-.Ltmp43, $4  }
0x6ea: {  	v41 =	vor.u32 s5, v42;
	[tilespmem:v48+s19+$0x0] =	vst.idx.msk vm1, v10  }
0x6eb: {  	v43 =	vor.u32 s5, v17;
	[tilespmem:v52+s19+$0x0] =	vst.idx.msk vm1, v10  }
0x6ec: {  	v46 =	vor.u32 s5, v11;
	[tilespmem:v50+s19+$0x0] =	vst.idx.msk vm1, v10  }
0x6ed: {  	[tilespmem:v49+s19+$0x0] =	vst.idx.msk vm1, v10  }
0x6ee: {  	v31 =	vmov s5  }
0x6ef: {  	v31 =	vshll.u32 v31, $0x3  }
0x6f0: {  	v33 =	vor.u32 s5, v1;
	v31 =	vand.u32 $0xC00, v31  }
0x6f1: {  	v33 =	vand.u32 $0x7F, v33;
	v31 =	vor.u32 v9, v31  }
0x6f2: {  	v34 =	vand.u32 $0x7F, v46;
	v35 =	vor.u32 s5, v12;
	v33 =	vor.u32 v33, v31  }
0x6f3: {  	v37 =	vor.u32 s5, v18;
	v35 =	vand.u32 $0x7F, v35;
	v34 =	vor.u32 v34, v31  }
0x6f4: {  	v42 =	vor.u32 s5, v19;
	v37 =	vand.u32 $0x7F, v37;
	v35 =	vor.u32 v35, v31  }
0x6f5: {  	[tilespmem:v45+s19+$0x0] =	vst.idx.msk vm1, v10;
	v32 =	vor.u32 s5, v32;
	v42 =	vand.u32 $0x7F, v42;
	v37 =	vor.u32 v37, v31  }
0x6f6: {  	v30 =	vor.u32 s5, v30;
	[tilespmem:v44+s19+$0x0] =	vst.idx.msk vm1, v10;
	v32 =	vand.u32 $0x7F, v32;
	v42 =	vor.u32 v42, v31  }
0x6f7: {  	v57 =	vor.u32 s5, v36;
	v30 =	vand.u32 $0x7F, v30;
	v32 =	vor.u32 v32, v31;
	[tilespmem:v33+s19+$0x0] =	vst.idx.msk vm1, v10  }
0x6f8: {  	v30 =	vor.u32 v30, v31;
	v33 =	vand.u32 $0x7F, v57;
	[tilespmem:v34+s19+$0x0] =	vst.idx.msk vm1, v10  }
0x6f9: {  	v58 =	vand.u32 $0x7F, v43;
	v59 =	vor.u32 s5, v39;
	v33 =	vor.u32 v33, v31;
	[tilespmem:v35+s19+$0x0] =	vst.idx.msk vm1, v10  }
0x6fa: {  	v61 =	vor.u32 s5, v38;
	v60 =	vand.u32 $0x7F, v59;
	v34 =	vor.u32 v58, v31;
	[tilespmem:v37+s19+$0x0] =	vst.idx.msk vm1, v10  }
0x6fb: {  	v29 =	vor.u32 s5, v29;
	v36 =	vand.u32 $0x7F, v61;
	v35 =	vor.u32 v60, v31;
	[tilespmem:v42+s19+$0x0] =	vst.idx.msk vm1, v10  }
0x6fc: {  	v28 =	vor.u32 s5, v28;
	v29 =	vand.u32 $0x7F, v29;
	v36 =	vor.u32 v36, v31;
	[tilespmem:v32+s19+$0x0] =	vst.idx.msk vm1, v10  }
0x6fd: {  	v27 =	vor.u32 s5, v27;
	v28 =	vand.u32 $0x7F, v28;
	v29 =	vor.u32 v29, v31;
	[tilespmem:v30+s19+$0x0] =	vst.idx.msk vm1, v10  }
0x6fe: {  	v62 =	vor.u32 s5, v40;
	v27 =	vand.u32 $0x7F, v27;
	v28 =	vor.u32 v28, v31;
	[tilespmem:v33+s19+$0x0] =	vst.idx.msk vm1, v10  }
0x6ff: {  	v27 =	vor.u32 v27, v31;
	v30 =	vand.u32 $0x7F, v62;
	[tilespmem:v34+s19+$0x0] =	vst.idx.msk vm1, v10  }
0x700: {  	v63 =	vand.u32 $0x7F, v41;
	v30 =	vor.u32 v30, v31;
	[tilespmem:v35+s19+$0x0] =	vst.idx.msk vm1, v10  }
0x701: {  	v31 =	vor.u32 v63, v31;
	[tilespmem:v36+s19+$0x0] =	vst.idx.msk vm1, v10  }
0x702: {  	[tilespmem:v29+s19+$0x0] =	vst.idx.msk vm1, v10  }
0x703: {  	[tilespmem:v28+s19+$0x0] =	vst.idx.msk vm1, v10  }
0x704: {  	[tilespmem:v27+s19+$0x0] =	vst.idx.msk vm1, v10  }
0x705: {  	[tilespmem:v30+s19+$0x0] =	vst.idx.msk vm1, v10  }
0x706: {  	[tilespmem:v31+s19+$0x0] =	vst.idx.msk vm1, v10  }
.LBB2_73:
0x707: {  	v27 =	vld [tilespmem:$0x1FF0];
	_ =	sdelay $0x4  }
0x708: {  	vm1 =	vgt.s32 v27, $0x0  }
0x709: {  	v27 =	vmpcnt.ones.xlane vm1;
	_ =	sdelay $0x1  }
0x70a: {  	(v2sf) =	vpush v27, $0x0;
	_ =	sdelay $0xe  }
0x70b: {  	s5 =	spop (v2sf)  }
0x70c: {  	p0 =	slt.s32 s5, $0x1  }
.Ltmp44:
0x70d: {  	_ = 	snop;
	(pc) =	sbr.rel @p0 .LBB2_77-.Ltmp44, $2  }
0x70e: {  	_ =	sdelay $0x2  }
0x70f: {  	s5 =	rddreg [dreg:$0xe]  }
0x710: {  	v40 =	vcombine.low v24, v25  }
0x711: {  	v31 =	vcombine.low v6, v7;
	v27 =	vcombine.low v20, v21  }
0x712: {  	v33 =	vcombine.low v13, v14;
	v36 =	vor.u32 s2, v17;
	v28 =	vcombine.low v15, v16  }
0x713: {  	v29 =	vor.u32 s2, v11;
	v34 =	vcombine.low v25, v24;
	v35 =	vcombine.low v21, v20  }
0x714: {  	v37 =	vcombine.low v23, v22;
	v30 =	vmov s2;
	v39 =	vor.u32 s2, v19  }
0x715: {  	v41 =	vor.u32 s2, v12;
	v38 =	vand.u32 $0x7F, v29;
	v29 =	vshll.u32 v30, $0x3  }
0x716: {  	v42 =	vor.u32 s2, v1;
	v55 =	vor.u32 s2, v18;
	v29 =	vand.u32 $0xC00, v29  }
0x717: {  	v48 =	vcombine.low v4, v5;
	v42 =	vand.u32 $0x7F, v42;
	v43 =	vor.u32 v26, v29  }
0x718: {  	v44 =	vand.u32 $0x7F, v36;
	v54 =	vand.u32 $0x7F, v41;
	v42 =	vor.u32 v42, v43  }
0x719: {  	v39 =	vand.u32 $0x7F, v39;
	v41 =	vand.u32 $0x7F, v55;
	v38 =	vor.u32 v38, v43  }
0x71a: {  	v30 =	vand.u32 $0xF, v37;
	v32 =	vand.u32 $0xF, v35;
	v46 =	vor.u32 v54, v43  }
0x71b: {  	v36 =	vand.u32 $0xF, v34;
	v56 =	vor.u32 s2, v32;
	v41 =	vor.u32 v41, v43  }
0x71c: {  	v57 =	vor.u32 s2, v30;
	v45 =	vor.u32 v39, v43;
	v47 =	vand.u32 $0x7F, v56  }
0x71d: {  	v59 =	vor.u32 s2, v36;
	v39 =	vand.u32 $0x7F, v57;
	v58 =	vor.u32 v47, v43;
	[tilespmem:v42+s19+$0x0] =	vst.idx.msk vm1, v10  }
0x71e: {  	v60 =	vand.u32 $0x7F, v59;
	v49 =	vor.u32 v39, v43;
	v39 =	vand.u32 $0xF, v48;
	[tilespmem:v38+s19+$0x0] =	vst.idx.msk vm1, v10  }
0x71f: {  	v27 =	vand.u32 $0xF, v27;
	v47 =	vor.u32 v60, v43;
	v48 =	vor.u32 s2, v39;
	[tilespmem:v46+s19+$0x0] =	vst.idx.msk vm1, v10  }
0x720: {  	v28 =	vand.u32 $0xF, v28;
	v44 =	vor.u32 v44, v43;
	v61 =	vand.u32 $0x7F, v48;
	[tilespmem:v41+s19+$0x0] =	vst.idx.msk vm1, v10  }
0x721: {  	v29 =	vand.u32 $0xF, v33;
	v63 =	vor.u32 v61, v43;
	v38 =	vand.u32 $0xF, v31;
	[tilespmem:v45+s19+$0x0] =	vst.idx.msk vm1, v10  }
0x722: {  	v53 =	vor.u32 s2, v29;
	v56 =	vor.u32 s2, v28;
	v62 =	vor.u32 s2, v38;
	[tilespmem:v58+s19+$0x0] =	vst.idx.msk vm1, v10  }
0x723: {  	v59 =	vcombine.low v22, v23;
	v55 =	vand.u32 $0x7F, v53;
	v52 =	vand.u32 $0x7F, v62;
	[tilespmem:v49+s19+$0x0] =	vst.idx.msk vm1, v10  }
0x724: {  	v57 =	vand.u32 $0x7F, v56;
	v42 =	vand.u32 $0xF, v40;
	v54 =	vor.u32 v52, v43;
	[tilespmem:v47+s19+$0x0] =	vst.idx.msk vm1, v10  }
0x725: {  	v40 =	vand.u32 $0xF, v59;
	v46 =	vor.u32 v55, v43;
	v58 =	vor.u32 s2, v27;
	[tilespmem:v44+s19+$0x0] =	vst.idx.msk vm1, v10  }
0x726: {  	v50 =	vor.u32 v57, v43;
	v60 =	vand.u32 $0x7F, v58;
	[tilespmem:v63+s19+$0x0] =	vst.idx.msk vm1, v10;
	v63 =	vor.u32 s2, v40  }
0x727: {  	v62 =	vor.u32 s2, v42;
	v61 =	vor.u32 v60, v43;
	v44 =	vand.u32 $0x7F, v63  }
0x728: {  	v41 =	vand.u32 $0x7F, v62;
	v45 =	vor.u32 v44, v43  }
0x729: {  	[tilespmem:v54+s19+$0x0] =	vst.idx.msk vm1, v10;
	v44 =	vor.u32 v41, v43  }
0x72a: {  	[tilespmem:v46+s19+$0x0] =	vst.idx.msk vm1, v10  }
0x72b: {  	s2 =	simm.s32 $0x10;
	[tilespmem:v50+s19+$0x0] =	vst.idx.msk vm1, v10  }
0x72c: {  	s5 =	simm.s32 $0x20;
	v41 =	vor.u32 s2, v42;
	v43 =	vor.u32 s2, v17;
	v46 =	vor.u32 s2, v11;
	[tilespmem:v61+s19+$0x0] =	vst.idx.msk vm1, v10  }
.LBB2_75:
0x72d: {  	p0 =	sne.s32 s5, $0x1F0;
	v47 =	vmov s2;
	v46 =	vand.u32 $0x7F, v46;
	v48 =	vor.u32 s2, v19;
	[tilespmem:v45+s19+$0x0] =	vst.idx.msk vm1, v10;
	s6 =	smov.u32 s5;
	s5 =	sadd.s32 $0x10, s5  }
0x72e: {  	v49 =	vand.u32 $0xF, v37;
	v45 =	vshll.u32 v47, $0x3;
	v47 =	vor.u32 s2, v12;
	[tilespmem:v44+s19+$0x0] =	vst.idx.msk vm1, v10  }
0x72f: {  	v50 =	vand.u32 $0xF, v35;
	v44 =	vor.u32 s2, v1;
	v45 =	vand.u32 $0xC00, v45  }
0x730: {  	v44 =	vand.u32 $0x7F, v44;
	v51 =	vor.u32 v26, v45;
	v45 =	vand.u32 $0xF, v33  }
0x731: {  	v43 =	vand.u32 $0x7F, v43;
	v44 =	vor.u32 v44, v51;
	v46 =	vor.u32 v46, v51  }
0x732: {  	v52 =	vor.u32 s2, v18;
	v48 =	vand.u32 $0x7F, v48;
	v47 =	vand.u32 $0x7F, v47  }
0x733: {  	v52 =	vand.u32 $0x7F, v52;
	v50 =	vor.u32 s2, v50;
	v48 =	vor.u32 v48, v51  }
0x734: {  	v49 =	vor.u32 s2, v49;
	v47 =	vor.u32 v47, v51;
	v52 =	vor.u32 v52, v51  }
0x735: {  	v53 =	vand.u32 $0xF, v34;
	v50 =	vand.u32 $0x7F, v50  }
0x736: {  	v49 =	vand.u32 $0x7F, v49;
	[tilespmem:v44+s19+$0x0] =	vst.idx.msk vm1, v10;
	v44 =	vor.u32 v50, v51;
	v50 =	vor.u32 s2, v53  }
0x737: {  	[tilespmem:v46+s19+$0x0] =	vst.idx.msk vm1, v10;
	v46 =	vor.u32 v49, v51;
	v49 =	vand.u32 $0x7F, v50  }
0x738: {  	v53 =	vand.u32 $0xF, v31;
	v50 =	vor.u32 s2, v39;
	v49 =	vor.u32 v49, v51  }
0x739: {  	v43 =	vor.u32 v43, v51;
	[tilespmem:v47+s19+$0x0] =	vst.idx.msk vm1, v10;
	v47 =	vand.u32 $0x7F, v50;
	v50 =	vor.u32 s2, v53  }
0x73a: {  	v45 =	vor.u32 s2, v45;
	[tilespmem:v52+s19+$0x0] =	vst.idx.msk vm1, v10;
	v47 =	vor.u32 v47, v51;
	v50 =	vand.u32 $0x7F, v50  }
0x73b: {  	v45 =	vand.u32 $0x7F, v45;
	[tilespmem:v48+s19+$0x0] =	vst.idx.msk vm1, v10;
	v48 =	vor.u32 v50, v51;
	v50 =	vor.u32 s2, v28  }
0x73c: {  	v52 =	vor.u32 v45, v51;
	v45 =	vor.u32 s2, v27;
	[tilespmem:v44+s19+$0x0] =	vst.idx.msk vm1, v10;
	v44 =	vand.u32 $0x7F, v50  }
0x73d: {  	[tilespmem:v46+s19+$0x0] =	vst.idx.msk vm1, v10;
	v50 =	vor.u32 v44, v51;
	v44 =	vand.u32 $0x7F, v45;
	v45 =	vor.u32 s2, v40;
	s2 =	smov.u32 s6  }
0x73e: {  	[tilespmem:v49+s19+$0x0] =	vst.idx.msk vm1, v10;
	v49 =	vor.u32 v44, v51;
	v44 =	vand.u32 $0x7F, v45  }
0x73f: {  	v41 =	vand.u32 $0x7F, v41;
	[tilespmem:v43+s19+$0x0] =	vst.idx.msk vm1, v10;
	v45 =	vor.u32 v44, v51  }
.Ltmp45:
0x740: {  	v44 =	vor.u32 v41, v51;
	[tilespmem:v47+s19+$0x0] =	vst.idx.msk vm1, v10;
	(pc) =	sbr.rel @p0 .LBB2_75-.Ltmp45, $4  }
0x741: {  	v41 =	vor.u32 s2, v42;
	[tilespmem:v48+s19+$0x0] =	vst.idx.msk vm1, v10  }
0x742: {  	v43 =	vor.u32 s2, v17;
	[tilespmem:v52+s19+$0x0] =	vst.idx.msk vm1, v10  }
0x743: {  	v46 =	vor.u32 s2, v11;
	[tilespmem:v50+s19+$0x0] =	vst.idx.msk vm1, v10  }
0x744: {  	[tilespmem:v49+s19+$0x0] =	vst.idx.msk vm1, v10  }
0x745: {  	v31 =	vmov s2  }
0x746: {  	v31 =	vshll.u32 v31, $0x3  }
0x747: {  	v33 =	vor.u32 s2, v1;
	v31 =	vand.u32 $0xC00, v31  }
0x748: {  	v33 =	vand.u32 $0x7F, v33;
	v31 =	vor.u32 v26, v31  }
0x749: {  	v34 =	vand.u32 $0x7F, v46;
	v35 =	vor.u32 s2, v12;
	v33 =	vor.u32 v33, v31  }
0x74a: {  	v37 =	vor.u32 s2, v18;
	v35 =	vand.u32 $0x7F, v35;
	v34 =	vor.u32 v34, v31  }
0x74b: {  	v42 =	vor.u32 s2, v19;
	v37 =	vand.u32 $0x7F, v37;
	v35 =	vor.u32 v35, v31  }
0x74c: {  	[tilespmem:v45+s19+$0x0] =	vst.idx.msk vm1, v10;
	v32 =	vor.u32 s2, v32;
	v42 =	vand.u32 $0x7F, v42;
	v37 =	vor.u32 v37, v31  }
0x74d: {  	v30 =	vor.u32 s2, v30;
	[tilespmem:v44+s19+$0x0] =	vst.idx.msk vm1, v10;
	v32 =	vand.u32 $0x7F, v32;
	v42 =	vor.u32 v42, v31  }
0x74e: {  	v57 =	vor.u32 s2, v36;
	v30 =	vand.u32 $0x7F, v30;
	v32 =	vor.u32 v32, v31;
	[tilespmem:v33+s19+$0x0] =	vst.idx.msk vm1, v10  }
0x74f: {  	v30 =	vor.u32 v30, v31;
	v33 =	vand.u32 $0x7F, v57;
	[tilespmem:v34+s19+$0x0] =	vst.idx.msk vm1, v10  }
0x750: {  	v58 =	vand.u32 $0x7F, v43;
	v59 =	vor.u32 s2, v39;
	v33 =	vor.u32 v33, v31;
	[tilespmem:v35+s19+$0x0] =	vst.idx.msk vm1, v10  }
0x751: {  	v61 =	vor.u32 s2, v38;
	v60 =	vand.u32 $0x7F, v59;
	v34 =	vor.u32 v58, v31;
	[tilespmem:v37+s19+$0x0] =	vst.idx.msk vm1, v10  }
0x752: {  	v29 =	vor.u32 s2, v29;
	v36 =	vand.u32 $0x7F, v61;
	v35 =	vor.u32 v60, v31;
	[tilespmem:v42+s19+$0x0] =	vst.idx.msk vm1, v10  }
0x753: {  	v28 =	vor.u32 s2, v28;
	v29 =	vand.u32 $0x7F, v29;
	v36 =	vor.u32 v36, v31;
	[tilespmem:v32+s19+$0x0] =	vst.idx.msk vm1, v10  }
0x754: {  	v27 =	vor.u32 s2, v27;
	v28 =	vand.u32 $0x7F, v28;
	v29 =	vor.u32 v29, v31;
	[tilespmem:v30+s19+$0x0] =	vst.idx.msk vm1, v10  }
0x755: {  	v62 =	vor.u32 s2, v40;
	v27 =	vand.u32 $0x7F, v27;
	v28 =	vor.u32 v28, v31;
	[tilespmem:v33+s19+$0x0] =	vst.idx.msk vm1, v10  }
0x756: {  	v27 =	vor.u32 v27, v31;
	v30 =	vand.u32 $0x7F, v62;
	[tilespmem:v34+s19+$0x0] =	vst.idx.msk vm1, v10  }
0x757: {  	v63 =	vand.u32 $0x7F, v41;
	v30 =	vor.u32 v30, v31;
	[tilespmem:v35+s19+$0x0] =	vst.idx.msk vm1, v10  }
0x758: {  	v31 =	vor.u32 v63, v31;
	[tilespmem:v36+s19+$0x0] =	vst.idx.msk vm1, v10  }
.Ltmp46:
0x759: {  	[tilespmem:v29+s19+$0x0] =	vst.idx.msk vm1, v10;
	(pc) =	sbr.rel .LBB2_77-.Ltmp46, $4  }
0x75a: {  	[tilespmem:v28+s19+$0x0] =	vst.idx.msk vm1, v10  }
0x75b: {  	[tilespmem:v27+s19+$0x0] =	vst.idx.msk vm1, v10  }
0x75c: {  	[tilespmem:v30+s19+$0x0] =	vst.idx.msk vm1, v10  }
0x75d: {  	s5 =	rddreg [dreg:$0xe];
	[tilespmem:v31+s19+$0x0] =	vst.idx.msk vm1, v10  }
.LBB2_78:
0x75e: {  	_ =	sfence.sel $0x180000  }
0x75f: {  	[bflag:$0x0] =	sbarrier.arrive $0xFFFF  }
0x760: {  	_ =	strace $0x90000047  }
0x761: {  	s0 =	stileid.u32;
	[bflag:$0x2] =	sbarrier.arrive $0xFFFF  }
0x762: {  	p0 =	sne.s32 s0, $0x0;
	s0 =	rddreg [dreg:$0x5]  }
0x763: {  	s0 =	sadd.s32 @!p0 $0x100000, s0  }
0x764: {  	[sflag:s0] =	ssyncadd.tile.s32 @!p0 $0x1;
	_ =	shalt  }
.Lfunc_end2:
_tile_overlayer_lowered:
.L_overlay_start_2:
0x765: {  	(tag) =	ssettag $0x2  }
0x766: {  	s0 =	rddreg [dreg:$0x0];
	s2 =	stileid.u32  }
0x767: {  	s1 =	rddreg [dreg:$0x1];
	p0 =	sne.s32 s2, $0x0  }
0x768: {  	s3 =	rddreg [dreg:$0x2];
	[bflag:$0x3] =	sbarrier.arrive $0xFFFF;
	s2 =	simm.s32 @!p0 $0x1C09  }
0x769: {  	[timem:s3], [sflag:s2] =	dma.local @!p0 [hbm:s0], s1  }
0x76a: {  	s0 =	simm.s32 @!p0 $0x9  }
0x76b: {  	_ =	swait.ge @!p0 [sflag:s0], s1  }
0x76c: {  	s1 =	ssub.s32 @!p0 $0x0, s1;
	[sflag:s0] =	ssyncset.done @!p0 $0x0  }
0x76d: {  	[sflag:s0] =	ssyncadd.s32 @!p0 s1  }
0x76e: {  	[bflag:$0x3] =	sbarrier.arrive $0xFFFF  }
0x76f: {  	_ =	shalt  }

</sc_bundles>
